<compile_context>
chip_gen: v7x
topology: tpu7x:2x2x1
jax: 0.10.2.dev20260603
libtpu: 0.0.44.dev20260713+nightly
codegen_flags: <defaults>
</compile_context>

<pallas_src>
import jax
import jax.numpy as jnp
from jax import lax
from jax.experimental import pallas as pl
from jax.experimental.pallas import tpu as pltpu
from jax.experimental.pallas import tpu_sc as plsc

N = 10000
E = 320000
H = 64
NP = 10240
NC = 2
NS = 16
NW = NC * NS
CS = 48
NCH = 210
EPW = CS * NCH
EP = EPW * NW
NPS = NP // NS
INV2SIG2 = 1.0 / 1800.0
NEG = -1e9


def _leaky(x):
  return jnp.where(x >= 0, x, 0.2 * x)


def _prep_body(xl_ref, xg_ref, nf_ref, wl_ref, wg_ref, asrc_ref, adst_ref,
               fc1t_ref, fc1b_ref, fc2c_ref, fc2b_ref,
               hxg_ref, as_ref, ad_ref, nis_ref):
  hl = lax.dot_general(xl_ref[...], wl_ref[...], (((1,), (0,)), ((), ())),
                       preferred_element_type=jnp.float32)
  xg = lax.dot_general(xg_ref[...], wg_ref[...], (((1,), (0,)), ((), ())),
                       preferred_element_type=jnp.float32)
  hxg_ref[:, :H] = hl
  hxg_ref[:, H:] = xg
  as_ref[...] = jnp.sum(hl * asrc_ref[...][None, :], axis=1)
  ad_ref[...] = jnp.sum(hl * adst_ref[...][None, :], axis=1)
  h_e = lax.dot_general(nf_ref[...], fc1t_ref[...], (((1,), (0,)), ((), ())),
                        preferred_element_type=jnp.float32)
  h_e = h_e + fc1b_ref[...][None, :]
  h_e = jnp.where(h_e > 0, h_e, jnp.exp(h_e) - 1.0)
  ni = lax.dot_general(h_e, fc2c_ref[...], (((1,), (0,)), ((), ())),
                       preferred_element_type=jnp.float32)
  nis_ref[...] = 1.0 + ni[:, 0] + fc2b_ref[0]


def _sc_a_body(src_hbm, dst_hbm, as_hbm, ad_hbm, nis_hbm, c0_hbm, c1_hbm,
               c2_hbm,
               ew_hbm, el_hbm, deg_hbm, mpart_hbm,
               t_as, t_ad, t_nis, t_c0, t_c1, t_c2, m_priv,
               src_v, dst_v, ew_v, el_v, zbuf, deg_sh):
  c = lax.axis_index("c")
  s = lax.axis_index("s")
  wid = c * NS + s
  lanes = lax.iota(jnp.int32, 16)

  def _z(i, _):
    zbuf[pl.ds(i * 16, 16)] = jnp.zeros((16,), jnp.float32)
    return 0
  lax.fori_loop(0, NPS // 16, _z, 0)
  pltpu.sync_copy(zbuf, deg_sh.at[pl.ds(s * NPS, NPS)])
  def _m(i, _):
    m_priv[pl.ds(i * 16, 16)] = jnp.full((16,), NEG, jnp.float32)
    return 0
  lax.fori_loop(0, NP // 16, _m, 0)

  pltpu.sync_copy(as_hbm, t_as)
  pltpu.sync_copy(ad_hbm, t_ad)
  pltpu.sync_copy(nis_hbm, t_nis)
  pltpu.sync_copy(c0_hbm, t_c0)
  pltpu.sync_copy(c1_hbm, t_c1)
  pltpu.sync_copy(c2_hbm, t_c2)
  ebase = wid * EPW
  pltpu.sync_copy(src_hbm.at[pl.ds(ebase, EPW)], src_v)
  pltpu.sync_copy(dst_hbm.at[pl.ds(ebase, EPW)], dst_v)
  plsc.subcore_barrier()

  def _edge(i, _):
    sv = src_v[pl.ds(i * 16, 16)]
    dv = dst_v[pl.ds(i * 16, 16)]
    asv = plsc.load_gather(t_as, [sv])
    adv = plsc.load_gather(t_ad, [dv])
    nisv = plsc.load_gather(t_nis, [sv])
    dx = plsc.load_gather(t_c0, [sv]) - plsc.load_gather(t_c0, [dv])
    dy = plsc.load_gather(t_c1, [sv]) - plsc.load_gather(t_c1, [dv])
    dz = plsc.load_gather(t_c2, [sv]) - plsc.load_gather(t_c2, [dv])
    dist2 = dx * dx + dy * dy + dz * dz
    gw = jnp.exp(dist2 * (-INV2SIG2))
    raw = gw * nisv
    w = 0.1 + 1.9 / (1.0 + jnp.exp(1.0 - raw))
    mask = w >= 0.2
    ew = jnp.where(mask, w, 0.0)
    el = jnp.where(mask, _leaky(asv + adv), NEG)
    ew_v[pl.ds(i * 16, 16)] = ew
    el_v[pl.ds(i * 16, 16)] = el

    def _cond(rem):
      return jnp.any(rem)
    def _body(rem):
      old = plsc.load_gather(m_priv, [dv])
      plsc.store_scatter(m_priv, [dv], jnp.maximum(old, el), mask=rem)
      cur = plsc.load_gather(m_priv, [dv])
      return rem & (cur < el)
    lax.while_loop(_cond, _body, lanes == lanes)
    return 0
  lax.fori_loop(0, EPW // 16, _edge, 0)

  pltpu.sync_copy(ew_v, ew_hbm.at[pl.ds(ebase, EPW)])
  pltpu.sync_copy(el_v, el_hbm.at[pl.ds(ebase, EPW)])
  pltpu.sync_copy(ew_v, deg_sh.at[dst_v], add=True)
  pltpu.sync_copy(m_priv, mpart_hbm.at[wid])
  plsc.subcore_barrier()
  @pl.when(s == 0)
  def _():
    pltpu.sync_copy(deg_sh, deg_hbm.at[c])


def _mid_body(deg_ref, mpart_ref, as_ref, ad_ref,
              dinv_ref, m_ref, exps_ref):
  deg = deg_ref[0, :] + deg_ref[1, :] + 1.0
  dinv_ref[...] = lax.rsqrt(deg)
  mm = jnp.max(mpart_ref[...], axis=0)
  s_logit = _leaky(as_ref[...] + ad_ref[...])
  m = jnp.maximum(mm, s_logit)
  m_ref[...] = m
  exps_ref[...] = jnp.exp(s_logit - m)


def _sc_b_body(src_hbm, dst_hbm, ew_hbm, el_hbm, m_hbm, dinv_hbm, tab_hbm,
               agg_hbm, den_hbm,
               t_m, t_dinv, bufs0, bufs1, bufs2, rows0, rows1, srows0, srows1,
               zbuf, sem_ld, sem_g, sem_agg, sem_den, agg_sh, den_sh):
  c = lax.axis_index("c")
  s = lax.axis_index("s")
  wid = c * NS + s
  ebase = wid * EPW
  bufs = (bufs0, bufs1, bufs2)
  rowsb = (rows0, rows1)
  srowsb = (srows0, srows1)
  lanes = lax.iota(jnp.int32, 16)

  def _z(i, _):
    zbuf[pl.ds(i * 16, 16)] = jnp.zeros((16,), jnp.float32)
    return 0
  lax.fori_loop(0, NPS // 16, _z, 0)
  pltpu.sync_copy(zbuf, den_sh.at[pl.ds(s * NPS, NPS)])
  def _zr(i, _):
    def _zc(h, _):
      rows0[i, pl.ds(h * 16, 16)] = jnp.zeros((16,), jnp.float32)
      return 0
    lax.fori_loop(0, 128 // 16, _zc, 0)
    return 0
  lax.fori_loop(0, CS, _zr, 0)
  def _za(k, _):
    pltpu.sync_copy(rows0.at[pl.ds(0, 32)],
                    agg_sh.at[pl.ds(s * NPS + k * 32, 32)])
    return 0
  lax.fori_loop(0, NPS // 32, _za, 0)

  pltpu.sync_copy(m_hbm, t_m)
  pltpu.sync_copy(dinv_hbm, t_dinv)
  plsc.subcore_barrier()

  def _issue_loads(ch, b):
    base = ebase + ch * CS
    pltpu.async_copy(src_hbm.at[pl.ds(base, CS)], b["src"], sem_ld)
    pltpu.async_copy(dst_hbm.at[pl.ds(base, CS)], b["dst"], sem_ld)
    pltpu.async_copy(ew_hbm.at[pl.ds(base, CS)], b["ew"], sem_ld)
    pltpu.async_copy(el_hbm.at[pl.ds(base, CS)], b["el"], sem_ld)

  def _wait_loads(b):
    pltpu.make_async_copy(src_hbm.at[pl.ds(0, CS)], b["src"], sem_ld).wait()
    pltpu.make_async_copy(dst_hbm.at[pl.ds(0, CS)], b["dst"], sem_ld).wait()
    pltpu.make_async_copy(ew_hbm.at[pl.ds(0, CS)], b["ew"], sem_ld).wait()
    pltpu.make_async_copy(el_hbm.at[pl.ds(0, CS)], b["el"], sem_ld).wait()

  def _wait_agg(wb):
    pltpu.make_async_copy(wb, agg_sh.at[pl.ds(0, CS)], sem_agg).wait()

  def _wait_den(b):
    pltpu.make_async_copy(b["ce"], den_sh.at[pl.ds(0, CS)], sem_den).wait()

  def _coef(b):
    def go(v, _):
      sv = b["src"][pl.ds(v * 16, 16)]
      dv = b["dst"][pl.ds(v * 16, 16)]
      ew = b["ew"][pl.ds(v * 16, 16)]
      el = b["el"][pl.ds(v * 16, 16)]
      mdv = plsc.load_gather(t_m, [dv])
      b["ce"][pl.ds(v * 16, 16)] = jnp.where(ew > 0, jnp.exp(el - mdv), 0.0)
      b["cn"][pl.ds(v * 16, 16)] = (plsc.load_gather(t_dinv, [sv]) * ew
                                    * plsc.load_gather(t_dinv, [dv]))
      return 0
    lax.fori_loop(0, CS // 16, go, 0)

  def _scale(b, rb, wb):
    def go(v, _):
      eidx = v * 16 + lanes
      ce = b["ce"][pl.ds(v * 16, 16)]
      cn = b["cn"][pl.ds(v * 16, 16)]
      def oc(ob, _):
        for oi in range(4):
          c1 = (lanes + (ob * 4 + oi)) & 63
          plsc.store_scatter(wb, [eidx, c1],
                             plsc.load_gather(rb, [eidx, c1]) * ce)
          c2 = c1 + 64
          plsc.store_scatter(wb, [eidx, c2],
                             plsc.load_gather(rb, [eidx, c2]) * cn)
        return 0
      lax.fori_loop(0, 16, oc, 0)
      return 0
    lax.fori_loop(0, CS // 16, go, 0)

  def _stage(ch, u):
    b = bufs[u % 3]
    rb = rowsb[u % 2]
    _wait_loads(b)
    pltpu.async_copy(tab_hbm.at[b["src"]], rb, sem_g)
    @pl.when(ch >= 2)
    def _():
      _wait_den(bufs[(u + 1) % 3])
      _wait_agg(srowsb[u % 2])
    @pl.when(ch + 1 < NCH)
    def _():
      _issue_loads(ch + 1, bufs[(u + 1) % 3])
    _coef(b)
    pltpu.async_copy(b["ce"], den_sh.at[b["dst"]], sem_den, add=True)
    pb = bufs[(u + 2) % 3]
    pr = rowsb[(u + 1) % 2]
    pw = srowsb[(u + 1) % 2]
    @pl.when(ch >= 1)
    def _():
      pltpu.make_async_copy(tab_hbm.at[pb["src"]], pr, sem_g).wait()
      _scale(pb, pr, pw)
      pltpu.async_copy(pw, agg_sh.at[pb["dst"]], sem_agg, add=True)

  _issue_loads(0, bufs[0])
  def _loop(k, _):
    for u in range(6):
      _stage(6 * k + u, u)
    return 0
  lax.fori_loop(0, NCH // 6, _loop, 0)
  lastb = bufs[2]
  lastr = rowsb[1]
  lastw = srowsb[1]
  pltpu.make_async_copy(tab_hbm.at[lastb["src"]], lastr, sem_g).wait()
  _scale(lastb, lastr, lastw)
  pltpu.async_copy(lastw, agg_sh.at[lastb["dst"]], sem_agg, add=True)
  _wait_den(bufs[1])
  _wait_den(bufs[2])
  _wait_agg(srowsb[0])
  _wait_agg(srowsb[1])

  plsc.subcore_barrier()
  pltpu.sync_copy(agg_sh.at[pl.ds(s * NPS, NPS)],
                  agg_hbm.at[c, pl.ds(s * NPS, NPS)])
  pltpu.sync_copy(den_sh.at[pl.ds(s * NPS, NPS)],
                  den_hbm.at[c, pl.ds(s * NPS, NPS)])


def _post_body(agg_ref, den_ref, hxg_ref, exps_ref,
               dinv_ref, bl_ref, bg_ref, wf1_ref, bf1_ref, wf2_ref, bf2_ref,
               out_ref):
  hl = hxg_ref[:, :H]
  xg = hxg_ref[:, H:]
  exps = exps_ref[...]
  dinv = dinv_ref[...]
  agg = agg_ref[0] + agg_ref[1]
  agg_l = agg[:, :H] + exps[:, None] * hl
  agg_g = agg[:, H:] + (dinv * dinv)[:, None] * xg
  den = den_ref[0, :] + den_ref[1, :] + exps
  x_l = agg_l / den[:, None] + bl_ref[...][None, :]
  x_l = jnp.where(x_l > 0, x_l, jnp.exp(x_l) - 1.0)
  x_g = jnp.maximum(agg_g + bg_ref[...][None, :], 0.0)
  hid = (lax.dot_general(x_l, wf1_ref[:H, :], (((1,), (0,)), ((), ())),
                         preferred_element_type=jnp.float32)
         + lax.dot_general(x_g, wf1_ref[H:, :], (((1,), (0,)), ((), ())),
                           preferred_element_type=jnp.float32)
         + bf1_ref[...][None, :])
  hid = jnp.maximum(hid, 0.0)
  out = lax.dot_general(hid, wf2_ref[...], (((1,), (0,)), ((), ())),
                        preferred_element_type=jnp.float32)
  out_ref[...] = out[:, 0] + bf2_ref[0]


def kernel(x_local, x_global, noise_features, coord, edge_index,
           fc1_w, fc1_b, fc2_w, fc2_b,
           W_l, att_src, att_dst, bias_l,
           W_g, bias_g, Wf1, bf1, Wf2, bf2):
  f32 = jnp.float32
  src = jnp.full((EP,), NP - 1, jnp.int32).at[:E].set(
      edge_index[0].astype(jnp.int32))
  dst = jnp.full((EP,), NP - 1, jnp.int32).at[:E].set(
      edge_index[1].astype(jnp.int32))

  xl_p = jnp.zeros((NP, 128), f32).at[:N].set(x_local)
  xg_p = jnp.zeros((NP, 128), f32).at[:N].set(x_global)
  nf_p = jnp.zeros((NP, 128), f32).at[:N, :10].set(noise_features)
  fc1t = jnp.zeros((128, 128), f32).at[:10, :10].set(fc1_w.T)
  fc1b = jnp.zeros((128,), f32).at[:10].set(fc1_b)
  fc2c = jnp.zeros((128, 128), f32).at[:10, 0].set(fc2_w[0])
  c0 = jnp.zeros((NP,), f32).at[:N].set(coord[:, 0])
  c1 = jnp.zeros((NP,), f32).at[:N].set(coord[:, 1])
  c2 = jnp.zeros((NP,), f32).at[:N].set(coord[:, 2])

  hxg, a_s, a_d, nis = pl.pallas_call(
      _prep_body,
      out_shape=[
          jax.ShapeDtypeStruct((NP, 128), f32),
          jax.ShapeDtypeStruct((NP,), f32),
          jax.ShapeDtypeStruct((NP,), f32),
          jax.ShapeDtypeStruct((NP,), f32),
      ],
  )(xl_p, xg_p, nf_p, W_l, W_g, att_src, att_dst, fc1t, fc1b, fc2c, fc2_b)

  mesh = plsc.VectorSubcoreMesh(core_axis_name="c", subcore_axis_name="s")
  sc_params = pltpu.CompilerParams(needs_layout_passes=False)
  ew, el, deg_part, m_part = pl.kernel(
      _sc_a_body,
      out_type=[
          jax.ShapeDtypeStruct((EP,), f32),
          jax.ShapeDtypeStruct((EP,), f32),
          jax.ShapeDtypeStruct((NC, NP), f32),
          jax.ShapeDtypeStruct((NW, NP), f32),
      ],
      mesh=mesh,
      compiler_params=sc_params,
      scratch_types=[
          pltpu.VMEM((NP,), f32), pltpu.VMEM((NP,), f32),
          pltpu.VMEM((NP,), f32), pltpu.VMEM((NP,), f32),
          pltpu.VMEM((NP,), f32), pltpu.VMEM((NP,), f32),
          pltpu.VMEM((NP,), f32),
          pltpu.VMEM((EPW,), jnp.int32), pltpu.VMEM((EPW,), jnp.int32),
          pltpu.VMEM((EPW,), f32), pltpu.VMEM((EPW,), f32),
          pltpu.VMEM((NPS,), f32),
          pltpu.MemorySpace.VMEM_SHARED((NP,), f32),
      ],
  )(src, dst, a_s, a_d, nis, c0, c1, c2)

  dinv, m_fin, exp_s = pl.pallas_call(
      _mid_body,
      out_shape=[
          jax.ShapeDtypeStruct((NP,), f32),
          jax.ShapeDtypeStruct((NP,), f32),
          jax.ShapeDtypeStruct((NP,), f32),
      ],
  )(deg_part, m_part, a_s, a_d)

  def _chunk_bufs():
    return {
        "src": pltpu.VMEM((CS,), jnp.int32),
        "dst": pltpu.VMEM((CS,), jnp.int32),
        "ew": pltpu.VMEM((CS,), f32),
        "el": pltpu.VMEM((CS,), f32),
        "ce": pltpu.VMEM((CS,), f32),
        "cn": pltpu.VMEM((CS,), f32),
    }

  agg_part, den_part = pl.kernel(
      _sc_b_body,
      out_type=[
          jax.ShapeDtypeStruct((NC, NP, 128), f32),
          jax.ShapeDtypeStruct((NC, NP), f32),
      ],
      mesh=mesh,
      compiler_params=sc_params,
      scratch_types=[
          pltpu.VMEM((NP,), f32), pltpu.VMEM((NP,), f32),
          _chunk_bufs(), _chunk_bufs(), _chunk_bufs(),
          pltpu.VMEM((CS, 128), f32), pltpu.VMEM((CS, 128), f32),
          pltpu.VMEM((CS, 128), f32), pltpu.VMEM((CS, 128), f32),
          pltpu.VMEM((NPS,), f32),
          pltpu.SemaphoreType.DMA, pltpu.SemaphoreType.DMA,
          pltpu.SemaphoreType.DMA, pltpu.SemaphoreType.DMA,
          pltpu.MemorySpace.VMEM_SHARED((NP, 128), f32),
          pltpu.MemorySpace.VMEM_SHARED((NP,), f32),
      ],
  )(src, dst, ew, el, m_fin, dinv, hxg)

  out_p = pl.pallas_call(
      _post_body,
      out_shape=jax.ShapeDtypeStruct((NP,), f32),
  )(agg_part, den_part, hxg, exp_s, dinv, bias_l, bias_g, Wf1, bf1,
    Wf2, bf2)

  return out_p[:N]

# --- scband reference (transcript-rebuilt; emitter-appended) ---
"""Pipeline reference for scband-dual-branch-gnn-33071248179680 (READ-ONLY COPY).

The authoritative reference and input builder live on the scoring server;
editing this copy changes nothing except your own understanding.
"""

import jax, jax.numpy as jnp
import numpy as np

N = 10000
E = 320000
IN_L = 128
IN_G = 128
H = 64
SIGMA = 30.0


def setup_inputs(seed: int = 0) -> dict:
    key = jax.random.key(seed)
    ks = jax.random.split(key, 16)
    x_local = jax.random.normal(ks[0], (N, IN_L), dtype=jnp.float32)
    x_global = jax.random.normal(ks[1], (N, IN_G), dtype=jnp.float32)
    noise_features = jax.random.normal(ks[2], (N, 10), dtype=jnp.float32)
    coord = jax.random.normal(ks[3], (N, 3), dtype=jnp.float32)
    edge_index = jax.random.randint(ks[4], (2, E), 0, N).astype(jnp.int64)
    # EdgeWeightLayer params (deterministic inits from the torch module)
    fc1_w = jnp.eye(10, dtype=jnp.float32)
    fc1_b = jax.random.uniform(ks[5], (10,), minval=-0.316, maxval=0.316, dtype=jnp.float32)
    fc2_w = jnp.array([[1.0, 0.7, 0.5, 0.3, -0.5, -0.8, -0.3, -0.5, 0.2, -0.2]], dtype=jnp.float32)
    fc2_b = jnp.zeros((1,), dtype=jnp.float32)
    # GATConv params (heads=1)
    W_l = jax.random.normal(ks[6], (IN_L, H), dtype=jnp.float32) * (1.0 / np.sqrt(IN_L))
    att_src = jax.random.normal(ks[7], (H,), dtype=jnp.float32) * (1.0 / np.sqrt(H))
    att_dst = jax.random.normal(ks[8], (H,), dtype=jnp.float32) * (1.0 / np.sqrt(H))
    bias_l = jnp.zeros((H,), dtype=jnp.float32)
    # GCNConv params
    W_g = jax.random.normal(ks[9], (IN_G, H), dtype=jnp.float32) * (1.0 / np.sqrt(IN_G))
    bias_g = jnp.zeros((H,), dtype=jnp.float32)
    # fusion MLP params
    Wf1 = jax.random.normal(ks[10], (2 * H, H), dtype=jnp.float32) * (1.0 / np.sqrt(2 * H))
    bf1 = jnp.zeros((H,), dtype=jnp.float32)
    Wf2 = jax.random.normal(ks[11], (H, 1), dtype=jnp.float32) * (1.0 / np.sqrt(H))
    bf2 = jnp.zeros((1,), dtype=jnp.float32)
    return {
        "x_local": x_local, "x_global": x_global, "noise_features": noise_features,
        "coord": coord, "edge_index": edge_index,
        "fc1_w": fc1_w, "fc1_b": fc1_b, "fc2_w": fc2_w, "fc2_b": fc2_b,
        "W_l": W_l, "att_src": att_src, "att_dst": att_dst, "bias_l": bias_l,
        "W_g": W_g, "bias_g": bias_g,
        "Wf1": Wf1, "bf1": bf1, "Wf2": Wf2, "bf2": bf2,
    }


def reference(x_local, x_global, noise_features, coord, edge_index,
              fc1_w, fc1_b, fc2_w, fc2_b,
              W_l, att_src, att_dst, bias_l,
              W_g, bias_g, Wf1, bf1, Wf2, bf2):
    src = edge_index[0]
    dst = edge_index[1]
    Nn = x_local.shape[0]

    # EdgeWeightLayer on source-node noise features
    nf = jnp.take(noise_features, src, axis=0)
    h_e = jax.nn.elu(nf @ fc1_w.T + fc1_b)
    noise_ind = (h_e @ fc2_w.T + fc2_b)[:, 0]

    # Gaussian distance weight
    d = jnp.take(coord, src, axis=0) - jnp.take(coord, dst, axis=0)
    dist2 = jnp.sum(d * d, axis=1)
    gw = jnp.exp(-dist2 / (2.0 * SIGMA ** 2))

    # smooth_mapping(gw * (1 + noise_ind), k=1, m=1) -> [0.1, 2.0]
    raw = gw * (1.0 + noise_ind)
    w = 0.1 + (2.0 - 0.1) * jax.nn.sigmoid(1.0 * (raw - 1.0))

    # edge masking (w >= 0.2), implemented as zero-weight / -inf-logit edges
    mask = w >= 0.2
    e_w = jnp.where(mask, w, 0.0)

    # ---- GCN branch (gcn_norm with self loops, edge weights) ----
    xg = x_global @ W_g
    deg = jnp.zeros((Nn,), dtype=xg.dtype).at[dst].add(e_w) + 1.0
    dinv = jax.lax.rsqrt(deg)
    norm = dinv[src] * e_w * dinv[dst]
    agg_g = jnp.zeros((Nn, H), dtype=xg.dtype).at[dst].add(norm[:, None] * jnp.take(xg, src, axis=0))
    out_g = agg_g + (dinv * dinv)[:, None] * xg + bias_g
    x_g = jax.nn.relu(out_g)

    # ---- GAT branch (heads=1, self loops; edge weights ignored as in PyG when edge_dim=None) ----
    hl = x_local @ W_l
    a_s = hl @ att_src
    a_d = hl @ att_dst
    e_logit = jax.nn.leaky_relu(a_s[src] + a_d[dst], 0.2)
    e_logit = jnp.where(mask, e_logit, -1e9)
    s_logit = jax.nn.leaky_relu(a_s + a_d, 0.2)
    m = jnp.full((Nn,), -1e9, dtype=hl.dtype).at[dst].max(e_logit)
    m = jnp.maximum(m, s_logit)
    exp_e = jnp.where(mask, jnp.exp(e_logit - m[dst]), 0.0)
    exp_s = jnp.exp(s_logit - m)
    denom = jnp.zeros((Nn,), dtype=hl.dtype).at[dst].add(exp_e) + exp_s
    agg_l = jnp.zeros((Nn, H), dtype=hl.dtype).at[dst].add(exp_e[:, None] * jnp.take(hl, src, axis=0))
    agg_l = agg_l + exp_s[:, None] * hl
    x_l = jax.nn.elu(agg_l / denom[:, None] + bias_l)

    # ---- fusion (dropout in eval mode = identity) ----
    cat = jnp.concatenate([x_l, x_g], axis=1)
    hid = jax.nn.relu(cat @ Wf1 + bf1)
    out = (hid @ Wf2 + bf2)[:, 0]
    return out

if __name__ == "__main__":
    import jax
    _d = setup_inputs()
    print(jax.jit(kernel)(*tuple(_d.values())))

</pallas_src>

<mosaic_0001>
#map = affine_map<(d0, d1) -> (0)>
#map1 = affine_map<(d0, d1) -> (0, 0)>
#map2 = affine_map<(d0, d1) -> (0, 0, 0)>
module attributes {stable_mosaic.version = 14 : i64} {
  func.func @_sc_b_body(%arg0: i32, %arg1: i32, %arg2: memref<322560xi32, #tpu.memory_space<hbm>>, %arg3: memref<322560xi32, #tpu.memory_space<hbm>>, %arg4: memref<322560xf32, #tpu.memory_space<hbm>>, %arg5: memref<322560xf32, #tpu.memory_space<hbm>>, %arg6: memref<10240xf32, #tpu.memory_space<hbm>>, %arg7: memref<10240xf32, #tpu.memory_space<hbm>>, %arg8: memref<10240x128xf32, #tpu.memory_space<hbm>>, %arg9: memref<2x10240x128xf32, #tpu.memory_space<hbm>>, %arg10: memref<2x10240xf32, #tpu.memory_space<hbm>>, %arg11: memref<10240xf32, #tpu.memory_space<vmem>>, %arg12: memref<10240xf32, #tpu.memory_space<vmem>>, %arg13: memref<48xf32, #tpu.memory_space<vmem>>, %arg14: memref<48xf32, #tpu.memory_space<vmem>>, %arg15: memref<48xi32, #tpu.memory_space<vmem>>, %arg16: memref<48xf32, #tpu.memory_space<vmem>>, %arg17: memref<48xf32, #tpu.memory_space<vmem>>, %arg18: memref<48xi32, #tpu.memory_space<vmem>>, %arg19: memref<48xf32, #tpu.memory_space<vmem>>, %arg20: memref<48xf32, #tpu.memory_space<vmem>>, %arg21: memref<48xi32, #tpu.memory_space<vmem>>, %arg22: memref<48xf32, #tpu.memory_space<vmem>>, %arg23: memref<48xf32, #tpu.memory_space<vmem>>, %arg24: memref<48xi32, #tpu.memory_space<vmem>>, %arg25: memref<48xf32, #tpu.memory_space<vmem>>, %arg26: memref<48xf32, #tpu.memory_space<vmem>>, %arg27: memref<48xi32, #tpu.memory_space<vmem>>, %arg28: memref<48xf32, #tpu.memory_space<vmem>>, %arg29: memref<48xf32, #tpu.memory_space<vmem>>, %arg30: memref<48xi32, #tpu.memory_space<vmem>>, %arg31: memref<48x128xf32, #tpu.memory_space<vmem>>, %arg32: memref<48x128xf32, #tpu.memory_space<vmem>>, %arg33: memref<48x128xf32, #tpu.memory_space<vmem>>, %arg34: memref<48x128xf32, #tpu.memory_space<vmem>>, %arg35: memref<640xf32, #tpu.memory_space<vmem>>, %arg36: memref<!tpu.dma_semaphore, #tpu.memory_space<semaphore_mem>>, %arg37: memref<!tpu.dma_semaphore, #tpu.memory_space<semaphore_mem>>, %arg38: memref<!tpu.dma_semaphore, #tpu.memory_space<semaphore_mem>>, %arg39: memref<!tpu.dma_semaphore, #tpu.memory_space<semaphore_mem>>, %arg40: memref<10240x128xf32, #tpu.memory_space<vmem_shared>>, %arg41: memref<10240xf32, #tpu.memory_space<vmem_shared>>) attributes {dimension_semantics = [#tpu.dimension_semantics<core_parallel>, #tpu.dimension_semantics<subcore_parallel>], iteration_bounds = array<i64: 2, 16>, scalar_prefetch = 0 : i64, scratch_operands = 31 : i64, tpu.core_type = #tpu.core_type<sc_vector_subcore>, window_params = [{transform_indices = #map}, {transform_indices = #map}, {transform_indices = #map}, {transform_indices = #map}, {transform_indices = #map}, {transform_indices = #map}, {transform_indices = #map1}, {transform_indices = #map2}, {transform_indices = #map1}]} {
    %mul3A = arith.constant 16 : i32
    %mul3A_0 = arith.muli %arg0, %mul3A : i32
    %add3A = arith.addi %mul3A_0, %arg1 : i32
    %mul3A_1 = arith.constant 10080 : i32
    %mul3A_2 = arith.muli %add3A, %mul3A_1 : i32
    %iota3A = tpu.iota {dimensions = array<i32: 0>} : vector<16xi32>
    %scan3A = arith.constant 0 : i32
    %scan3A_3 = arith.constant 0 : i32
    %scan3A_4 = arith.constant 40 : i32
    %scan3A_5 = arith.addi %scan3A_3, %scan3A_4 : i32
    %scan3A_6 = arith.constant 1 : i32
    %scan3A_7 = scf.for %scan3A_82 = %scan3A_3 to %scan3A_5 step %scan3A_6 iter_args(%scan3A_83 = %scan3A) -> (i32)  : i32 {
      %broadcast_in_dim3A = arith.constant 0.000000e+00 : f32
      %broadcast_in_dim3A_84 = vector.broadcast %broadcast_in_dim3A : f32 to vector<16xf32>
      %mul3A_85 = arith.constant 16 : i32
      %mul3A_86 = arith.muli %scan3A_82, %mul3A_85 : i32
      %swap3A = arith.index_cast %mul3A_86 : i32 to index
      %swap3A_87 = tpu.vector_load %arg35[%swap3A] {strides = array<i32>} : memref<640xf32, #tpu.memory_space<vmem>>, vector<16xf32>,
      tpu.vector_store %arg35[%swap3A], %broadcast_in_dim3A_84 {strides = array<i32>} : memref<640xf32, #tpu.memory_space<vmem>>, vector<16xf32>,
      %scan3A_88 = arith.constant 0 : i32
      scf.yield %scan3A_88 : i32
    }
    %scan3A_8 = arith.constant 40 : i32
    %mul3A_9 = arith.constant 640 : i32
    %mul3A_10 = arith.muli %arg1, %mul3A_9 : i32
    "tpu.region"() ({
      %run_scoped3A = tpu.sem_alloc : memref<!tpu.dma_semaphore, #tpu.memory_space<semaphore_mem>>
      %dma_start3A_82 = tpu.memref_slice %arg41[%mul3A_10] : memref<10240xf32, #tpu.memory_space<vmem_shared>> -> memref<640xf32, #tpu.memory_space<vmem_shared>>
      %dma_start3A_83 = tpu.memref_slice %arg41[%mul3A_10] : memref<10240xf32, #tpu.memory_space<vmem_shared>> -> memref<640xf32, #tpu.memory_space<vmem_shared>>
      tpu.enqueue_dma source(%arg35 : memref<640xf32, #tpu.memory_space<vmem>>) target(%dma_start3A_83 : memref<640xf32, #tpu.memory_space<vmem_shared>>) target_semaphore(%run_scoped3A : memref<!tpu.dma_semaphore, #tpu.memory_space<semaphore_mem>>)
      %dma_wait3A_84 = tpu.memref_slice %arg41[%mul3A_10] : memref<10240xf32, #tpu.memory_space<vmem_shared>> -> memref<640xf32, #tpu.memory_space<vmem_shared>>
      %dma_wait3A_85 = tpu.memref_slice %arg41[%mul3A_10] : memref<10240xf32, #tpu.memory_space<vmem_shared>> -> memref<640xf32, #tpu.memory_space<vmem_shared>>
      tpu.wait_dma2 semaphore(%run_scoped3A : memref<!tpu.dma_semaphore, #tpu.memory_space<semaphore_mem>>) src(%arg35 : memref<640xf32, #tpu.memory_space<vmem>>) dst(%dma_wait3A_85 : memref<640xf32, #tpu.memory_space<vmem_shared>>)
      tpu.yield
    }) : () -> ()
    %scan3A_11 = arith.constant 0 : i32
    %scan3A_12 = arith.constant 0 : i32
    %scan3A_13 = arith.constant 48 : i32
    %scan3A_14 = arith.addi %scan3A_12, %scan3A_13 : i32
    %scan3A_15 = arith.constant 1 : i32
    %scan3A_16 = scf.for %scan3A_82 = %scan3A_12 to %scan3A_14 step %scan3A_15 iter_args(%scan3A_83 = %scan3A_11) -> (i32)  : i32 {
      %scan3A_84 = arith.constant 0 : i32
      %scan3A_85 = arith.constant 0 : i32
      %scan3A_86 = arith.constant 8 : i32
      %scan3A_87 = arith.addi %scan3A_85, %scan3A_86 : i32
      %scan3A_88 = arith.constant 1 : i32
      %scan3A_89 = scf.for %scan3A_92 = %scan3A_85 to %scan3A_87 step %scan3A_88 iter_args(%scan3A_93 = %scan3A_84) -> (i32)  : i32 {
        %broadcast_in_dim3A = arith.constant 0.000000e+00 : f32
        %broadcast_in_dim3A_94 = vector.broadcast %broadcast_in_dim3A : f32 to vector<16xf32>
        %mul3A_95 = arith.constant 16 : i32
        %mul3A_96 = arith.muli %scan3A_92, %mul3A_95 : i32
        %swap3A = arith.index_cast %scan3A_82 : i32 to index
        %swap3A_97 = arith.index_cast %mul3A_96 : i32 to index
        %swap3A_98 = tpu.vector_load %arg31[%swap3A, %swap3A_97] {strides = array<i32>} : memref<48x128xf32, #tpu.memory_space<vmem>>, vector<16xf32>,
        tpu.vector_store %arg31[%swap3A, %swap3A_97], %broadcast_in_dim3A_94 {strides = array<i32>} : memref<48x128xf32, #tpu.memory_space<vmem>>, vector<16xf32>,
        %scan3A_99 = arith.constant 0 : i32
        scf.yield %scan3A_99 : i32
      }
      %scan3A_90 = arith.constant 8 : i32
      %scan3A_91 = arith.constant 0 : i32
      scf.yield %scan3A_91 : i32
    }
    %scan3A_17 = arith.constant 48 : i32
    %scan3A_18 = arith.constant 0 : i32
    %scan3A_19 = arith.constant 0 : i32
    %scan3A_20 = arith.constant 20 : i32
    %scan3A_21 = arith.addi %scan3A_19, %scan3A_20 : i32
    %scan3A_22 = arith.constant 1 : i32
    %scan3A_23 = scf.for %scan3A_82 = %scan3A_19 to %scan3A_21 step %scan3A_22 iter_args(%scan3A_83 = %scan3A_18) -> (i32)  : i32 {
      %mul3A_84 = arith.constant 640 : i32
      %mul3A_85 = arith.muli %arg1, %mul3A_84 : i32
      %mul3A_86 = arith.constant 32 : i32
      %mul3A_87 = arith.muli %scan3A_82, %mul3A_86 : i32
      %add3A_88 = arith.addi %mul3A_85, %mul3A_87 : i32
      "tpu.region"() ({
        %run_scoped3A = tpu.sem_alloc : memref<!tpu.dma_semaphore, #tpu.memory_space<semaphore_mem>>
        %dma_start3A_90 = arith.constant 0 : i32
        %dma_start3A_91 = arith.constant 0 : i32
        %dma_start3A_92 = tpu.memref_slice %arg31[%dma_start3A_90, %dma_start3A_91] : memref<48x128xf32, #tpu.memory_space<vmem>> -> memref<32x128xf32, #tpu.memory_space<vmem>>
        %dma_start3A_93 = arith.constant 0 : i32
        %dma_start3A_94 = tpu.memref_slice %arg40[%add3A_88, %dma_start3A_93] : memref<10240x128xf32, #tpu.memory_space<vmem_shared>> -> memref<32x128xf32, #tpu.memory_space<vmem_shared>>
        %dma_start3A_95 = arith.constant 0 : i32
        %dma_start3A_96 = tpu.memref_slice %arg40[%add3A_88, %dma_start3A_95] : memref<10240x128xf32, #tpu.memory_space<vmem_shared>> -> memref<32x128xf32, #tpu.memory_space<vmem_shared>>
        %dma_start3A_97 = arith.constant 0 : i32
        %dma_start3A_98 = arith.constant 0 : i32
        %dma_start3A_99 = tpu.memref_slice %arg31[%dma_start3A_97, %dma_start3A_98] : memref<48x128xf32, #tpu.memory_space<vmem>> -> memref<32x128xf32, #tpu.memory_space<vmem>>
        tpu.enqueue_dma source(%dma_start3A_99 : memref<32x128xf32, #tpu.memory_space<vmem>>) target(%dma_start3A_96 : memref<32x128xf32, #tpu.memory_space<vmem_shared>>) target_semaphore(%run_scoped3A : memref<!tpu.dma_semaphore, #tpu.memory_space<semaphore_mem>>)
        %dma_wait3A_100 = arith.constant 0 : i32
        %dma_wait3A_101 = arith.constant 0 : i32
        %dma_wait3A_102 = tpu.memref_slice %arg31[%dma_wait3A_100, %dma_wait3A_101] : memref<48x128xf32, #tpu.memory_space<vmem>> -> memref<32x128xf32, #tpu.memory_space<vmem>>
        %dma_wait3A_103 = arith.constant 0 : i32
        %dma_wait3A_104 = tpu.memref_slice %arg40[%add3A_88, %dma_wait3A_103] : memref<10240x128xf32, #tpu.memory_space<vmem_shared>> -> memref<32x128xf32, #tpu.memory_space<vmem_shared>>
        %dma_wait3A_105 = arith.constant 0 : i32
        %dma_wait3A_106 = tpu.memref_slice %arg40[%add3A_88, %dma_wait3A_105] : memref<10240x128xf32, #tpu.memory_space<vmem_shared>> -> memref<32x128xf32, #tpu.memory_space<vmem_shared>>
        %dma_wait3A_107 = arith.constant 0 : i32
        %dma_wait3A_108 = arith.constant 0 : i32
        %dma_wait3A_109 = tpu.memref_slice %arg31[%dma_wait3A_107, %dma_wait3A_108] : memref<48x128xf32, #tpu.memory_space<vmem>> -> memref<32x128xf32, #tpu.memory_space<vmem>>
        tpu.wait_dma2 semaphore(%run_scoped3A : memref<!tpu.dma_semaphore, #tpu.memory_space<semaphore_mem>>) src(%dma_wait3A_109 : memref<32x128xf32, #tpu.memory_space<vmem>>) dst(%dma_wait3A_106 : memref<32x128xf32, #tpu.memory_space<vmem_shared>>)
        tpu.yield
      }) : () -> ()
      %scan3A_89 = arith.constant 0 : i32
      scf.yield %scan3A_89 : i32
    }
    %scan3A_24 = arith.constant 20 : i32
    "tpu.region"() ({
      %run_scoped3A = tpu.sem_alloc : memref<!tpu.dma_semaphore, #tpu.memory_space<semaphore_mem>>
      tpu.enqueue_dma source(%arg6 : memref<10240xf32, #tpu.memory_space<hbm>>) target(%arg11 : memref<10240xf32, #tpu.memory_space<vmem>>) target_semaphore(%run_scoped3A : memref<!tpu.dma_semaphore, #tpu.memory_space<semaphore_mem>>)
      tpu.wait_dma2 semaphore(%run_scoped3A : memref<!tpu.dma_semaphore, #tpu.memory_space<semaphore_mem>>) src(%arg6 : memref<10240xf32, #tpu.memory_space<hbm>>) dst(%arg11 : memref<10240xf32, #tpu.memory_space<vmem>>)
      tpu.yield
    }) : () -> ()
    "tpu.region"() ({
      %run_scoped3A = tpu.sem_alloc : memref<!tpu.dma_semaphore, #tpu.memory_space<semaphore_mem>>
      tpu.enqueue_dma source(%arg7 : memref<10240xf32, #tpu.memory_space<hbm>>) target(%arg12 : memref<10240xf32, #tpu.memory_space<vmem>>) target_semaphore(%run_scoped3A : memref<!tpu.dma_semaphore, #tpu.memory_space<semaphore_mem>>)
      tpu.wait_dma2 semaphore(%run_scoped3A : memref<!tpu.dma_semaphore, #tpu.memory_space<semaphore_mem>>) src(%arg7 : memref<10240xf32, #tpu.memory_space<hbm>>) dst(%arg12 : memref<10240xf32, #tpu.memory_space<vmem>>)
      tpu.yield
    }) : () -> ()
    %barrier3A = arith.constant 0 : index
    tpu.barrier barrier_id(%barrier3A)
    %add3A_25 = arith.constant 0 : i32
    %add3A_26 = arith.addi %mul3A_2, %add3A_25 : i32
    %dma_start3A = tpu.memref_slice %arg2[%add3A_26] : memref<322560xi32, #tpu.memory_space<hbm>> -> memref<48xi32, #tpu.memory_space<hbm>>
    %dma_start3A_27 = tpu.memref_slice %arg2[%add3A_26] : memref<322560xi32, #tpu.memory_space<hbm>> -> memref<48xi32, #tpu.memory_space<hbm>>
    tpu.enqueue_dma source(%dma_start3A_27 : memref<48xi32, #tpu.memory_space<hbm>>) target(%arg18 : memref<48xi32, #tpu.memory_space<vmem>>) target_semaphore(%arg36 : memref<!tpu.dma_semaphore, #tpu.memory_space<semaphore_mem>>)
    %dma_start3A_28 = tpu.memref_slice %arg3[%add3A_26] : memref<322560xi32, #tpu.memory_space<hbm>> -> memref<48xi32, #tpu.memory_space<hbm>>
    %dma_start3A_29 = tpu.memref_slice %arg3[%add3A_26] : memref<322560xi32, #tpu.memory_space<hbm>> -> memref<48xi32, #tpu.memory_space<hbm>>
    tpu.enqueue_dma source(%dma_start3A_29 : memref<48xi32, #tpu.memory_space<hbm>>) target(%arg15 : memref<48xi32, #tpu.memory_space<vmem>>) target_semaphore(%arg36 : memref<!tpu.dma_semaphore, #tpu.memory_space<semaphore_mem>>)
    %dma_start3A_30 = tpu.memref_slice %arg4[%add3A_26] : memref<322560xf32, #tpu.memory_space<hbm>> -> memref<48xf32, #tpu.memory_space<hbm>>
    %dma_start3A_31 = tpu.memref_slice %arg4[%add3A_26] : memref<322560xf32, #tpu.memory_space<hbm>> -> memref<48xf32, #tpu.memory_space<hbm>>
    tpu.enqueue_dma source(%dma_start3A_31 : memref<48xf32, #tpu.memory_space<hbm>>) target(%arg17 : memref<48xf32, #tpu.memory_space<vmem>>) target_semaphore(%arg36 : memref<!tpu.dma_semaphore, #tpu.memory_space<semaphore_mem>>)
    %dma_start3A_32 = tpu.memref_slice %arg5[%add3A_26] : memref<322560xf32, #tpu.memory_space<hbm>> -> memref<48xf32, #tpu.memory_space<hbm>>
    %dma_start3A_33 = tpu.memref_slice %arg5[%add3A_26] : memref<322560xf32, #tpu.memory_space<hbm>> -> memref<48xf32, #tpu.memory_space<hbm>>
    tpu.enqueue_dma source(%dma_start3A_33 : memref<48xf32, #tpu.memory_space<hbm>>) target(%arg16 : memref<48xf32, #tpu.memory_space<vmem>>) target_semaphore(%arg36 : memref<!tpu.dma_semaphore, #tpu.memory_space<semaphore_mem>>)
    %scan3A_34 = arith.constant 0 : i32
    %scan3A_35 = arith.constant 0 : i32
    %scan3A_36 = arith.constant 35 : i32
    %scan3A_37 = arith.addi %scan3A_35, %scan3A_36 : i32
    %scan3A_38 = arith.constant 1 : i32
    %scan3A_39 = scf.for %scan3A_82 = %scan3A_35 to %scan3A_37 step %scan3A_38 iter_args(%scan3A_83 = %scan3A_34) -> (i32)  : i32 {
      %mul3A_84 = arith.constant 6 : i32
      %mul3A_85 = arith.muli %mul3A_84, %scan3A_82 : i32
      %add3A_86 = arith.constant 0 : i32
      %add3A_87 = arith.addi %mul3A_85, %add3A_86 : i32
      %dma_wait3A_88 = arith.constant 0 : i32
      %dma_wait3A_89 = tpu.memref_slice %arg2[%dma_wait3A_88] : memref<322560xi32, #tpu.memory_space<hbm>> -> memref<48xi32, #tpu.memory_space<hbm>>
      %dma_wait3A_90 = arith.constant 0 : i32
      %dma_wait3A_91 = tpu.memref_slice %arg2[%dma_wait3A_90] : memref<322560xi32, #tpu.memory_space<hbm>> -> memref<48xi32, #tpu.memory_space<hbm>>
      tpu.wait_dma2 semaphore(%arg36 : memref<!tpu.dma_semaphore, #tpu.memory_space<semaphore_mem>>) src(%dma_wait3A_91 : memref<48xi32, #tpu.memory_space<hbm>>) dst(%arg18 : memref<48xi32, #tpu.memory_space<vmem>>)
      %dma_wait3A_92 = arith.constant 0 : i32
      %dma_wait3A_93 = tpu.memref_slice %arg3[%dma_wait3A_92] : memref<322560xi32, #tpu.memory_space<hbm>> -> memref<48xi32, #tpu.memory_space<hbm>>
      %dma_wait3A_94 = arith.constant 0 : i32
      %dma_wait3A_95 = tpu.memref_slice %arg3[%dma_wait3A_94] : memref<322560xi32, #tpu.memory_space<hbm>> -> memref<48xi32, #tpu.memory_space<hbm>>
      tpu.wait_dma2 semaphore(%arg36 : memref<!tpu.dma_semaphore, #tpu.memory_space<semaphore_mem>>) src(%dma_wait3A_95 : memref<48xi32, #tpu.memory_space<hbm>>) dst(%arg15 : memref<48xi32, #tpu.memory_space<vmem>>)
      %dma_wait3A_96 = arith.constant 0 : i32
      %dma_wait3A_97 = tpu.memref_slice %arg4[%dma_wait3A_96] : memref<322560xf32, #tpu.memory_space<hbm>> -> memref<48xf32, #tpu.memory_space<hbm>>
      %dma_wait3A_98 = arith.constant 0 : i32
      %dma_wait3A_99 = tpu.memref_slice %arg4[%dma_wait3A_98] : memref<322560xf32, #tpu.memory_space<hbm>> -> memref<48xf32, #tpu.memory_space<hbm>>
      tpu.wait_dma2 semaphore(%arg36 : memref<!tpu.dma_semaphore, #tpu.memory_space<semaphore_mem>>) src(%dma_wait3A_99 : memref<48xf32, #tpu.memory_space<hbm>>) dst(%arg17 : memref<48xf32, #tpu.memory_space<vmem>>)
      %dma_wait3A_100 = arith.constant 0 : i32
      %dma_wait3A_101 = tpu.memref_slice %arg5[%dma_wait3A_100] : memref<322560xf32, #tpu.memory_space<hbm>> -> memref<48xf32, #tpu.memory_space<hbm>>
      %dma_wait3A_102 = arith.constant 0 : i32
      %dma_wait3A_103 = tpu.memref_slice %arg5[%dma_wait3A_102] : memref<322560xf32, #tpu.memory_space<hbm>> -> memref<48xf32, #tpu.memory_space<hbm>>
      tpu.wait_dma2 semaphore(%arg36 : memref<!tpu.dma_semaphore, #tpu.memory_space<semaphore_mem>>) src(%dma_wait3A_103 : memref<48xf32, #tpu.memory_space<hbm>>) dst(%arg16 : memref<48xf32, #tpu.memory_space<vmem>>)
      %dma_start3A_104 = arith.constant 0 : i32
      %dma_start3A_105 = arith.constant 0 : i32
      %dma_start3A_106 = tpu.memref_slice %arg8[%dma_start3A_104, %dma_start3A_105] : memref<10240x128xf32, #tpu.memory_space<hbm>> -> memref<10240x128xf32, #tpu.memory_space<hbm>>
      tpu.enqueue_indirect_dma source(%dma_start3A_106 : memref<10240x128xf32, #tpu.memory_space<hbm>>) target(%arg31 : memref<48x128xf32, #tpu.memory_space<vmem>>) offsets(%arg18 : memref<48xi32, #tpu.memory_space<vmem>>) semaphore(%arg37 : memref<!tpu.dma_semaphore, #tpu.memory_space<semaphore_mem>>)
      %ge3A = arith.constant 2 : i32
      %ge3A_107 = arith.cmpi sge, %add3A_87, %ge3A : i32
      %convert_element_type3A = arith.extui %ge3A_107 : i1 to i32
      %cond3A = arith.constant 0 : i32
      %cond3A_108 = arith.cmpi ne, %convert_element_type3A, %cond3A : i32
      scf.if %cond3A_108 {
        %dma_wait3A_375 = arith.constant 0 : i32
        %dma_wait3A_376 = tpu.memref_slice %arg41[%dma_wait3A_375] : memref<10240xf32, #tpu.memory_space<vmem_shared>> -> memref<48xf32, #tpu.memory_space<vmem_shared>>
        %dma_wait3A_377 = arith.constant 0 : i32
        %dma_wait3A_378 = tpu.memref_slice %arg41[%dma_wait3A_377] : memref<10240xf32, #tpu.memory_space<vmem_shared>> -> memref<48xf32, #tpu.memory_space<vmem_shared>>
        tpu.wait_dma2 semaphore(%arg39 : memref<!tpu.dma_semaphore, #tpu.memory_space<semaphore_mem>>) src(%arg19 : memref<48xf32, #tpu.memory_space<vmem>>) dst(%dma_wait3A_378 : memref<48xf32, #tpu.memory_space<vmem_shared>>)
        %dma_wait3A_379 = arith.constant 0 : i32
        %dma_wait3A_380 = arith.constant 0 : i32
        %dma_wait3A_381 = tpu.memref_slice %arg40[%dma_wait3A_379, %dma_wait3A_380] : memref<10240x128xf32, #tpu.memory_space<vmem_shared>> -> memref<48x128xf32, #tpu.memory_space<vmem_shared>>
        %dma_wait3A_382 = arith.constant 0 : i32
        %dma_wait3A_383 = arith.constant 0 : i32
        %dma_wait3A_384 = tpu.memref_slice %arg40[%dma_wait3A_382, %dma_wait3A_383] : memref<10240x128xf32, #tpu.memory_space<vmem_shared>> -> memref<48x128xf32, #tpu.memory_space<vmem_shared>>
        tpu.wait_dma2 semaphore(%arg38 : memref<!tpu.dma_semaphore, #tpu.memory_space<semaphore_mem>>) src(%arg33 : memref<48x128xf32, #tpu.memory_space<vmem>>) dst(%dma_wait3A_384 : memref<48x128xf32, #tpu.memory_space<vmem_shared>>)
      } else {
      }
      %add3A_109 = arith.constant 1 : i32
      %add3A_110 = arith.addi %add3A_87, %add3A_109 : i32
      %lt3A = arith.constant 210 : i32
      %lt3A_111 = arith.cmpi slt, %add3A_110, %lt3A : i32
      %convert_element_type3A_112 = arith.extui %lt3A_111 : i1 to i32
      %cond3A_113 = arith.constant 0 : i32
      %cond3A_114 = arith.cmpi ne, %convert_element_type3A_112, %cond3A_113 : i32
      scf.if %cond3A_114 {
        %add3A_375 = arith.constant 1 : i32
        %add3A_376 = arith.addi %add3A_87, %add3A_375 : i32
        %mul3A_377 = arith.constant 48 : i32
        %mul3A_378 = arith.muli %add3A_376, %mul3A_377 : i32
        %add3A_379 = arith.addi %mul3A_2, %mul3A_378 : i32
        %dma_start3A_380 = tpu.memref_slice %arg2[%add3A_379] : memref<322560xi32, #tpu.memory_space<hbm>> -> memref<48xi32, #tpu.memory_space<hbm>>
        %dma_start3A_381 = tpu.memref_slice %arg2[%add3A_379] : memref<322560xi32, #tpu.memory_space<hbm>> -> memref<48xi32, #tpu.memory_space<hbm>>
        tpu.enqueue_dma source(%dma_start3A_381 : memref<48xi32, #tpu.memory_space<hbm>>) target(%arg24 : memref<48xi32, #tpu.memory_space<vmem>>) target_semaphore(%arg36 : memref<!tpu.dma_semaphore, #tpu.memory_space<semaphore_mem>>)
        %dma_start3A_382 = tpu.memref_slice %arg3[%add3A_379] : memref<322560xi32, #tpu.memory_space<hbm>> -> memref<48xi32, #tpu.memory_space<hbm>>
        %dma_start3A_383 = tpu.memref_slice %arg3[%add3A_379] : memref<322560xi32, #tpu.memory_space<hbm>> -> memref<48xi32, #tpu.memory_space<hbm>>
        tpu.enqueue_dma source(%dma_start3A_383 : memref<48xi32, #tpu.memory_space<hbm>>) target(%arg21 : memref<48xi32, #tpu.memory_space<vmem>>) target_semaphore(%arg36 : memref<!tpu.dma_semaphore, #tpu.memory_space<semaphore_mem>>)
        %dma_start3A_384 = tpu.memref_slice %arg4[%add3A_379] : memref<322560xf32, #tpu.memory_space<hbm>> -> memref<48xf32, #tpu.memory_space<hbm>>
        %dma_start3A_385 = tpu.memref_slice %arg4[%add3A_379] : memref<322560xf32, #tpu.memory_space<hbm>> -> memref<48xf32, #tpu.memory_space<hbm>>
        tpu.enqueue_dma source(%dma_start3A_385 : memref<48xf32, #tpu.memory_space<hbm>>) target(%arg23 : memref<48xf32, #tpu.memory_space<vmem>>) target_semaphore(%arg36 : memref<!tpu.dma_semaphore, #tpu.memory_space<semaphore_mem>>)
        %dma_start3A_386 = tpu.memref_slice %arg5[%add3A_379] : memref<322560xf32, #tpu.memory_space<hbm>> -> memref<48xf32, #tpu.memory_space<hbm>>
        %dma_start3A_387 = tpu.memref_slice %arg5[%add3A_379] : memref<322560xf32, #tpu.memory_space<hbm>> -> memref<48xf32, #tpu.memory_space<hbm>>
        tpu.enqueue_dma source(%dma_start3A_387 : memref<48xf32, #tpu.memory_space<hbm>>) target(%arg22 : memref<48xf32, #tpu.memory_space<vmem>>) target_semaphore(%arg36 : memref<!tpu.dma_semaphore, #tpu.memory_space<semaphore_mem>>)
      } else {
      }
      %scan3A_115 = arith.constant 0 : i32
      %scan3A_116 = arith.constant 0 : i32
      %scan3A_117 = arith.constant 3 : i32
      %scan3A_118 = arith.addi %scan3A_116, %scan3A_117 : i32
      %scan3A_119 = arith.constant 1 : i32
      %scan3A_120 = scf.for %scan3A_375 = %scan3A_116 to %scan3A_118 step %scan3A_119 iter_args(%scan3A_376 = %scan3A_115) -> (i32)  : i32 {
        %mul3A_377 = arith.constant 16 : i32
        %mul3A_378 = arith.muli %scan3A_375, %mul3A_377 : i32
        %get3A = arith.index_cast %mul3A_378 : i32 to index
        %get3A_379 = tpu.vector_load %arg18[%get3A] {strides = array<i32>} : memref<48xi32, #tpu.memory_space<vmem>>, vector<16xi32>,
        %mul3A_380 = arith.constant 16 : i32
        %mul3A_381 = arith.muli %scan3A_375, %mul3A_380 : i32
        %get3A_382 = arith.index_cast %mul3A_381 : i32 to index
        %get3A_383 = tpu.vector_load %arg15[%get3A_382] {strides = array<i32>} : memref<48xi32, #tpu.memory_space<vmem>>, vector<16xi32>,
        %mul3A_384 = arith.constant 16 : i32
        %mul3A_385 = arith.muli %scan3A_375, %mul3A_384 : i32
        %get3A_386 = arith.index_cast %mul3A_385 : i32 to index
        %get3A_387 = tpu.vector_load %arg17[%get3A_386] {strides = array<i32>} : memref<48xf32, #tpu.memory_space<vmem>>, vector<16xf32>,
        %mul3A_388 = arith.constant 16 : i32
        %mul3A_389 = arith.muli %scan3A_375, %mul3A_388 : i32
        %get3A_390 = arith.index_cast %mul3A_389 : i32 to index
        %get3A_391 = tpu.vector_load %arg16[%get3A_390] {strides = array<i32>} : memref<48xf32, #tpu.memory_space<vmem>>, vector<16xf32>,
        %gather3A = tpu.vector_load_idx %arg11[%get3A_383] : memref<10240xf32, #tpu.memory_space<vmem>>[vector<16xi32>], vector<16xf32>,
        %gt3A = arith.constant 0.000000e+00 : f32
        %gt3A_392 = vector.broadcast %gt3A : f32 to vector<16xf32>
        %gt3A_393 = arith.cmpf ogt, %get3A_387, %gt3A_392 : vector<16xf32>
        %sub3A = arith.subf %get3A_391, %gather3A : vector<16xf32>
        %exp3A = math.exp %sub3A : vector<16xf32>
        %jit3A = arith.constant 0.000000e+00 : f32
        %broadcast_in_dim3A = vector.broadcast %jit3A : f32 to vector<16xf32>
        %select_n3A = arith.select %gt3A_393, %exp3A, %broadcast_in_dim3A : vector<16xi1>, vector<16xf32>
        %mul3A_394 = arith.constant 16 : i32
        %mul3A_395 = arith.muli %scan3A_375, %mul3A_394 : i32
        %swap3A = arith.index_cast %mul3A_395 : i32 to index
        %swap3A_396 = tpu.vector_load %arg13[%swap3A] {strides = array<i32>} : memref<48xf32, #tpu.memory_space<vmem>>, vector<16xf32>,
        tpu.vector_store %arg13[%swap3A], %select_n3A {strides = array<i32>} : memref<48xf32, #tpu.memory_space<vmem>>, vector<16xf32>,
        %gather3A_397 = tpu.vector_load_idx %arg12[%get3A_379] : memref<10240xf32, #tpu.memory_space<vmem>>[vector<16xi32>], vector<16xf32>,
        %mul3A_398 = arith.mulf %gather3A_397, %get3A_387 : vector<16xf32>
        %gather3A_399 = tpu.vector_load_idx %arg12[%get3A_383] : memref<10240xf32, #tpu.memory_space<vmem>>[vector<16xi32>], vector<16xf32>,
        %mul3A_400 = arith.mulf %mul3A_398, %gather3A_399 : vector<16xf32>
        %mul3A_401 = arith.constant 16 : i32
        %mul3A_402 = arith.muli %scan3A_375, %mul3A_401 : i32
        %swap3A_403 = arith.index_cast %mul3A_402 : i32 to index
        %swap3A_404 = tpu.vector_load %arg14[%swap3A_403] {strides = array<i32>} : memref<48xf32, #tpu.memory_space<vmem>>, vector<16xf32>,
        tpu.vector_store %arg14[%swap3A_403], %mul3A_400 {strides = array<i32>} : memref<48xf32, #tpu.memory_space<vmem>>, vector<16xf32>,
        %scan3A_405 = arith.constant 0 : i32
        scf.yield %scan3A_405 : i32
      }
      %scan3A_121 = arith.constant 3 : i32
      %dma_start3A_122 = arith.constant 0 : i32
      %dma_start3A_123 = tpu.memref_slice %arg41[%dma_start3A_122] : memref<10240xf32, #tpu.memory_space<vmem_shared>> -> memref<10240xf32, #tpu.memory_space<vmem_shared>>
      tpu.enqueue_indirect_dma source(%arg13 : memref<48xf32, #tpu.memory_space<vmem>>) target(%dma_start3A_123 : memref<10240xf32, #tpu.memory_space<vmem_shared>>) offsets(%arg15 : memref<48xi32, #tpu.memory_space<vmem>>) semaphore(%arg39 : memref<!tpu.dma_semaphore, #tpu.memory_space<semaphore_mem>>) {add = true}
      %ge3A_124 = arith.constant 1 : i32
      %ge3A_125 = arith.cmpi sge, %add3A_87, %ge3A_124 : i32
      %convert_element_type3A_126 = arith.extui %ge3A_125 : i1 to i32
      %cond3A_127 = arith.constant 0 : i32
      %cond3A_128 = arith.cmpi ne, %convert_element_type3A_126, %cond3A_127 : i32
      scf.if %cond3A_128 {
        %dma_wait3A_375 = arith.constant 0 : i32
        %dma_wait3A_376 = arith.constant 0 : i32
        %dma_wait3A_377 = tpu.memref_slice %arg8[%dma_wait3A_375, %dma_wait3A_376] : memref<10240x128xf32, #tpu.memory_space<hbm>> -> memref<10240x128xf32, #tpu.memory_space<hbm>>
        tpu.wait_indirect_dma semaphore(%arg37 : memref<!tpu.dma_semaphore, #tpu.memory_space<semaphore_mem>>) src(%dma_wait3A_377 : memref<10240x128xf32, #tpu.memory_space<hbm>>) dst(%arg32 : memref<48x128xf32, #tpu.memory_space<vmem>>)
        %scan3A_378 = arith.constant 0 : i32
        %scan3A_379 = arith.constant 0 : i32
        %scan3A_380 = arith.constant 3 : i32
        %scan3A_381 = arith.addi %scan3A_379, %scan3A_380 : i32
        %scan3A_382 = arith.constant 1 : i32
        %scan3A_383 = scf.for %scan3A_388 = %scan3A_379 to %scan3A_381 step %scan3A_382 iter_args(%scan3A_389 = %scan3A_378) -> (i32)  : i32 {
          %mul3A_390 = arith.constant 16 : i32
          %mul3A_391 = arith.muli %scan3A_388, %mul3A_390 : i32
          %add3A_392 = vector.broadcast %mul3A_391 : i32 to vector<16xi32>
          %add3A_393 = arith.addi %add3A_392, %iota3A : vector<16xi32>
          %mul3A_394 = arith.constant 16 : i32
          %mul3A_395 = arith.muli %scan3A_388, %mul3A_394 : i32
          %get3A = arith.index_cast %mul3A_395 : i32 to index
          %get3A_396 = tpu.vector_load %arg25[%get3A] {strides = array<i32>} : memref<48xf32, #tpu.memory_space<vmem>>, vector<16xf32>,
          %mul3A_397 = arith.constant 16 : i32
          %mul3A_398 = arith.muli %scan3A_388, %mul3A_397 : i32
          %get3A_399 = arith.index_cast %mul3A_398 : i32 to index
          %get3A_400 = tpu.vector_load %arg26[%get3A_399] {strides = array<i32>} : memref<48xf32, #tpu.memory_space<vmem>>, vector<16xf32>,
          %scan3A_401 = arith.constant 0 : i32
          %scan3A_402 = arith.constant 0 : i32
          %scan3A_403 = arith.constant 16 : i32
          %scan3A_404 = arith.addi %scan3A_402, %scan3A_403 : i32
          %scan3A_405 = arith.constant 1 : i32
          %scan3A_406 = scf.for %scan3A_409 = %scan3A_402 to %scan3A_404 step %scan3A_405 iter_args(%scan3A_410 = %scan3A_401) -> (i32)  : i32 {
            %mul3A_411 = arith.constant 4 : i32
            %mul3A_412 = arith.muli %scan3A_409, %mul3A_411 : i32
            %add3A_413 = arith.constant 0 : i32
            %add3A_414 = arith.addi %mul3A_412, %add3A_413 : i32
            %add3A_415 = vector.broadcast %add3A_414 : i32 to vector<16xi32>
            %add3A_416 = arith.addi %iota3A, %add3A_415 : vector<16xi32>
            %and3A = arith.constant 63 : i32
            %and3A_417 = vector.broadcast %and3A : i32 to vector<16xi32>
            %and3A_418 = arith.andi %add3A_416, %and3A_417 : vector<16xi32>
            %gather3A = tpu.vector_load_idx %arg32[%add3A_393, %and3A_418] : memref<48x128xf32, #tpu.memory_space<vmem>>[vector<16xi32>, vector<16xi32>], vector<16xf32>,
            %mul3A_419 = arith.mulf %gather3A, %get3A_396 : vector<16xf32>
            tpu.vector_store_idx %arg34[%add3A_393, %and3A_418], %mul3A_419 : memref<48x128xf32, #tpu.memory_space<vmem>>[vector<16xi32>, vector<16xi32>], vector<16xf32>,
            %add3A_420 = arith.constant 64 : i32
            %add3A_421 = vector.broadcast %add3A_420 : i32 to vector<16xi32>
            %add3A_422 = arith.addi %and3A_418, %add3A_421 : vector<16xi32>
            %gather3A_423 = tpu.vector_load_idx %arg32[%add3A_393, %add3A_422] : memref<48x128xf32, #tpu.memory_space<vmem>>[vector<16xi32>, vector<16xi32>], vector<16xf32>,
            %mul3A_424 = arith.mulf %gather3A_423, %get3A_400 : vector<16xf32>
            tpu.vector_store_idx %arg34[%add3A_393, %add3A_422], %mul3A_424 : memref<48x128xf32, #tpu.memory_space<vmem>>[vector<16xi32>, vector<16xi32>], vector<16xf32>,
            %mul3A_425 = arith.constant 4 : i32
            %mul3A_426 = arith.muli %scan3A_409, %mul3A_425 : i32
            %add3A_427 = arith.constant 1 : i32
            %add3A_428 = arith.addi %mul3A_426, %add3A_427 : i32
            %add3A_429 = vector.broadcast %add3A_428 : i32 to vector<16xi32>
            %add3A_430 = arith.addi %iota3A, %add3A_429 : vector<16xi32>
            %and3A_431 = arith.constant 63 : i32
            %and3A_432 = vector.broadcast %and3A_431 : i32 to vector<16xi32>
            %and3A_433 = arith.andi %add3A_430, %and3A_432 : vector<16xi32>
            %gather3A_434 = tpu.vector_load_idx %arg32[%add3A_393, %and3A_433] : memref<48x128xf32, #tpu.memory_space<vmem>>[vector<16xi32>, vector<16xi32>], vector<16xf32>,
            %mul3A_435 = arith.mulf %gather3A_434, %get3A_396 : vector<16xf32>
            tpu.vector_store_idx %arg34[%add3A_393, %and3A_433], %mul3A_435 : memref<48x128xf32, #tpu.memory_space<vmem>>[vector<16xi32>, vector<16xi32>], vector<16xf32>,
            %add3A_436 = arith.constant 64 : i32
            %add3A_437 = vector.broadcast %add3A_436 : i32 to vector<16xi32>
            %add3A_438 = arith.addi %and3A_433, %add3A_437 : vector<16xi32>
            %gather3A_439 = tpu.vector_load_idx %arg32[%add3A_393, %add3A_438] : memref<48x128xf32, #tpu.memory_space<vmem>>[vector<16xi32>, vector<16xi32>], vector<16xf32>,
            %mul3A_440 = arith.mulf %gather3A_439, %get3A_400 : vector<16xf32>
            tpu.vector_store_idx %arg34[%add3A_393, %add3A_438], %mul3A_440 : memref<48x128xf32, #tpu.memory_space<vmem>>[vector<16xi32>, vector<16xi32>], vector<16xf32>,
            %mul3A_441 = arith.constant 4 : i32
            %mul3A_442 = arith.muli %scan3A_409, %mul3A_441 : i32
            %add3A_443 = arith.constant 2 : i32
            %add3A_444 = arith.addi %mul3A_442, %add3A_443 : i32
            %add3A_445 = vector.broadcast %add3A_444 : i32 to vector<16xi32>
            %add3A_446 = arith.addi %iota3A, %add3A_445 : vector<16xi32>
            %and3A_447 = arith.constant 63 : i32
            %and3A_448 = vector.broadcast %and3A_447 : i32 to vector<16xi32>
            %and3A_449 = arith.andi %add3A_446, %and3A_448 : vector<16xi32>
            %gather3A_450 = tpu.vector_load_idx %arg32[%add3A_393, %and3A_449] : memref<48x128xf32, #tpu.memory_space<vmem>>[vector<16xi32>, vector<16xi32>], vector<16xf32>,
            %mul3A_451 = arith.mulf %gather3A_450, %get3A_396 : vector<16xf32>
            tpu.vector_store_idx %arg34[%add3A_393, %and3A_449], %mul3A_451 : memref<48x128xf32, #tpu.memory_space<vmem>>[vector<16xi32>, vector<16xi32>], vector<16xf32>,
            %add3A_452 = arith.constant 64 : i32
            %add3A_453 = vector.broadcast %add3A_452 : i32 to vector<16xi32>
            %add3A_454 = arith.addi %and3A_449, %add3A_453 : vector<16xi32>
            %gather3A_455 = tpu.vector_load_idx %arg32[%add3A_393, %add3A_454] : memref<48x128xf32, #tpu.memory_space<vmem>>[vector<16xi32>, vector<16xi32>], vector<16xf32>,
            %mul3A_456 = arith.mulf %gather3A_455, %get3A_400 : vector<16xf32>
            tpu.vector_store_idx %arg34[%add3A_393, %add3A_454], %mul3A_456 : memref<48x128xf32, #tpu.memory_space<vmem>>[vector<16xi32>, vector<16xi32>], vector<16xf32>,
            %mul3A_457 = arith.constant 4 : i32
            %mul3A_458 = arith.muli %scan3A_409, %mul3A_457 : i32
            %add3A_459 = arith.constant 3 : i32
            %add3A_460 = arith.addi %mul3A_458, %add3A_459 : i32
            %add3A_461 = vector.broadcast %add3A_460 : i32 to vector<16xi32>
            %add3A_462 = arith.addi %iota3A, %add3A_461 : vector<16xi32>
            %and3A_463 = arith.constant 63 : i32
            %and3A_464 = vector.broadcast %and3A_463 : i32 to vector<16xi32>
            %and3A_465 = arith.andi %add3A_462, %and3A_464 : vector<16xi32>
            %gather3A_466 = tpu.vector_load_idx %arg32[%add3A_393, %and3A_465] : memref<48x128xf32, #tpu.memory_space<vmem>>[vector<16xi32>, vector<16xi32>], vector<16xf32>,
            %mul3A_467 = arith.mulf %gather3A_466, %get3A_396 : vector<16xf32>
            tpu.vector_store_idx %arg34[%add3A_393, %and3A_465], %mul3A_467 : memref<48x128xf32, #tpu.memory_space<vmem>>[vector<16xi32>, vector<16xi32>], vector<16xf32>,
            %add3A_468 = arith.constant 64 : i32
            %add3A_469 = vector.broadcast %add3A_468 : i32 to vector<16xi32>
            %add3A_470 = arith.addi %and3A_465, %add3A_469 : vector<16xi32>
            %gather3A_471 = tpu.vector_load_idx %arg32[%add3A_393, %add3A_470] : memref<48x128xf32, #tpu.memory_space<vmem>>[vector<16xi32>, vector<16xi32>], vector<16xf32>,
            %mul3A_472 = arith.mulf %gather3A_471, %get3A_400 : vector<16xf32>
            tpu.vector_store_idx %arg34[%add3A_393, %add3A_470], %mul3A_472 : memref<48x128xf32, #tpu.memory_space<vmem>>[vector<16xi32>, vector<16xi32>], vector<16xf32>,
            %scan3A_473 = arith.constant 0 : i32
            scf.yield %scan3A_473 : i32
          }
          %scan3A_407 = arith.constant 16 : i32
          %scan3A_408 = arith.constant 0 : i32
          scf.yield %scan3A_408 : i32
        }
        %scan3A_384 = arith.constant 3 : i32
        %dma_start3A_385 = arith.constant 0 : i32
        %dma_start3A_386 = arith.constant 0 : i32
        %dma_start3A_387 = tpu.memref_slice %arg40[%dma_start3A_385, %dma_start3A_386] : memref<10240x128xf32, #tpu.memory_space<vmem_shared>> -> memref<10240x128xf32, #tpu.memory_space<vmem_shared>>
        tpu.enqueue_indirect_dma source(%arg34 : memref<48x128xf32, #tpu.memory_space<vmem>>) target(%dma_start3A_387 : memref<10240x128xf32, #tpu.memory_space<vmem_shared>>) offsets(%arg27 : memref<48xi32, #tpu.memory_space<vmem>>) semaphore(%arg38 : memref<!tpu.dma_semaphore, #tpu.memory_space<semaphore_mem>>) {add = true}
      } else {
      }
      %mul3A_129 = arith.constant 6 : i32
      %mul3A_130 = arith.muli %mul3A_129, %scan3A_82 : i32
      %add3A_131 = arith.constant 1 : i32
      %add3A_132 = arith.addi %mul3A_130, %add3A_131 : i32
      %dma_wait3A_133 = arith.constant 0 : i32
      %dma_wait3A_134 = tpu.memref_slice %arg2[%dma_wait3A_133] : memref<322560xi32, #tpu.memory_space<hbm>> -> memref<48xi32, #tpu.memory_space<hbm>>
      %dma_wait3A_135 = arith.constant 0 : i32
      %dma_wait3A_136 = tpu.memref_slice %arg2[%dma_wait3A_135] : memref<322560xi32, #tpu.memory_space<hbm>> -> memref<48xi32, #tpu.memory_space<hbm>>
      tpu.wait_dma2 semaphore(%arg36 : memref<!tpu.dma_semaphore, #tpu.memory_space<semaphore_mem>>) src(%dma_wait3A_136 : memref<48xi32, #tpu.memory_space<hbm>>) dst(%arg24 : memref<48xi32, #tpu.memory_space<vmem>>)
      %dma_wait3A_137 = arith.constant 0 : i32
      %dma_wait3A_138 = tpu.memref_slice %arg3[%dma_wait3A_137] : memref<322560xi32, #tpu.memory_space<hbm>> -> memref<48xi32, #tpu.memory_space<hbm>>
      %dma_wait3A_139 = arith.constant 0 : i32
      %dma_wait3A_140 = tpu.memref_slice %arg3[%dma_wait3A_139] : memref<322560xi32, #tpu.memory_space<hbm>> -> memref<48xi32, #tpu.memory_space<hbm>>
      tpu.wait_dma2 semaphore(%arg36 : memref<!tpu.dma_semaphore, #tpu.memory_space<semaphore_mem>>) src(%dma_wait3A_140 : memref<48xi32, #tpu.memory_space<hbm>>) dst(%arg21 : memref<48xi32, #tpu.memory_space<vmem>>)
      %dma_wait3A_141 = arith.constant 0 : i32
      %dma_wait3A_142 = tpu.memref_slice %arg4[%dma_wait3A_141] : memref<322560xf32, #tpu.memory_space<hbm>> -> memref<48xf32, #tpu.memory_space<hbm>>
      %dma_wait3A_143 = arith.constant 0 : i32
      %dma_wait3A_144 = tpu.memref_slice %arg4[%dma_wait3A_143] : memref<322560xf32, #tpu.memory_space<hbm>> -> memref<48xf32, #tpu.memory_space<hbm>>
      tpu.wait_dma2 semaphore(%arg36 : memref<!tpu.dma_semaphore, #tpu.memory_space<semaphore_mem>>) src(%dma_wait3A_144 : memref<48xf32, #tpu.memory_space<hbm>>) dst(%arg23 : memref<48xf32, #tpu.memory_space<vmem>>)
      %dma_wait3A_145 = arith.constant 0 : i32
      %dma_wait3A_146 = tpu.memref_slice %arg5[%dma_wait3A_145] : memref<322560xf32, #tpu.memory_space<hbm>> -> memref<48xf32, #tpu.memory_space<hbm>>
      %dma_wait3A_147 = arith.constant 0 : i32
      %dma_wait3A_148 = tpu.memref_slice %arg5[%dma_wait3A_147] : memref<322560xf32, #tpu.memory_space<hbm>> -> memref<48xf32, #tpu.memory_space<hbm>>
      tpu.wait_dma2 semaphore(%arg36 : memref<!tpu.dma_semaphore, #tpu.memory_space<semaphore_mem>>) src(%dma_wait3A_148 : memref<48xf32, #tpu.memory_space<hbm>>) dst(%arg22 : memref<48xf32, #tpu.memory_space<vmem>>)
      %dma_start3A_149 = arith.constant 0 : i32
      %dma_start3A_150 = arith.constant 0 : i32
      %dma_start3A_151 = tpu.memref_slice %arg8[%dma_start3A_149, %dma_start3A_150] : memref<10240x128xf32, #tpu.memory_space<hbm>> -> memref<10240x128xf32, #tpu.memory_space<hbm>>
      tpu.enqueue_indirect_dma source(%dma_start3A_151 : memref<10240x128xf32, #tpu.memory_space<hbm>>) target(%arg32 : memref<48x128xf32, #tpu.memory_space<vmem>>) offsets(%arg24 : memref<48xi32, #tpu.memory_space<vmem>>) semaphore(%arg37 : memref<!tpu.dma_semaphore, #tpu.memory_space<semaphore_mem>>)
      %ge3A_152 = arith.constant 2 : i32
      %ge3A_153 = arith.cmpi sge, %add3A_132, %ge3A_152 : i32
      %convert_element_type3A_154 = arith.extui %ge3A_153 : i1 to i32
      %cond3A_155 = arith.constant 0 : i32
      %cond3A_156 = arith.cmpi ne, %convert_element_type3A_154, %cond3A_155 : i32
      scf.if %cond3A_156 {
        %dma_wait3A_375 = arith.constant 0 : i32
        %dma_wait3A_376 = tpu.memref_slice %arg41[%dma_wait3A_375] : memref<10240xf32, #tpu.memory_space<vmem_shared>> -> memref<48xf32, #tpu.memory_space<vmem_shared>>
        %dma_wait3A_377 = arith.constant 0 : i32
        %dma_wait3A_378 = tpu.memref_slice %arg41[%dma_wait3A_377] : memref<10240xf32, #tpu.memory_space<vmem_shared>> -> memref<48xf32, #tpu.memory_space<vmem_shared>>
        tpu.wait_dma2 semaphore(%arg39 : memref<!tpu.dma_semaphore, #tpu.memory_space<semaphore_mem>>) src(%arg25 : memref<48xf32, #tpu.memory_space<vmem>>) dst(%dma_wait3A_378 : memref<48xf32, #tpu.memory_space<vmem_shared>>)
        %dma_wait3A_379 = arith.constant 0 : i32
        %dma_wait3A_380 = arith.constant 0 : i32
        %dma_wait3A_381 = tpu.memref_slice %arg40[%dma_wait3A_379, %dma_wait3A_380] : memref<10240x128xf32, #tpu.memory_space<vmem_shared>> -> memref<48x128xf32, #tpu.memory_space<vmem_shared>>
        %dma_wait3A_382 = arith.constant 0 : i32
        %dma_wait3A_383 = arith.constant 0 : i32
        %dma_wait3A_384 = tpu.memref_slice %arg40[%dma_wait3A_382, %dma_wait3A_383] : memref<10240x128xf32, #tpu.memory_space<vmem_shared>> -> memref<48x128xf32, #tpu.memory_space<vmem_shared>>
        tpu.wait_dma2 semaphore(%arg38 : memref<!tpu.dma_semaphore, #tpu.memory_space<semaphore_mem>>) src(%arg34 : memref<48x128xf32, #tpu.memory_space<vmem>>) dst(%dma_wait3A_384 : memref<48x128xf32, #tpu.memory_space<vmem_shared>>)
      } else {
      }
      %add3A_157 = arith.constant 1 : i32
      %add3A_158 = arith.addi %add3A_132, %add3A_157 : i32
      %lt3A_159 = arith.constant 210 : i32
      %lt3A_160 = arith.cmpi slt, %add3A_158, %lt3A_159 : i32
      %convert_element_type3A_161 = arith.extui %lt3A_160 : i1 to i32
      %cond3A_162 = arith.constant 0 : i32
      %cond3A_163 = arith.cmpi ne, %convert_element_type3A_161, %cond3A_162 : i32
      scf.if %cond3A_163 {
        %add3A_375 = arith.constant 1 : i32
        %add3A_376 = arith.addi %add3A_132, %add3A_375 : i32
        %mul3A_377 = arith.constant 48 : i32
        %mul3A_378 = arith.muli %add3A_376, %mul3A_377 : i32
        %add3A_379 = arith.addi %mul3A_2, %mul3A_378 : i32
        %dma_start3A_380 = tpu.memref_slice %arg2[%add3A_379] : memref<322560xi32, #tpu.memory_space<hbm>> -> memref<48xi32, #tpu.memory_space<hbm>>
        %dma_start3A_381 = tpu.memref_slice %arg2[%add3A_379] : memref<322560xi32, #tpu.memory_space<hbm>> -> memref<48xi32, #tpu.memory_space<hbm>>
        tpu.enqueue_dma source(%dma_start3A_381 : memref<48xi32, #tpu.memory_space<hbm>>) target(%arg30 : memref<48xi32, #tpu.memory_space<vmem>>) target_semaphore(%arg36 : memref<!tpu.dma_semaphore, #tpu.memory_space<semaphore_mem>>)
        %dma_start3A_382 = tpu.memref_slice %arg3[%add3A_379] : memref<322560xi32, #tpu.memory_space<hbm>> -> memref<48xi32, #tpu.memory_space<hbm>>
        %dma_start3A_383 = tpu.memref_slice %arg3[%add3A_379] : memref<322560xi32, #tpu.memory_space<hbm>> -> memref<48xi32, #tpu.memory_space<hbm>>
        tpu.enqueue_dma source(%dma_start3A_383 : memref<48xi32, #tpu.memory_space<hbm>>) target(%arg27 : memref<48xi32, #tpu.memory_space<vmem>>) target_semaphore(%arg36 : memref<!tpu.dma_semaphore, #tpu.memory_space<semaphore_mem>>)
        %dma_start3A_384 = tpu.memref_slice %arg4[%add3A_379] : memref<322560xf32, #tpu.memory_space<hbm>> -> memref<48xf32, #tpu.memory_space<hbm>>
        %dma_start3A_385 = tpu.memref_slice %arg4[%add3A_379] : memref<322560xf32, #tpu.memory_space<hbm>> -> memref<48xf32, #tpu.memory_space<hbm>>
        tpu.enqueue_dma source(%dma_start3A_385 : memref<48xf32, #tpu.memory_space<hbm>>) target(%arg29 : memref<48xf32, #tpu.memory_space<vmem>>) target_semaphore(%arg36 : memref<!tpu.dma_semaphore, #tpu.memory_space<semaphore_mem>>)
        %dma_start3A_386 = tpu.memref_slice %arg5[%add3A_379] : memref<322560xf32, #tpu.memory_space<hbm>> -> memref<48xf32, #tpu.memory_space<hbm>>
        %dma_start3A_387 = tpu.memref_slice %arg5[%add3A_379] : memref<322560xf32, #tpu.memory_space<hbm>> -> memref<48xf32, #tpu.memory_space<hbm>>
        tpu.enqueue_dma source(%dma_start3A_387 : memref<48xf32, #tpu.memory_space<hbm>>) target(%arg28 : memref<48xf32, #tpu.memory_space<vmem>>) target_semaphore(%arg36 : memref<!tpu.dma_semaphore, #tpu.memory_space<semaphore_mem>>)
      } else {
      }
      %scan3A_164 = arith.constant 0 : i32
      %scan3A_165 = arith.constant 0 : i32
      %scan3A_166 = arith.constant 3 : i32
      %scan3A_167 = arith.addi %scan3A_165, %scan3A_166 : i32
      %scan3A_168 = arith.constant 1 : i32
      %scan3A_169 = scf.for %scan3A_375 = %scan3A_165 to %scan3A_167 step %scan3A_168 iter_args(%scan3A_376 = %scan3A_164) -> (i32)  : i32 {
        %mul3A_377 = arith.constant 16 : i32
        %mul3A_378 = arith.muli %scan3A_375, %mul3A_377 : i32
        %get3A = arith.index_cast %mul3A_378 : i32 to index
        %get3A_379 = tpu.vector_load %arg24[%get3A] {strides = array<i32>} : memref<48xi32, #tpu.memory_space<vmem>>, vector<16xi32>,
        %mul3A_380 = arith.constant 16 : i32
        %mul3A_381 = arith.muli %scan3A_375, %mul3A_380 : i32
        %get3A_382 = arith.index_cast %mul3A_381 : i32 to index
        %get3A_383 = tpu.vector_load %arg21[%get3A_382] {strides = array<i32>} : memref<48xi32, #tpu.memory_space<vmem>>, vector<16xi32>,
        %mul3A_384 = arith.constant 16 : i32
        %mul3A_385 = arith.muli %scan3A_375, %mul3A_384 : i32
        %get3A_386 = arith.index_cast %mul3A_385 : i32 to index
        %get3A_387 = tpu.vector_load %arg23[%get3A_386] {strides = array<i32>} : memref<48xf32, #tpu.memory_space<vmem>>, vector<16xf32>,
        %mul3A_388 = arith.constant 16 : i32
        %mul3A_389 = arith.muli %scan3A_375, %mul3A_388 : i32
        %get3A_390 = arith.index_cast %mul3A_389 : i32 to index
        %get3A_391 = tpu.vector_load %arg22[%get3A_390] {strides = array<i32>} : memref<48xf32, #tpu.memory_space<vmem>>, vector<16xf32>,
        %gather3A = tpu.vector_load_idx %arg11[%get3A_383] : memref<10240xf32, #tpu.memory_space<vmem>>[vector<16xi32>], vector<16xf32>,
        %gt3A = arith.constant 0.000000e+00 : f32
        %gt3A_392 = vector.broadcast %gt3A : f32 to vector<16xf32>
        %gt3A_393 = arith.cmpf ogt, %get3A_387, %gt3A_392 : vector<16xf32>
        %sub3A = arith.subf %get3A_391, %gather3A : vector<16xf32>
        %exp3A = math.exp %sub3A : vector<16xf32>
        %jit3A = arith.constant 0.000000e+00 : f32
        %broadcast_in_dim3A = vector.broadcast %jit3A : f32 to vector<16xf32>
        %select_n3A = arith.select %gt3A_393, %exp3A, %broadcast_in_dim3A : vector<16xi1>, vector<16xf32>
        %mul3A_394 = arith.constant 16 : i32
        %mul3A_395 = arith.muli %scan3A_375, %mul3A_394 : i32
        %swap3A = arith.index_cast %mul3A_395 : i32 to index
        %swap3A_396 = tpu.vector_load %arg19[%swap3A] {strides = array<i32>} : memref<48xf32, #tpu.memory_space<vmem>>, vector<16xf32>,
        tpu.vector_store %arg19[%swap3A], %select_n3A {strides = array<i32>} : memref<48xf32, #tpu.memory_space<vmem>>, vector<16xf32>,
        %gather3A_397 = tpu.vector_load_idx %arg12[%get3A_379] : memref<10240xf32, #tpu.memory_space<vmem>>[vector<16xi32>], vector<16xf32>,
        %mul3A_398 = arith.mulf %gather3A_397, %get3A_387 : vector<16xf32>
        %gather3A_399 = tpu.vector_load_idx %arg12[%get3A_383] : memref<10240xf32, #tpu.memory_space<vmem>>[vector<16xi32>], vector<16xf32>,
        %mul3A_400 = arith.mulf %mul3A_398, %gather3A_399 : vector<16xf32>
        %mul3A_401 = arith.constant 16 : i32
        %mul3A_402 = arith.muli %scan3A_375, %mul3A_401 : i32
        %swap3A_403 = arith.index_cast %mul3A_402 : i32 to index
        %swap3A_404 = tpu.vector_load %arg20[%swap3A_403] {strides = array<i32>} : memref<48xf32, #tpu.memory_space<vmem>>, vector<16xf32>,
        tpu.vector_store %arg20[%swap3A_403], %mul3A_400 {strides = array<i32>} : memref<48xf32, #tpu.memory_space<vmem>>, vector<16xf32>,
        %scan3A_405 = arith.constant 0 : i32
        scf.yield %scan3A_405 : i32
      }
      %scan3A_170 = arith.constant 3 : i32
      %dma_start3A_171 = arith.constant 0 : i32
      %dma_start3A_172 = tpu.memref_slice %arg41[%dma_start3A_171] : memref<10240xf32, #tpu.memory_space<vmem_shared>> -> memref<10240xf32, #tpu.memory_space<vmem_shared>>
      tpu.enqueue_indirect_dma source(%arg19 : memref<48xf32, #tpu.memory_space<vmem>>) target(%dma_start3A_172 : memref<10240xf32, #tpu.memory_space<vmem_shared>>) offsets(%arg21 : memref<48xi32, #tpu.memory_space<vmem>>) semaphore(%arg39 : memref<!tpu.dma_semaphore, #tpu.memory_space<semaphore_mem>>) {add = true}
      %ge3A_173 = arith.constant 1 : i32
      %ge3A_174 = arith.cmpi sge, %add3A_132, %ge3A_173 : i32
      %convert_element_type3A_175 = arith.extui %ge3A_174 : i1 to i32
      %cond3A_176 = arith.constant 0 : i32
      %cond3A_177 = arith.cmpi ne, %convert_element_type3A_175, %cond3A_176 : i32
      scf.if %cond3A_177 {
        %dma_wait3A_375 = arith.constant 0 : i32
        %dma_wait3A_376 = arith.constant 0 : i32
        %dma_wait3A_377 = tpu.memref_slice %arg8[%dma_wait3A_375, %dma_wait3A_376] : memref<10240x128xf32, #tpu.memory_space<hbm>> -> memref<10240x128xf32, #tpu.memory_space<hbm>>
        tpu.wait_indirect_dma semaphore(%arg37 : memref<!tpu.dma_semaphore, #tpu.memory_space<semaphore_mem>>) src(%dma_wait3A_377 : memref<10240x128xf32, #tpu.memory_space<hbm>>) dst(%arg31 : memref<48x128xf32, #tpu.memory_space<vmem>>)
        %scan3A_378 = arith.constant 0 : i32
        %scan3A_379 = arith.constant 0 : i32
        %scan3A_380 = arith.constant 3 : i32
        %scan3A_381 = arith.addi %scan3A_379, %scan3A_380 : i32
        %scan3A_382 = arith.constant 1 : i32
        %scan3A_383 = scf.for %scan3A_388 = %scan3A_379 to %scan3A_381 step %scan3A_382 iter_args(%scan3A_389 = %scan3A_378) -> (i32)  : i32 {
          %mul3A_390 = arith.constant 16 : i32
          %mul3A_391 = arith.muli %scan3A_388, %mul3A_390 : i32
          %add3A_392 = vector.broadcast %mul3A_391 : i32 to vector<16xi32>
          %add3A_393 = arith.addi %add3A_392, %iota3A : vector<16xi32>
          %mul3A_394 = arith.constant 16 : i32
          %mul3A_395 = arith.muli %scan3A_388, %mul3A_394 : i32
          %get3A = arith.index_cast %mul3A_395 : i32 to index
          %get3A_396 = tpu.vector_load %arg13[%get3A] {strides = array<i32>} : memref<48xf32, #tpu.memory_space<vmem>>, vector<16xf32>,
          %mul3A_397 = arith.constant 16 : i32
          %mul3A_398 = arith.muli %scan3A_388, %mul3A_397 : i32
          %get3A_399 = arith.index_cast %mul3A_398 : i32 to index
          %get3A_400 = tpu.vector_load %arg14[%get3A_399] {strides = array<i32>} : memref<48xf32, #tpu.memory_space<vmem>>, vector<16xf32>,
          %scan3A_401 = arith.constant 0 : i32
          %scan3A_402 = arith.constant 0 : i32
          %scan3A_403 = arith.constant 16 : i32
          %scan3A_404 = arith.addi %scan3A_402, %scan3A_403 : i32
          %scan3A_405 = arith.constant 1 : i32
          %scan3A_406 = scf.for %scan3A_409 = %scan3A_402 to %scan3A_404 step %scan3A_405 iter_args(%scan3A_410 = %scan3A_401) -> (i32)  : i32 {
            %mul3A_411 = arith.constant 4 : i32
            %mul3A_412 = arith.muli %scan3A_409, %mul3A_411 : i32
            %add3A_413 = arith.constant 0 : i32
            %add3A_414 = arith.addi %mul3A_412, %add3A_413 : i32
            %add3A_415 = vector.broadcast %add3A_414 : i32 to vector<16xi32>
            %add3A_416 = arith.addi %iota3A, %add3A_415 : vector<16xi32>
            %and3A = arith.constant 63 : i32
            %and3A_417 = vector.broadcast %and3A : i32 to vector<16xi32>
            %and3A_418 = arith.andi %add3A_416, %and3A_417 : vector<16xi32>
            %gather3A = tpu.vector_load_idx %arg31[%add3A_393, %and3A_418] : memref<48x128xf32, #tpu.memory_space<vmem>>[vector<16xi32>, vector<16xi32>], vector<16xf32>,
            %mul3A_419 = arith.mulf %gather3A, %get3A_396 : vector<16xf32>
            tpu.vector_store_idx %arg33[%add3A_393, %and3A_418], %mul3A_419 : memref<48x128xf32, #tpu.memory_space<vmem>>[vector<16xi32>, vector<16xi32>], vector<16xf32>,
            %add3A_420 = arith.constant 64 : i32
            %add3A_421 = vector.broadcast %add3A_420 : i32 to vector<16xi32>
            %add3A_422 = arith.addi %and3A_418, %add3A_421 : vector<16xi32>
            %gather3A_423 = tpu.vector_load_idx %arg31[%add3A_393, %add3A_422] : memref<48x128xf32, #tpu.memory_space<vmem>>[vector<16xi32>, vector<16xi32>], vector<16xf32>,
            %mul3A_424 = arith.mulf %gather3A_423, %get3A_400 : vector<16xf32>
            tpu.vector_store_idx %arg33[%add3A_393, %add3A_422], %mul3A_424 : memref<48x128xf32, #tpu.memory_space<vmem>>[vector<16xi32>, vector<16xi32>], vector<16xf32>,
            %mul3A_425 = arith.constant 4 : i32
            %mul3A_426 = arith.muli %scan3A_409, %mul3A_425 : i32
            %add3A_427 = arith.constant 1 : i32
            %add3A_428 = arith.addi %mul3A_426, %add3A_427 : i32
            %add3A_429 = vector.broadcast %add3A_428 : i32 to vector<16xi32>
            %add3A_430 = arith.addi %iota3A, %add3A_429 : vector<16xi32>
            %and3A_431 = arith.constant 63 : i32
            %and3A_432 = vector.broadcast %and3A_431 : i32 to vector<16xi32>
            %and3A_433 = arith.andi %add3A_430, %and3A_432 : vector<16xi32>
            %gather3A_434 = tpu.vector_load_idx %arg31[%add3A_393, %and3A_433] : memref<48x128xf32, #tpu.memory_space<vmem>>[vector<16xi32>, vector<16xi32>], vector<16xf32>,
            %mul3A_435 = arith.mulf %gather3A_434, %get3A_396 : vector<16xf32>
            tpu.vector_store_idx %arg33[%add3A_393, %and3A_433], %mul3A_435 : memref<48x128xf32, #tpu.memory_space<vmem>>[vector<16xi32>, vector<16xi32>], vector<16xf32>,
            %add3A_436 = arith.constant 64 : i32
            %add3A_437 = vector.broadcast %add3A_436 : i32 to vector<16xi32>
            %add3A_438 = arith.addi %and3A_433, %add3A_437 : vector<16xi32>
            %gather3A_439 = tpu.vector_load_idx %arg31[%add3A_393, %add3A_438] : memref<48x128xf32, #tpu.memory_space<vmem>>[vector<16xi32>, vector<16xi32>], vector<16xf32>,
            %mul3A_440 = arith.mulf %gather3A_439, %get3A_400 : vector<16xf32>
            tpu.vector_store_idx %arg33[%add3A_393, %add3A_438], %mul3A_440 : memref<48x128xf32, #tpu.memory_space<vmem>>[vector<16xi32>, vector<16xi32>], vector<16xf32>,
            %mul3A_441 = arith.constant 4 : i32
            %mul3A_442 = arith.muli %scan3A_409, %mul3A_441 : i32
            %add3A_443 = arith.constant 2 : i32
            %add3A_444 = arith.addi %mul3A_442, %add3A_443 : i32
            %add3A_445 = vector.broadcast %add3A_444 : i32 to vector<16xi32>
            %add3A_446 = arith.addi %iota3A, %add3A_445 : vector<16xi32>
            %and3A_447 = arith.constant 63 : i32
            %and3A_448 = vector.broadcast %and3A_447 : i32 to vector<16xi32>
            %and3A_449 = arith.andi %add3A_446, %and3A_448 : vector<16xi32>
            %gather3A_450 = tpu.vector_load_idx %arg31[%add3A_393, %and3A_449] : memref<48x128xf32, #tpu.memory_space<vmem>>[vector<16xi32>, vector<16xi32>], vector<16xf32>,
            %mul3A_451 = arith.mulf %gather3A_450, %get3A_396 : vector<16xf32>
            tpu.vector_store_idx %arg33[%add3A_393, %and3A_449], %mul3A_451 : memref<48x128xf32, #tpu.memory_space<vmem>>[vector<16xi32>, vector<16xi32>], vector<16xf32>,
            %add3A_452 = arith.constant 64 : i32
            %add3A_453 = vector.broadcast %add3A_452 : i32 to vector<16xi32>
            %add3A_454 = arith.addi %and3A_449, %add3A_453 : vector<16xi32>
            %gather3A_455 = tpu.vector_load_idx %arg31[%add3A_393, %add3A_454] : memref<48x128xf32, #tpu.memory_space<vmem>>[vector<16xi32>, vector<16xi32>], vector<16xf32>,
            %mul3A_456 = arith.mulf %gather3A_455, %get3A_400 : vector<16xf32>
            tpu.vector_store_idx %arg33[%add3A_393, %add3A_454], %mul3A_456 : memref<48x128xf32, #tpu.memory_space<vmem>>[vector<16xi32>, vector<16xi32>], vector<16xf32>,
            %mul3A_457 = arith.constant 4 : i32
            %mul3A_458 = arith.muli %scan3A_409, %mul3A_457 : i32
            %add3A_459 = arith.constant 3 : i32
            %add3A_460 = arith.addi %mul3A_458, %add3A_459 : i32
            %add3A_461 = vector.broadcast %add3A_460 : i32 to vector<16xi32>
            %add3A_462 = arith.addi %iota3A, %add3A_461 : vector<16xi32>
            %and3A_463 = arith.constant 63 : i32
            %and3A_464 = vector.broadcast %and3A_463 : i32 to vector<16xi32>
            %and3A_465 = arith.andi %add3A_462, %and3A_464 : vector<16xi32>
            %gather3A_466 = tpu.vector_load_idx %arg31[%add3A_393, %and3A_465] : memref<48x128xf32, #tpu.memory_space<vmem>>[vector<16xi32>, vector<16xi32>], vector<16xf32>,
            %mul3A_467 = arith.mulf %gather3A_466, %get3A_396 : vector<16xf32>
            tpu.vector_store_idx %arg33[%add3A_393, %and3A_465], %mul3A_467 : memref<48x128xf32, #tpu.memory_space<vmem>>[vector<16xi32>, vector<16xi32>], vector<16xf32>,
            %add3A_468 = arith.constant 64 : i32
            %add3A_469 = vector.broadcast %add3A_468 : i32 to vector<16xi32>
            %add3A_470 = arith.addi %and3A_465, %add3A_469 : vector<16xi32>
            %gather3A_471 = tpu.vector_load_idx %arg31[%add3A_393, %add3A_470] : memref<48x128xf32, #tpu.memory_space<vmem>>[vector<16xi32>, vector<16xi32>], vector<16xf32>,
            %mul3A_472 = arith.mulf %gather3A_471, %get3A_400 : vector<16xf32>
            tpu.vector_store_idx %arg33[%add3A_393, %add3A_470], %mul3A_472 : memref<48x128xf32, #tpu.memory_space<vmem>>[vector<16xi32>, vector<16xi32>], vector<16xf32>,
            %scan3A_473 = arith.constant 0 : i32
            scf.yield %scan3A_473 : i32
          }
          %scan3A_407 = arith.constant 16 : i32
          %scan3A_408 = arith.constant 0 : i32
          scf.yield %scan3A_408 : i32
        }
        %scan3A_384 = arith.constant 3 : i32
        %dma_start3A_385 = arith.constant 0 : i32
        %dma_start3A_386 = arith.constant 0 : i32
        %dma_start3A_387 = tpu.memref_slice %arg40[%dma_start3A_385, %dma_start3A_386] : memref<10240x128xf32, #tpu.memory_space<vmem_shared>> -> memref<10240x128xf32, #tpu.memory_space<vmem_shared>>
        tpu.enqueue_indirect_dma source(%arg33 : memref<48x128xf32, #tpu.memory_space<vmem>>) target(%dma_start3A_387 : memref<10240x128xf32, #tpu.memory_space<vmem_shared>>) offsets(%arg15 : memref<48xi32, #tpu.memory_space<vmem>>) semaphore(%arg38 : memref<!tpu.dma_semaphore, #tpu.memory_space<semaphore_mem>>) {add = true}
      } else {
      }
      %mul3A_178 = arith.constant 6 : i32
      %mul3A_179 = arith.muli %mul3A_178, %scan3A_82 : i32
      %add3A_180 = arith.constant 2 : i32
      %add3A_181 = arith.addi %mul3A_179, %add3A_180 : i32
      %dma_wait3A_182 = arith.constant 0 : i32
      %dma_wait3A_183 = tpu.memref_slice %arg2[%dma_wait3A_182] : memref<322560xi32, #tpu.memory_space<hbm>> -> memref<48xi32, #tpu.memory_space<hbm>>
      %dma_wait3A_184 = arith.constant 0 : i32
      %dma_wait3A_185 = tpu.memref_slice %arg2[%dma_wait3A_184] : memref<322560xi32, #tpu.memory_space<hbm>> -> memref<48xi32, #tpu.memory_space<hbm>>
      tpu.wait_dma2 semaphore(%arg36 : memref<!tpu.dma_semaphore, #tpu.memory_space<semaphore_mem>>) src(%dma_wait3A_185 : memref<48xi32, #tpu.memory_space<hbm>>) dst(%arg30 : memref<48xi32, #tpu.memory_space<vmem>>)
      %dma_wait3A_186 = arith.constant 0 : i32
      %dma_wait3A_187 = tpu.memref_slice %arg3[%dma_wait3A_186] : memref<322560xi32, #tpu.memory_space<hbm>> -> memref<48xi32, #tpu.memory_space<hbm>>
      %dma_wait3A_188 = arith.constant 0 : i32
      %dma_wait3A_189 = tpu.memref_slice %arg3[%dma_wait3A_188] : memref<322560xi32, #tpu.memory_space<hbm>> -> memref<48xi32, #tpu.memory_space<hbm>>
      tpu.wait_dma2 semaphore(%arg36 : memref<!tpu.dma_semaphore, #tpu.memory_space<semaphore_mem>>) src(%dma_wait3A_189 : memref<48xi32, #tpu.memory_space<hbm>>) dst(%arg27 : memref<48xi32, #tpu.memory_space<vmem>>)
      %dma_wait3A_190 = arith.constant 0 : i32
      %dma_wait3A_191 = tpu.memref_slice %arg4[%dma_wait3A_190] : memref<322560xf32, #tpu.memory_space<hbm>> -> memref<48xf32, #tpu.memory_space<hbm>>
      %dma_wait3A_192 = arith.constant 0 : i32
      %dma_wait3A_193 = tpu.memref_slice %arg4[%dma_wait3A_192] : memref<322560xf32, #tpu.memory_space<hbm>> -> memref<48xf32, #tpu.memory_space<hbm>>
      tpu.wait_dma2 semaphore(%arg36 : memref<!tpu.dma_semaphore, #tpu.memory_space<semaphore_mem>>) src(%dma_wait3A_193 : memref<48xf32, #tpu.memory_space<hbm>>) dst(%arg29 : memref<48xf32, #tpu.memory_space<vmem>>)
      %dma_wait3A_194 = arith.constant 0 : i32
      %dma_wait3A_195 = tpu.memref_slice %arg5[%dma_wait3A_194] : memref<322560xf32, #tpu.memory_space<hbm>> -> memref<48xf32, #tpu.memory_space<hbm>>
      %dma_wait3A_196 = arith.constant 0 : i32
      %dma_wait3A_197 = tpu.memref_slice %arg5[%dma_wait3A_196] : memref<322560xf32, #tpu.memory_space<hbm>> -> memref<48xf32, #tpu.memory_space<hbm>>
      tpu.wait_dma2 semaphore(%arg36 : memref<!tpu.dma_semaphore, #tpu.memory_space<semaphore_mem>>) src(%dma_wait3A_197 : memref<48xf32, #tpu.memory_space<hbm>>) dst(%arg28 : memref<48xf32, #tpu.memory_space<vmem>>)
      %dma_start3A_198 = arith.constant 0 : i32
      %dma_start3A_199 = arith.constant 0 : i32
      %dma_start3A_200 = tpu.memref_slice %arg8[%dma_start3A_198, %dma_start3A_199] : memref<10240x128xf32, #tpu.memory_space<hbm>> -> memref<10240x128xf32, #tpu.memory_space<hbm>>
      tpu.enqueue_indirect_dma source(%dma_start3A_200 : memref<10240x128xf32, #tpu.memory_space<hbm>>) target(%arg31 : memref<48x128xf32, #tpu.memory_space<vmem>>) offsets(%arg30 : memref<48xi32, #tpu.memory_space<vmem>>) semaphore(%arg37 : memref<!tpu.dma_semaphore, #tpu.memory_space<semaphore_mem>>)
      %ge3A_201 = arith.constant 2 : i32
      %ge3A_202 = arith.cmpi sge, %add3A_181, %ge3A_201 : i32
      %convert_element_type3A_203 = arith.extui %ge3A_202 : i1 to i32
      %cond3A_204 = arith.constant 0 : i32
      %cond3A_205 = arith.cmpi ne, %convert_element_type3A_203, %cond3A_204 : i32
      scf.if %cond3A_205 {
        %dma_wait3A_375 = arith.constant 0 : i32
        %dma_wait3A_376 = tpu.memref_slice %arg41[%dma_wait3A_375] : memref<10240xf32, #tpu.memory_space<vmem_shared>> -> memref<48xf32, #tpu.memory_space<vmem_shared>>
        %dma_wait3A_377 = arith.constant 0 : i32
        %dma_wait3A_378 = tpu.memref_slice %arg41[%dma_wait3A_377] : memref<10240xf32, #tpu.memory_space<vmem_shared>> -> memref<48xf32, #tpu.memory_space<vmem_shared>>
        tpu.wait_dma2 semaphore(%arg39 : memref<!tpu.dma_semaphore, #tpu.memory_space<semaphore_mem>>) src(%arg13 : memref<48xf32, #tpu.memory_space<vmem>>) dst(%dma_wait3A_378 : memref<48xf32, #tpu.memory_space<vmem_shared>>)
        %dma_wait3A_379 = arith.constant 0 : i32
        %dma_wait3A_380 = arith.constant 0 : i32
        %dma_wait3A_381 = tpu.memref_slice %arg40[%dma_wait3A_379, %dma_wait3A_380] : memref<10240x128xf32, #tpu.memory_space<vmem_shared>> -> memref<48x128xf32, #tpu.memory_space<vmem_shared>>
        %dma_wait3A_382 = arith.constant 0 : i32
        %dma_wait3A_383 = arith.constant 0 : i32
        %dma_wait3A_384 = tpu.memref_slice %arg40[%dma_wait3A_382, %dma_wait3A_383] : memref<10240x128xf32, #tpu.memory_space<vmem_shared>> -> memref<48x128xf32, #tpu.memory_space<vmem_shared>>
        tpu.wait_dma2 semaphore(%arg38 : memref<!tpu.dma_semaphore, #tpu.memory_space<semaphore_mem>>) src(%arg33 : memref<48x128xf32, #tpu.memory_space<vmem>>) dst(%dma_wait3A_384 : memref<48x128xf32, #tpu.memory_space<vmem_shared>>)
      } else {
      }
      %add3A_206 = arith.constant 1 : i32
      %add3A_207 = arith.addi %add3A_181, %add3A_206 : i32
      %lt3A_208 = arith.constant 210 : i32
      %lt3A_209 = arith.cmpi slt, %add3A_207, %lt3A_208 : i32
      %convert_element_type3A_210 = arith.extui %lt3A_209 : i1 to i32
      %cond3A_211 = arith.constant 0 : i32
      %cond3A_212 = arith.cmpi ne, %convert_element_type3A_210, %cond3A_211 : i32
      scf.if %cond3A_212 {
        %add3A_375 = arith.constant 1 : i32
        %add3A_376 = arith.addi %add3A_181, %add3A_375 : i32
        %mul3A_377 = arith.constant 48 : i32
        %mul3A_378 = arith.muli %add3A_376, %mul3A_377 : i32
        %add3A_379 = arith.addi %mul3A_2, %mul3A_378 : i32
        %dma_start3A_380 = tpu.memref_slice %arg2[%add3A_379] : memref<322560xi32, #tpu.memory_space<hbm>> -> memref<48xi32, #tpu.memory_space<hbm>>
        %dma_start3A_381 = tpu.memref_slice %arg2[%add3A_379] : memref<322560xi32, #tpu.memory_space<hbm>> -> memref<48xi32, #tpu.memory_space<hbm>>
        tpu.enqueue_dma source(%dma_start3A_381 : memref<48xi32, #tpu.memory_space<hbm>>) target(%arg18 : memref<48xi32, #tpu.memory_space<vmem>>) target_semaphore(%arg36 : memref<!tpu.dma_semaphore, #tpu.memory_space<semaphore_mem>>)
        %dma_start3A_382 = tpu.memref_slice %arg3[%add3A_379] : memref<322560xi32, #tpu.memory_space<hbm>> -> memref<48xi32, #tpu.memory_space<hbm>>
        %dma_start3A_383 = tpu.memref_slice %arg3[%add3A_379] : memref<322560xi32, #tpu.memory_space<hbm>> -> memref<48xi32, #tpu.memory_space<hbm>>
        tpu.enqueue_dma source(%dma_start3A_383 : memref<48xi32, #tpu.memory_space<hbm>>) target(%arg15 : memref<48xi32, #tpu.memory_space<vmem>>) target_semaphore(%arg36 : memref<!tpu.dma_semaphore, #tpu.memory_space<semaphore_mem>>)
        %dma_start3A_384 = tpu.memref_slice %arg4[%add3A_379] : memref<322560xf32, #tpu.memory_space<hbm>> -> memref<48xf32, #tpu.memory_space<hbm>>
        %dma_start3A_385 = tpu.memref_slice %arg4[%add3A_379] : memref<322560xf32, #tpu.memory_space<hbm>> -> memref<48xf32, #tpu.memory_space<hbm>>
        tpu.enqueue_dma source(%dma_start3A_385 : memref<48xf32, #tpu.memory_space<hbm>>) target(%arg17 : memref<48xf32, #tpu.memory_space<vmem>>) target_semaphore(%arg36 : memref<!tpu.dma_semaphore, #tpu.memory_space<semaphore_mem>>)
        %dma_start3A_386 = tpu.memref_slice %arg5[%add3A_379] : memref<322560xf32, #tpu.memory_space<hbm>> -> memref<48xf32, #tpu.memory_space<hbm>>
        %dma_start3A_387 = tpu.memref_slice %arg5[%add3A_379] : memref<322560xf32, #tpu.memory_space<hbm>> -> memref<48xf32, #tpu.memory_space<hbm>>
        tpu.enqueue_dma source(%dma_start3A_387 : memref<48xf32, #tpu.memory_space<hbm>>) target(%arg16 : memref<48xf32, #tpu.memory_space<vmem>>) target_semaphore(%arg36 : memref<!tpu.dma_semaphore, #tpu.memory_space<semaphore_mem>>)
      } else {
      }
      %scan3A_213 = arith.constant 0 : i32
      %scan3A_214 = arith.constant 0 : i32
      %scan3A_215 = arith.constant 3 : i32
      %scan3A_216 = arith.addi %scan3A_214, %scan3A_215 : i32
      %scan3A_217 = arith.constant 1 : i32
      %scan3A_218 = scf.for %scan3A_375 = %scan3A_214 to %scan3A_216 step %scan3A_217 iter_args(%scan3A_376 = %scan3A_213) -> (i32)  : i32 {
        %mul3A_377 = arith.constant 16 : i32
        %mul3A_378 = arith.muli %scan3A_375, %mul3A_377 : i32
        %get3A = arith.index_cast %mul3A_378 : i32 to index
        %get3A_379 = tpu.vector_load %arg30[%get3A] {strides = array<i32>} : memref<48xi32, #tpu.memory_space<vmem>>, vector<16xi32>,
        %mul3A_380 = arith.constant 16 : i32
        %mul3A_381 = arith.muli %scan3A_375, %mul3A_380 : i32
        %get3A_382 = arith.index_cast %mul3A_381 : i32 to index
        %get3A_383 = tpu.vector_load %arg27[%get3A_382] {strides = array<i32>} : memref<48xi32, #tpu.memory_space<vmem>>, vector<16xi32>,
        %mul3A_384 = arith.constant 16 : i32
        %mul3A_385 = arith.muli %scan3A_375, %mul3A_384 : i32
        %get3A_386 = arith.index_cast %mul3A_385 : i32 to index
        %get3A_387 = tpu.vector_load %arg29[%get3A_386] {strides = array<i32>} : memref<48xf32, #tpu.memory_space<vmem>>, vector<16xf32>,
        %mul3A_388 = arith.constant 16 : i32
        %mul3A_389 = arith.muli %scan3A_375, %mul3A_388 : i32
        %get3A_390 = arith.index_cast %mul3A_389 : i32 to index
        %get3A_391 = tpu.vector_load %arg28[%get3A_390] {strides = array<i32>} : memref<48xf32, #tpu.memory_space<vmem>>, vector<16xf32>,
        %gather3A = tpu.vector_load_idx %arg11[%get3A_383] : memref<10240xf32, #tpu.memory_space<vmem>>[vector<16xi32>], vector<16xf32>,
        %gt3A = arith.constant 0.000000e+00 : f32
        %gt3A_392 = vector.broadcast %gt3A : f32 to vector<16xf32>
        %gt3A_393 = arith.cmpf ogt, %get3A_387, %gt3A_392 : vector<16xf32>
        %sub3A = arith.subf %get3A_391, %gather3A : vector<16xf32>
        %exp3A = math.exp %sub3A : vector<16xf32>
        %jit3A = arith.constant 0.000000e+00 : f32
        %broadcast_in_dim3A = vector.broadcast %jit3A : f32 to vector<16xf32>
        %select_n3A = arith.select %gt3A_393, %exp3A, %broadcast_in_dim3A : vector<16xi1>, vector<16xf32>
        %mul3A_394 = arith.constant 16 : i32
        %mul3A_395 = arith.muli %scan3A_375, %mul3A_394 : i32
        %swap3A = arith.index_cast %mul3A_395 : i32 to index
        %swap3A_396 = tpu.vector_load %arg25[%swap3A] {strides = array<i32>} : memref<48xf32, #tpu.memory_space<vmem>>, vector<16xf32>,
        tpu.vector_store %arg25[%swap3A], %select_n3A {strides = array<i32>} : memref<48xf32, #tpu.memory_space<vmem>>, vector<16xf32>,
        %gather3A_397 = tpu.vector_load_idx %arg12[%get3A_379] : memref<10240xf32, #tpu.memory_space<vmem>>[vector<16xi32>], vector<16xf32>,
        %mul3A_398 = arith.mulf %gather3A_397, %get3A_387 : vector<16xf32>
        %gather3A_399 = tpu.vector_load_idx %arg12[%get3A_383] : memref<10240xf32, #tpu.memory_space<vmem>>[vector<16xi32>], vector<16xf32>,
        %mul3A_400 = arith.mulf %mul3A_398, %gather3A_399 : vector<16xf32>
        %mul3A_401 = arith.constant 16 : i32
        %mul3A_402 = arith.muli %scan3A_375, %mul3A_401 : i32
        %swap3A_403 = arith.index_cast %mul3A_402 : i32 to index
        %swap3A_404 = tpu.vector_load %arg26[%swap3A_403] {strides = array<i32>} : memref<48xf32, #tpu.memory_space<vmem>>, vector<16xf32>,
        tpu.vector_store %arg26[%swap3A_403], %mul3A_400 {strides = array<i32>} : memref<48xf32, #tpu.memory_space<vmem>>, vector<16xf32>,
        %scan3A_405 = arith.constant 0 : i32
        scf.yield %scan3A_405 : i32
      }
      %scan3A_219 = arith.constant 3 : i32
      %dma_start3A_220 = arith.constant 0 : i32
      %dma_start3A_221 = tpu.memref_slice %arg41[%dma_start3A_220] : memref<10240xf32, #tpu.memory_space<vmem_shared>> -> memref<10240xf32, #tpu.memory_space<vmem_shared>>
      tpu.enqueue_indirect_dma source(%arg25 : memref<48xf32, #tpu.memory_space<vmem>>) target(%dma_start3A_221 : memref<10240xf32, #tpu.memory_space<vmem_shared>>) offsets(%arg27 : memref<48xi32, #tpu.memory_space<vmem>>) semaphore(%arg39 : memref<!tpu.dma_semaphore, #tpu.memory_space<semaphore_mem>>) {add = true}
      %ge3A_222 = arith.constant 1 : i32
      %ge3A_223 = arith.cmpi sge, %add3A_181, %ge3A_222 : i32
      %convert_element_type3A_224 = arith.extui %ge3A_223 : i1 to i32
      %cond3A_225 = arith.constant 0 : i32
      %cond3A_226 = arith.cmpi ne, %convert_element_type3A_224, %cond3A_225 : i32
      scf.if %cond3A_226 {
        %dma_wait3A_375 = arith.constant 0 : i32
        %dma_wait3A_376 = arith.constant 0 : i32
        %dma_wait3A_377 = tpu.memref_slice %arg8[%dma_wait3A_375, %dma_wait3A_376] : memref<10240x128xf32, #tpu.memory_space<hbm>> -> memref<10240x128xf32, #tpu.memory_space<hbm>>
        tpu.wait_indirect_dma semaphore(%arg37 : memref<!tpu.dma_semaphore, #tpu.memory_space<semaphore_mem>>) src(%dma_wait3A_377 : memref<10240x128xf32, #tpu.memory_space<hbm>>) dst(%arg32 : memref<48x128xf32, #tpu.memory_space<vmem>>)
        %scan3A_378 = arith.constant 0 : i32
        %scan3A_379 = arith.constant 0 : i32
        %scan3A_380 = arith.constant 3 : i32
        %scan3A_381 = arith.addi %scan3A_379, %scan3A_380 : i32
        %scan3A_382 = arith.constant 1 : i32
        %scan3A_383 = scf.for %scan3A_388 = %scan3A_379 to %scan3A_381 step %scan3A_382 iter_args(%scan3A_389 = %scan3A_378) -> (i32)  : i32 {
          %mul3A_390 = arith.constant 16 : i32
          %mul3A_391 = arith.muli %scan3A_388, %mul3A_390 : i32
          %add3A_392 = vector.broadcast %mul3A_391 : i32 to vector<16xi32>
          %add3A_393 = arith.addi %add3A_392, %iota3A : vector<16xi32>
          %mul3A_394 = arith.constant 16 : i32
          %mul3A_395 = arith.muli %scan3A_388, %mul3A_394 : i32
          %get3A = arith.index_cast %mul3A_395 : i32 to index
          %get3A_396 = tpu.vector_load %arg19[%get3A] {strides = array<i32>} : memref<48xf32, #tpu.memory_space<vmem>>, vector<16xf32>,
          %mul3A_397 = arith.constant 16 : i32
          %mul3A_398 = arith.muli %scan3A_388, %mul3A_397 : i32
          %get3A_399 = arith.index_cast %mul3A_398 : i32 to index
          %get3A_400 = tpu.vector_load %arg20[%get3A_399] {strides = array<i32>} : memref<48xf32, #tpu.memory_space<vmem>>, vector<16xf32>,
          %scan3A_401 = arith.constant 0 : i32
          %scan3A_402 = arith.constant 0 : i32
          %scan3A_403 = arith.constant 16 : i32
          %scan3A_404 = arith.addi %scan3A_402, %scan3A_403 : i32
          %scan3A_405 = arith.constant 1 : i32
          %scan3A_406 = scf.for %scan3A_409 = %scan3A_402 to %scan3A_404 step %scan3A_405 iter_args(%scan3A_410 = %scan3A_401) -> (i32)  : i32 {
            %mul3A_411 = arith.constant 4 : i32
            %mul3A_412 = arith.muli %scan3A_409, %mul3A_411 : i32
            %add3A_413 = arith.constant 0 : i32
            %add3A_414 = arith.addi %mul3A_412, %add3A_413 : i32
            %add3A_415 = vector.broadcast %add3A_414 : i32 to vector<16xi32>
            %add3A_416 = arith.addi %iota3A, %add3A_415 : vector<16xi32>
            %and3A = arith.constant 63 : i32
            %and3A_417 = vector.broadcast %and3A : i32 to vector<16xi32>
            %and3A_418 = arith.andi %add3A_416, %and3A_417 : vector<16xi32>
            %gather3A = tpu.vector_load_idx %arg32[%add3A_393, %and3A_418] : memref<48x128xf32, #tpu.memory_space<vmem>>[vector<16xi32>, vector<16xi32>], vector<16xf32>,
            %mul3A_419 = arith.mulf %gather3A, %get3A_396 : vector<16xf32>
            tpu.vector_store_idx %arg34[%add3A_393, %and3A_418], %mul3A_419 : memref<48x128xf32, #tpu.memory_space<vmem>>[vector<16xi32>, vector<16xi32>], vector<16xf32>,
            %add3A_420 = arith.constant 64 : i32
            %add3A_421 = vector.broadcast %add3A_420 : i32 to vector<16xi32>
            %add3A_422 = arith.addi %and3A_418, %add3A_421 : vector<16xi32>
            %gather3A_423 = tpu.vector_load_idx %arg32[%add3A_393, %add3A_422] : memref<48x128xf32, #tpu.memory_space<vmem>>[vector<16xi32>, vector<16xi32>], vector<16xf32>,
            %mul3A_424 = arith.mulf %gather3A_423, %get3A_400 : vector<16xf32>
            tpu.vector_store_idx %arg34[%add3A_393, %add3A_422], %mul3A_424 : memref<48x128xf32, #tpu.memory_space<vmem>>[vector<16xi32>, vector<16xi32>], vector<16xf32>,
            %mul3A_425 = arith.constant 4 : i32
            %mul3A_426 = arith.muli %scan3A_409, %mul3A_425 : i32
            %add3A_427 = arith.constant 1 : i32
            %add3A_428 = arith.addi %mul3A_426, %add3A_427 : i32
            %add3A_429 = vector.broadcast %add3A_428 : i32 to vector<16xi32>
            %add3A_430 = arith.addi %iota3A, %add3A_429 : vector<16xi32>
            %and3A_431 = arith.constant 63 : i32
            %and3A_432 = vector.broadcast %and3A_431 : i32 to vector<16xi32>
            %and3A_433 = arith.andi %add3A_430, %and3A_432 : vector<16xi32>
            %gather3A_434 = tpu.vector_load_idx %arg32[%add3A_393, %and3A_433] : memref<48x128xf32, #tpu.memory_space<vmem>>[vector<16xi32>, vector<16xi32>], vector<16xf32>,
            %mul3A_435 = arith.mulf %gather3A_434, %get3A_396 : vector<16xf32>
            tpu.vector_store_idx %arg34[%add3A_393, %and3A_433], %mul3A_435 : memref<48x128xf32, #tpu.memory_space<vmem>>[vector<16xi32>, vector<16xi32>], vector<16xf32>,
            %add3A_436 = arith.constant 64 : i32
            %add3A_437 = vector.broadcast %add3A_436 : i32 to vector<16xi32>
            %add3A_438 = arith.addi %and3A_433, %add3A_437 : vector<16xi32>
            %gather3A_439 = tpu.vector_load_idx %arg32[%add3A_393, %add3A_438] : memref<48x128xf32, #tpu.memory_space<vmem>>[vector<16xi32>, vector<16xi32>], vector<16xf32>,
            %mul3A_440 = arith.mulf %gather3A_439, %get3A_400 : vector<16xf32>
            tpu.vector_store_idx %arg34[%add3A_393, %add3A_438], %mul3A_440 : memref<48x128xf32, #tpu.memory_space<vmem>>[vector<16xi32>, vector<16xi32>], vector<16xf32>,
            %mul3A_441 = arith.constant 4 : i32
            %mul3A_442 = arith.muli %scan3A_409, %mul3A_441 : i32
            %add3A_443 = arith.constant 2 : i32
            %add3A_444 = arith.addi %mul3A_442, %add3A_443 : i32
            %add3A_445 = vector.broadcast %add3A_444 : i32 to vector<16xi32>
            %add3A_446 = arith.addi %iota3A, %add3A_445 : vector<16xi32>
            %and3A_447 = arith.constant 63 : i32
            %and3A_448 = vector.broadcast %and3A_447 : i32 to vector<16xi32>
            %and3A_449 = arith.andi %add3A_446, %and3A_448 : vector<16xi32>
            %gather3A_450 = tpu.vector_load_idx %arg32[%add3A_393, %and3A_449] : memref<48x128xf32, #tpu.memory_space<vmem>>[vector<16xi32>, vector<16xi32>], vector<16xf32>,
            %mul3A_451 = arith.mulf %gather3A_450, %get3A_396 : vector<16xf32>
            tpu.vector_store_idx %arg34[%add3A_393, %and3A_449], %mul3A_451 : memref<48x128xf32, #tpu.memory_space<vmem>>[vector<16xi32>, vector<16xi32>], vector<16xf32>,
            %add3A_452 = arith.constant 64 : i32
            %add3A_453 = vector.broadcast %add3A_452 : i32 to vector<16xi32>
            %add3A_454 = arith.addi %and3A_449, %add3A_453 : vector<16xi32>
            %gather3A_455 = tpu.vector_load_idx %arg32[%add3A_393, %add3A_454] : memref<48x128xf32, #tpu.memory_space<vmem>>[vector<16xi32>, vector<16xi32>], vector<16xf32>,
            %mul3A_456 = arith.mulf %gather3A_455, %get3A_400 : vector<16xf32>
            tpu.vector_store_idx %arg34[%add3A_393, %add3A_454], %mul3A_456 : memref<48x128xf32, #tpu.memory_space<vmem>>[vector<16xi32>, vector<16xi32>], vector<16xf32>,
            %mul3A_457 = arith.constant 4 : i32
            %mul3A_458 = arith.muli %scan3A_409, %mul3A_457 : i32
            %add3A_459 = arith.constant 3 : i32
            %add3A_460 = arith.addi %mul3A_458, %add3A_459 : i32
            %add3A_461 = vector.broadcast %add3A_460 : i32 to vector<16xi32>
            %add3A_462 = arith.addi %iota3A, %add3A_461 : vector<16xi32>
            %and3A_463 = arith.constant 63 : i32
            %and3A_464 = vector.broadcast %and3A_463 : i32 to vector<16xi32>
            %and3A_465 = arith.andi %add3A_462, %and3A_464 : vector<16xi32>
            %gather3A_466 = tpu.vector_load_idx %arg32[%add3A_393, %and3A_465] : memref<48x128xf32, #tpu.memory_space<vmem>>[vector<16xi32>, vector<16xi32>], vector<16xf32>,
            %mul3A_467 = arith.mulf %gather3A_466, %get3A_396 : vector<16xf32>
            tpu.vector_store_idx %arg34[%add3A_393, %and3A_465], %mul3A_467 : memref<48x128xf32, #tpu.memory_space<vmem>>[vector<16xi32>, vector<16xi32>], vector<16xf32>,
            %add3A_468 = arith.constant 64 : i32
            %add3A_469 = vector.broadcast %add3A_468 : i32 to vector<16xi32>
            %add3A_470 = arith.addi %and3A_465, %add3A_469 : vector<16xi32>
            %gather3A_471 = tpu.vector_load_idx %arg32[%add3A_393, %add3A_470] : memref<48x128xf32, #tpu.memory_space<vmem>>[vector<16xi32>, vector<16xi32>], vector<16xf32>,
            %mul3A_472 = arith.mulf %gather3A_471, %get3A_400 : vector<16xf32>
            tpu.vector_store_idx %arg34[%add3A_393, %add3A_470], %mul3A_472 : memref<48x128xf32, #tpu.memory_space<vmem>>[vector<16xi32>, vector<16xi32>], vector<16xf32>,
            %scan3A_473 = arith.constant 0 : i32
            scf.yield %scan3A_473 : i32
          }
          %scan3A_407 = arith.constant 16 : i32
          %scan3A_408 = arith.constant 0 : i32
          scf.yield %scan3A_408 : i32
        }
        %scan3A_384 = arith.constant 3 : i32
        %dma_start3A_385 = arith.constant 0 : i32
        %dma_start3A_386 = arith.constant 0 : i32
        %dma_start3A_387 = tpu.memref_slice %arg40[%dma_start3A_385, %dma_start3A_386] : memref<10240x128xf32, #tpu.memory_space<vmem_shared>> -> memref<10240x128xf32, #tpu.memory_space<vmem_shared>>
        tpu.enqueue_indirect_dma source(%arg34 : memref<48x128xf32, #tpu.memory_space<vmem>>) target(%dma_start3A_387 : memref<10240x128xf32, #tpu.memory_space<vmem_shared>>) offsets(%arg21 : memref<48xi32, #tpu.memory_space<vmem>>) semaphore(%arg38 : memref<!tpu.dma_semaphore, #tpu.memory_space<semaphore_mem>>) {add = true}
      } else {
      }
      %mul3A_227 = arith.constant 6 : i32
      %mul3A_228 = arith.muli %mul3A_227, %scan3A_82 : i32
      %add3A_229 = arith.constant 3 : i32
      %add3A_230 = arith.addi %mul3A_228, %add3A_229 : i32
      %dma_wait3A_231 = arith.constant 0 : i32
      %dma_wait3A_232 = tpu.memref_slice %arg2[%dma_wait3A_231] : memref<322560xi32, #tpu.memory_space<hbm>> -> memref<48xi32, #tpu.memory_space<hbm>>
      %dma_wait3A_233 = arith.constant 0 : i32
      %dma_wait3A_234 = tpu.memref_slice %arg2[%dma_wait3A_233] : memref<322560xi32, #tpu.memory_space<hbm>> -> memref<48xi32, #tpu.memory_space<hbm>>
      tpu.wait_dma2 semaphore(%arg36 : memref<!tpu.dma_semaphore, #tpu.memory_space<semaphore_mem>>) src(%dma_wait3A_234 : memref<48xi32, #tpu.memory_space<hbm>>) dst(%arg18 : memref<48xi32, #tpu.memory_space<vmem>>)
      %dma_wait3A_235 = arith.constant 0 : i32
      %dma_wait3A_236 = tpu.memref_slice %arg3[%dma_wait3A_235] : memref<322560xi32, #tpu.memory_space<hbm>> -> memref<48xi32, #tpu.memory_space<hbm>>
      %dma_wait3A_237 = arith.constant 0 : i32
      %dma_wait3A_238 = tpu.memref_slice %arg3[%dma_wait3A_237] : memref<322560xi32, #tpu.memory_space<hbm>> -> memref<48xi32, #tpu.memory_space<hbm>>
      tpu.wait_dma2 semaphore(%arg36 : memref<!tpu.dma_semaphore, #tpu.memory_space<semaphore_mem>>) src(%dma_wait3A_238 : memref<48xi32, #tpu.memory_space<hbm>>) dst(%arg15 : memref<48xi32, #tpu.memory_space<vmem>>)
      %dma_wait3A_239 = arith.constant 0 : i32
      %dma_wait3A_240 = tpu.memref_slice %arg4[%dma_wait3A_239] : memref<322560xf32, #tpu.memory_space<hbm>> -> memref<48xf32, #tpu.memory_space<hbm>>
      %dma_wait3A_241 = arith.constant 0 : i32
      %dma_wait3A_242 = tpu.memref_slice %arg4[%dma_wait3A_241] : memref<322560xf32, #tpu.memory_space<hbm>> -> memref<48xf32, #tpu.memory_space<hbm>>
      tpu.wait_dma2 semaphore(%arg36 : memref<!tpu.dma_semaphore, #tpu.memory_space<semaphore_mem>>) src(%dma_wait3A_242 : memref<48xf32, #tpu.memory_space<hbm>>) dst(%arg17 : memref<48xf32, #tpu.memory_space<vmem>>)
      %dma_wait3A_243 = arith.constant 0 : i32
      %dma_wait3A_244 = tpu.memref_slice %arg5[%dma_wait3A_243] : memref<322560xf32, #tpu.memory_space<hbm>> -> memref<48xf32, #tpu.memory_space<hbm>>
      %dma_wait3A_245 = arith.constant 0 : i32
      %dma_wait3A_246 = tpu.memref_slice %arg5[%dma_wait3A_245] : memref<322560xf32, #tpu.memory_space<hbm>> -> memref<48xf32, #tpu.memory_space<hbm>>
      tpu.wait_dma2 semaphore(%arg36 : memref<!tpu.dma_semaphore, #tpu.memory_space<semaphore_mem>>) src(%dma_wait3A_246 : memref<48xf32, #tpu.memory_space<hbm>>) dst(%arg16 : memref<48xf32, #tpu.memory_space<vmem>>)
      %dma_start3A_247 = arith.constant 0 : i32
      %dma_start3A_248 = arith.constant 0 : i32
      %dma_start3A_249 = tpu.memref_slice %arg8[%dma_start3A_247, %dma_start3A_248] : memref<10240x128xf32, #tpu.memory_space<hbm>> -> memref<10240x128xf32, #tpu.memory_space<hbm>>
      tpu.enqueue_indirect_dma source(%dma_start3A_249 : memref<10240x128xf32, #tpu.memory_space<hbm>>) target(%arg32 : memref<48x128xf32, #tpu.memory_space<vmem>>) offsets(%arg18 : memref<48xi32, #tpu.memory_space<vmem>>) semaphore(%arg37 : memref<!tpu.dma_semaphore, #tpu.memory_space<semaphore_mem>>)
      %ge3A_250 = arith.constant 2 : i32
      %ge3A_251 = arith.cmpi sge, %add3A_230, %ge3A_250 : i32
      %convert_element_type3A_252 = arith.extui %ge3A_251 : i1 to i32
      %cond3A_253 = arith.constant 0 : i32
      %cond3A_254 = arith.cmpi ne, %convert_element_type3A_252, %cond3A_253 : i32
      scf.if %cond3A_254 {
        %dma_wait3A_375 = arith.constant 0 : i32
        %dma_wait3A_376 = tpu.memref_slice %arg41[%dma_wait3A_375] : memref<10240xf32, #tpu.memory_space<vmem_shared>> -> memref<48xf32, #tpu.memory_space<vmem_shared>>
        %dma_wait3A_377 = arith.constant 0 : i32
        %dma_wait3A_378 = tpu.memref_slice %arg41[%dma_wait3A_377] : memref<10240xf32, #tpu.memory_space<vmem_shared>> -> memref<48xf32, #tpu.memory_space<vmem_shared>>
        tpu.wait_dma2 semaphore(%arg39 : memref<!tpu.dma_semaphore, #tpu.memory_space<semaphore_mem>>) src(%arg19 : memref<48xf32, #tpu.memory_space<vmem>>) dst(%dma_wait3A_378 : memref<48xf32, #tpu.memory_space<vmem_shared>>)
        %dma_wait3A_379 = arith.constant 0 : i32
        %dma_wait3A_380 = arith.constant 0 : i32
        %dma_wait3A_381 = tpu.memref_slice %arg40[%dma_wait3A_379, %dma_wait3A_380] : memref<10240x128xf32, #tpu.memory_space<vmem_shared>> -> memref<48x128xf32, #tpu.memory_space<vmem_shared>>
        %dma_wait3A_382 = arith.constant 0 : i32
        %dma_wait3A_383 = arith.constant 0 : i32
        %dma_wait3A_384 = tpu.memref_slice %arg40[%dma_wait3A_382, %dma_wait3A_383] : memref<10240x128xf32, #tpu.memory_space<vmem_shared>> -> memref<48x128xf32, #tpu.memory_space<vmem_shared>>
        tpu.wait_dma2 semaphore(%arg38 : memref<!tpu.dma_semaphore, #tpu.memory_space<semaphore_mem>>) src(%arg34 : memref<48x128xf32, #tpu.memory_space<vmem>>) dst(%dma_wait3A_384 : memref<48x128xf32, #tpu.memory_space<vmem_shared>>)
      } else {
      }
      %add3A_255 = arith.constant 1 : i32
      %add3A_256 = arith.addi %add3A_230, %add3A_255 : i32
      %lt3A_257 = arith.constant 210 : i32
      %lt3A_258 = arith.cmpi slt, %add3A_256, %lt3A_257 : i32
      %convert_element_type3A_259 = arith.extui %lt3A_258 : i1 to i32
      %cond3A_260 = arith.constant 0 : i32
      %cond3A_261 = arith.cmpi ne, %convert_element_type3A_259, %cond3A_260 : i32
      scf.if %cond3A_261 {
        %add3A_375 = arith.constant 1 : i32
        %add3A_376 = arith.addi %add3A_230, %add3A_375 : i32
        %mul3A_377 = arith.constant 48 : i32
        %mul3A_378 = arith.muli %add3A_376, %mul3A_377 : i32
        %add3A_379 = arith.addi %mul3A_2, %mul3A_378 : i32
        %dma_start3A_380 = tpu.memref_slice %arg2[%add3A_379] : memref<322560xi32, #tpu.memory_space<hbm>> -> memref<48xi32, #tpu.memory_space<hbm>>
        %dma_start3A_381 = tpu.memref_slice %arg2[%add3A_379] : memref<322560xi32, #tpu.memory_space<hbm>> -> memref<48xi32, #tpu.memory_space<hbm>>
        tpu.enqueue_dma source(%dma_start3A_381 : memref<48xi32, #tpu.memory_space<hbm>>) target(%arg24 : memref<48xi32, #tpu.memory_space<vmem>>) target_semaphore(%arg36 : memref<!tpu.dma_semaphore, #tpu.memory_space<semaphore_mem>>)
        %dma_start3A_382 = tpu.memref_slice %arg3[%add3A_379] : memref<322560xi32, #tpu.memory_space<hbm>> -> memref<48xi32, #tpu.memory_space<hbm>>
        %dma_start3A_383 = tpu.memref_slice %arg3[%add3A_379] : memref<322560xi32, #tpu.memory_space<hbm>> -> memref<48xi32, #tpu.memory_space<hbm>>
        tpu.enqueue_dma source(%dma_start3A_383 : memref<48xi32, #tpu.memory_space<hbm>>) target(%arg21 : memref<48xi32, #tpu.memory_space<vmem>>) target_semaphore(%arg36 : memref<!tpu.dma_semaphore, #tpu.memory_space<semaphore_mem>>)
        %dma_start3A_384 = tpu.memref_slice %arg4[%add3A_379] : memref<322560xf32, #tpu.memory_space<hbm>> -> memref<48xf32, #tpu.memory_space<hbm>>
        %dma_start3A_385 = tpu.memref_slice %arg4[%add3A_379] : memref<322560xf32, #tpu.memory_space<hbm>> -> memref<48xf32, #tpu.memory_space<hbm>>
        tpu.enqueue_dma source(%dma_start3A_385 : memref<48xf32, #tpu.memory_space<hbm>>) target(%arg23 : memref<48xf32, #tpu.memory_space<vmem>>) target_semaphore(%arg36 : memref<!tpu.dma_semaphore, #tpu.memory_space<semaphore_mem>>)
        %dma_start3A_386 = tpu.memref_slice %arg5[%add3A_379] : memref<322560xf32, #tpu.memory_space<hbm>> -> memref<48xf32, #tpu.memory_space<hbm>>
        %dma_start3A_387 = tpu.memref_slice %arg5[%add3A_379] : memref<322560xf32, #tpu.memory_space<hbm>> -> memref<48xf32, #tpu.memory_space<hbm>>
        tpu.enqueue_dma source(%dma_start3A_387 : memref<48xf32, #tpu.memory_space<hbm>>) target(%arg22 : memref<48xf32, #tpu.memory_space<vmem>>) target_semaphore(%arg36 : memref<!tpu.dma_semaphore, #tpu.memory_space<semaphore_mem>>)
      } else {
      }
      %scan3A_262 = arith.constant 0 : i32
      %scan3A_263 = arith.constant 0 : i32
      %scan3A_264 = arith.constant 3 : i32
      %scan3A_265 = arith.addi %scan3A_263, %scan3A_264 : i32
      %scan3A_266 = arith.constant 1 : i32
      %scan3A_267 = scf.for %scan3A_375 = %scan3A_263 to %scan3A_265 step %scan3A_266 iter_args(%scan3A_376 = %scan3A_262) -> (i32)  : i32 {
        %mul3A_377 = arith.constant 16 : i32
        %mul3A_378 = arith.muli %scan3A_375, %mul3A_377 : i32
        %get3A = arith.index_cast %mul3A_378 : i32 to index
        %get3A_379 = tpu.vector_load %arg18[%get3A] {strides = array<i32>} : memref<48xi32, #tpu.memory_space<vmem>>, vector<16xi32>,
        %mul3A_380 = arith.constant 16 : i32
        %mul3A_381 = arith.muli %scan3A_375, %mul3A_380 : i32
        %get3A_382 = arith.index_cast %mul3A_381 : i32 to index
        %get3A_383 = tpu.vector_load %arg15[%get3A_382] {strides = array<i32>} : memref<48xi32, #tpu.memory_space<vmem>>, vector<16xi32>,
        %mul3A_384 = arith.constant 16 : i32
        %mul3A_385 = arith.muli %scan3A_375, %mul3A_384 : i32
        %get3A_386 = arith.index_cast %mul3A_385 : i32 to index
        %get3A_387 = tpu.vector_load %arg17[%get3A_386] {strides = array<i32>} : memref<48xf32, #tpu.memory_space<vmem>>, vector<16xf32>,
        %mul3A_388 = arith.constant 16 : i32
        %mul3A_389 = arith.muli %scan3A_375, %mul3A_388 : i32
        %get3A_390 = arith.index_cast %mul3A_389 : i32 to index
        %get3A_391 = tpu.vector_load %arg16[%get3A_390] {strides = array<i32>} : memref<48xf32, #tpu.memory_space<vmem>>, vector<16xf32>,
        %gather3A = tpu.vector_load_idx %arg11[%get3A_383] : memref<10240xf32, #tpu.memory_space<vmem>>[vector<16xi32>], vector<16xf32>,
        %gt3A = arith.constant 0.000000e+00 : f32
        %gt3A_392 = vector.broadcast %gt3A : f32 to vector<16xf32>
        %gt3A_393 = arith.cmpf ogt, %get3A_387, %gt3A_392 : vector<16xf32>
        %sub3A = arith.subf %get3A_391, %gather3A : vector<16xf32>
        %exp3A = math.exp %sub3A : vector<16xf32>
        %jit3A = arith.constant 0.000000e+00 : f32
        %broadcast_in_dim3A = vector.broadcast %jit3A : f32 to vector<16xf32>
        %select_n3A = arith.select %gt3A_393, %exp3A, %broadcast_in_dim3A : vector<16xi1>, vector<16xf32>
        %mul3A_394 = arith.constant 16 : i32
        %mul3A_395 = arith.muli %scan3A_375, %mul3A_394 : i32
        %swap3A = arith.index_cast %mul3A_395 : i32 to index
        %swap3A_396 = tpu.vector_load %arg13[%swap3A] {strides = array<i32>} : memref<48xf32, #tpu.memory_space<vmem>>, vector<16xf32>,
        tpu.vector_store %arg13[%swap3A], %select_n3A {strides = array<i32>} : memref<48xf32, #tpu.memory_space<vmem>>, vector<16xf32>,
        %gather3A_397 = tpu.vector_load_idx %arg12[%get3A_379] : memref<10240xf32, #tpu.memory_space<vmem>>[vector<16xi32>], vector<16xf32>,
        %mul3A_398 = arith.mulf %gather3A_397, %get3A_387 : vector<16xf32>
        %gather3A_399 = tpu.vector_load_idx %arg12[%get3A_383] : memref<10240xf32, #tpu.memory_space<vmem>>[vector<16xi32>], vector<16xf32>,
        %mul3A_400 = arith.mulf %mul3A_398, %gather3A_399 : vector<16xf32>
        %mul3A_401 = arith.constant 16 : i32
        %mul3A_402 = arith.muli %scan3A_375, %mul3A_401 : i32
        %swap3A_403 = arith.index_cast %mul3A_402 : i32 to index
        %swap3A_404 = tpu.vector_load %arg14[%swap3A_403] {strides = array<i32>} : memref<48xf32, #tpu.memory_space<vmem>>, vector<16xf32>,
        tpu.vector_store %arg14[%swap3A_403], %mul3A_400 {strides = array<i32>} : memref<48xf32, #tpu.memory_space<vmem>>, vector<16xf32>,
        %scan3A_405 = arith.constant 0 : i32
        scf.yield %scan3A_405 : i32
      }
      %scan3A_268 = arith.constant 3 : i32
      %dma_start3A_269 = arith.constant 0 : i32
      %dma_start3A_270 = tpu.memref_slice %arg41[%dma_start3A_269] : memref<10240xf32, #tpu.memory_space<vmem_shared>> -> memref<10240xf32, #tpu.memory_space<vmem_shared>>
      tpu.enqueue_indirect_dma source(%arg13 : memref<48xf32, #tpu.memory_space<vmem>>) target(%dma_start3A_270 : memref<10240xf32, #tpu.memory_space<vmem_shared>>) offsets(%arg15 : memref<48xi32, #tpu.memory_space<vmem>>) semaphore(%arg39 : memref<!tpu.dma_semaphore, #tpu.memory_space<semaphore_mem>>) {add = true}
      %ge3A_271 = arith.constant 1 : i32
      %ge3A_272 = arith.cmpi sge, %add3A_230, %ge3A_271 : i32
      %convert_element_type3A_273 = arith.extui %ge3A_272 : i1 to i32
      %cond3A_274 = arith.constant 0 : i32
      %cond3A_275 = arith.cmpi ne, %convert_element_type3A_273, %cond3A_274 : i32
      scf.if %cond3A_275 {
        %dma_wait3A_375 = arith.constant 0 : i32
        %dma_wait3A_376 = arith.constant 0 : i32
        %dma_wait3A_377 = tpu.memref_slice %arg8[%dma_wait3A_375, %dma_wait3A_376] : memref<10240x128xf32, #tpu.memory_space<hbm>> -> memref<10240x128xf32, #tpu.memory_space<hbm>>
        tpu.wait_indirect_dma semaphore(%arg37 : memref<!tpu.dma_semaphore, #tpu.memory_space<semaphore_mem>>) src(%dma_wait3A_377 : memref<10240x128xf32, #tpu.memory_space<hbm>>) dst(%arg31 : memref<48x128xf32, #tpu.memory_space<vmem>>)
        %scan3A_378 = arith.constant 0 : i32
        %scan3A_379 = arith.constant 0 : i32
        %scan3A_380 = arith.constant 3 : i32
        %scan3A_381 = arith.addi %scan3A_379, %scan3A_380 : i32
        %scan3A_382 = arith.constant 1 : i32
        %scan3A_383 = scf.for %scan3A_388 = %scan3A_379 to %scan3A_381 step %scan3A_382 iter_args(%scan3A_389 = %scan3A_378) -> (i32)  : i32 {
          %mul3A_390 = arith.constant 16 : i32
          %mul3A_391 = arith.muli %scan3A_388, %mul3A_390 : i32
          %add3A_392 = vector.broadcast %mul3A_391 : i32 to vector<16xi32>
          %add3A_393 = arith.addi %add3A_392, %iota3A : vector<16xi32>
          %mul3A_394 = arith.constant 16 : i32
          %mul3A_395 = arith.muli %scan3A_388, %mul3A_394 : i32
          %get3A = arith.index_cast %mul3A_395 : i32 to index
          %get3A_396 = tpu.vector_load %arg25[%get3A] {strides = array<i32>} : memref<48xf32, #tpu.memory_space<vmem>>, vector<16xf32>,
          %mul3A_397 = arith.constant 16 : i32
          %mul3A_398 = arith.muli %scan3A_388, %mul3A_397 : i32
          %get3A_399 = arith.index_cast %mul3A_398 : i32 to index
          %get3A_400 = tpu.vector_load %arg26[%get3A_399] {strides = array<i32>} : memref<48xf32, #tpu.memory_space<vmem>>, vector<16xf32>,
          %scan3A_401 = arith.constant 0 : i32
          %scan3A_402 = arith.constant 0 : i32
          %scan3A_403 = arith.constant 16 : i32
          %scan3A_404 = arith.addi %scan3A_402, %scan3A_403 : i32
          %scan3A_405 = arith.constant 1 : i32
          %scan3A_406 = scf.for %scan3A_409 = %scan3A_402 to %scan3A_404 step %scan3A_405 iter_args(%scan3A_410 = %scan3A_401) -> (i32)  : i32 {
            %mul3A_411 = arith.constant 4 : i32
            %mul3A_412 = arith.muli %scan3A_409, %mul3A_411 : i32
            %add3A_413 = arith.constant 0 : i32
            %add3A_414 = arith.addi %mul3A_412, %add3A_413 : i32
            %add3A_415 = vector.broadcast %add3A_414 : i32 to vector<16xi32>
            %add3A_416 = arith.addi %iota3A, %add3A_415 : vector<16xi32>
            %and3A = arith.constant 63 : i32
            %and3A_417 = vector.broadcast %and3A : i32 to vector<16xi32>
            %and3A_418 = arith.andi %add3A_416, %and3A_417 : vector<16xi32>
            %gather3A = tpu.vector_load_idx %arg31[%add3A_393, %and3A_418] : memref<48x128xf32, #tpu.memory_space<vmem>>[vector<16xi32>, vector<16xi32>], vector<16xf32>,
            %mul3A_419 = arith.mulf %gather3A, %get3A_396 : vector<16xf32>
            tpu.vector_store_idx %arg33[%add3A_393, %and3A_418], %mul3A_419 : memref<48x128xf32, #tpu.memory_space<vmem>>[vector<16xi32>, vector<16xi32>], vector<16xf32>,
            %add3A_420 = arith.constant 64 : i32
            %add3A_421 = vector.broadcast %add3A_420 : i32 to vector<16xi32>
            %add3A_422 = arith.addi %and3A_418, %add3A_421 : vector<16xi32>
            %gather3A_423 = tpu.vector_load_idx %arg31[%add3A_393, %add3A_422] : memref<48x128xf32, #tpu.memory_space<vmem>>[vector<16xi32>, vector<16xi32>], vector<16xf32>,
            %mul3A_424 = arith.mulf %gather3A_423, %get3A_400 : vector<16xf32>
            tpu.vector_store_idx %arg33[%add3A_393, %add3A_422], %mul3A_424 : memref<48x128xf32, #tpu.memory_space<vmem>>[vector<16xi32>, vector<16xi32>], vector<16xf32>,
            %mul3A_425 = arith.constant 4 : i32
            %mul3A_426 = arith.muli %scan3A_409, %mul3A_425 : i32
            %add3A_427 = arith.constant 1 : i32
            %add3A_428 = arith.addi %mul3A_426, %add3A_427 : i32
            %add3A_429 = vector.broadcast %add3A_428 : i32 to vector<16xi32>
            %add3A_430 = arith.addi %iota3A, %add3A_429 : vector<16xi32>
            %and3A_431 = arith.constant 63 : i32
            %and3A_432 = vector.broadcast %and3A_431 : i32 to vector<16xi32>
            %and3A_433 = arith.andi %add3A_430, %and3A_432 : vector<16xi32>
            %gather3A_434 = tpu.vector_load_idx %arg31[%add3A_393, %and3A_433] : memref<48x128xf32, #tpu.memory_space<vmem>>[vector<16xi32>, vector<16xi32>], vector<16xf32>,
            %mul3A_435 = arith.mulf %gather3A_434, %get3A_396 : vector<16xf32>
            tpu.vector_store_idx %arg33[%add3A_393, %and3A_433], %mul3A_435 : memref<48x128xf32, #tpu.memory_space<vmem>>[vector<16xi32>, vector<16xi32>], vector<16xf32>,
            %add3A_436 = arith.constant 64 : i32
            %add3A_437 = vector.broadcast %add3A_436 : i32 to vector<16xi32>
            %add3A_438 = arith.addi %and3A_433, %add3A_437 : vector<16xi32>
            %gather3A_439 = tpu.vector_load_idx %arg31[%add3A_393, %add3A_438] : memref<48x128xf32, #tpu.memory_space<vmem>>[vector<16xi32>, vector<16xi32>], vector<16xf32>,
            %mul3A_440 = arith.mulf %gather3A_439, %get3A_400 : vector<16xf32>
            tpu.vector_store_idx %arg33[%add3A_393, %add3A_438], %mul3A_440 : memref<48x128xf32, #tpu.memory_space<vmem>>[vector<16xi32>, vector<16xi32>], vector<16xf32>,
            %mul3A_441 = arith.constant 4 : i32
            %mul3A_442 = arith.muli %scan3A_409, %mul3A_441 : i32
            %add3A_443 = arith.constant 2 : i32
            %add3A_444 = arith.addi %mul3A_442, %add3A_443 : i32
            %add3A_445 = vector.broadcast %add3A_444 : i32 to vector<16xi32>
            %add3A_446 = arith.addi %iota3A, %add3A_445 : vector<16xi32>
            %and3A_447 = arith.constant 63 : i32
            %and3A_448 = vector.broadcast %and3A_447 : i32 to vector<16xi32>
            %and3A_449 = arith.andi %add3A_446, %and3A_448 : vector<16xi32>
            %gather3A_450 = tpu.vector_load_idx %arg31[%add3A_393, %and3A_449] : memref<48x128xf32, #tpu.memory_space<vmem>>[vector<16xi32>, vector<16xi32>], vector<16xf32>,
            %mul3A_451 = arith.mulf %gather3A_450, %get3A_396 : vector<16xf32>
            tpu.vector_store_idx %arg33[%add3A_393, %and3A_449], %mul3A_451 : memref<48x128xf32, #tpu.memory_space<vmem>>[vector<16xi32>, vector<16xi32>], vector<16xf32>,
            %add3A_452 = arith.constant 64 : i32
            %add3A_453 = vector.broadcast %add3A_452 : i32 to vector<16xi32>
            %add3A_454 = arith.addi %and3A_449, %add3A_453 : vector<16xi32>
            %gather3A_455 = tpu.vector_load_idx %arg31[%add3A_393, %add3A_454] : memref<48x128xf32, #tpu.memory_space<vmem>>[vector<16xi32>, vector<16xi32>], vector<16xf32>,
            %mul3A_456 = arith.mulf %gather3A_455, %get3A_400 : vector<16xf32>
            tpu.vector_store_idx %arg33[%add3A_393, %add3A_454], %mul3A_456 : memref<48x128xf32, #tpu.memory_space<vmem>>[vector<16xi32>, vector<16xi32>], vector<16xf32>,
            %mul3A_457 = arith.constant 4 : i32
            %mul3A_458 = arith.muli %scan3A_409, %mul3A_457 : i32
            %add3A_459 = arith.constant 3 : i32
            %add3A_460 = arith.addi %mul3A_458, %add3A_459 : i32
            %add3A_461 = vector.broadcast %add3A_460 : i32 to vector<16xi32>
            %add3A_462 = arith.addi %iota3A, %add3A_461 : vector<16xi32>
            %and3A_463 = arith.constant 63 : i32
            %and3A_464 = vector.broadcast %and3A_463 : i32 to vector<16xi32>
            %and3A_465 = arith.andi %add3A_462, %and3A_464 : vector<16xi32>
            %gather3A_466 = tpu.vector_load_idx %arg31[%add3A_393, %and3A_465] : memref<48x128xf32, #tpu.memory_space<vmem>>[vector<16xi32>, vector<16xi32>], vector<16xf32>,
            %mul3A_467 = arith.mulf %gather3A_466, %get3A_396 : vector<16xf32>
            tpu.vector_store_idx %arg33[%add3A_393, %and3A_465], %mul3A_467 : memref<48x128xf32, #tpu.memory_space<vmem>>[vector<16xi32>, vector<16xi32>], vector<16xf32>,
            %add3A_468 = arith.constant 64 : i32
            %add3A_469 = vector.broadcast %add3A_468 : i32 to vector<16xi32>
            %add3A_470 = arith.addi %and3A_465, %add3A_469 : vector<16xi32>
            %gather3A_471 = tpu.vector_load_idx %arg31[%add3A_393, %add3A_470] : memref<48x128xf32, #tpu.memory_space<vmem>>[vector<16xi32>, vector<16xi32>], vector<16xf32>,
            %mul3A_472 = arith.mulf %gather3A_471, %get3A_400 : vector<16xf32>
            tpu.vector_store_idx %arg33[%add3A_393, %add3A_470], %mul3A_472 : memref<48x128xf32, #tpu.memory_space<vmem>>[vector<16xi32>, vector<16xi32>], vector<16xf32>,
            %scan3A_473 = arith.constant 0 : i32
            scf.yield %scan3A_473 : i32
          }
          %scan3A_407 = arith.constant 16 : i32
          %scan3A_408 = arith.constant 0 : i32
          scf.yield %scan3A_408 : i32
        }
        %scan3A_384 = arith.constant 3 : i32
        %dma_start3A_385 = arith.constant 0 : i32
        %dma_start3A_386 = arith.constant 0 : i32
        %dma_start3A_387 = tpu.memref_slice %arg40[%dma_start3A_385, %dma_start3A_386] : memref<10240x128xf32, #tpu.memory_space<vmem_shared>> -> memref<10240x128xf32, #tpu.memory_space<vmem_shared>>
        tpu.enqueue_indirect_dma source(%arg33 : memref<48x128xf32, #tpu.memory_space<vmem>>) target(%dma_start3A_387 : memref<10240x128xf32, #tpu.memory_space<vmem_shared>>) offsets(%arg27 : memref<48xi32, #tpu.memory_space<vmem>>) semaphore(%arg38 : memref<!tpu.dma_semaphore, #tpu.memory_space<semaphore_mem>>) {add = true}
      } else {
      }
      %mul3A_276 = arith.constant 6 : i32
      %mul3A_277 = arith.muli %mul3A_276, %scan3A_82 : i32
      %add3A_278 = arith.constant 4 : i32
      %add3A_279 = arith.addi %mul3A_277, %add3A_278 : i32
      %dma_wait3A_280 = arith.constant 0 : i32
      %dma_wait3A_281 = tpu.memref_slice %arg2[%dma_wait3A_280] : memref<322560xi32, #tpu.memory_space<hbm>> -> memref<48xi32, #tpu.memory_space<hbm>>
      %dma_wait3A_282 = arith.constant 0 : i32
      %dma_wait3A_283 = tpu.memref_slice %arg2[%dma_wait3A_282] : memref<322560xi32, #tpu.memory_space<hbm>> -> memref<48xi32, #tpu.memory_space<hbm>>
      tpu.wait_dma2 semaphore(%arg36 : memref<!tpu.dma_semaphore, #tpu.memory_space<semaphore_mem>>) src(%dma_wait3A_283 : memref<48xi32, #tpu.memory_space<hbm>>) dst(%arg24 : memref<48xi32, #tpu.memory_space<vmem>>)
      %dma_wait3A_284 = arith.constant 0 : i32
      %dma_wait3A_285 = tpu.memref_slice %arg3[%dma_wait3A_284] : memref<322560xi32, #tpu.memory_space<hbm>> -> memref<48xi32, #tpu.memory_space<hbm>>
      %dma_wait3A_286 = arith.constant 0 : i32
      %dma_wait3A_287 = tpu.memref_slice %arg3[%dma_wait3A_286] : memref<322560xi32, #tpu.memory_space<hbm>> -> memref<48xi32, #tpu.memory_space<hbm>>
      tpu.wait_dma2 semaphore(%arg36 : memref<!tpu.dma_semaphore, #tpu.memory_space<semaphore_mem>>) src(%dma_wait3A_287 : memref<48xi32, #tpu.memory_space<hbm>>) dst(%arg21 : memref<48xi32, #tpu.memory_space<vmem>>)
      %dma_wait3A_288 = arith.constant 0 : i32
      %dma_wait3A_289 = tpu.memref_slice %arg4[%dma_wait3A_288] : memref<322560xf32, #tpu.memory_space<hbm>> -> memref<48xf32, #tpu.memory_space<hbm>>
      %dma_wait3A_290 = arith.constant 0 : i32
      %dma_wait3A_291 = tpu.memref_slice %arg4[%dma_wait3A_290] : memref<322560xf32, #tpu.memory_space<hbm>> -> memref<48xf32, #tpu.memory_space<hbm>>
      tpu.wait_dma2 semaphore(%arg36 : memref<!tpu.dma_semaphore, #tpu.memory_space<semaphore_mem>>) src(%dma_wait3A_291 : memref<48xf32, #tpu.memory_space<hbm>>) dst(%arg23 : memref<48xf32, #tpu.memory_space<vmem>>)
      %dma_wait3A_292 = arith.constant 0 : i32
      %dma_wait3A_293 = tpu.memref_slice %arg5[%dma_wait3A_292] : memref<322560xf32, #tpu.memory_space<hbm>> -> memref<48xf32, #tpu.memory_space<hbm>>
      %dma_wait3A_294 = arith.constant 0 : i32
      %dma_wait3A_295 = tpu.memref_slice %arg5[%dma_wait3A_294] : memref<322560xf32, #tpu.memory_space<hbm>> -> memref<48xf32, #tpu.memory_space<hbm>>
      tpu.wait_dma2 semaphore(%arg36 : memref<!tpu.dma_semaphore, #tpu.memory_space<semaphore_mem>>) src(%dma_wait3A_295 : memref<48xf32, #tpu.memory_space<hbm>>) dst(%arg22 : memref<48xf32, #tpu.memory_space<vmem>>)
      %dma_start3A_296 = arith.constant 0 : i32
      %dma_start3A_297 = arith.constant 0 : i32
      %dma_start3A_298 = tpu.memref_slice %arg8[%dma_start3A_296, %dma_start3A_297] : memref<10240x128xf32, #tpu.memory_space<hbm>> -> memref<10240x128xf32, #tpu.memory_space<hbm>>
      tpu.enqueue_indirect_dma source(%dma_start3A_298 : memref<10240x128xf32, #tpu.memory_space<hbm>>) target(%arg31 : memref<48x128xf32, #tpu.memory_space<vmem>>) offsets(%arg24 : memref<48xi32, #tpu.memory_space<vmem>>) semaphore(%arg37 : memref<!tpu.dma_semaphore, #tpu.memory_space<semaphore_mem>>)
      %ge3A_299 = arith.constant 2 : i32
      %ge3A_300 = arith.cmpi sge, %add3A_279, %ge3A_299 : i32
      %convert_element_type3A_301 = arith.extui %ge3A_300 : i1 to i32
      %cond3A_302 = arith.constant 0 : i32
      %cond3A_303 = arith.cmpi ne, %convert_element_type3A_301, %cond3A_302 : i32
      scf.if %cond3A_303 {
        %dma_wait3A_375 = arith.constant 0 : i32
        %dma_wait3A_376 = tpu.memref_slice %arg41[%dma_wait3A_375] : memref<10240xf32, #tpu.memory_space<vmem_shared>> -> memref<48xf32, #tpu.memory_space<vmem_shared>>
        %dma_wait3A_377 = arith.constant 0 : i32
        %dma_wait3A_378 = tpu.memref_slice %arg41[%dma_wait3A_377] : memref<10240xf32, #tpu.memory_space<vmem_shared>> -> memref<48xf32, #tpu.memory_space<vmem_shared>>
        tpu.wait_dma2 semaphore(%arg39 : memref<!tpu.dma_semaphore, #tpu.memory_space<semaphore_mem>>) src(%arg25 : memref<48xf32, #tpu.memory_space<vmem>>) dst(%dma_wait3A_378 : memref<48xf32, #tpu.memory_space<vmem_shared>>)
        %dma_wait3A_379 = arith.constant 0 : i32
        %dma_wait3A_380 = arith.constant 0 : i32
        %dma_wait3A_381 = tpu.memref_slice %arg40[%dma_wait3A_379, %dma_wait3A_380] : memref<10240x128xf32, #tpu.memory_space<vmem_shared>> -> memref<48x128xf32, #tpu.memory_space<vmem_shared>>
        %dma_wait3A_382 = arith.constant 0 : i32
        %dma_wait3A_383 = arith.constant 0 : i32
        %dma_wait3A_384 = tpu.memref_slice %arg40[%dma_wait3A_382, %dma_wait3A_383] : memref<10240x128xf32, #tpu.memory_space<vmem_shared>> -> memref<48x128xf32, #tpu.memory_space<vmem_shared>>
        tpu.wait_dma2 semaphore(%arg38 : memref<!tpu.dma_semaphore, #tpu.memory_space<semaphore_mem>>) src(%arg33 : memref<48x128xf32, #tpu.memory_space<vmem>>) dst(%dma_wait3A_384 : memref<48x128xf32, #tpu.memory_space<vmem_shared>>)
      } else {
      }
      %add3A_304 = arith.constant 1 : i32
      %add3A_305 = arith.addi %add3A_279, %add3A_304 : i32
      %lt3A_306 = arith.constant 210 : i32
      %lt3A_307 = arith.cmpi slt, %add3A_305, %lt3A_306 : i32
      %convert_element_type3A_308 = arith.extui %lt3A_307 : i1 to i32
      %cond3A_309 = arith.constant 0 : i32
      %cond3A_310 = arith.cmpi ne, %convert_element_type3A_308, %cond3A_309 : i32
      scf.if %cond3A_310 {
        %add3A_375 = arith.constant 1 : i32
        %add3A_376 = arith.addi %add3A_279, %add3A_375 : i32
        %mul3A_377 = arith.constant 48 : i32
        %mul3A_378 = arith.muli %add3A_376, %mul3A_377 : i32
        %add3A_379 = arith.addi %mul3A_2, %mul3A_378 : i32
        %dma_start3A_380 = tpu.memref_slice %arg2[%add3A_379] : memref<322560xi32, #tpu.memory_space<hbm>> -> memref<48xi32, #tpu.memory_space<hbm>>
        %dma_start3A_381 = tpu.memref_slice %arg2[%add3A_379] : memref<322560xi32, #tpu.memory_space<hbm>> -> memref<48xi32, #tpu.memory_space<hbm>>
        tpu.enqueue_dma source(%dma_start3A_381 : memref<48xi32, #tpu.memory_space<hbm>>) target(%arg30 : memref<48xi32, #tpu.memory_space<vmem>>) target_semaphore(%arg36 : memref<!tpu.dma_semaphore, #tpu.memory_space<semaphore_mem>>)
        %dma_start3A_382 = tpu.memref_slice %arg3[%add3A_379] : memref<322560xi32, #tpu.memory_space<hbm>> -> memref<48xi32, #tpu.memory_space<hbm>>
        %dma_start3A_383 = tpu.memref_slice %arg3[%add3A_379] : memref<322560xi32, #tpu.memory_space<hbm>> -> memref<48xi32, #tpu.memory_space<hbm>>
        tpu.enqueue_dma source(%dma_start3A_383 : memref<48xi32, #tpu.memory_space<hbm>>) target(%arg27 : memref<48xi32, #tpu.memory_space<vmem>>) target_semaphore(%arg36 : memref<!tpu.dma_semaphore, #tpu.memory_space<semaphore_mem>>)
        %dma_start3A_384 = tpu.memref_slice %arg4[%add3A_379] : memref<322560xf32, #tpu.memory_space<hbm>> -> memref<48xf32, #tpu.memory_space<hbm>>
        %dma_start3A_385 = tpu.memref_slice %arg4[%add3A_379] : memref<322560xf32, #tpu.memory_space<hbm>> -> memref<48xf32, #tpu.memory_space<hbm>>
        tpu.enqueue_dma source(%dma_start3A_385 : memref<48xf32, #tpu.memory_space<hbm>>) target(%arg29 : memref<48xf32, #tpu.memory_space<vmem>>) target_semaphore(%arg36 : memref<!tpu.dma_semaphore, #tpu.memory_space<semaphore_mem>>)
        %dma_start3A_386 = tpu.memref_slice %arg5[%add3A_379] : memref<322560xf32, #tpu.memory_space<hbm>> -> memref<48xf32, #tpu.memory_space<hbm>>
        %dma_start3A_387 = tpu.memref_slice %arg5[%add3A_379] : memref<322560xf32, #tpu.memory_space<hbm>> -> memref<48xf32, #tpu.memory_space<hbm>>
        tpu.enqueue_dma source(%dma_start3A_387 : memref<48xf32, #tpu.memory_space<hbm>>) target(%arg28 : memref<48xf32, #tpu.memory_space<vmem>>) target_semaphore(%arg36 : memref<!tpu.dma_semaphore, #tpu.memory_space<semaphore_mem>>)
      } else {
      }
      %scan3A_311 = arith.constant 0 : i32
      %scan3A_312 = arith.constant 0 : i32
      %scan3A_313 = arith.constant 3 : i32
      %scan3A_314 = arith.addi %scan3A_312, %scan3A_313 : i32
      %scan3A_315 = arith.constant 1 : i32
      %scan3A_316 = scf.for %scan3A_375 = %scan3A_312 to %scan3A_314 step %scan3A_315 iter_args(%scan3A_376 = %scan3A_311) -> (i32)  : i32 {
        %mul3A_377 = arith.constant 16 : i32
        %mul3A_378 = arith.muli %scan3A_375, %mul3A_377 : i32
        %get3A = arith.index_cast %mul3A_378 : i32 to index
        %get3A_379 = tpu.vector_load %arg24[%get3A] {strides = array<i32>} : memref<48xi32, #tpu.memory_space<vmem>>, vector<16xi32>,
        %mul3A_380 = arith.constant 16 : i32
        %mul3A_381 = arith.muli %scan3A_375, %mul3A_380 : i32
        %get3A_382 = arith.index_cast %mul3A_381 : i32 to index
        %get3A_383 = tpu.vector_load %arg21[%get3A_382] {strides = array<i32>} : memref<48xi32, #tpu.memory_space<vmem>>, vector<16xi32>,
        %mul3A_384 = arith.constant 16 : i32
        %mul3A_385 = arith.muli %scan3A_375, %mul3A_384 : i32
        %get3A_386 = arith.index_cast %mul3A_385 : i32 to index
        %get3A_387 = tpu.vector_load %arg23[%get3A_386] {strides = array<i32>} : memref<48xf32, #tpu.memory_space<vmem>>, vector<16xf32>,
        %mul3A_388 = arith.constant 16 : i32
        %mul3A_389 = arith.muli %scan3A_375, %mul3A_388 : i32
        %get3A_390 = arith.index_cast %mul3A_389 : i32 to index
        %get3A_391 = tpu.vector_load %arg22[%get3A_390] {strides = array<i32>} : memref<48xf32, #tpu.memory_space<vmem>>, vector<16xf32>,
        %gather3A = tpu.vector_load_idx %arg11[%get3A_383] : memref<10240xf32, #tpu.memory_space<vmem>>[vector<16xi32>], vector<16xf32>,
        %gt3A = arith.constant 0.000000e+00 : f32
        %gt3A_392 = vector.broadcast %gt3A : f32 to vector<16xf32>
        %gt3A_393 = arith.cmpf ogt, %get3A_387, %gt3A_392 : vector<16xf32>
        %sub3A = arith.subf %get3A_391, %gather3A : vector<16xf32>
        %exp3A = math.exp %sub3A : vector<16xf32>
        %jit3A = arith.constant 0.000000e+00 : f32
        %broadcast_in_dim3A = vector.broadcast %jit3A : f32 to vector<16xf32>
        %select_n3A = arith.select %gt3A_393, %exp3A, %broadcast_in_dim3A : vector<16xi1>, vector<16xf32>
        %mul3A_394 = arith.constant 16 : i32
        %mul3A_395 = arith.muli %scan3A_375, %mul3A_394 : i32
        %swap3A = arith.index_cast %mul3A_395 : i32 to index
        %swap3A_396 = tpu.vector_load %arg19[%swap3A] {strides = array<i32>} : memref<48xf32, #tpu.memory_space<vmem>>, vector<16xf32>,
        tpu.vector_store %arg19[%swap3A], %select_n3A {strides = array<i32>} : memref<48xf32, #tpu.memory_space<vmem>>, vector<16xf32>,
        %gather3A_397 = tpu.vector_load_idx %arg12[%get3A_379] : memref<10240xf32, #tpu.memory_space<vmem>>[vector<16xi32>], vector<16xf32>,
        %mul3A_398 = arith.mulf %gather3A_397, %get3A_387 : vector<16xf32>
        %gather3A_399 = tpu.vector_load_idx %arg12[%get3A_383] : memref<10240xf32, #tpu.memory_space<vmem>>[vector<16xi32>], vector<16xf32>,
        %mul3A_400 = arith.mulf %mul3A_398, %gather3A_399 : vector<16xf32>
        %mul3A_401 = arith.constant 16 : i32
        %mul3A_402 = arith.muli %scan3A_375, %mul3A_401 : i32
        %swap3A_403 = arith.index_cast %mul3A_402 : i32 to index
        %swap3A_404 = tpu.vector_load %arg20[%swap3A_403] {strides = array<i32>} : memref<48xf32, #tpu.memory_space<vmem>>, vector<16xf32>,
        tpu.vector_store %arg20[%swap3A_403], %mul3A_400 {strides = array<i32>} : memref<48xf32, #tpu.memory_space<vmem>>, vector<16xf32>,
        %scan3A_405 = arith.constant 0 : i32
        scf.yield %scan3A_405 : i32
      }
      %scan3A_317 = arith.constant 3 : i32
      %dma_start3A_318 = arith.constant 0 : i32
      %dma_start3A_319 = tpu.memref_slice %arg41[%dma_start3A_318] : memref<10240xf32, #tpu.memory_space<vmem_shared>> -> memref<10240xf32, #tpu.memory_space<vmem_shared>>
      tpu.enqueue_indirect_dma source(%arg19 : memref<48xf32, #tpu.memory_space<vmem>>) target(%dma_start3A_319 : memref<10240xf32, #tpu.memory_space<vmem_shared>>) offsets(%arg21 : memref<48xi32, #tpu.memory_space<vmem>>) semaphore(%arg39 : memref<!tpu.dma_semaphore, #tpu.memory_space<semaphore_mem>>) {add = true}
      %ge3A_320 = arith.constant 1 : i32
      %ge3A_321 = arith.cmpi sge, %add3A_279, %ge3A_320 : i32
      %convert_element_type3A_322 = arith.extui %ge3A_321 : i1 to i32
      %cond3A_323 = arith.constant 0 : i32
      %cond3A_324 = arith.cmpi ne, %convert_element_type3A_322, %cond3A_323 : i32
      scf.if %cond3A_324 {
        %dma_wait3A_375 = arith.constant 0 : i32
        %dma_wait3A_376 = arith.constant 0 : i32
        %dma_wait3A_377 = tpu.memref_slice %arg8[%dma_wait3A_375, %dma_wait3A_376] : memref<10240x128xf32, #tpu.memory_space<hbm>> -> memref<10240x128xf32, #tpu.memory_space<hbm>>
        tpu.wait_indirect_dma semaphore(%arg37 : memref<!tpu.dma_semaphore, #tpu.memory_space<semaphore_mem>>) src(%dma_wait3A_377 : memref<10240x128xf32, #tpu.memory_space<hbm>>) dst(%arg32 : memref<48x128xf32, #tpu.memory_space<vmem>>)
        %scan3A_378 = arith.constant 0 : i32
        %scan3A_379 = arith.constant 0 : i32
        %scan3A_380 = arith.constant 3 : i32
        %scan3A_381 = arith.addi %scan3A_379, %scan3A_380 : i32
        %scan3A_382 = arith.constant 1 : i32
        %scan3A_383 = scf.for %scan3A_388 = %scan3A_379 to %scan3A_381 step %scan3A_382 iter_args(%scan3A_389 = %scan3A_378) -> (i32)  : i32 {
          %mul3A_390 = arith.constant 16 : i32
          %mul3A_391 = arith.muli %scan3A_388, %mul3A_390 : i32
          %add3A_392 = vector.broadcast %mul3A_391 : i32 to vector<16xi32>
          %add3A_393 = arith.addi %add3A_392, %iota3A : vector<16xi32>
          %mul3A_394 = arith.constant 16 : i32
          %mul3A_395 = arith.muli %scan3A_388, %mul3A_394 : i32
          %get3A = arith.index_cast %mul3A_395 : i32 to index
          %get3A_396 = tpu.vector_load %arg13[%get3A] {strides = array<i32>} : memref<48xf32, #tpu.memory_space<vmem>>, vector<16xf32>,
          %mul3A_397 = arith.constant 16 : i32
          %mul3A_398 = arith.muli %scan3A_388, %mul3A_397 : i32
          %get3A_399 = arith.index_cast %mul3A_398 : i32 to index
          %get3A_400 = tpu.vector_load %arg14[%get3A_399] {strides = array<i32>} : memref<48xf32, #tpu.memory_space<vmem>>, vector<16xf32>,
          %scan3A_401 = arith.constant 0 : i32
          %scan3A_402 = arith.constant 0 : i32
          %scan3A_403 = arith.constant 16 : i32
          %scan3A_404 = arith.addi %scan3A_402, %scan3A_403 : i32
          %scan3A_405 = arith.constant 1 : i32
          %scan3A_406 = scf.for %scan3A_409 = %scan3A_402 to %scan3A_404 step %scan3A_405 iter_args(%scan3A_410 = %scan3A_401) -> (i32)  : i32 {
            %mul3A_411 = arith.constant 4 : i32
            %mul3A_412 = arith.muli %scan3A_409, %mul3A_411 : i32
            %add3A_413 = arith.constant 0 : i32
            %add3A_414 = arith.addi %mul3A_412, %add3A_413 : i32
            %add3A_415 = vector.broadcast %add3A_414 : i32 to vector<16xi32>
            %add3A_416 = arith.addi %iota3A, %add3A_415 : vector<16xi32>
            %and3A = arith.constant 63 : i32
            %and3A_417 = vector.broadcast %and3A : i32 to vector<16xi32>
            %and3A_418 = arith.andi %add3A_416, %and3A_417 : vector<16xi32>
            %gather3A = tpu.vector_load_idx %arg32[%add3A_393, %and3A_418] : memref<48x128xf32, #tpu.memory_space<vmem>>[vector<16xi32>, vector<16xi32>], vector<16xf32>,
            %mul3A_419 = arith.mulf %gather3A, %get3A_396 : vector<16xf32>
            tpu.vector_store_idx %arg34[%add3A_393, %and3A_418], %mul3A_419 : memref<48x128xf32, #tpu.memory_space<vmem>>[vector<16xi32>, vector<16xi32>], vector<16xf32>,
            %add3A_420 = arith.constant 64 : i32
            %add3A_421 = vector.broadcast %add3A_420 : i32 to vector<16xi32>
            %add3A_422 = arith.addi %and3A_418, %add3A_421 : vector<16xi32>
            %gather3A_423 = tpu.vector_load_idx %arg32[%add3A_393, %add3A_422] : memref<48x128xf32, #tpu.memory_space<vmem>>[vector<16xi32>, vector<16xi32>], vector<16xf32>,
            %mul3A_424 = arith.mulf %gather3A_423, %get3A_400 : vector<16xf32>
            tpu.vector_store_idx %arg34[%add3A_393, %add3A_422], %mul3A_424 : memref<48x128xf32, #tpu.memory_space<vmem>>[vector<16xi32>, vector<16xi32>], vector<16xf32>,
            %mul3A_425 = arith.constant 4 : i32
            %mul3A_426 = arith.muli %scan3A_409, %mul3A_425 : i32
            %add3A_427 = arith.constant 1 : i32
            %add3A_428 = arith.addi %mul3A_426, %add3A_427 : i32
            %add3A_429 = vector.broadcast %add3A_428 : i32 to vector<16xi32>
            %add3A_430 = arith.addi %iota3A, %add3A_429 : vector<16xi32>
            %and3A_431 = arith.constant 63 : i32
            %and3A_432 = vector.broadcast %and3A_431 : i32 to vector<16xi32>
            %and3A_433 = arith.andi %add3A_430, %and3A_432 : vector<16xi32>
            %gather3A_434 = tpu.vector_load_idx %arg32[%add3A_393, %and3A_433] : memref<48x128xf32, #tpu.memory_space<vmem>>[vector<16xi32>, vector<16xi32>], vector<16xf32>,
            %mul3A_435 = arith.mulf %gather3A_434, %get3A_396 : vector<16xf32>
            tpu.vector_store_idx %arg34[%add3A_393, %and3A_433], %mul3A_435 : memref<48x128xf32, #tpu.memory_space<vmem>>[vector<16xi32>, vector<16xi32>], vector<16xf32>,
            %add3A_436 = arith.constant 64 : i32
            %add3A_437 = vector.broadcast %add3A_436 : i32 to vector<16xi32>
            %add3A_438 = arith.addi %and3A_433, %add3A_437 : vector<16xi32>
            %gather3A_439 = tpu.vector_load_idx %arg32[%add3A_393, %add3A_438] : memref<48x128xf32, #tpu.memory_space<vmem>>[vector<16xi32>, vector<16xi32>], vector<16xf32>,
            %mul3A_440 = arith.mulf %gather3A_439, %get3A_400 : vector<16xf32>
            tpu.vector_store_idx %arg34[%add3A_393, %add3A_438], %mul3A_440 : memref<48x128xf32, #tpu.memory_space<vmem>>[vector<16xi32>, vector<16xi32>], vector<16xf32>,
            %mul3A_441 = arith.constant 4 : i32
            %mul3A_442 = arith.muli %scan3A_409, %mul3A_441 : i32
            %add3A_443 = arith.constant 2 : i32
            %add3A_444 = arith.addi %mul3A_442, %add3A_443 : i32
            %add3A_445 = vector.broadcast %add3A_444 : i32 to vector<16xi32>
            %add3A_446 = arith.addi %iota3A, %add3A_445 : vector<16xi32>
            %and3A_447 = arith.constant 63 : i32
            %and3A_448 = vector.broadcast %and3A_447 : i32 to vector<16xi32>
            %and3A_449 = arith.andi %add3A_446, %and3A_448 : vector<16xi32>
            %gather3A_450 = tpu.vector_load_idx %arg32[%add3A_393, %and3A_449] : memref<48x128xf32, #tpu.memory_space<vmem>>[vector<16xi32>, vector<16xi32>], vector<16xf32>,
            %mul3A_451 = arith.mulf %gather3A_450, %get3A_396 : vector<16xf32>
            tpu.vector_store_idx %arg34[%add3A_393, %and3A_449], %mul3A_451 : memref<48x128xf32, #tpu.memory_space<vmem>>[vector<16xi32>, vector<16xi32>], vector<16xf32>,
            %add3A_452 = arith.constant 64 : i32
            %add3A_453 = vector.broadcast %add3A_452 : i32 to vector<16xi32>
            %add3A_454 = arith.addi %and3A_449, %add3A_453 : vector<16xi32>
            %gather3A_455 = tpu.vector_load_idx %arg32[%add3A_393, %add3A_454] : memref<48x128xf32, #tpu.memory_space<vmem>>[vector<16xi32>, vector<16xi32>], vector<16xf32>,
            %mul3A_456 = arith.mulf %gather3A_455, %get3A_400 : vector<16xf32>
            tpu.vector_store_idx %arg34[%add3A_393, %add3A_454], %mul3A_456 : memref<48x128xf32, #tpu.memory_space<vmem>>[vector<16xi32>, vector<16xi32>], vector<16xf32>,
            %mul3A_457 = arith.constant 4 : i32
            %mul3A_458 = arith.muli %scan3A_409, %mul3A_457 : i32
            %add3A_459 = arith.constant 3 : i32
            %add3A_460 = arith.addi %mul3A_458, %add3A_459 : i32
            %add3A_461 = vector.broadcast %add3A_460 : i32 to vector<16xi32>
            %add3A_462 = arith.addi %iota3A, %add3A_461 : vector<16xi32>
            %and3A_463 = arith.constant 63 : i32
            %and3A_464 = vector.broadcast %and3A_463 : i32 to vector<16xi32>
            %and3A_465 = arith.andi %add3A_462, %and3A_464 : vector<16xi32>
            %gather3A_466 = tpu.vector_load_idx %arg32[%add3A_393, %and3A_465] : memref<48x128xf32, #tpu.memory_space<vmem>>[vector<16xi32>, vector<16xi32>], vector<16xf32>,
            %mul3A_467 = arith.mulf %gather3A_466, %get3A_396 : vector<16xf32>
            tpu.vector_store_idx %arg34[%add3A_393, %and3A_465], %mul3A_467 : memref<48x128xf32, #tpu.memory_space<vmem>>[vector<16xi32>, vector<16xi32>], vector<16xf32>,
            %add3A_468 = arith.constant 64 : i32
            %add3A_469 = vector.broadcast %add3A_468 : i32 to vector<16xi32>
            %add3A_470 = arith.addi %and3A_465, %add3A_469 : vector<16xi32>
            %gather3A_471 = tpu.vector_load_idx %arg32[%add3A_393, %add3A_470] : memref<48x128xf32, #tpu.memory_space<vmem>>[vector<16xi32>, vector<16xi32>], vector<16xf32>,
            %mul3A_472 = arith.mulf %gather3A_471, %get3A_400 : vector<16xf32>
            tpu.vector_store_idx %arg34[%add3A_393, %add3A_470], %mul3A_472 : memref<48x128xf32, #tpu.memory_space<vmem>>[vector<16xi32>, vector<16xi32>], vector<16xf32>,
            %scan3A_473 = arith.constant 0 : i32
            scf.yield %scan3A_473 : i32
          }
          %scan3A_407 = arith.constant 16 : i32
          %scan3A_408 = arith.constant 0 : i32
          scf.yield %scan3A_408 : i32
        }
        %scan3A_384 = arith.constant 3 : i32
        %dma_start3A_385 = arith.constant 0 : i32
        %dma_start3A_386 = arith.constant 0 : i32
        %dma_start3A_387 = tpu.memref_slice %arg40[%dma_start3A_385, %dma_start3A_386] : memref<10240x128xf32, #tpu.memory_space<vmem_shared>> -> memref<10240x128xf32, #tpu.memory_space<vmem_shared>>
        tpu.enqueue_indirect_dma source(%arg34 : memref<48x128xf32, #tpu.memory_space<vmem>>) target(%dma_start3A_387 : memref<10240x128xf32, #tpu.memory_space<vmem_shared>>) offsets(%arg15 : memref<48xi32, #tpu.memory_space<vmem>>) semaphore(%arg38 : memref<!tpu.dma_semaphore, #tpu.memory_space<semaphore_mem>>) {add = true}
      } else {
      }
      %mul3A_325 = arith.constant 6 : i32
      %mul3A_326 = arith.muli %mul3A_325, %scan3A_82 : i32
      %add3A_327 = arith.constant 5 : i32
      %add3A_328 = arith.addi %mul3A_326, %add3A_327 : i32
      %dma_wait3A_329 = arith.constant 0 : i32
      %dma_wait3A_330 = tpu.memref_slice %arg2[%dma_wait3A_329] : memref<322560xi32, #tpu.memory_space<hbm>> -> memref<48xi32, #tpu.memory_space<hbm>>
      %dma_wait3A_331 = arith.constant 0 : i32
      %dma_wait3A_332 = tpu.memref_slice %arg2[%dma_wait3A_331] : memref<322560xi32, #tpu.memory_space<hbm>> -> memref<48xi32, #tpu.memory_space<hbm>>
      tpu.wait_dma2 semaphore(%arg36 : memref<!tpu.dma_semaphore, #tpu.memory_space<semaphore_mem>>) src(%dma_wait3A_332 : memref<48xi32, #tpu.memory_space<hbm>>) dst(%arg30 : memref<48xi32, #tpu.memory_space<vmem>>)
      %dma_wait3A_333 = arith.constant 0 : i32
      %dma_wait3A_334 = tpu.memref_slice %arg3[%dma_wait3A_333] : memref<322560xi32, #tpu.memory_space<hbm>> -> memref<48xi32, #tpu.memory_space<hbm>>
      %dma_wait3A_335 = arith.constant 0 : i32
      %dma_wait3A_336 = tpu.memref_slice %arg3[%dma_wait3A_335] : memref<322560xi32, #tpu.memory_space<hbm>> -> memref<48xi32, #tpu.memory_space<hbm>>
      tpu.wait_dma2 semaphore(%arg36 : memref<!tpu.dma_semaphore, #tpu.memory_space<semaphore_mem>>) src(%dma_wait3A_336 : memref<48xi32, #tpu.memory_space<hbm>>) dst(%arg27 : memref<48xi32, #tpu.memory_space<vmem>>)
      %dma_wait3A_337 = arith.constant 0 : i32
      %dma_wait3A_338 = tpu.memref_slice %arg4[%dma_wait3A_337] : memref<322560xf32, #tpu.memory_space<hbm>> -> memref<48xf32, #tpu.memory_space<hbm>>
      %dma_wait3A_339 = arith.constant 0 : i32
      %dma_wait3A_340 = tpu.memref_slice %arg4[%dma_wait3A_339] : memref<322560xf32, #tpu.memory_space<hbm>> -> memref<48xf32, #tpu.memory_space<hbm>>
      tpu.wait_dma2 semaphore(%arg36 : memref<!tpu.dma_semaphore, #tpu.memory_space<semaphore_mem>>) src(%dma_wait3A_340 : memref<48xf32, #tpu.memory_space<hbm>>) dst(%arg29 : memref<48xf32, #tpu.memory_space<vmem>>)
      %dma_wait3A_341 = arith.constant 0 : i32
      %dma_wait3A_342 = tpu.memref_slice %arg5[%dma_wait3A_341] : memref<322560xf32, #tpu.memory_space<hbm>> -> memref<48xf32, #tpu.memory_space<hbm>>
      %dma_wait3A_343 = arith.constant 0 : i32
      %dma_wait3A_344 = tpu.memref_slice %arg5[%dma_wait3A_343] : memref<322560xf32, #tpu.memory_space<hbm>> -> memref<48xf32, #tpu.memory_space<hbm>>
      tpu.wait_dma2 semaphore(%arg36 : memref<!tpu.dma_semaphore, #tpu.memory_space<semaphore_mem>>) src(%dma_wait3A_344 : memref<48xf32, #tpu.memory_space<hbm>>) dst(%arg28 : memref<48xf32, #tpu.memory_space<vmem>>)
      %dma_start3A_345 = arith.constant 0 : i32
      %dma_start3A_346 = arith.constant 0 : i32
      %dma_start3A_347 = tpu.memref_slice %arg8[%dma_start3A_345, %dma_start3A_346] : memref<10240x128xf32, #tpu.memory_space<hbm>> -> memref<10240x128xf32, #tpu.memory_space<hbm>>
      tpu.enqueue_indirect_dma source(%dma_start3A_347 : memref<10240x128xf32, #tpu.memory_space<hbm>>) target(%arg32 : memref<48x128xf32, #tpu.memory_space<vmem>>) offsets(%arg30 : memref<48xi32, #tpu.memory_space<vmem>>) semaphore(%arg37 : memref<!tpu.dma_semaphore, #tpu.memory_space<semaphore_mem>>)
      %ge3A_348 = arith.constant 2 : i32
      %ge3A_349 = arith.cmpi sge, %add3A_328, %ge3A_348 : i32
      %convert_element_type3A_350 = arith.extui %ge3A_349 : i1 to i32
      %cond3A_351 = arith.constant 0 : i32
      %cond3A_352 = arith.cmpi ne, %convert_element_type3A_350, %cond3A_351 : i32
      scf.if %cond3A_352 {
        %dma_wait3A_375 = arith.constant 0 : i32
        %dma_wait3A_376 = tpu.memref_slice %arg41[%dma_wait3A_375] : memref<10240xf32, #tpu.memory_space<vmem_shared>> -> memref<48xf32, #tpu.memory_space<vmem_shared>>
        %dma_wait3A_377 = arith.constant 0 : i32
        %dma_wait3A_378 = tpu.memref_slice %arg41[%dma_wait3A_377] : memref<10240xf32, #tpu.memory_space<vmem_shared>> -> memref<48xf32, #tpu.memory_space<vmem_shared>>
        tpu.wait_dma2 semaphore(%arg39 : memref<!tpu.dma_semaphore, #tpu.memory_space<semaphore_mem>>) src(%arg13 : memref<48xf32, #tpu.memory_space<vmem>>) dst(%dma_wait3A_378 : memref<48xf32, #tpu.memory_space<vmem_shared>>)
        %dma_wait3A_379 = arith.constant 0 : i32
        %dma_wait3A_380 = arith.constant 0 : i32
        %dma_wait3A_381 = tpu.memref_slice %arg40[%dma_wait3A_379, %dma_wait3A_380] : memref<10240x128xf32, #tpu.memory_space<vmem_shared>> -> memref<48x128xf32, #tpu.memory_space<vmem_shared>>
        %dma_wait3A_382 = arith.constant 0 : i32
        %dma_wait3A_383 = arith.constant 0 : i32
        %dma_wait3A_384 = tpu.memref_slice %arg40[%dma_wait3A_382, %dma_wait3A_383] : memref<10240x128xf32, #tpu.memory_space<vmem_shared>> -> memref<48x128xf32, #tpu.memory_space<vmem_shared>>
        tpu.wait_dma2 semaphore(%arg38 : memref<!tpu.dma_semaphore, #tpu.memory_space<semaphore_mem>>) src(%arg34 : memref<48x128xf32, #tpu.memory_space<vmem>>) dst(%dma_wait3A_384 : memref<48x128xf32, #tpu.memory_space<vmem_shared>>)
      } else {
      }
      %add3A_353 = arith.constant 1 : i32
      %add3A_354 = arith.addi %add3A_328, %add3A_353 : i32
      %lt3A_355 = arith.constant 210 : i32
      %lt3A_356 = arith.cmpi slt, %add3A_354, %lt3A_355 : i32
      %convert_element_type3A_357 = arith.extui %lt3A_356 : i1 to i32
      %cond3A_358 = arith.constant 0 : i32
      %cond3A_359 = arith.cmpi ne, %convert_element_type3A_357, %cond3A_358 : i32
      scf.if %cond3A_359 {
        %add3A_375 = arith.constant 1 : i32
        %add3A_376 = arith.addi %add3A_328, %add3A_375 : i32
        %mul3A_377 = arith.constant 48 : i32
        %mul3A_378 = arith.muli %add3A_376, %mul3A_377 : i32
        %add3A_379 = arith.addi %mul3A_2, %mul3A_378 : i32
        %dma_start3A_380 = tpu.memref_slice %arg2[%add3A_379] : memref<322560xi32, #tpu.memory_space<hbm>> -> memref<48xi32, #tpu.memory_space<hbm>>
        %dma_start3A_381 = tpu.memref_slice %arg2[%add3A_379] : memref<322560xi32, #tpu.memory_space<hbm>> -> memref<48xi32, #tpu.memory_space<hbm>>
        tpu.enqueue_dma source(%dma_start3A_381 : memref<48xi32, #tpu.memory_space<hbm>>) target(%arg18 : memref<48xi32, #tpu.memory_space<vmem>>) target_semaphore(%arg36 : memref<!tpu.dma_semaphore, #tpu.memory_space<semaphore_mem>>)
        %dma_start3A_382 = tpu.memref_slice %arg3[%add3A_379] : memref<322560xi32, #tpu.memory_space<hbm>> -> memref<48xi32, #tpu.memory_space<hbm>>
        %dma_start3A_383 = tpu.memref_slice %arg3[%add3A_379] : memref<322560xi32, #tpu.memory_space<hbm>> -> memref<48xi32, #tpu.memory_space<hbm>>
        tpu.enqueue_dma source(%dma_start3A_383 : memref<48xi32, #tpu.memory_space<hbm>>) target(%arg15 : memref<48xi32, #tpu.memory_space<vmem>>) target_semaphore(%arg36 : memref<!tpu.dma_semaphore, #tpu.memory_space<semaphore_mem>>)
        %dma_start3A_384 = tpu.memref_slice %arg4[%add3A_379] : memref<322560xf32, #tpu.memory_space<hbm>> -> memref<48xf32, #tpu.memory_space<hbm>>
        %dma_start3A_385 = tpu.memref_slice %arg4[%add3A_379] : memref<322560xf32, #tpu.memory_space<hbm>> -> memref<48xf32, #tpu.memory_space<hbm>>
        tpu.enqueue_dma source(%dma_start3A_385 : memref<48xf32, #tpu.memory_space<hbm>>) target(%arg17 : memref<48xf32, #tpu.memory_space<vmem>>) target_semaphore(%arg36 : memref<!tpu.dma_semaphore, #tpu.memory_space<semaphore_mem>>)
        %dma_start3A_386 = tpu.memref_slice %arg5[%add3A_379] : memref<322560xf32, #tpu.memory_space<hbm>> -> memref<48xf32, #tpu.memory_space<hbm>>
        %dma_start3A_387 = tpu.memref_slice %arg5[%add3A_379] : memref<322560xf32, #tpu.memory_space<hbm>> -> memref<48xf32, #tpu.memory_space<hbm>>
        tpu.enqueue_dma source(%dma_start3A_387 : memref<48xf32, #tpu.memory_space<hbm>>) target(%arg16 : memref<48xf32, #tpu.memory_space<vmem>>) target_semaphore(%arg36 : memref<!tpu.dma_semaphore, #tpu.memory_space<semaphore_mem>>)
      } else {
      }
      %scan3A_360 = arith.constant 0 : i32
      %scan3A_361 = arith.constant 0 : i32
      %scan3A_362 = arith.constant 3 : i32
      %scan3A_363 = arith.addi %scan3A_361, %scan3A_362 : i32
      %scan3A_364 = arith.constant 1 : i32
      %scan3A_365 = scf.for %scan3A_375 = %scan3A_361 to %scan3A_363 step %scan3A_364 iter_args(%scan3A_376 = %scan3A_360) -> (i32)  : i32 {
        %mul3A_377 = arith.constant 16 : i32
        %mul3A_378 = arith.muli %scan3A_375, %mul3A_377 : i32
        %get3A = arith.index_cast %mul3A_378 : i32 to index
        %get3A_379 = tpu.vector_load %arg30[%get3A] {strides = array<i32>} : memref<48xi32, #tpu.memory_space<vmem>>, vector<16xi32>,
        %mul3A_380 = arith.constant 16 : i32
        %mul3A_381 = arith.muli %scan3A_375, %mul3A_380 : i32
        %get3A_382 = arith.index_cast %mul3A_381 : i32 to index
        %get3A_383 = tpu.vector_load %arg27[%get3A_382] {strides = array<i32>} : memref<48xi32, #tpu.memory_space<vmem>>, vector<16xi32>,
        %mul3A_384 = arith.constant 16 : i32
        %mul3A_385 = arith.muli %scan3A_375, %mul3A_384 : i32
        %get3A_386 = arith.index_cast %mul3A_385 : i32 to index
        %get3A_387 = tpu.vector_load %arg29[%get3A_386] {strides = array<i32>} : memref<48xf32, #tpu.memory_space<vmem>>, vector<16xf32>,
        %mul3A_388 = arith.constant 16 : i32
        %mul3A_389 = arith.muli %scan3A_375, %mul3A_388 : i32
        %get3A_390 = arith.index_cast %mul3A_389 : i32 to index
        %get3A_391 = tpu.vector_load %arg28[%get3A_390] {strides = array<i32>} : memref<48xf32, #tpu.memory_space<vmem>>, vector<16xf32>,
        %gather3A = tpu.vector_load_idx %arg11[%get3A_383] : memref<10240xf32, #tpu.memory_space<vmem>>[vector<16xi32>], vector<16xf32>,
        %gt3A = arith.constant 0.000000e+00 : f32
        %gt3A_392 = vector.broadcast %gt3A : f32 to vector<16xf32>
        %gt3A_393 = arith.cmpf ogt, %get3A_387, %gt3A_392 : vector<16xf32>
        %sub3A = arith.subf %get3A_391, %gather3A : vector<16xf32>
        %exp3A = math.exp %sub3A : vector<16xf32>
        %jit3A = arith.constant 0.000000e+00 : f32
        %broadcast_in_dim3A = vector.broadcast %jit3A : f32 to vector<16xf32>
        %select_n3A = arith.select %gt3A_393, %exp3A, %broadcast_in_dim3A : vector<16xi1>, vector<16xf32>
        %mul3A_394 = arith.constant 16 : i32
        %mul3A_395 = arith.muli %scan3A_375, %mul3A_394 : i32
        %swap3A = arith.index_cast %mul3A_395 : i32 to index
        %swap3A_396 = tpu.vector_load %arg25[%swap3A] {strides = array<i32>} : memref<48xf32, #tpu.memory_space<vmem>>, vector<16xf32>,
        tpu.vector_store %arg25[%swap3A], %select_n3A {strides = array<i32>} : memref<48xf32, #tpu.memory_space<vmem>>, vector<16xf32>,
        %gather3A_397 = tpu.vector_load_idx %arg12[%get3A_379] : memref<10240xf32, #tpu.memory_space<vmem>>[vector<16xi32>], vector<16xf32>,
        %mul3A_398 = arith.mulf %gather3A_397, %get3A_387 : vector<16xf32>
        %gather3A_399 = tpu.vector_load_idx %arg12[%get3A_383] : memref<10240xf32, #tpu.memory_space<vmem>>[vector<16xi32>], vector<16xf32>,
        %mul3A_400 = arith.mulf %mul3A_398, %gather3A_399 : vector<16xf32>
        %mul3A_401 = arith.constant 16 : i32
        %mul3A_402 = arith.muli %scan3A_375, %mul3A_401 : i32
        %swap3A_403 = arith.index_cast %mul3A_402 : i32 to index
        %swap3A_404 = tpu.vector_load %arg26[%swap3A_403] {strides = array<i32>} : memref<48xf32, #tpu.memory_space<vmem>>, vector<16xf32>,
        tpu.vector_store %arg26[%swap3A_403], %mul3A_400 {strides = array<i32>} : memref<48xf32, #tpu.memory_space<vmem>>, vector<16xf32>,
        %scan3A_405 = arith.constant 0 : i32
        scf.yield %scan3A_405 : i32
      }
      %scan3A_366 = arith.constant 3 : i32
      %dma_start3A_367 = arith.constant 0 : i32
      %dma_start3A_368 = tpu.memref_slice %arg41[%dma_start3A_367] : memref<10240xf32, #tpu.memory_space<vmem_shared>> -> memref<10240xf32, #tpu.memory_space<vmem_shared>>
      tpu.enqueue_indirect_dma source(%arg25 : memref<48xf32, #tpu.memory_space<vmem>>) target(%dma_start3A_368 : memref<10240xf32, #tpu.memory_space<vmem_shared>>) offsets(%arg27 : memref<48xi32, #tpu.memory_space<vmem>>) semaphore(%arg39 : memref<!tpu.dma_semaphore, #tpu.memory_space<semaphore_mem>>) {add = true}
      %ge3A_369 = arith.constant 1 : i32
      %ge3A_370 = arith.cmpi sge, %add3A_328, %ge3A_369 : i32
      %convert_element_type3A_371 = arith.extui %ge3A_370 : i1 to i32
      %cond3A_372 = arith.constant 0 : i32
      %cond3A_373 = arith.cmpi ne, %convert_element_type3A_371, %cond3A_372 : i32
      scf.if %cond3A_373 {
        %dma_wait3A_375 = arith.constant 0 : i32
        %dma_wait3A_376 = arith.constant 0 : i32
        %dma_wait3A_377 = tpu.memref_slice %arg8[%dma_wait3A_375, %dma_wait3A_376] : memref<10240x128xf32, #tpu.memory_space<hbm>> -> memref<10240x128xf32, #tpu.memory_space<hbm>>
        tpu.wait_indirect_dma semaphore(%arg37 : memref<!tpu.dma_semaphore, #tpu.memory_space<semaphore_mem>>) src(%dma_wait3A_377 : memref<10240x128xf32, #tpu.memory_space<hbm>>) dst(%arg31 : memref<48x128xf32, #tpu.memory_space<vmem>>)
        %scan3A_378 = arith.constant 0 : i32
        %scan3A_379 = arith.constant 0 : i32
        %scan3A_380 = arith.constant 3 : i32
        %scan3A_381 = arith.addi %scan3A_379, %scan3A_380 : i32
        %scan3A_382 = arith.constant 1 : i32
        %scan3A_383 = scf.for %scan3A_388 = %scan3A_379 to %scan3A_381 step %scan3A_382 iter_args(%scan3A_389 = %scan3A_378) -> (i32)  : i32 {
          %mul3A_390 = arith.constant 16 : i32
          %mul3A_391 = arith.muli %scan3A_388, %mul3A_390 : i32
          %add3A_392 = vector.broadcast %mul3A_391 : i32 to vector<16xi32>
          %add3A_393 = arith.addi %add3A_392, %iota3A : vector<16xi32>
          %mul3A_394 = arith.constant 16 : i32
          %mul3A_395 = arith.muli %scan3A_388, %mul3A_394 : i32
          %get3A = arith.index_cast %mul3A_395 : i32 to index
          %get3A_396 = tpu.vector_load %arg19[%get3A] {strides = array<i32>} : memref<48xf32, #tpu.memory_space<vmem>>, vector<16xf32>,
          %mul3A_397 = arith.constant 16 : i32
          %mul3A_398 = arith.muli %scan3A_388, %mul3A_397 : i32
          %get3A_399 = arith.index_cast %mul3A_398 : i32 to index
          %get3A_400 = tpu.vector_load %arg20[%get3A_399] {strides = array<i32>} : memref<48xf32, #tpu.memory_space<vmem>>, vector<16xf32>,
          %scan3A_401 = arith.constant 0 : i32
          %scan3A_402 = arith.constant 0 : i32
          %scan3A_403 = arith.constant 16 : i32
          %scan3A_404 = arith.addi %scan3A_402, %scan3A_403 : i32
          %scan3A_405 = arith.constant 1 : i32
          %scan3A_406 = scf.for %scan3A_409 = %scan3A_402 to %scan3A_404 step %scan3A_405 iter_args(%scan3A_410 = %scan3A_401) -> (i32)  : i32 {
            %mul3A_411 = arith.constant 4 : i32
            %mul3A_412 = arith.muli %scan3A_409, %mul3A_411 : i32
            %add3A_413 = arith.constant 0 : i32
            %add3A_414 = arith.addi %mul3A_412, %add3A_413 : i32
            %add3A_415 = vector.broadcast %add3A_414 : i32 to vector<16xi32>
            %add3A_416 = arith.addi %iota3A, %add3A_415 : vector<16xi32>
            %and3A = arith.constant 63 : i32
            %and3A_417 = vector.broadcast %and3A : i32 to vector<16xi32>
            %and3A_418 = arith.andi %add3A_416, %and3A_417 : vector<16xi32>
            %gather3A = tpu.vector_load_idx %arg31[%add3A_393, %and3A_418] : memref<48x128xf32, #tpu.memory_space<vmem>>[vector<16xi32>, vector<16xi32>], vector<16xf32>,
            %mul3A_419 = arith.mulf %gather3A, %get3A_396 : vector<16xf32>
            tpu.vector_store_idx %arg33[%add3A_393, %and3A_418], %mul3A_419 : memref<48x128xf32, #tpu.memory_space<vmem>>[vector<16xi32>, vector<16xi32>], vector<16xf32>,
            %add3A_420 = arith.constant 64 : i32
            %add3A_421 = vector.broadcast %add3A_420 : i32 to vector<16xi32>
            %add3A_422 = arith.addi %and3A_418, %add3A_421 : vector<16xi32>
            %gather3A_423 = tpu.vector_load_idx %arg31[%add3A_393, %add3A_422] : memref<48x128xf32, #tpu.memory_space<vmem>>[vector<16xi32>, vector<16xi32>], vector<16xf32>,
            %mul3A_424 = arith.mulf %gather3A_423, %get3A_400 : vector<16xf32>
            tpu.vector_store_idx %arg33[%add3A_393, %add3A_422], %mul3A_424 : memref<48x128xf32, #tpu.memory_space<vmem>>[vector<16xi32>, vector<16xi32>], vector<16xf32>,
            %mul3A_425 = arith.constant 4 : i32
            %mul3A_426 = arith.muli %scan3A_409, %mul3A_425 : i32
            %add3A_427 = arith.constant 1 : i32
            %add3A_428 = arith.addi %mul3A_426, %add3A_427 : i32
            %add3A_429 = vector.broadcast %add3A_428 : i32 to vector<16xi32>
            %add3A_430 = arith.addi %iota3A, %add3A_429 : vector<16xi32>
            %and3A_431 = arith.constant 63 : i32
            %and3A_432 = vector.broadcast %and3A_431 : i32 to vector<16xi32>
            %and3A_433 = arith.andi %add3A_430, %and3A_432 : vector<16xi32>
            %gather3A_434 = tpu.vector_load_idx %arg31[%add3A_393, %and3A_433] : memref<48x128xf32, #tpu.memory_space<vmem>>[vector<16xi32>, vector<16xi32>], vector<16xf32>,
            %mul3A_435 = arith.mulf %gather3A_434, %get3A_396 : vector<16xf32>
            tpu.vector_store_idx %arg33[%add3A_393, %and3A_433], %mul3A_435 : memref<48x128xf32, #tpu.memory_space<vmem>>[vector<16xi32>, vector<16xi32>], vector<16xf32>,
            %add3A_436 = arith.constant 64 : i32
            %add3A_437 = vector.broadcast %add3A_436 : i32 to vector<16xi32>
            %add3A_438 = arith.addi %and3A_433, %add3A_437 : vector<16xi32>
            %gather3A_439 = tpu.vector_load_idx %arg31[%add3A_393, %add3A_438] : memref<48x128xf32, #tpu.memory_space<vmem>>[vector<16xi32>, vector<16xi32>], vector<16xf32>,
            %mul3A_440 = arith.mulf %gather3A_439, %get3A_400 : vector<16xf32>
            tpu.vector_store_idx %arg33[%add3A_393, %add3A_438], %mul3A_440 : memref<48x128xf32, #tpu.memory_space<vmem>>[vector<16xi32>, vector<16xi32>], vector<16xf32>,
            %mul3A_441 = arith.constant 4 : i32
            %mul3A_442 = arith.muli %scan3A_409, %mul3A_441 : i32
            %add3A_443 = arith.constant 2 : i32
            %add3A_444 = arith.addi %mul3A_442, %add3A_443 : i32
            %add3A_445 = vector.broadcast %add3A_444 : i32 to vector<16xi32>
            %add3A_446 = arith.addi %iota3A, %add3A_445 : vector<16xi32>
            %and3A_447 = arith.constant 63 : i32
            %and3A_448 = vector.broadcast %and3A_447 : i32 to vector<16xi32>
            %and3A_449 = arith.andi %add3A_446, %and3A_448 : vector<16xi32>
            %gather3A_450 = tpu.vector_load_idx %arg31[%add3A_393, %and3A_449] : memref<48x128xf32, #tpu.memory_space<vmem>>[vector<16xi32>, vector<16xi32>], vector<16xf32>,
            %mul3A_451 = arith.mulf %gather3A_450, %get3A_396 : vector<16xf32>
            tpu.vector_store_idx %arg33[%add3A_393, %and3A_449], %mul3A_451 : memref<48x128xf32, #tpu.memory_space<vmem>>[vector<16xi32>, vector<16xi32>], vector<16xf32>,
            %add3A_452 = arith.constant 64 : i32
            %add3A_453 = vector.broadcast %add3A_452 : i32 to vector<16xi32>
            %add3A_454 = arith.addi %and3A_449, %add3A_453 : vector<16xi32>
            %gather3A_455 = tpu.vector_load_idx %arg31[%add3A_393, %add3A_454] : memref<48x128xf32, #tpu.memory_space<vmem>>[vector<16xi32>, vector<16xi32>], vector<16xf32>,
            %mul3A_456 = arith.mulf %gather3A_455, %get3A_400 : vector<16xf32>
            tpu.vector_store_idx %arg33[%add3A_393, %add3A_454], %mul3A_456 : memref<48x128xf32, #tpu.memory_space<vmem>>[vector<16xi32>, vector<16xi32>], vector<16xf32>,
            %mul3A_457 = arith.constant 4 : i32
            %mul3A_458 = arith.muli %scan3A_409, %mul3A_457 : i32
            %add3A_459 = arith.constant 3 : i32
            %add3A_460 = arith.addi %mul3A_458, %add3A_459 : i32
            %add3A_461 = vector.broadcast %add3A_460 : i32 to vector<16xi32>
            %add3A_462 = arith.addi %iota3A, %add3A_461 : vector<16xi32>
            %and3A_463 = arith.constant 63 : i32
            %and3A_464 = vector.broadcast %and3A_463 : i32 to vector<16xi32>
            %and3A_465 = arith.andi %add3A_462, %and3A_464 : vector<16xi32>
            %gather3A_466 = tpu.vector_load_idx %arg31[%add3A_393, %and3A_465] : memref<48x128xf32, #tpu.memory_space<vmem>>[vector<16xi32>, vector<16xi32>], vector<16xf32>,
            %mul3A_467 = arith.mulf %gather3A_466, %get3A_396 : vector<16xf32>
            tpu.vector_store_idx %arg33[%add3A_393, %and3A_465], %mul3A_467 : memref<48x128xf32, #tpu.memory_space<vmem>>[vector<16xi32>, vector<16xi32>], vector<16xf32>,
            %add3A_468 = arith.constant 64 : i32
            %add3A_469 = vector.broadcast %add3A_468 : i32 to vector<16xi32>
            %add3A_470 = arith.addi %and3A_465, %add3A_469 : vector<16xi32>
            %gather3A_471 = tpu.vector_load_idx %arg31[%add3A_393, %add3A_470] : memref<48x128xf32, #tpu.memory_space<vmem>>[vector<16xi32>, vector<16xi32>], vector<16xf32>,
            %mul3A_472 = arith.mulf %gather3A_471, %get3A_400 : vector<16xf32>
            tpu.vector_store_idx %arg33[%add3A_393, %add3A_470], %mul3A_472 : memref<48x128xf32, #tpu.memory_space<vmem>>[vector<16xi32>, vector<16xi32>], vector<16xf32>,
            %scan3A_473 = arith.constant 0 : i32
            scf.yield %scan3A_473 : i32
          }
          %scan3A_407 = arith.constant 16 : i32
          %scan3A_408 = arith.constant 0 : i32
          scf.yield %scan3A_408 : i32
        }
        %scan3A_384 = arith.constant 3 : i32
        %dma_start3A_385 = arith.constant 0 : i32
        %dma_start3A_386 = arith.constant 0 : i32
        %dma_start3A_387 = tpu.memref_slice %arg40[%dma_start3A_385, %dma_start3A_386] : memref<10240x128xf32, #tpu.memory_space<vmem_shared>> -> memref<10240x128xf32, #tpu.memory_space<vmem_shared>>
        tpu.enqueue_indirect_dma source(%arg33 : memref<48x128xf32, #tpu.memory_space<vmem>>) target(%dma_start3A_387 : memref<10240x128xf32, #tpu.memory_space<vmem_shared>>) offsets(%arg21 : memref<48xi32, #tpu.memory_space<vmem>>) semaphore(%arg38 : memref<!tpu.dma_semaphore, #tpu.memory_space<semaphore_mem>>) {add = true}
      } else {
      }
      %scan3A_374 = arith.constant 0 : i32
      scf.yield %scan3A_374 : i32
    }
    %scan3A_40 = arith.constant 35 : i32
    %dma_wait3A = arith.constant 0 : i32
    %dma_wait3A_41 = arith.constant 0 : i32
    %dma_wait3A_42 = tpu.memref_slice %arg8[%dma_wait3A, %dma_wait3A_41] : memref<10240x128xf32, #tpu.memory_space<hbm>> -> memref<10240x128xf32, #tpu.memory_space<hbm>>
    tpu.wait_indirect_dma semaphore(%arg37 : memref<!tpu.dma_semaphore, #tpu.memory_space<semaphore_mem>>) src(%dma_wait3A_42 : memref<10240x128xf32, #tpu.memory_space<hbm>>) dst(%arg32 : memref<48x128xf32, #tpu.memory_space<vmem>>)
    %scan3A_43 = arith.constant 0 : i32
    %scan3A_44 = arith.constant 0 : i32
    %scan3A_45 = arith.constant 3 : i32
    %scan3A_46 = arith.addi %scan3A_44, %scan3A_45 : i32
    %scan3A_47 = arith.constant 1 : i32
    %scan3A_48 = scf.for %scan3A_82 = %scan3A_44 to %scan3A_46 step %scan3A_47 iter_args(%scan3A_83 = %scan3A_43) -> (i32)  : i32 {
      %mul3A_84 = arith.constant 16 : i32
      %mul3A_85 = arith.muli %scan3A_82, %mul3A_84 : i32
      %add3A_86 = vector.broadcast %mul3A_85 : i32 to vector<16xi32>
      %add3A_87 = arith.addi %add3A_86, %iota3A : vector<16xi32>
      %mul3A_88 = arith.constant 16 : i32
      %mul3A_89 = arith.muli %scan3A_82, %mul3A_88 : i32
      %get3A = arith.index_cast %mul3A_89 : i32 to index
      %get3A_90 = tpu.vector_load %arg25[%get3A] {strides = array<i32>} : memref<48xf32, #tpu.memory_space<vmem>>, vector<16xf32>,
      %mul3A_91 = arith.constant 16 : i32
      %mul3A_92 = arith.muli %scan3A_82, %mul3A_91 : i32
      %get3A_93 = arith.index_cast %mul3A_92 : i32 to index
      %get3A_94 = tpu.vector_load %arg26[%get3A_93] {strides = array<i32>} : memref<48xf32, #tpu.memory_space<vmem>>, vector<16xf32>,
      %scan3A_95 = arith.constant 0 : i32
      %scan3A_96 = arith.constant 0 : i32
      %scan3A_97 = arith.constant 16 : i32
      %scan3A_98 = arith.addi %scan3A_96, %scan3A_97 : i32
      %scan3A_99 = arith.constant 1 : i32
      %scan3A_100 = scf.for %scan3A_103 = %scan3A_96 to %scan3A_98 step %scan3A_99 iter_args(%scan3A_104 = %scan3A_95) -> (i32)  : i32 {
        %mul3A_105 = arith.constant 4 : i32
        %mul3A_106 = arith.muli %scan3A_103, %mul3A_105 : i32
        %add3A_107 = arith.constant 0 : i32
        %add3A_108 = arith.addi %mul3A_106, %add3A_107 : i32
        %add3A_109 = vector.broadcast %add3A_108 : i32 to vector<16xi32>
        %add3A_110 = arith.addi %iota3A, %add3A_109 : vector<16xi32>
        %and3A = arith.constant 63 : i32
        %and3A_111 = vector.broadcast %and3A : i32 to vector<16xi32>
        %and3A_112 = arith.andi %add3A_110, %and3A_111 : vector<16xi32>
        %gather3A = tpu.vector_load_idx %arg32[%add3A_87, %and3A_112] : memref<48x128xf32, #tpu.memory_space<vmem>>[vector<16xi32>, vector<16xi32>], vector<16xf32>,
        %mul3A_113 = arith.mulf %gather3A, %get3A_90 : vector<16xf32>
        tpu.vector_store_idx %arg34[%add3A_87, %and3A_112], %mul3A_113 : memref<48x128xf32, #tpu.memory_space<vmem>>[vector<16xi32>, vector<16xi32>], vector<16xf32>,
        %add3A_114 = arith.constant 64 : i32
        %add3A_115 = vector.broadcast %add3A_114 : i32 to vector<16xi32>
        %add3A_116 = arith.addi %and3A_112, %add3A_115 : vector<16xi32>
        %gather3A_117 = tpu.vector_load_idx %arg32[%add3A_87, %add3A_116] : memref<48x128xf32, #tpu.memory_space<vmem>>[vector<16xi32>, vector<16xi32>], vector<16xf32>,
        %mul3A_118 = arith.mulf %gather3A_117, %get3A_94 : vector<16xf32>
        tpu.vector_store_idx %arg34[%add3A_87, %add3A_116], %mul3A_118 : memref<48x128xf32, #tpu.memory_space<vmem>>[vector<16xi32>, vector<16xi32>], vector<16xf32>,
        %mul3A_119 = arith.constant 4 : i32
        %mul3A_120 = arith.muli %scan3A_103, %mul3A_119 : i32
        %add3A_121 = arith.constant 1 : i32
        %add3A_122 = arith.addi %mul3A_120, %add3A_121 : i32
        %add3A_123 = vector.broadcast %add3A_122 : i32 to vector<16xi32>
        %add3A_124 = arith.addi %iota3A, %add3A_123 : vector<16xi32>
        %and3A_125 = arith.constant 63 : i32
        %and3A_126 = vector.broadcast %and3A_125 : i32 to vector<16xi32>
        %and3A_127 = arith.andi %add3A_124, %and3A_126 : vector<16xi32>
        %gather3A_128 = tpu.vector_load_idx %arg32[%add3A_87, %and3A_127] : memref<48x128xf32, #tpu.memory_space<vmem>>[vector<16xi32>, vector<16xi32>], vector<16xf32>,
        %mul3A_129 = arith.mulf %gather3A_128, %get3A_90 : vector<16xf32>
        tpu.vector_store_idx %arg34[%add3A_87, %and3A_127], %mul3A_129 : memref<48x128xf32, #tpu.memory_space<vmem>>[vector<16xi32>, vector<16xi32>], vector<16xf32>,
        %add3A_130 = arith.constant 64 : i32
        %add3A_131 = vector.broadcast %add3A_130 : i32 to vector<16xi32>
        %add3A_132 = arith.addi %and3A_127, %add3A_131 : vector<16xi32>
        %gather3A_133 = tpu.vector_load_idx %arg32[%add3A_87, %add3A_132] : memref<48x128xf32, #tpu.memory_space<vmem>>[vector<16xi32>, vector<16xi32>], vector<16xf32>,
        %mul3A_134 = arith.mulf %gather3A_133, %get3A_94 : vector<16xf32>
        tpu.vector_store_idx %arg34[%add3A_87, %add3A_132], %mul3A_134 : memref<48x128xf32, #tpu.memory_space<vmem>>[vector<16xi32>, vector<16xi32>], vector<16xf32>,
        %mul3A_135 = arith.constant 4 : i32
        %mul3A_136 = arith.muli %scan3A_103, %mul3A_135 : i32
        %add3A_137 = arith.constant 2 : i32
        %add3A_138 = arith.addi %mul3A_136, %add3A_137 : i32
        %add3A_139 = vector.broadcast %add3A_138 : i32 to vector<16xi32>
        %add3A_140 = arith.addi %iota3A, %add3A_139 : vector<16xi32>
        %and3A_141 = arith.constant 63 : i32
        %and3A_142 = vector.broadcast %and3A_141 : i32 to vector<16xi32>
        %and3A_143 = arith.andi %add3A_140, %and3A_142 : vector<16xi32>
        %gather3A_144 = tpu.vector_load_idx %arg32[%add3A_87, %and3A_143] : memref<48x128xf32, #tpu.memory_space<vmem>>[vector<16xi32>, vector<16xi32>], vector<16xf32>,
        %mul3A_145 = arith.mulf %gather3A_144, %get3A_90 : vector<16xf32>
        tpu.vector_store_idx %arg34[%add3A_87, %and3A_143], %mul3A_145 : memref<48x128xf32, #tpu.memory_space<vmem>>[vector<16xi32>, vector<16xi32>], vector<16xf32>,
        %add3A_146 = arith.constant 64 : i32
        %add3A_147 = vector.broadcast %add3A_146 : i32 to vector<16xi32>
        %add3A_148 = arith.addi %and3A_143, %add3A_147 : vector<16xi32>
        %gather3A_149 = tpu.vector_load_idx %arg32[%add3A_87, %add3A_148] : memref<48x128xf32, #tpu.memory_space<vmem>>[vector<16xi32>, vector<16xi32>], vector<16xf32>,
        %mul3A_150 = arith.mulf %gather3A_149, %get3A_94 : vector<16xf32>
        tpu.vector_store_idx %arg34[%add3A_87, %add3A_148], %mul3A_150 : memref<48x128xf32, #tpu.memory_space<vmem>>[vector<16xi32>, vector<16xi32>], vector<16xf32>,
        %mul3A_151 = arith.constant 4 : i32
        %mul3A_152 = arith.muli %scan3A_103, %mul3A_151 : i32
        %add3A_153 = arith.constant 3 : i32
        %add3A_154 = arith.addi %mul3A_152, %add3A_153 : i32
        %add3A_155 = vector.broadcast %add3A_154 : i32 to vector<16xi32>
        %add3A_156 = arith.addi %iota3A, %add3A_155 : vector<16xi32>
        %and3A_157 = arith.constant 63 : i32
        %and3A_158 = vector.broadcast %and3A_157 : i32 to vector<16xi32>
        %and3A_159 = arith.andi %add3A_156, %and3A_158 : vector<16xi32>
        %gather3A_160 = tpu.vector_load_idx %arg32[%add3A_87, %and3A_159] : memref<48x128xf32, #tpu.memory_space<vmem>>[vector<16xi32>, vector<16xi32>], vector<16xf32>,
        %mul3A_161 = arith.mulf %gather3A_160, %get3A_90 : vector<16xf32>
        tpu.vector_store_idx %arg34[%add3A_87, %and3A_159], %mul3A_161 : memref<48x128xf32, #tpu.memory_space<vmem>>[vector<16xi32>, vector<16xi32>], vector<16xf32>,
        %add3A_162 = arith.constant 64 : i32
        %add3A_163 = vector.broadcast %add3A_162 : i32 to vector<16xi32>
        %add3A_164 = arith.addi %and3A_159, %add3A_163 : vector<16xi32>
        %gather3A_165 = tpu.vector_load_idx %arg32[%add3A_87, %add3A_164] : memref<48x128xf32, #tpu.memory_space<vmem>>[vector<16xi32>, vector<16xi32>], vector<16xf32>,
        %mul3A_166 = arith.mulf %gather3A_165, %get3A_94 : vector<16xf32>
        tpu.vector_store_idx %arg34[%add3A_87, %add3A_164], %mul3A_166 : memref<48x128xf32, #tpu.memory_space<vmem>>[vector<16xi32>, vector<16xi32>], vector<16xf32>,
        %scan3A_167 = arith.constant 0 : i32
        scf.yield %scan3A_167 : i32
      }
      %scan3A_101 = arith.constant 16 : i32
      %scan3A_102 = arith.constant 0 : i32
      scf.yield %scan3A_102 : i32
    }
    %scan3A_49 = arith.constant 3 : i32
    %dma_start3A_50 = arith.constant 0 : i32
    %dma_start3A_51 = arith.constant 0 : i32
    %dma_start3A_52 = tpu.memref_slice %arg40[%dma_start3A_50, %dma_start3A_51] : memref<10240x128xf32, #tpu.memory_space<vmem_shared>> -> memref<10240x128xf32, #tpu.memory_space<vmem_shared>>
    tpu.enqueue_indirect_dma source(%arg34 : memref<48x128xf32, #tpu.memory_space<vmem>>) target(%dma_start3A_52 : memref<10240x128xf32, #tpu.memory_space<vmem_shared>>) offsets(%arg27 : memref<48xi32, #tpu.memory_space<vmem>>) semaphore(%arg38 : memref<!tpu.dma_semaphore, #tpu.memory_space<semaphore_mem>>) {add = true}
    %dma_wait3A_53 = arith.constant 0 : i32
    %dma_wait3A_54 = tpu.memref_slice %arg41[%dma_wait3A_53] : memref<10240xf32, #tpu.memory_space<vmem_shared>> -> memref<48xf32, #tpu.memory_space<vmem_shared>>
    %dma_wait3A_55 = arith.constant 0 : i32
    %dma_wait3A_56 = tpu.memref_slice %arg41[%dma_wait3A_55] : memref<10240xf32, #tpu.memory_space<vmem_shared>> -> memref<48xf32, #tpu.memory_space<vmem_shared>>
    tpu.wait_dma2 semaphore(%arg39 : memref<!tpu.dma_semaphore, #tpu.memory_space<semaphore_mem>>) src(%arg19 : memref<48xf32, #tpu.memory_space<vmem>>) dst(%dma_wait3A_56 : memref<48xf32, #tpu.memory_space<vmem_shared>>)
    %dma_wait3A_57 = arith.constant 0 : i32
    %dma_wait3A_58 = tpu.memref_slice %arg41[%dma_wait3A_57] : memref<10240xf32, #tpu.memory_space<vmem_shared>> -> memref<48xf32, #tpu.memory_space<vmem_shared>>
    %dma_wait3A_59 = arith.constant 0 : i32
    %dma_wait3A_60 = tpu.memref_slice %arg41[%dma_wait3A_59] : memref<10240xf32, #tpu.memory_space<vmem_shared>> -> memref<48xf32, #tpu.memory_space<vmem_shared>>
    tpu.wait_dma2 semaphore(%arg39 : memref<!tpu.dma_semaphore, #tpu.memory_space<semaphore_mem>>) src(%arg25 : memref<48xf32, #tpu.memory_space<vmem>>) dst(%dma_wait3A_60 : memref<48xf32, #tpu.memory_space<vmem_shared>>)
    %dma_wait3A_61 = arith.constant 0 : i32
    %dma_wait3A_62 = arith.constant 0 : i32
    %dma_wait3A_63 = tpu.memref_slice %arg40[%dma_wait3A_61, %dma_wait3A_62] : memref<10240x128xf32, #tpu.memory_space<vmem_shared>> -> memref<48x128xf32, #tpu.memory_space<vmem_shared>>
    %dma_wait3A_64 = arith.constant 0 : i32
    %dma_wait3A_65 = arith.constant 0 : i32
    %dma_wait3A_66 = tpu.memref_slice %arg40[%dma_wait3A_64, %dma_wait3A_65] : memref<10240x128xf32, #tpu.memory_space<vmem_shared>> -> memref<48x128xf32, #tpu.memory_space<vmem_shared>>
    tpu.wait_dma2 semaphore(%arg38 : memref<!tpu.dma_semaphore, #tpu.memory_space<semaphore_mem>>) src(%arg33 : memref<48x128xf32, #tpu.memory_space<vmem>>) dst(%dma_wait3A_66 : memref<48x128xf32, #tpu.memory_space<vmem_shared>>)
    %dma_wait3A_67 = arith.constant 0 : i32
    %dma_wait3A_68 = arith.constant 0 : i32
    %dma_wait3A_69 = tpu.memref_slice %arg40[%dma_wait3A_67, %dma_wait3A_68] : memref<10240x128xf32, #tpu.memory_space<vmem_shared>> -> memref<48x128xf32, #tpu.memory_space<vmem_shared>>
    %dma_wait3A_70 = arith.constant 0 : i32
    %dma_wait3A_71 = arith.constant 0 : i32
    %dma_wait3A_72 = tpu.memref_slice %arg40[%dma_wait3A_70, %dma_wait3A_71] : memref<10240x128xf32, #tpu.memory_space<vmem_shared>> -> memref<48x128xf32, #tpu.memory_space<vmem_shared>>
    tpu.wait_dma2 semaphore(%arg38 : memref<!tpu.dma_semaphore, #tpu.memory_space<semaphore_mem>>) src(%arg34 : memref<48x128xf32, #tpu.memory_space<vmem>>) dst(%dma_wait3A_72 : memref<48x128xf32, #tpu.memory_space<vmem_shared>>)
    %barrier3A_73 = arith.constant 0 : index
    tpu.barrier barrier_id(%barrier3A_73)
    %mul3A_74 = arith.constant 640 : i32
    %mul3A_75 = arith.muli %arg1, %mul3A_74 : i32
    %mul3A_76 = arith.constant 640 : i32
    %mul3A_77 = arith.muli %arg1, %mul3A_76 : i32
    "tpu.region"() ({
      %run_scoped3A = tpu.sem_alloc : memref<!tpu.dma_semaphore, #tpu.memory_space<semaphore_mem>>
      %dma_start3A_82 = arith.constant 0 : i32
      %dma_start3A_83 = tpu.memref_slice %arg9[%arg0, %mul3A_77, %dma_start3A_82] : memref<2x10240x128xf32, #tpu.memory_space<hbm>> -> memref<1x640x128xf32, #tpu.memory_space<hbm>>
      %dma_start3A_84 = tpu.memref_squeeze %dma_start3A_83 : memref<1x640x128xf32, #tpu.memory_space<hbm>> -> memref<640x128xf32, #tpu.memory_space<hbm>>
      %dma_start3A_85 = arith.constant 0 : i32
      %dma_start3A_86 = tpu.memref_slice %arg40[%mul3A_75, %dma_start3A_85] : memref<10240x128xf32, #tpu.memory_space<vmem_shared>> -> memref<640x128xf32, #tpu.memory_space<vmem_shared>>
      tpu.enqueue_dma source(%dma_start3A_86 : memref<640x128xf32, #tpu.memory_space<vmem_shared>>) target(%dma_start3A_84 : memref<640x128xf32, #tpu.memory_space<hbm>>) target_semaphore(%run_scoped3A : memref<!tpu.dma_semaphore, #tpu.memory_space<semaphore_mem>>)
      %dma_wait3A_87 = arith.constant 0 : i32
      %dma_wait3A_88 = tpu.memref_slice %arg9[%arg0, %mul3A_77, %dma_wait3A_87] : memref<2x10240x128xf32, #tpu.memory_space<hbm>> -> memref<1x640x128xf32, #tpu.memory_space<hbm>>
      %dma_wait3A_89 = tpu.memref_squeeze %dma_wait3A_88 : memref<1x640x128xf32, #tpu.memory_space<hbm>> -> memref<640x128xf32, #tpu.memory_space<hbm>>
      %dma_wait3A_90 = arith.constant 0 : i32
      %dma_wait3A_91 = tpu.memref_slice %arg40[%mul3A_75, %dma_wait3A_90] : memref<10240x128xf32, #tpu.memory_space<vmem_shared>> -> memref<640x128xf32, #tpu.memory_space<vmem_shared>>
      tpu.wait_dma2 semaphore(%run_scoped3A : memref<!tpu.dma_semaphore, #tpu.memory_space<semaphore_mem>>) src(%dma_wait3A_91 : memref<640x128xf32, #tpu.memory_space<vmem_shared>>) dst(%dma_wait3A_89 : memref<640x128xf32, #tpu.memory_space<hbm>>)
      tpu.yield
    }) : () -> ()
    %mul3A_78 = arith.constant 640 : i32
    %mul3A_79 = arith.muli %arg1, %mul3A_78 : i32
    %mul3A_80 = arith.constant 640 : i32
    %mul3A_81 = arith.muli %arg1, %mul3A_80 : i32
    "tpu.region"() ({
      %run_scoped3A = tpu.sem_alloc : memref<!tpu.dma_semaphore, #tpu.memory_space<semaphore_mem>>
      %dma_start3A_82 = tpu.memref_slice %arg10[%arg0, %mul3A_81] : memref<2x10240xf32, #tpu.memory_space<hbm>> -> memref<1x640xf32, #tpu.memory_space<hbm>>
      %dma_start3A_83 = tpu.memref_squeeze %dma_start3A_82 : memref<1x640xf32, #tpu.memory_space<hbm>> -> memref<640xf32, #tpu.memory_space<hbm>>
      %dma_start3A_84 = tpu.memref_slice %arg41[%mul3A_79] : memref<10240xf32, #tpu.memory_space<vmem_shared>> -> memref<640xf32, #tpu.memory_space<vmem_shared>>
      tpu.enqueue_dma source(%dma_start3A_84 : memref<640xf32, #tpu.memory_space<vmem_shared>>) target(%dma_start3A_83 : memref<640xf32, #tpu.memory_space<hbm>>) target_semaphore(%run_scoped3A : memref<!tpu.dma_semaphore, #tpu.memory_space<semaphore_mem>>)
      %dma_wait3A_85 = tpu.memref_slice %arg10[%arg0, %mul3A_81] : memref<2x10240xf32, #tpu.memory_space<hbm>> -> memref<1x640xf32, #tpu.memory_space<hbm>>
      %dma_wait3A_86 = tpu.memref_squeeze %dma_wait3A_85 : memref<1x640xf32, #tpu.memory_space<hbm>> -> memref<640xf32, #tpu.memory_space<hbm>>
      %dma_wait3A_87 = tpu.memref_slice %arg41[%mul3A_79] : memref<10240xf32, #tpu.memory_space<vmem_shared>> -> memref<640xf32, #tpu.memory_space<vmem_shared>>
      tpu.wait_dma2 semaphore(%run_scoped3A : memref<!tpu.dma_semaphore, #tpu.memory_space<semaphore_mem>>) src(%dma_wait3A_87 : memref<640xf32, #tpu.memory_space<vmem_shared>>) dst(%dma_wait3A_86 : memref<640xf32, #tpu.memory_space<hbm>>)
      tpu.yield
    }) : () -> ()
    return
  }
}

#map = affine_map<(d0, d1) -> (0)>
#map1 = affine_map<(d0, d1) -> (0, 0)>
module attributes {stable_mosaic.version = 14 : i64} {
  func.func @_sc_a_body(%arg0: i32, %arg1: i32, %arg2: memref<322560xi32, #tpu.memory_space<hbm>>, %arg3: memref<322560xi32, #tpu.memory_space<hbm>>, %arg4: memref<10240xf32, #tpu.memory_space<hbm>>, %arg5: memref<10240xf32, #tpu.memory_space<hbm>>, %arg6: memref<10240xf32, #tpu.memory_space<hbm>>, %arg7: memref<10240xf32, #tpu.memory_space<hbm>>, %arg8: memref<10240xf32, #tpu.memory_space<hbm>>, %arg9: memref<10240xf32, #tpu.memory_space<hbm>>, %arg10: memref<322560xf32, #tpu.memory_space<hbm>>, %arg11: memref<322560xf32, #tpu.memory_space<hbm>>, %arg12: memref<2x10240xf32, #tpu.memory_space<hbm>>, %arg13: memref<32x10240xf32, #tpu.memory_space<hbm>>, %arg14: memref<10240xf32, #tpu.memory_space<vmem>>, %arg15: memref<10240xf32, #tpu.memory_space<vmem>>, %arg16: memref<10240xf32, #tpu.memory_space<vmem>>, %arg17: memref<10240xf32, #tpu.memory_space<vmem>>, %arg18: memref<10240xf32, #tpu.memory_space<vmem>>, %arg19: memref<10240xf32, #tpu.memory_space<vmem>>, %arg20: memref<10240xf32, #tpu.memory_space<vmem>>, %arg21: memref<10080xi32, #tpu.memory_space<vmem>>, %arg22: memref<10080xi32, #tpu.memory_space<vmem>>, %arg23: memref<10080xf32, #tpu.memory_space<vmem>>, %arg24: memref<10080xf32, #tpu.memory_space<vmem>>, %arg25: memref<640xf32, #tpu.memory_space<vmem>>, %arg26: memref<10240xf32, #tpu.memory_space<vmem_shared>>) attributes {dimension_semantics = [#tpu.dimension_semantics<core_parallel>, #tpu.dimension_semantics<subcore_parallel>], iteration_bounds = array<i64: 2, 16>, scalar_prefetch = 0 : i64, scratch_operands = 13 : i64, tpu.core_type = #tpu.core_type<sc_vector_subcore>, window_params = [{transform_indices = #map}, {transform_indices = #map}, {transform_indices = #map}, {transform_indices = #map}, {transform_indices = #map}, {transform_indices = #map}, {transform_indices = #map}, {transform_indices = #map}, {transform_indices = #map}, {transform_indices = #map}, {transform_indices = #map1}, {transform_indices = #map1}]} {
    %mul3A = arith.constant 16 : i32
    %mul3A_0 = arith.muli %arg0, %mul3A : i32
    %add3A = arith.addi %mul3A_0, %arg1 : i32
    %iota3A = tpu.iota {dimensions = array<i32: 0>} : vector<16xi32>
    %scan3A = arith.constant 0 : i32
    %scan3A_1 = arith.constant 0 : i32
    %scan3A_2 = arith.constant 40 : i32
    %scan3A_3 = arith.addi %scan3A_1, %scan3A_2 : i32
    %scan3A_4 = arith.constant 1 : i32
    %scan3A_5 = scf.for %scan3A_28 = %scan3A_1 to %scan3A_3 step %scan3A_4 iter_args(%scan3A_29 = %scan3A) -> (i32)  : i32 {
      %broadcast_in_dim3A = arith.constant 0.000000e+00 : f32
      %broadcast_in_dim3A_30 = vector.broadcast %broadcast_in_dim3A : f32 to vector<16xf32>
      %mul3A_31 = arith.constant 16 : i32
      %mul3A_32 = arith.muli %scan3A_28, %mul3A_31 : i32
      %swap3A = arith.index_cast %mul3A_32 : i32 to index
      %swap3A_33 = tpu.vector_load %arg25[%swap3A] {strides = array<i32>} : memref<640xf32, #tpu.memory_space<vmem>>, vector<16xf32>,
      tpu.vector_store %arg25[%swap3A], %broadcast_in_dim3A_30 {strides = array<i32>} : memref<640xf32, #tpu.memory_space<vmem>>, vector<16xf32>,
      %scan3A_34 = arith.constant 0 : i32
      scf.yield %scan3A_34 : i32
    }
    %scan3A_6 = arith.constant 40 : i32
    %mul3A_7 = arith.constant 640 : i32
    %mul3A_8 = arith.muli %arg1, %mul3A_7 : i32
    "tpu.region"() ({
      %run_scoped3A = tpu.sem_alloc : memref<!tpu.dma_semaphore, #tpu.memory_space<semaphore_mem>>
      %dma_start3A = tpu.memref_slice %arg26[%mul3A_8] : memref<10240xf32, #tpu.memory_space<vmem_shared>> -> memref<640xf32, #tpu.memory_space<vmem_shared>>
      %dma_start3A_28 = tpu.memref_slice %arg26[%mul3A_8] : memref<10240xf32, #tpu.memory_space<vmem_shared>> -> memref<640xf32, #tpu.memory_space<vmem_shared>>
      tpu.enqueue_dma source(%arg25 : memref<640xf32, #tpu.memory_space<vmem>>) target(%dma_start3A_28 : memref<640xf32, #tpu.memory_space<vmem_shared>>) target_semaphore(%run_scoped3A : memref<!tpu.dma_semaphore, #tpu.memory_space<semaphore_mem>>)
      %dma_wait3A = tpu.memref_slice %arg26[%mul3A_8] : memref<10240xf32, #tpu.memory_space<vmem_shared>> -> memref<640xf32, #tpu.memory_space<vmem_shared>>
      %dma_wait3A_29 = tpu.memref_slice %arg26[%mul3A_8] : memref<10240xf32, #tpu.memory_space<vmem_shared>> -> memref<640xf32, #tpu.memory_space<vmem_shared>>
      tpu.wait_dma2 semaphore(%run_scoped3A : memref<!tpu.dma_semaphore, #tpu.memory_space<semaphore_mem>>) src(%arg25 : memref<640xf32, #tpu.memory_space<vmem>>) dst(%dma_wait3A_29 : memref<640xf32, #tpu.memory_space<vmem_shared>>)
      tpu.yield
    }) : () -> ()
    %scan3A_9 = arith.constant 0 : i32
    %scan3A_10 = arith.constant 0 : i32
    %scan3A_11 = arith.constant 640 : i32
    %scan3A_12 = arith.addi %scan3A_10, %scan3A_11 : i32
    %scan3A_13 = arith.constant 1 : i32
    %scan3A_14 = scf.for %scan3A_28 = %scan3A_10 to %scan3A_12 step %scan3A_13 iter_args(%scan3A_29 = %scan3A_9) -> (i32)  : i32 {
      %broadcast_in_dim3A = arith.constant -1.000000e+09 : f32
      %broadcast_in_dim3A_30 = vector.broadcast %broadcast_in_dim3A : f32 to vector<16xf32>
      %mul3A_31 = arith.constant 16 : i32
      %mul3A_32 = arith.muli %scan3A_28, %mul3A_31 : i32
      %swap3A = arith.index_cast %mul3A_32 : i32 to index
      %swap3A_33 = tpu.vector_load %arg20[%swap3A] {strides = array<i32>} : memref<10240xf32, #tpu.memory_space<vmem>>, vector<16xf32>,
      tpu.vector_store %arg20[%swap3A], %broadcast_in_dim3A_30 {strides = array<i32>} : memref<10240xf32, #tpu.memory_space<vmem>>, vector<16xf32>,
      %scan3A_34 = arith.constant 0 : i32
      scf.yield %scan3A_34 : i32
    }
    %scan3A_15 = arith.constant 640 : i32
    "tpu.region"() ({
      %run_scoped3A = tpu.sem_alloc : memref<!tpu.dma_semaphore, #tpu.memory_space<semaphore_mem>>
      tpu.enqueue_dma source(%arg4 : memref<10240xf32, #tpu.memory_space<hbm>>) target(%arg14 : memref<10240xf32, #tpu.memory_space<vmem>>) target_semaphore(%run_scoped3A : memref<!tpu.dma_semaphore, #tpu.memory_space<semaphore_mem>>)
      tpu.wait_dma2 semaphore(%run_scoped3A : memref<!tpu.dma_semaphore, #tpu.memory_space<semaphore_mem>>) src(%arg4 : memref<10240xf32, #tpu.memory_space<hbm>>) dst(%arg14 : memref<10240xf32, #tpu.memory_space<vmem>>)
      tpu.yield
    }) : () -> ()
    "tpu.region"() ({
      %run_scoped3A = tpu.sem_alloc : memref<!tpu.dma_semaphore, #tpu.memory_space<semaphore_mem>>
      tpu.enqueue_dma source(%arg5 : memref<10240xf32, #tpu.memory_space<hbm>>) target(%arg15 : memref<10240xf32, #tpu.memory_space<vmem>>) target_semaphore(%run_scoped3A : memref<!tpu.dma_semaphore, #tpu.memory_space<semaphore_mem>>)
      tpu.wait_dma2 semaphore(%run_scoped3A : memref<!tpu.dma_semaphore, #tpu.memory_space<semaphore_mem>>) src(%arg5 : memref<10240xf32, #tpu.memory_space<hbm>>) dst(%arg15 : memref<10240xf32, #tpu.memory_space<vmem>>)
      tpu.yield
    }) : () -> ()
    "tpu.region"() ({
      %run_scoped3A = tpu.sem_alloc : memref<!tpu.dma_semaphore, #tpu.memory_space<semaphore_mem>>
      tpu.enqueue_dma source(%arg6 : memref<10240xf32, #tpu.memory_space<hbm>>) target(%arg16 : memref<10240xf32, #tpu.memory_space<vmem>>) target_semaphore(%run_scoped3A : memref<!tpu.dma_semaphore, #tpu.memory_space<semaphore_mem>>)
      tpu.wait_dma2 semaphore(%run_scoped3A : memref<!tpu.dma_semaphore, #tpu.memory_space<semaphore_mem>>) src(%arg6 : memref<10240xf32, #tpu.memory_space<hbm>>) dst(%arg16 : memref<10240xf32, #tpu.memory_space<vmem>>)
      tpu.yield
    }) : () -> ()
    "tpu.region"() ({
      %run_scoped3A = tpu.sem_alloc : memref<!tpu.dma_semaphore, #tpu.memory_space<semaphore_mem>>
      tpu.enqueue_dma source(%arg7 : memref<10240xf32, #tpu.memory_space<hbm>>) target(%arg17 : memref<10240xf32, #tpu.memory_space<vmem>>) target_semaphore(%run_scoped3A : memref<!tpu.dma_semaphore, #tpu.memory_space<semaphore_mem>>)
      tpu.wait_dma2 semaphore(%run_scoped3A : memref<!tpu.dma_semaphore, #tpu.memory_space<semaphore_mem>>) src(%arg7 : memref<10240xf32, #tpu.memory_space<hbm>>) dst(%arg17 : memref<10240xf32, #tpu.memory_space<vmem>>)
      tpu.yield
    }) : () -> ()
    "tpu.region"() ({
      %run_scoped3A = tpu.sem_alloc : memref<!tpu.dma_semaphore, #tpu.memory_space<semaphore_mem>>
      tpu.enqueue_dma source(%arg8 : memref<10240xf32, #tpu.memory_space<hbm>>) target(%arg18 : memref<10240xf32, #tpu.memory_space<vmem>>) target_semaphore(%run_scoped3A : memref<!tpu.dma_semaphore, #tpu.memory_space<semaphore_mem>>)
      tpu.wait_dma2 semaphore(%run_scoped3A : memref<!tpu.dma_semaphore, #tpu.memory_space<semaphore_mem>>) src(%arg8 : memref<10240xf32, #tpu.memory_space<hbm>>) dst(%arg18 : memref<10240xf32, #tpu.memory_space<vmem>>)
      tpu.yield
    }) : () -> ()
    "tpu.region"() ({
      %run_scoped3A = tpu.sem_alloc : memref<!tpu.dma_semaphore, #tpu.memory_space<semaphore_mem>>
      tpu.enqueue_dma source(%arg9 : memref<10240xf32, #tpu.memory_space<hbm>>) target(%arg19 : memref<10240xf32, #tpu.memory_space<vmem>>) target_semaphore(%run_scoped3A : memref<!tpu.dma_semaphore, #tpu.memory_space<semaphore_mem>>)
      tpu.wait_dma2 semaphore(%run_scoped3A : memref<!tpu.dma_semaphore, #tpu.memory_space<semaphore_mem>>) src(%arg9 : memref<10240xf32, #tpu.memory_space<hbm>>) dst(%arg19 : memref<10240xf32, #tpu.memory_space<vmem>>)
      tpu.yield
    }) : () -> ()
    %mul3A_16 = arith.constant 10080 : i32
    %mul3A_17 = arith.muli %add3A, %mul3A_16 : i32
    "tpu.region"() ({
      %run_scoped3A = tpu.sem_alloc : memref<!tpu.dma_semaphore, #tpu.memory_space<semaphore_mem>>
      %dma_start3A = tpu.memref_slice %arg2[%mul3A_17] : memref<322560xi32, #tpu.memory_space<hbm>> -> memref<10080xi32, #tpu.memory_space<hbm>>
      %dma_start3A_28 = tpu.memref_slice %arg2[%mul3A_17] : memref<322560xi32, #tpu.memory_space<hbm>> -> memref<10080xi32, #tpu.memory_space<hbm>>
      tpu.enqueue_dma source(%dma_start3A_28 : memref<10080xi32, #tpu.memory_space<hbm>>) target(%arg21 : memref<10080xi32, #tpu.memory_space<vmem>>) target_semaphore(%run_scoped3A : memref<!tpu.dma_semaphore, #tpu.memory_space<semaphore_mem>>)
      %dma_wait3A = tpu.memref_slice %arg2[%mul3A_17] : memref<322560xi32, #tpu.memory_space<hbm>> -> memref<10080xi32, #tpu.memory_space<hbm>>
      %dma_wait3A_29 = tpu.memref_slice %arg2[%mul3A_17] : memref<322560xi32, #tpu.memory_space<hbm>> -> memref<10080xi32, #tpu.memory_space<hbm>>
      tpu.wait_dma2 semaphore(%run_scoped3A : memref<!tpu.dma_semaphore, #tpu.memory_space<semaphore_mem>>) src(%dma_wait3A_29 : memref<10080xi32, #tpu.memory_space<hbm>>) dst(%arg21 : memref<10080xi32, #tpu.memory_space<vmem>>)
      tpu.yield
    }) : () -> ()
    "tpu.region"() ({
      %run_scoped3A = tpu.sem_alloc : memref<!tpu.dma_semaphore, #tpu.memory_space<semaphore_mem>>
      %dma_start3A = tpu.memref_slice %arg3[%mul3A_17] : memref<322560xi32, #tpu.memory_space<hbm>> -> memref<10080xi32, #tpu.memory_space<hbm>>
      %dma_start3A_28 = tpu.memref_slice %arg3[%mul3A_17] : memref<322560xi32, #tpu.memory_space<hbm>> -> memref<10080xi32, #tpu.memory_space<hbm>>
      tpu.enqueue_dma source(%dma_start3A_28 : memref<10080xi32, #tpu.memory_space<hbm>>) target(%arg22 : memref<10080xi32, #tpu.memory_space<vmem>>) target_semaphore(%run_scoped3A : memref<!tpu.dma_semaphore, #tpu.memory_space<semaphore_mem>>)
      %dma_wait3A = tpu.memref_slice %arg3[%mul3A_17] : memref<322560xi32, #tpu.memory_space<hbm>> -> memref<10080xi32, #tpu.memory_space<hbm>>
      %dma_wait3A_29 = tpu.memref_slice %arg3[%mul3A_17] : memref<322560xi32, #tpu.memory_space<hbm>> -> memref<10080xi32, #tpu.memory_space<hbm>>
      tpu.wait_dma2 semaphore(%run_scoped3A : memref<!tpu.dma_semaphore, #tpu.memory_space<semaphore_mem>>) src(%dma_wait3A_29 : memref<10080xi32, #tpu.memory_space<hbm>>) dst(%arg22 : memref<10080xi32, #tpu.memory_space<vmem>>)
      tpu.yield
    }) : () -> ()
    %barrier3A = arith.constant 0 : index
    tpu.barrier barrier_id(%barrier3A)
    %scan3A_18 = arith.constant 0 : i32
    %scan3A_19 = arith.constant 0 : i32
    %scan3A_20 = arith.constant 630 : i32
    %scan3A_21 = arith.addi %scan3A_19, %scan3A_20 : i32
    %scan3A_22 = arith.constant 1 : i32
    %scan3A_23 = scf.for %scan3A_28 = %scan3A_19 to %scan3A_21 step %scan3A_22 iter_args(%scan3A_29 = %scan3A_18) -> (i32)  : i32 {
      %mul3A_30 = arith.constant 16 : i32
      %mul3A_31 = arith.muli %scan3A_28, %mul3A_30 : i32
      %get3A = arith.index_cast %mul3A_31 : i32 to index
      %get3A_32 = tpu.vector_load %arg21[%get3A] {strides = array<i32>} : memref<10080xi32, #tpu.memory_space<vmem>>, vector<16xi32>,
      %mul3A_33 = arith.constant 16 : i32
      %mul3A_34 = arith.muli %scan3A_28, %mul3A_33 : i32
      %get3A_35 = arith.index_cast %mul3A_34 : i32 to index
      %get3A_36 = tpu.vector_load %arg22[%get3A_35] {strides = array<i32>} : memref<10080xi32, #tpu.memory_space<vmem>>, vector<16xi32>,
      %gather3A = tpu.vector_load_idx %arg14[%get3A_32] : memref<10240xf32, #tpu.memory_space<vmem>>[vector<16xi32>], vector<16xf32>,
      %gather3A_37 = tpu.vector_load_idx %arg15[%get3A_36] : memref<10240xf32, #tpu.memory_space<vmem>>[vector<16xi32>], vector<16xf32>,
      %gather3A_38 = tpu.vector_load_idx %arg16[%get3A_32] : memref<10240xf32, #tpu.memory_space<vmem>>[vector<16xi32>], vector<16xf32>,
      %gather3A_39 = tpu.vector_load_idx %arg17[%get3A_32] : memref<10240xf32, #tpu.memory_space<vmem>>[vector<16xi32>], vector<16xf32>,
      %gather3A_40 = tpu.vector_load_idx %arg17[%get3A_36] : memref<10240xf32, #tpu.memory_space<vmem>>[vector<16xi32>], vector<16xf32>,
      %sub3A = arith.subf %gather3A_39, %gather3A_40 : vector<16xf32>
      %gather3A_41 = tpu.vector_load_idx %arg18[%get3A_32] : memref<10240xf32, #tpu.memory_space<vmem>>[vector<16xi32>], vector<16xf32>,
      %gather3A_42 = tpu.vector_load_idx %arg18[%get3A_36] : memref<10240xf32, #tpu.memory_space<vmem>>[vector<16xi32>], vector<16xf32>,
      %sub3A_43 = arith.subf %gather3A_41, %gather3A_42 : vector<16xf32>
      %gather3A_44 = tpu.vector_load_idx %arg19[%get3A_32] : memref<10240xf32, #tpu.memory_space<vmem>>[vector<16xi32>], vector<16xf32>,
      %gather3A_45 = tpu.vector_load_idx %arg19[%get3A_36] : memref<10240xf32, #tpu.memory_space<vmem>>[vector<16xi32>], vector<16xf32>,
      %sub3A_46 = arith.subf %gather3A_44, %gather3A_45 : vector<16xf32>
      %mul3A_47 = arith.mulf %sub3A, %sub3A : vector<16xf32>
      %mul3A_48 = arith.mulf %sub3A_43, %sub3A_43 : vector<16xf32>
      %add3A_49 = arith.addf %mul3A_47, %mul3A_48 : vector<16xf32>
      %mul3A_50 = arith.mulf %sub3A_46, %sub3A_46 : vector<16xf32>
      %add3A_51 = arith.addf %add3A_49, %mul3A_50 : vector<16xf32>
      %mul3A_52 = arith.constant -5.55555569E-4 : f32
      %mul3A_53 = vector.broadcast %mul3A_52 : f32 to vector<16xf32>
      %mul3A_54 = arith.mulf %add3A_51, %mul3A_53 : vector<16xf32>
      %exp3A = math.exp %mul3A_54 : vector<16xf32>
      %mul3A_55 = arith.mulf %exp3A, %gather3A_38 : vector<16xf32>
      %sub3A_56 = arith.constant 1.000000e+00 : f32
      %sub3A_57 = vector.broadcast %sub3A_56 : f32 to vector<16xf32>
      %sub3A_58 = arith.subf %sub3A_57, %mul3A_55 : vector<16xf32>
      %exp3A_59 = math.exp %sub3A_58 : vector<16xf32>
      %add3A_60 = arith.constant 1.000000e+00 : f32
      %add3A_61 = vector.broadcast %add3A_60 : f32 to vector<16xf32>
      %add3A_62 = arith.addf %add3A_61, %exp3A_59 : vector<16xf32>
      %div3A = arith.constant 1.900000e+00 : f32
      %div3A_63 = vector.broadcast %div3A : f32 to vector<16xf32>
      %div3A_64 = arith.divf %div3A_63, %add3A_62 : vector<16xf32>
      %add3A_65 = arith.constant 1.000000e-01 : f32
      %add3A_66 = vector.broadcast %add3A_65 : f32 to vector<16xf32>
      %add3A_67 = arith.addf %add3A_66, %div3A_64 : vector<16xf32>
      %ge3A = arith.constant 2.000000e-01 : f32
      %ge3A_68 = vector.broadcast %ge3A : f32 to vector<16xf32>
      %ge3A_69 = arith.cmpf oge, %add3A_67, %ge3A_68 : vector<16xf32>
      %jit3A = arith.constant 0.000000e+00 : f32
      %broadcast_in_dim3A = vector.broadcast %jit3A : f32 to vector<16xf32>
      %select_n3A = arith.select %ge3A_69, %add3A_67, %broadcast_in_dim3A : vector<16xi1>, vector<16xf32>
      %add3A_70 = arith.addf %gather3A, %gather3A_37 : vector<16xf32>
      %ge3A_71 = arith.constant 0.000000e+00 : f32
      %ge3A_72 = vector.broadcast %ge3A_71 : f32 to vector<16xf32>
      %ge3A_73 = arith.cmpf oge, %add3A_70, %ge3A_72 : vector<16xf32>
      %mul3A_74 = arith.constant 2.000000e-01 : f32
      %mul3A_75 = vector.broadcast %mul3A_74 : f32 to vector<16xf32>
      %mul3A_76 = arith.mulf %mul3A_75, %add3A_70 : vector<16xf32>
      %select_n3A_77 = arith.select %ge3A_73, %add3A_70, %mul3A_76 : vector<16xi1>, vector<16xf32>
      %jit3A_78 = arith.constant -1.000000e+09 : f32
      %broadcast_in_dim3A_79 = vector.broadcast %jit3A_78 : f32 to vector<16xf32>
      %select_n3A_80 = arith.select %ge3A_69, %select_n3A_77, %broadcast_in_dim3A_79 : vector<16xi1>, vector<16xf32>
      %mul3A_81 = arith.constant 16 : i32
      %mul3A_82 = arith.muli %scan3A_28, %mul3A_81 : i32
      %swap3A = arith.index_cast %mul3A_82 : i32 to index
      %swap3A_83 = tpu.vector_load %arg23[%swap3A] {strides = array<i32>} : memref<10080xf32, #tpu.memory_space<vmem>>, vector<16xf32>,
      tpu.vector_store %arg23[%swap3A], %select_n3A {strides = array<i32>} : memref<10080xf32, #tpu.memory_space<vmem>>, vector<16xf32>,
      %mul3A_84 = arith.constant 16 : i32
      %mul3A_85 = arith.muli %scan3A_28, %mul3A_84 : i32
      %swap3A_86 = arith.index_cast %mul3A_85 : i32 to index
      %swap3A_87 = tpu.vector_load %arg24[%swap3A_86] {strides = array<i32>} : memref<10080xf32, #tpu.memory_space<vmem>>, vector<16xf32>,
      tpu.vector_store %arg24[%swap3A_86], %select_n3A_80 {strides = array<i32>} : memref<10080xf32, #tpu.memory_space<vmem>>, vector<16xf32>,
      %eq3A_88 = arith.cmpi eq, %iota3A, %iota3A : vector<16xi32>
      %while3A = scf.while (%while3A_90 = %eq3A_88) : (vector<16xi1>) -> vector<16xi1> {
        %reduce_or3A = arith.constant 1.000000e+00 : f32
        %reduce_or3A_91 = arith.constant 0.000000e+00 : f32
        %reduce_or3A_92 = vector.broadcast %reduce_or3A : f32 to vector<16xf32>
        %reduce_or3A_93 = vector.broadcast %reduce_or3A_91 : f32 to vector<16xf32>
        %reduce_or3A_94 = arith.select %while3A_90, %reduce_or3A_92, %reduce_or3A_93 : vector<16xi1>, vector<16xf32>
        %reduce_or3A_95 = arith.constant true
        %reduce_or3A_96 = vector.broadcast %reduce_or3A_95 : i1 to vector<16xi1>
        %reduce_or3A_97 = tpu.scan <max>, %reduce_or3A_94 masked %reduce_or3A_96 : vector<16xf32>, vector<16xi1> -> vector<16xf32>
        %reduce_or3A_98 = vector.extract %reduce_or3A_97[15] : f32 from vector<16xf32>
        %reduce_or3A_99 = arith.constant 0.000000e+00 : f32
        %reduce_or3A_100 = arith.cmpf ogt, %reduce_or3A_98, %reduce_or3A_99 : f32
        scf.condition(%reduce_or3A_100) %while3A_90 : vector<16xi1>
      } do {
      ^bb0(%while3A_90: vector<16xi1>):
        %gather3A_91 = tpu.vector_load_idx %arg20[%get3A_36] : memref<10240xf32, #tpu.memory_space<vmem>>[vector<16xi32>], vector<16xf32>,
        %max3A = arith.maximumf %gather3A_91, %select_n3A_80 : vector<16xf32>
        tpu.vector_store_idx %arg20[%get3A_36], %max3A masked %while3A_90 : memref<10240xf32, #tpu.memory_space<vmem>>[vector<16xi32>], vector<16xf32>, vector<16xi1>
        %gather3A_92 = tpu.vector_load_idx %arg20[%get3A_36] : memref<10240xf32, #tpu.memory_space<vmem>>[vector<16xi32>], vector<16xf32>,
        %lt3A = arith.cmpf olt, %gather3A_92, %select_n3A_80 : vector<16xf32>
        %and3A = arith.andi %while3A_90, %lt3A : vector<16xi1>
        scf.yield %and3A : vector<16xi1>
      }
      %scan3A_89 = arith.constant 0 : i32
      scf.yield %scan3A_89 : i32
    }
    %scan3A_24 = arith.constant 630 : i32
    "tpu.region"() ({
      %run_scoped3A = tpu.sem_alloc : memref<!tpu.dma_semaphore, #tpu.memory_space<semaphore_mem>>
      %dma_start3A = tpu.memref_slice %arg10[%mul3A_17] : memref<322560xf32, #tpu.memory_space<hbm>> -> memref<10080xf32, #tpu.memory_space<hbm>>
      %dma_start3A_28 = tpu.memref_slice %arg10[%mul3A_17] : memref<322560xf32, #tpu.memory_space<hbm>> -> memref<10080xf32, #tpu.memory_space<hbm>>
      tpu.enqueue_dma source(%arg23 : memref<10080xf32, #tpu.memory_space<vmem>>) target(%dma_start3A_28 : memref<10080xf32, #tpu.memory_space<hbm>>) target_semaphore(%run_scoped3A : memref<!tpu.dma_semaphore, #tpu.memory_space<semaphore_mem>>)
      %dma_wait3A = tpu.memref_slice %arg10[%mul3A_17] : memref<322560xf32, #tpu.memory_space<hbm>> -> memref<10080xf32, #tpu.memory_space<hbm>>
      %dma_wait3A_29 = tpu.memref_slice %arg10[%mul3A_17] : memref<322560xf32, #tpu.memory_space<hbm>> -> memref<10080xf32, #tpu.memory_space<hbm>>
      tpu.wait_dma2 semaphore(%run_scoped3A : memref<!tpu.dma_semaphore, #tpu.memory_space<semaphore_mem>>) src(%arg23 : memref<10080xf32, #tpu.memory_space<vmem>>) dst(%dma_wait3A_29 : memref<10080xf32, #tpu.memory_space<hbm>>)
      tpu.yield
    }) : () -> ()
    "tpu.region"() ({
      %run_scoped3A = tpu.sem_alloc : memref<!tpu.dma_semaphore, #tpu.memory_space<semaphore_mem>>
      %dma_start3A = tpu.memref_slice %arg11[%mul3A_17] : memref<322560xf32, #tpu.memory_space<hbm>> -> memref<10080xf32, #tpu.memory_space<hbm>>
      %dma_start3A_28 = tpu.memref_slice %arg11[%mul3A_17] : memref<322560xf32, #tpu.memory_space<hbm>> -> memref<10080xf32, #tpu.memory_space<hbm>>
      tpu.enqueue_dma source(%arg24 : memref<10080xf32, #tpu.memory_space<vmem>>) target(%dma_start3A_28 : memref<10080xf32, #tpu.memory_space<hbm>>) target_semaphore(%run_scoped3A : memref<!tpu.dma_semaphore, #tpu.memory_space<semaphore_mem>>)
      %dma_wait3A = tpu.memref_slice %arg11[%mul3A_17] : memref<322560xf32, #tpu.memory_space<hbm>> -> memref<10080xf32, #tpu.memory_space<hbm>>
      %dma_wait3A_29 = tpu.memref_slice %arg11[%mul3A_17] : memref<322560xf32, #tpu.memory_space<hbm>> -> memref<10080xf32, #tpu.memory_space<hbm>>
      tpu.wait_dma2 semaphore(%run_scoped3A : memref<!tpu.dma_semaphore, #tpu.memory_space<semaphore_mem>>) src(%arg24 : memref<10080xf32, #tpu.memory_space<vmem>>) dst(%dma_wait3A_29 : memref<10080xf32, #tpu.memory_space<hbm>>)
      tpu.yield
    }) : () -> ()
    "tpu.region"() ({
      %run_scoped3A = tpu.sem_alloc : memref<!tpu.dma_semaphore, #tpu.memory_space<semaphore_mem>>
      %dma_start3A = arith.constant 0 : i32
      %dma_start3A_28 = tpu.memref_slice %arg26[%dma_start3A] : memref<10240xf32, #tpu.memory_space<vmem_shared>> -> memref<10240xf32, #tpu.memory_space<vmem_shared>>
      tpu.enqueue_indirect_dma source(%arg23 : memref<10080xf32, #tpu.memory_space<vmem>>) target(%dma_start3A_28 : memref<10240xf32, #tpu.memory_space<vmem_shared>>) offsets(%arg22 : memref<10080xi32, #tpu.memory_space<vmem>>) semaphore(%run_scoped3A : memref<!tpu.dma_semaphore, #tpu.memory_space<semaphore_mem>>) {add = true}
      %dma_wait3A = arith.constant 0 : i32
      %dma_wait3A_29 = tpu.memref_slice %arg26[%dma_wait3A] : memref<10240xf32, #tpu.memory_space<vmem_shared>> -> memref<10240xf32, #tpu.memory_space<vmem_shared>>
      tpu.wait_indirect_dma semaphore(%run_scoped3A : memref<!tpu.dma_semaphore, #tpu.memory_space<semaphore_mem>>) src(%arg23 : memref<10080xf32, #tpu.memory_space<vmem>>) dst(%dma_wait3A_29 : memref<10240xf32, #tpu.memory_space<vmem_shared>>)
      tpu.yield
    }) : () -> ()
    "tpu.region"() ({
      %run_scoped3A = tpu.sem_alloc : memref<!tpu.dma_semaphore, #tpu.memory_space<semaphore_mem>>
      %dma_start3A = arith.constant 0 : i32
      %dma_start3A_28 = tpu.memref_slice %arg13[%add3A, %dma_start3A] : memref<32x10240xf32, #tpu.memory_space<hbm>> -> memref<1x10240xf32, #tpu.memory_space<hbm>>
      %dma_start3A_29 = tpu.memref_squeeze %dma_start3A_28 : memref<1x10240xf32, #tpu.memory_space<hbm>> -> memref<10240xf32, #tpu.memory_space<hbm>>
      %dma_start3A_30 = arith.constant 0 : i32
      %dma_start3A_31 = tpu.memref_slice %arg13[%add3A, %dma_start3A_30] : memref<32x10240xf32, #tpu.memory_space<hbm>> -> memref<1x10240xf32, #tpu.memory_space<hbm>>
      %dma_start3A_32 = tpu.memref_squeeze %dma_start3A_31 : memref<1x10240xf32, #tpu.memory_space<hbm>> -> memref<10240xf32, #tpu.memory_space<hbm>>
      tpu.enqueue_dma source(%arg20 : memref<10240xf32, #tpu.memory_space<vmem>>) target(%dma_start3A_32 : memref<10240xf32, #tpu.memory_space<hbm>>) target_semaphore(%run_scoped3A : memref<!tpu.dma_semaphore, #tpu.memory_space<semaphore_mem>>)
      %dma_wait3A = arith.constant 0 : i32
      %dma_wait3A_33 = tpu.memref_slice %arg13[%add3A, %dma_wait3A] : memref<32x10240xf32, #tpu.memory_space<hbm>> -> memref<1x10240xf32, #tpu.memory_space<hbm>>
      %dma_wait3A_34 = tpu.memref_squeeze %dma_wait3A_33 : memref<1x10240xf32, #tpu.memory_space<hbm>> -> memref<10240xf32, #tpu.memory_space<hbm>>
      %dma_wait3A_35 = arith.constant 0 : i32
      %dma_wait3A_36 = tpu.memref_slice %arg13[%add3A, %dma_wait3A_35] : memref<32x10240xf32, #tpu.memory_space<hbm>> -> memref<1x10240xf32, #tpu.memory_space<hbm>>
      %dma_wait3A_37 = tpu.memref_squeeze %dma_wait3A_36 : memref<1x10240xf32, #tpu.memory_space<hbm>> -> memref<10240xf32, #tpu.memory_space<hbm>>
      tpu.wait_dma2 semaphore(%run_scoped3A : memref<!tpu.dma_semaphore, #tpu.memory_space<semaphore_mem>>) src(%arg20 : memref<10240xf32, #tpu.memory_space<vmem>>) dst(%dma_wait3A_37 : memref<10240xf32, #tpu.memory_space<hbm>>)
      tpu.yield
    }) : () -> ()
    %barrier3A_25 = arith.constant 0 : index
    tpu.barrier barrier_id(%barrier3A_25)
    %eq3A = arith.constant 0 : i32
    %eq3A_26 = arith.cmpi eq, %arg1, %eq3A : i32
    %convert_element_type3A = arith.extui %eq3A_26 : i1 to i32
    %cond3A = arith.constant 0 : i32
    %cond3A_27 = arith.cmpi ne, %convert_element_type3A, %cond3A : i32
    scf.if %cond3A_27 {
      "tpu.region"() ({
        %run_scoped3A = tpu.sem_alloc : memref<!tpu.dma_semaphore, #tpu.memory_space<semaphore_mem>>
        %dma_start3A = arith.constant 0 : i32
        %dma_start3A_28 = tpu.memref_slice %arg12[%arg0, %dma_start3A] : memref<2x10240xf32, #tpu.memory_space<hbm>> -> memref<1x10240xf32, #tpu.memory_space<hbm>>
        %dma_start3A_29 = tpu.memref_squeeze %dma_start3A_28 : memref<1x10240xf32, #tpu.memory_space<hbm>> -> memref<10240xf32, #tpu.memory_space<hbm>>
        tpu.enqueue_dma source(%arg26 : memref<10240xf32, #tpu.memory_space<vmem_shared>>) target(%dma_start3A_29 : memref<10240xf32, #tpu.memory_space<hbm>>) target_semaphore(%run_scoped3A : memref<!tpu.dma_semaphore, #tpu.memory_space<semaphore_mem>>)
        %dma_wait3A = arith.constant 0 : i32
        %dma_wait3A_30 = tpu.memref_slice %arg12[%arg0, %dma_wait3A] : memref<2x10240xf32, #tpu.memory_space<hbm>> -> memref<1x10240xf32, #tpu.memory_space<hbm>>
        %dma_wait3A_31 = tpu.memref_squeeze %dma_wait3A_30 : memref<1x10240xf32, #tpu.memory_space<hbm>> -> memref<10240xf32, #tpu.memory_space<hbm>>
        tpu.wait_dma2 semaphore(%run_scoped3A : memref<!tpu.dma_semaphore, #tpu.memory_space<semaphore_mem>>) src(%arg26 : memref<10240xf32, #tpu.memory_space<vmem_shared>>) dst(%dma_wait3A_31 : memref<10240xf32, #tpu.memory_space<hbm>>)
        tpu.yield
      }) : () -> ()
    } else {
    }
    return
  }
}

module attributes {stable_mosaic.version = 14 : i64} {
  func.func @_prep_body(%arg0: memref<10240x128xf32, #tpu.memory_space<vmem>>, %arg1: memref<10240x128xf32, #tpu.memory_space<vmem>>, %arg2: memref<10240x128xf32, #tpu.memory_space<vmem>>, %arg3: memref<128x64xf32, #tpu.memory_space<vmem>>, %arg4: memref<128x64xf32, #tpu.memory_space<vmem>>, %arg5: memref<64xf32, #tpu.memory_space<vmem>>, %arg6: memref<64xf32, #tpu.memory_space<vmem>>, %arg7: memref<128x128xf32, #tpu.memory_space<vmem>>, %arg8: memref<128xf32, #tpu.memory_space<vmem>>, %arg9: memref<128x128xf32, #tpu.memory_space<vmem>>, %arg10: memref<1xf32, #tpu.memory_space<vmem>>, %arg11: memref<10240x128xf32, #tpu.memory_space<vmem>>, %arg12: memref<10240xf32, #tpu.memory_space<vmem>>, %arg13: memref<10240xf32, #tpu.memory_space<vmem>>, %arg14: memref<10240xf32, #tpu.memory_space<vmem>>) attributes {dimension_semantics = [], scalar_prefetch = 0 : i64, scratch_operands = 0 : i64, tpu.core_type = #tpu.core_type<tc>} {
    %get3A = arith.constant 0 : index
    %get3A_0 = arith.constant 0 : index
    %get3A_1 = vector.load %arg0[%get3A, %get3A_0] : memref<10240x128xf32, #tpu.memory_space<vmem>>, vector<10240x128xf32>
    %get3A_2 = arith.constant 0 : index
    %get3A_3 = arith.constant 0 : index
    %get3A_4 = vector.load %arg3[%get3A_2, %get3A_3] : memref<128x64xf32, #tpu.memory_space<vmem>>, vector<128x64xf32>
    %dot_general3A = arith.constant dense<0.000000e+00> : vector<10240x64xf32>
    %dot_general3A_5 = tpu.matmul %get3A_1, %get3A_4, %dot_general3A {dimension_numbers = #tpu.dot_dimension_numbers<[1], [0], [0], [1], [0, 0, 1, 1], [], []>, transpose_lhs_hint = false} : vector<10240x128xf32>, vector<128x64xf32>, vector<10240x64xf32> -> vector<10240x64xf32>
    %get3A_6 = arith.constant 0 : index
    %get3A_7 = arith.constant 0 : index
    %get3A_8 = vector.load %arg1[%get3A_6, %get3A_7] : memref<10240x128xf32, #tpu.memory_space<vmem>>, vector<10240x128xf32>
    %get3A_9 = arith.constant 0 : index
    %get3A_10 = arith.constant 0 : index
    %get3A_11 = vector.load %arg4[%get3A_9, %get3A_10] : memref<128x64xf32, #tpu.memory_space<vmem>>, vector<128x64xf32>
    %dot_general3A_12 = arith.constant dense<0.000000e+00> : vector<10240x64xf32>
    %dot_general3A_13 = tpu.matmul %get3A_8, %get3A_11, %dot_general3A_12 {dimension_numbers = #tpu.dot_dimension_numbers<[1], [0], [0], [1], [0, 0, 1, 1], [], []>, transpose_lhs_hint = false} : vector<10240x128xf32>, vector<128x64xf32>, vector<10240x64xf32> -> vector<10240x64xf32>
    %swap3A = arith.constant 0 : index
    %swap3A_14 = arith.constant 0 : index
    %swap3A_15 = vector.load %arg11[%swap3A, %swap3A_14] : memref<10240x128xf32, #tpu.memory_space<vmem>>, vector<10240x64xf32>
    tpu.vector_store %arg11[%swap3A, %swap3A_14], %dot_general3A_5 {strides = array<i32>} : memref<10240x128xf32, #tpu.memory_space<vmem>>, vector<10240x64xf32>,
    %swap3A_16 = arith.constant 0 : index
    %swap3A_17 = arith.constant 64 : index
    %swap3A_18 = vector.load %arg11[%swap3A_16, %swap3A_17] : memref<10240x128xf32, #tpu.memory_space<vmem>>, vector<10240x64xf32>
    tpu.vector_store %arg11[%swap3A_16, %swap3A_17], %dot_general3A_13 {strides = array<i32>} : memref<10240x128xf32, #tpu.memory_space<vmem>>, vector<10240x64xf32>,
    %get3A_19 = arith.constant 0 : index
    %get3A_20 = vector.load %arg5[%get3A_19] : memref<64xf32, #tpu.memory_space<vmem>>, vector<64xf32>
    %broadcast_in_dim3A = vector.shape_cast %get3A_20 : vector<64xf32> to vector<1x64xf32>
    %mul3A = vector.broadcast %broadcast_in_dim3A : vector<1x64xf32> to vector<10240x64xf32>
    %mul3A_21 = arith.mulf %dot_general3A_5, %mul3A : vector<10240x64xf32>
    %reduce_sum3A = arith.constant dense<0.000000e+00> : vector<10240xf32>
    %reduce_sum3A_22 = vector.multi_reduction <add>, %mul3A_21, %reduce_sum3A [1] : vector<10240x64xf32> to vector<10240xf32>
    %swap3A_23 = arith.constant 0 : index
    %swap3A_24 = vector.load %arg12[%swap3A_23] : memref<10240xf32, #tpu.memory_space<vmem>>, vector<10240xf32>
    tpu.vector_store %arg12[%swap3A_23], %reduce_sum3A_22 {strides = array<i32>} : memref<10240xf32, #tpu.memory_space<vmem>>, vector<10240xf32>,
    %get3A_25 = arith.constant 0 : index
    %get3A_26 = vector.load %arg6[%get3A_25] : memref<64xf32, #tpu.memory_space<vmem>>, vector<64xf32>
    %broadcast_in_dim3A_27 = vector.shape_cast %get3A_26 : vector<64xf32> to vector<1x64xf32>
    %mul3A_28 = vector.broadcast %broadcast_in_dim3A_27 : vector<1x64xf32> to vector<10240x64xf32>
    %mul3A_29 = arith.mulf %dot_general3A_5, %mul3A_28 : vector<10240x64xf32>
    %reduce_sum3A_30 = arith.constant dense<0.000000e+00> : vector<10240xf32>
    %reduce_sum3A_31 = vector.multi_reduction <add>, %mul3A_29, %reduce_sum3A_30 [1] : vector<10240x64xf32> to vector<10240xf32>
    %swap3A_32 = arith.constant 0 : index
    %swap3A_33 = vector.load %arg13[%swap3A_32] : memref<10240xf32, #tpu.memory_space<vmem>>, vector<10240xf32>
    tpu.vector_store %arg13[%swap3A_32], %reduce_sum3A_31 {strides = array<i32>} : memref<10240xf32, #tpu.memory_space<vmem>>, vector<10240xf32>,
    %get3A_34 = arith.constant 0 : index
    %get3A_35 = arith.constant 0 : index
    %get3A_36 = vector.load %arg2[%get3A_34, %get3A_35] : memref<10240x128xf32, #tpu.memory_space<vmem>>, vector<10240x128xf32>
    %get3A_37 = arith.constant 0 : index
    %get3A_38 = arith.constant 0 : index
    %get3A_39 = vector.load %arg7[%get3A_37, %get3A_38] : memref<128x128xf32, #tpu.memory_space<vmem>>, vector<128x128xf32>
    %dot_general3A_40 = arith.constant dense<0.000000e+00> : vector<10240x128xf32>
    %dot_general3A_41 = tpu.matmul %get3A_36, %get3A_39, %dot_general3A_40 {dimension_numbers = #tpu.dot_dimension_numbers<[1], [0], [0], [1], [0, 0, 1, 1], [], []>, transpose_lhs_hint = false} : vector<10240x128xf32>, vector<128x128xf32>, vector<10240x128xf32> -> vector<10240x128xf32>
    %get3A_42 = arith.constant 0 : index
    %get3A_43 = vector.load %arg8[%get3A_42] : memref<128xf32, #tpu.memory_space<vmem>>, vector<128xf32>
    %broadcast_in_dim3A_44 = vector.shape_cast %get3A_43 : vector<128xf32> to vector<1x128xf32>
    %add3A = vector.broadcast %broadcast_in_dim3A_44 : vector<1x128xf32> to vector<10240x128xf32>
    %add3A_45 = arith.addf %dot_general3A_41, %add3A : vector<10240x128xf32>
    %gt3A = arith.constant 0.000000e+00 : f32
    %gt3A_46 = vector.broadcast %gt3A : f32 to vector<10240x128xf32>
    %gt3A_47 = arith.cmpf ogt, %add3A_45, %gt3A_46 : vector<10240x128xf32>
    %exp3A = math.exp %add3A_45 : vector<10240x128xf32>
    %sub3A = arith.constant 1.000000e+00 : f32
    %sub3A_48 = vector.broadcast %sub3A : f32 to vector<10240x128xf32>
    %sub3A_49 = arith.subf %exp3A, %sub3A_48 : vector<10240x128xf32>
    %select_n3A = arith.select %gt3A_47, %add3A_45, %sub3A_49 : vector<10240x128xi1>, vector<10240x128xf32>
    %get3A_50 = arith.constant 0 : index
    %get3A_51 = arith.constant 0 : index
    %get3A_52 = vector.load %arg9[%get3A_50, %get3A_51] : memref<128x128xf32, #tpu.memory_space<vmem>>, vector<128x128xf32>
    %dot_general3A_53 = arith.constant dense<0.000000e+00> : vector<10240x128xf32>
    %dot_general3A_54 = tpu.matmul %select_n3A, %get3A_52, %dot_general3A_53 {dimension_numbers = #tpu.dot_dimension_numbers<[1], [0], [0], [1], [0, 0, 1, 1], [], []>, transpose_lhs_hint = false} : vector<10240x128xf32>, vector<128x128xf32>, vector<10240x128xf32> -> vector<10240x128xf32>
    %slice3A = vector.extract_strided_slice %dot_general3A_54 {offsets = [0, 0], sizes = [10240, 1], strides = [1, 1]} : vector<10240x128xf32> to vector<10240x1xf32>
    %squeeze3A = vector.shape_cast %slice3A : vector<10240x1xf32> to vector<10240xf32>
    %add3A_55 = arith.constant 1.000000e+00 : f32
    %add3A_56 = vector.broadcast %add3A_55 : f32 to vector<10240xf32>
    %add3A_57 = arith.addf %add3A_56, %squeeze3A : vector<10240xf32>
    %get3A_58 = arith.constant 0 : index
    %get3A_59 = vector.load %arg10[%get3A_58] : memref<1xf32, #tpu.memory_space<vmem>>, vector<1xf32>
    %get3A_60 = vector.extract %get3A_59[0] : f32 from vector<1xf32>
    %add3A_61 = vector.broadcast %get3A_60 : f32 to vector<10240xf32>
    %add3A_62 = arith.addf %add3A_57, %add3A_61 : vector<10240xf32>
    %swap3A_63 = arith.constant 0 : index
    %swap3A_64 = vector.load %arg14[%swap3A_63] : memref<10240xf32, #tpu.memory_space<vmem>>, vector<10240xf32>
    tpu.vector_store %arg14[%swap3A_63], %add3A_62 {strides = array<i32>} : memref<10240xf32, #tpu.memory_space<vmem>>, vector<10240xf32>,
    return
  }
}

module attributes {stable_mosaic.version = 14 : i64} {
  func.func @_mid_body(%arg0: memref<2x10240xf32, #tpu.memory_space<vmem>>, %arg1: memref<32x10240xf32, #tpu.memory_space<vmem>>, %arg2: memref<10240xf32, #tpu.memory_space<vmem>>, %arg3: memref<10240xf32, #tpu.memory_space<vmem>>, %arg4: memref<10240xf32, #tpu.memory_space<vmem>>, %arg5: memref<10240xf32, #tpu.memory_space<vmem>>, %arg6: memref<10240xf32, #tpu.memory_space<vmem>>) attributes {dimension_semantics = [], scalar_prefetch = 0 : i64, scratch_operands = 0 : i64, tpu.core_type = #tpu.core_type<tc>} {
    %get3A = arith.constant 0 : index
    %get3A_0 = arith.constant 0 : index
    %get3A_1 = vector.load %arg0[%get3A, %get3A_0] : memref<2x10240xf32, #tpu.memory_space<vmem>>, vector<1x10240xf32>
    %get3A_2 = vector.shape_cast %get3A_1 : vector<1x10240xf32> to vector<10240xf32>
    %get3A_3 = arith.constant 1 : index
    %get3A_4 = arith.constant 0 : index
    %get3A_5 = vector.load %arg0[%get3A_3, %get3A_4] : memref<2x10240xf32, #tpu.memory_space<vmem>>, vector<1x10240xf32>
    %get3A_6 = vector.shape_cast %get3A_5 : vector<1x10240xf32> to vector<10240xf32>
    %add3A = arith.addf %get3A_2, %get3A_6 : vector<10240xf32>
    %add3A_7 = arith.constant 1.000000e+00 : f32
    %add3A_8 = vector.broadcast %add3A_7 : f32 to vector<10240xf32>
    %add3A_9 = arith.addf %add3A, %add3A_8 : vector<10240xf32>
    %rsqrt3A = math.rsqrt %add3A_9 : vector<10240xf32>
    %swap3A = arith.constant 0 : index
    %swap3A_10 = vector.load %arg4[%swap3A] : memref<10240xf32, #tpu.memory_space<vmem>>, vector<10240xf32>
    tpu.vector_store %arg4[%swap3A], %rsqrt3A {strides = array<i32>} : memref<10240xf32, #tpu.memory_space<vmem>>, vector<10240xf32>,
    %get3A_11 = arith.constant 0 : index
    %get3A_12 = arith.constant 0 : index
    %get3A_13 = vector.load %arg1[%get3A_11, %get3A_12] : memref<32x10240xf32, #tpu.memory_space<vmem>>, vector<32x10240xf32>
    %reduce_max3A = arith.constant dense<0xFF800000> : vector<10240xf32>
    %reduce_max3A_14 = vector.multi_reduction <maximumf>, %get3A_13, %reduce_max3A [0] : vector<32x10240xf32> to vector<10240xf32>
    %get3A_15 = arith.constant 0 : index
    %get3A_16 = vector.load %arg2[%get3A_15] : memref<10240xf32, #tpu.memory_space<vmem>>, vector<10240xf32>
    %get3A_17 = arith.constant 0 : index
    %get3A_18 = vector.load %arg3[%get3A_17] : memref<10240xf32, #tpu.memory_space<vmem>>, vector<10240xf32>
    %add3A_19 = arith.addf %get3A_16, %get3A_18 : vector<10240xf32>
    %ge3A = arith.constant 0.000000e+00 : f32
    %ge3A_20 = vector.broadcast %ge3A : f32 to vector<10240xf32>
    %ge3A_21 = arith.cmpf oge, %add3A_19, %ge3A_20 : vector<10240xf32>
    %mul3A = arith.constant 2.000000e-01 : f32
    %mul3A_22 = vector.broadcast %mul3A : f32 to vector<10240xf32>
    %mul3A_23 = arith.mulf %mul3A_22, %add3A_19 : vector<10240xf32>
    %select_n3A = arith.select %ge3A_21, %add3A_19, %mul3A_23 : vector<10240xi1>, vector<10240xf32>
    %max3A = arith.maximumf %reduce_max3A_14, %select_n3A : vector<10240xf32>
    %swap3A_24 = arith.constant 0 : index
    %swap3A_25 = vector.load %arg5[%swap3A_24] : memref<10240xf32, #tpu.memory_space<vmem>>, vector<10240xf32>
    tpu.vector_store %arg5[%swap3A_24], %max3A {strides = array<i32>} : memref<10240xf32, #tpu.memory_space<vmem>>, vector<10240xf32>,
    %sub3A = arith.subf %select_n3A, %max3A : vector<10240xf32>
    %exp3A = math.exp %sub3A : vector<10240xf32>
    %swap3A_26 = arith.constant 0 : index
    %swap3A_27 = vector.load %arg6[%swap3A_26] : memref<10240xf32, #tpu.memory_space<vmem>>, vector<10240xf32>
    tpu.vector_store %arg6[%swap3A_26], %exp3A {strides = array<i32>} : memref<10240xf32, #tpu.memory_space<vmem>>, vector<10240xf32>,
    return
  }
}

module attributes {stable_mosaic.version = 14 : i64} {
  func.func @_post_body(%arg0: memref<2x10240x128xf32, #tpu.memory_space<vmem>>, %arg1: memref<2x10240xf32, #tpu.memory_space<vmem>>, %arg2: memref<10240x128xf32, #tpu.memory_space<vmem>>, %arg3: memref<10240xf32, #tpu.memory_space<vmem>>, %arg4: memref<10240xf32, #tpu.memory_space<vmem>>, %arg5: memref<64xf32, #tpu.memory_space<vmem>>, %arg6: memref<64xf32, #tpu.memory_space<vmem>>, %arg7: memref<128x64xf32, #tpu.memory_space<vmem>>, %arg8: memref<64xf32, #tpu.memory_space<vmem>>, %arg9: memref<64x1xf32, #tpu.memory_space<vmem>>, %arg10: memref<1xf32, #tpu.memory_space<vmem>>, %arg11: memref<10240xf32, #tpu.memory_space<vmem>>) attributes {dimension_semantics = [], scalar_prefetch = 0 : i64, scratch_operands = 0 : i64, tpu.core_type = #tpu.core_type<tc>} {
    %get3A = arith.constant 0 : index
    %get3A_0 = arith.constant 0 : index
    %get3A_1 = vector.load %arg2[%get3A, %get3A_0] : memref<10240x128xf32, #tpu.memory_space<vmem>>, vector<10240x64xf32>
    %get3A_2 = arith.constant 0 : index
    %get3A_3 = arith.constant 64 : index
    %get3A_4 = vector.load %arg2[%get3A_2, %get3A_3] : memref<10240x128xf32, #tpu.memory_space<vmem>>, vector<10240x64xf32>
    %get3A_5 = arith.constant 0 : index
    %get3A_6 = vector.load %arg3[%get3A_5] : memref<10240xf32, #tpu.memory_space<vmem>>, vector<10240xf32>
    %get3A_7 = arith.constant 0 : index
    %get3A_8 = vector.load %arg4[%get3A_7] : memref<10240xf32, #tpu.memory_space<vmem>>, vector<10240xf32>
    %get3A_9 = arith.constant 0 : index
    %get3A_10 = arith.constant 0 : index
    %get3A_11 = arith.constant 0 : index
    %get3A_12 = vector.load %arg0[%get3A_9, %get3A_10, %get3A_11] : memref<2x10240x128xf32, #tpu.memory_space<vmem>>, vector<1x10240x128xf32>
    %get3A_13 = vector.shape_cast %get3A_12 : vector<1x10240x128xf32> to vector<10240x128xf32>
    %get3A_14 = arith.constant 1 : index
    %get3A_15 = arith.constant 0 : index
    %get3A_16 = arith.constant 0 : index
    %get3A_17 = vector.load %arg0[%get3A_14, %get3A_15, %get3A_16] : memref<2x10240x128xf32, #tpu.memory_space<vmem>>, vector<1x10240x128xf32>
    %get3A_18 = vector.shape_cast %get3A_17 : vector<1x10240x128xf32> to vector<10240x128xf32>
    %add3A = arith.addf %get3A_13, %get3A_18 : vector<10240x128xf32>
    %slice3A = vector.extract_strided_slice %add3A {offsets = [0, 0], sizes = [10240, 64], strides = [1, 1]} : vector<10240x128xf32> to vector<10240x64xf32>
    %broadcast_in_dim3A = vector.shape_cast %get3A_6 : vector<10240xf32> to vector<10240x1xf32>
    %mul3A = vector.broadcast %broadcast_in_dim3A : vector<10240x1xf32> to vector<10240x64xf32>
    %mul3A_19 = arith.mulf %mul3A, %get3A_1 : vector<10240x64xf32>
    %add3A_20 = arith.addf %slice3A, %mul3A_19 : vector<10240x64xf32>
    %slice3A_21 = vector.extract_strided_slice %add3A {offsets = [0, 64], sizes = [10240, 64], strides = [1, 1]} : vector<10240x128xf32> to vector<10240x64xf32>
    %mul3A_22 = arith.mulf %get3A_8, %get3A_8 : vector<10240xf32>
    %broadcast_in_dim3A_23 = vector.shape_cast %mul3A_22 : vector<10240xf32> to vector<10240x1xf32>
    %mul3A_24 = vector.broadcast %broadcast_in_dim3A_23 : vector<10240x1xf32> to vector<10240x64xf32>
    %mul3A_25 = arith.mulf %mul3A_24, %get3A_4 : vector<10240x64xf32>
    %add3A_26 = arith.addf %slice3A_21, %mul3A_25 : vector<10240x64xf32>
    %get3A_27 = arith.constant 0 : index
    %get3A_28 = arith.constant 0 : index
    %get3A_29 = vector.load %arg1[%get3A_27, %get3A_28] : memref<2x10240xf32, #tpu.memory_space<vmem>>, vector<1x10240xf32>
    %get3A_30 = vector.shape_cast %get3A_29 : vector<1x10240xf32> to vector<10240xf32>
    %get3A_31 = arith.constant 1 : index
    %get3A_32 = arith.constant 0 : index
    %get3A_33 = vector.load %arg1[%get3A_31, %get3A_32] : memref<2x10240xf32, #tpu.memory_space<vmem>>, vector<1x10240xf32>
    %get3A_34 = vector.shape_cast %get3A_33 : vector<1x10240xf32> to vector<10240xf32>
    %add3A_35 = arith.addf %get3A_30, %get3A_34 : vector<10240xf32>
    %add3A_36 = arith.addf %add3A_35, %get3A_6 : vector<10240xf32>
    %broadcast_in_dim3A_37 = vector.shape_cast %add3A_36 : vector<10240xf32> to vector<10240x1xf32>
    %div3A = vector.broadcast %broadcast_in_dim3A_37 : vector<10240x1xf32> to vector<10240x64xf32>
    %div3A_38 = arith.divf %add3A_20, %div3A : vector<10240x64xf32>
    %get3A_39 = arith.constant 0 : index
    %get3A_40 = vector.load %arg5[%get3A_39] : memref<64xf32, #tpu.memory_space<vmem>>, vector<64xf32>
    %broadcast_in_dim3A_41 = vector.shape_cast %get3A_40 : vector<64xf32> to vector<1x64xf32>
    %add3A_42 = vector.broadcast %broadcast_in_dim3A_41 : vector<1x64xf32> to vector<10240x64xf32>
    %add3A_43 = arith.addf %div3A_38, %add3A_42 : vector<10240x64xf32>
    %gt3A = arith.constant 0.000000e+00 : f32
    %gt3A_44 = vector.broadcast %gt3A : f32 to vector<10240x64xf32>
    %gt3A_45 = arith.cmpf ogt, %add3A_43, %gt3A_44 : vector<10240x64xf32>
    %exp3A = math.exp %add3A_43 : vector<10240x64xf32>
    %sub3A = arith.constant 1.000000e+00 : f32
    %sub3A_46 = vector.broadcast %sub3A : f32 to vector<10240x64xf32>
    %sub3A_47 = arith.subf %exp3A, %sub3A_46 : vector<10240x64xf32>
    %select_n3A = arith.select %gt3A_45, %add3A_43, %sub3A_47 : vector<10240x64xi1>, vector<10240x64xf32>
    %get3A_48 = arith.constant 0 : index
    %get3A_49 = vector.load %arg6[%get3A_48] : memref<64xf32, #tpu.memory_space<vmem>>, vector<64xf32>
    %broadcast_in_dim3A_50 = vector.shape_cast %get3A_49 : vector<64xf32> to vector<1x64xf32>
    %add3A_51 = vector.broadcast %broadcast_in_dim3A_50 : vector<1x64xf32> to vector<10240x64xf32>
    %add3A_52 = arith.addf %add3A_26, %add3A_51 : vector<10240x64xf32>
    %max3A = arith.constant 0.000000e+00 : f32
    %max3A_53 = vector.broadcast %max3A : f32 to vector<10240x64xf32>
    %max3A_54 = arith.maximumf %add3A_52, %max3A_53 : vector<10240x64xf32>
    %get3A_55 = arith.constant 0 : index
    %get3A_56 = arith.constant 0 : index
    %get3A_57 = vector.load %arg7[%get3A_55, %get3A_56] : memref<128x64xf32, #tpu.memory_space<vmem>>, vector<64x64xf32>
    %dot_general3A = arith.constant dense<0.000000e+00> : vector<10240x64xf32>
    %dot_general3A_58 = tpu.matmul %select_n3A, %get3A_57, %dot_general3A {dimension_numbers = #tpu.dot_dimension_numbers<[1], [0], [0], [1], [0, 0, 1, 1], [], []>, transpose_lhs_hint = false} : vector<10240x64xf32>, vector<64x64xf32>, vector<10240x64xf32> -> vector<10240x64xf32>
    %get3A_59 = arith.constant 64 : index
    %get3A_60 = arith.constant 0 : index
    %get3A_61 = vector.load %arg7[%get3A_59, %get3A_60] : memref<128x64xf32, #tpu.memory_space<vmem>>, vector<64x64xf32>
    %dot_general3A_62 = arith.constant dense<0.000000e+00> : vector<10240x64xf32>
    %dot_general3A_63 = tpu.matmul %max3A_54, %get3A_61, %dot_general3A_62 {dimension_numbers = #tpu.dot_dimension_numbers<[1], [0], [0], [1], [0, 0, 1, 1], [], []>, transpose_lhs_hint = false} : vector<10240x64xf32>, vector<64x64xf32>, vector<10240x64xf32> -> vector<10240x64xf32>
    %add3A_64 = arith.addf %dot_general3A_58, %dot_general3A_63 : vector<10240x64xf32>
    %get3A_65 = arith.constant 0 : index
    %get3A_66 = vector.load %arg8[%get3A_65] : memref<64xf32, #tpu.memory_space<vmem>>, vector<64xf32>
    %broadcast_in_dim3A_67 = vector.shape_cast %get3A_66 : vector<64xf32> to vector<1x64xf32>
    %add3A_68 = vector.broadcast %broadcast_in_dim3A_67 : vector<1x64xf32> to vector<10240x64xf32>
    %add3A_69 = arith.addf %add3A_64, %add3A_68 : vector<10240x64xf32>
    %max3A_70 = arith.constant 0.000000e+00 : f32
    %max3A_71 = vector.broadcast %max3A_70 : f32 to vector<10240x64xf32>
    %max3A_72 = arith.maximumf %add3A_69, %max3A_71 : vector<10240x64xf32>
    %get3A_73 = arith.constant 0 : index
    %get3A_74 = arith.constant 0 : index
    %get3A_75 = vector.load %arg9[%get3A_73, %get3A_74] : memref<64x1xf32, #tpu.memory_space<vmem>>, vector<64x1xf32>
    %dot_general3A_76 = arith.constant dense<0.000000e+00> : vector<10240x1xf32>
    %dot_general3A_77 = tpu.matmul %max3A_72, %get3A_75, %dot_general3A_76 {dimension_numbers = #tpu.dot_dimension_numbers<[1], [0], [0], [1], [0, 0, 1, 1], [], []>, transpose_lhs_hint = false} : vector<10240x64xf32>, vector<64x1xf32>, vector<10240x1xf32> -> vector<10240x1xf32>
    %squeeze3A = vector.shape_cast %dot_general3A_77 : vector<10240x1xf32> to vector<10240xf32>
    %get3A_78 = arith.constant 0 : index
    %get3A_79 = vector.load %arg10[%get3A_78] : memref<1xf32, #tpu.memory_space<vmem>>, vector<1xf32>
    %get3A_80 = vector.extract %get3A_79[0] : f32 from vector<1xf32>
    %add3A_81 = vector.broadcast %get3A_80 : f32 to vector<10240xf32>
    %add3A_82 = arith.addf %squeeze3A, %add3A_81 : vector<10240xf32>
    %swap3A = arith.constant 0 : index
    %swap3A_83 = vector.load %arg11[%swap3A] : memref<10240xf32, #tpu.memory_space<vmem>>, vector<10240xf32>
    tpu.vector_store %arg11[%swap3A], %add3A_82 {strides = array<i32>} : memref<10240xf32, #tpu.memory_space<vmem>>, vector<10240xf32>,
    return
  }
}

</mosaic_0001>

<sc_bundles>
// kernel: kernel.10.cloned.1.call-start
scs
__scs_entry_jumppad:
0x0: {  	(pc) =	sbr.rel $0x88, $3  }
0x1: {  	(tag) =	ssettag $0x0;
	lr =	simm.s32 $0x1  }
0x2: {  	[smem:$0x3F8E] =	sst lr;
	_ =	strace $0xD0000000  }
0x3: {  	_ = 	snop  }
0x4: {  	_ = 	snop  }
0x5: {  	_ = 	snop  }
0x6: {  	_ = 	snop  }
0x7: {  	_ = 	snop  }
__scs_overlays_trampoline_lowered:
0x8: {  	[smem:$0x3F9D] =	sst s0  }
0x9: {  	[smem:$0x3F9E] =	sst s1  }
0xa: {  	[smem:$0x3F9F] =	sst s2  }
0xb: {  	[smem:$0x3FA0] =	sst s3  }
0xc: {  	[smem:$0x3FA1] =	sst s4  }
0xd: {  	[smem:$0x3FA2] =	sst s5  }
0xe: {  	[smem:$0x3FA3] =	sst s6  }
0xf: {  	[smem:$0x3FA4] =	sst s7  }
0x10: {  	[smem:$0x3FA5] =	sst s8  }
0x11: {  	[smem:$0x3FA6] =	sst s9;
	s0 =	simm.s32 @!p0 $0x0  }
0x12: {  	s1 =	sld [smem:$0x3F8C];
	s0 =	simm.s32 @p0 $0x1  }
0x13: {  	[smem:$0x3FA7] =	sst s0;
	s0 =	simm.s32 @!p1 $0x0  }
0x14: {  	s2 =	sld [smem:$0x3F8B];
	s0 =	simm.s32 @p1 $0x1  }
0x15: {  	[smem:$0x3FA8] =	sst s0;
	s0 =	simm.s32 @!p2 $0x0  }
0x16: {  	s3 =	sld [smem:$0x3FDB];
	s0 =	simm.s32 @p2 $0x1  }
0x17: {  	s4 =	simm.s32 $0x1BF5;
	[smem:$0x3FAA] =	sst s0  }
0x18: {  	s0 =	sld [smem:$0x3F8D];
	_ =	swait.ge [sflag:s4], $0x0  }
0x19: {  	s7 =	sld [smem:$0x3F8E]  }
0x1a: {  	s8 =	sadd.s32 $0xFFFFE003, lr  }
0x1b: {  	s9 =	sadd.s32 $0xFFFFFEF7, lr;
	s5 =	simm.s32 $0xFFFFFFFF;
	p2 =	slt.u32 s8, $0xFFFFF086  }
0x1c: {  	p1 =	slt.u32 s9, $0xF7A;
	s5 =	simm.s32 @!p2 $0x0  }
0x1d: {  	s5 =	simm.s32 @p1 $0x1;
	p0 =	seq.s32 s7, s2  }
0x1e: {  	s7 =	smul.u32 @!p0 $0xF7A, s2;
	p2 =	seq.s32 @!p0 s5, $0x0  }
0x1f: {  	s9 =	smul.u32 $0xF7A, s1;
	s8 =	simm.s32 @!p0 $0x1BF5;
	p2 =	por !p2, p0  }
0x20: {  	[sflag:s8] =	ssyncset.s32 @!p0 $0xFFFFF086;
	s6 =	sadd.s32 @!p0 s3, s7;
	s7 =	simm.s32 @!p0 $0x108  }
0x21: {  	s3 =	sadd.s32 s3, s9;
	s6 =	sadd.s32 @!p0 $0x88, s6;
	s7 =	simm.s32 @p2 $0x1082  }
0x22: {  	[simem:s7], [sflag:s8] =	dma.local @!p0 [hbm:s6], $0xF7A  }
0x23: {  	s9 =	sor.u32 $0xD0000000, s2;
	s6 =	simm.s32 $0x108;
	_ =	swait.ge @!p0 [sflag:s8], $0x0  }
0x24: {  	s3 =	sadd.s32 $0x88, s3;
	s6 =	simm.s32 @!p1 $0x1082;
	[sflag:s4] =	ssyncset.s32 $0xFFFFF086  }
0x25: {  	[simem:s6], [sflag:s4] =	dma.local [hbm:s3], $0xF7A  }
0x26: {  	[smem:$0x3F8E] =	sst s1;
	(tag) =	ssettag s2;
	_ =	strace s9  }
0x27: {  	s1 =	sld [smem:$0x3F9E]  }
0x28: {  	s2 =	sld [smem:$0x3F9F]  }
0x29: {  	s4 =	sld [smem:$0x3FA1]  }
0x2a: {  	p0 =	seq.s32 s5, $0x0;
	s5 =	sld [smem:$0x3FA2]  }
0x2b: {  	s6 =	sld [smem:$0x3FA3]  }
0x2c: {  	s7 =	sld [smem:$0x3FA4]  }
0x2d: {  	s3 =	simm.s32 $0x108;
	s8 =	sld [smem:$0x3FA5]  }
0x2e: {  	s3 =	simm.s32 @!p0 $0x1082;
	s9 =	sld [smem:$0x3FA6]  }
0x2f: {  	lr =	sadd.s32 s0, s3;
	s0 =	sld [smem:$0x3F9D]  }
0x30: {  	s3 =	sld [smem:$0x3FA0]  }
0x31: {  	[smem:$0x3FA9] =	sst s10  }
0x32: {  	s10 =	sld [smem:$0x3FA7];
	_ =	sdelay $0x3  }
0x33: {  	p0 =	seq.s32 s10, $0x1;
	s10 =	sld [smem:$0x3FA9];
	_ =	sdelay $0x3  }
0x34: {  	[smem:$0x3FA9] =	sst s10  }
0x35: {  	s10 =	sld [smem:$0x3FA8];
	_ =	sdelay $0x3  }
0x36: {  	p1 =	seq.s32 s10, $0x1;
	s10 =	sld [smem:$0x3FA9];
	_ =	sdelay $0x3  }
0x37: {  	[smem:$0x3FA9] =	sst s10  }
0x38: {  	s10 =	sld [smem:$0x3FAA]  }
0x39: {  	_ = 	snop;
	(pc) =	sbr.ind lr, $3  }
0x3a: {  	_ = 	snop  }
0x3b: {  	_ = 	snop  }
0x3c: {  	p2 =	seq.s32 s10, $0x1;
	s10 =	sld [smem:$0x3FA9]  }
0x3d: {  	_ =	shalt  }
0x3e: {  	_ =	shalt  }
0x3f: {  	_ =	shalt  }
0x40: {  	_ =	shalt  }
0x41: {  	_ =	shalt  }
0x42: {  	_ =	shalt  }
0x43: {  	_ =	shalt  }
0x44: {  	_ =	shalt  }
0x45: {  	_ =	shalt  }
0x46: {  	_ =	shalt  }
0x47: {  	_ =	shalt  }
0x48: {  	_ =	shalt  }
0x49: {  	_ =	shalt  }
0x4a: {  	_ =	shalt  }
0x4b: {  	_ =	shalt  }
0x4c: {  	_ =	shalt  }
0x4d: {  	_ =	shalt  }
0x4e: {  	_ =	shalt  }
0x4f: {  	_ =	shalt  }
0x50: {  	_ =	shalt  }
0x51: {  	_ =	shalt  }
0x52: {  	_ =	shalt  }
0x53: {  	_ =	shalt  }
0x54: {  	_ =	shalt  }
0x55: {  	_ =	shalt  }
0x56: {  	_ =	shalt  }
0x57: {  	_ =	shalt  }
0x58: {  	_ =	shalt  }
0x59: {  	_ =	shalt  }
0x5a: {  	_ =	shalt  }
0x5b: {  	_ =	shalt  }
0x5c: {  	_ =	shalt  }
0x5d: {  	_ =	shalt  }
0x5e: {  	_ =	shalt  }
0x5f: {  	_ =	shalt  }
0x60: {  	_ =	shalt  }
0x61: {  	_ =	shalt  }
0x62: {  	_ =	shalt  }
0x63: {  	_ =	shalt  }
0x64: {  	_ =	shalt  }
0x65: {  	_ =	shalt  }
0x66: {  	_ =	shalt  }
0x67: {  	_ =	shalt  }
0x68: {  	_ =	shalt  }
0x69: {  	_ =	shalt  }
0x6a: {  	_ =	shalt  }
0x6b: {  	_ =	shalt  }
0x6c: {  	_ =	shalt  }
0x6d: {  	_ =	shalt  }
0x6e: {  	_ =	shalt  }
0x6f: {  	_ =	shalt  }
0x70: {  	_ =	shalt  }
0x71: {  	_ =	shalt  }
0x72: {  	_ =	shalt  }
0x73: {  	_ =	shalt  }
0x74: {  	_ =	shalt  }
0x75: {  	_ =	shalt  }
0x76: {  	_ =	shalt  }
0x77: {  	_ =	shalt  }
0x78: {  	_ =	shalt  }
0x79: {  	_ =	shalt  }
0x7a: {  	_ =	shalt  }
0x7b: {  	_ =	shalt  }
0x7c: {  	_ =	shalt  }
0x7d: {  	_ =	shalt  }
0x7e: {  	_ =	shalt  }
0x7f: {  	_ =	shalt  }
0x80: {  	_ =	shalt  }
0x81: {  	_ =	shalt  }
0x82: {  	_ =	shalt  }
0x83: {  	_ =	shalt  }
0x84: {  	_ =	shalt  }
0x85: {  	_ =	shalt  }
0x86: {  	_ =	shalt  }
0x87: {  	_ =	shalt  }
.Lfunc_end0:
.L_simem_size_0:
called_computation.1_lowered:
.L_overlay_start_0:
0x88: {  	s2 =	sld [smem:$0x3FD9]  }
0x89: {  	s3 =	sld [smem:$0x3FFE];
	_ =	sdelay $0x1  }
0x8a: {  	s1 =	srdreg.scid  }
0x8b: {  	s0 =	sand.u32 $0x1, s1  }
0x8c: {  	s17 =	sshll.u32 s0, $0xA;
	s2 =	sadd.s32 s3, s2  }
0x8d: {  	s2 =	sadd.s32 s2, s17  }
0x8e: {  	[smem:$0x3FB5] =	sst s2  }
0x8f: {  	_ = 	snop  }
0x90: {  	s2 =	sld [smem:$0x3FD0];
	(tm) =	ssettm $0x1  }
0x91: {  	s18 =	sld [smem:$0x3FFB];
	_ =	sdelay $0x3  }
0x92: {  	_ =	strace s18  }
0x93: {  	s3 =	sld [smem:$0x3FFC];
	_ =	sdelay $0x3  }
0x94: {  	_ =	strace s3  }
0x95: {  	s3 =	sld [smem:$0x3FFD];
	_ =	sdelay $0x3  }
0x96: {  	_ =	strace s3  }
0x97: {  	_ =	strace $0x8FFFFFFF  }
0x98: {  	s19 =	sld [smem:$0x3FDB];
	_ =	sdelay $0x1  }
0x99: {  	s4 =	simm.s32 $_scs_section_size  }
0x9a: {  	s5 =	simm.s32 $_size__tile_overlayer_lowered;
	s6 =	simm.s32 $_tile_overlayer_lowered  }
0x9b: {  	s22 =	simm.s32 $0x1BFF;
	s21 =	sshll.u32 s6, $0x1;
	s3 =	sadd.s32 s4, s19  }
0x9c: {  	s7 =	simm.s32 $0x0;
	s20 =	sshll.u32 s5, $0x1;
	s5 =	sadd.s32 s21, s3  }
0x9d: {  	[timem:s7], [sflag:s22] =	dma.local [hbm:s5], s20  }
0x9e: {  	_ =	swait.ge [sflag:s22], s20  }
0x9f: {  	s4 =	ssub.s32 $0x0, s20;
	[sflag:s22] =	ssyncset.done $0x0  }
0xa0: {  	[sflag:s22] =	ssyncadd.s32 s4;
	_ =	sdelay $0x1  }
0xa1: {  	s23 =	simm.s32 $0x1B8B  }
0xa2: {  	_ =	swait.ge [sflag:s23], $0x1  }
0xa3: {  	[sflag:s23] =	ssyncset.done $0x0  }
0xa4: {  	s25 =	simm.s32 $0x1B8E;
	s24 =	sld [smem:$0x3FFE];
	[sflag:s23] =	ssyncadd.s32 $0xFFFFFFFF  }
0xa5: {  	s26 =	simm.s32 $execute0_lowered;
	[smem:$0x3FD2] =	sst s25  }
0xa6: {  	s5 =	sshll.u32 s26, $0x1;
	_ =	strace $0x80000049;
	[dreg:$0x1] =	wrdreg $0xFFFFFFFF  }
0xa7: {  	s28 =	simm.s32 $_size_execute0_lowered;
	s3 =	sadd.s32 s3, s5;
	[dreg:$0x0] =	wrdreg $0x0  }
0xa8: {  	s5 =	sshll.u32 s28, $0x1;
	[dreg:$0x2] =	wrdreg s3  }
0xa9: {  	[dreg:$0x3] =	wrdreg s5  }
0xaa: {  	[dreg:$0x4] =	wrdreg $0xC0  }
0xab: {  	_ =	task [dreg:s7], $0x5FFFF  }
0xac: {  	[dreg:$0x1] =	wrdreg $0xFFFFFFFF  }
0xad: {  	[dreg:$0x0] =	wrdreg $0x60  }
0xae: {  	[dreg:$0x2] =	wrdreg s24  }
0xaf: {  	[dreg:$0x3] =	wrdreg s2  }
0xb0: {  	[dreg:$0x4] =	wrdreg $0xBB800  }
0xb1: {  	[dreg:$0x5] =	wrdreg $0x1FB800  }
0xb2: {  	[dreg:$0x6] =	wrdreg $0x9  }
0xb3: {  	_ =	task.clear_ibuf [dreg:s7], $0x7FFFF;
	_ =	strace $0x90000049  }
0xb4: {  	s29 =	simm.s32 $0x9;
	_ =	strace $0x8000004B  }
0xb5: {  	_ =	swait.ge [sflag:s29], $0x1  }
0xb6: {  	[sflag:s29] =	ssyncadd.s32 $0xFFFFFFFF  }
0xb7: {  	_ =	strace $0x9000004B  }
0xb8: {  	_ =	sfence  }
0xb9: {  	s30 =	sld [smem:$0x0];
	_ =	sdelay $0x2  }
0xba: {  	s31 =	sshll.u32 s1, $0xD;
	s1 =	sshrl.u32 s1, $0x2  }
0xbb: {  	s3 =	sand.u32 $0x4000, s31;
	s1 =	sadd.s32 s1, s30  }
0xbc: {  	s0 =	sor.u32 s3, s0;
	s1 =	sshll.u32 s1, $0x11  }
0xbd: {  	s0 =	sor.u32 s1, s0  }
0xbe: {  	s0 =	sadd.s32 $0x8F2B, s0  }
0xbf: {  	[sflag:s0] =	ssyncadd.remote.s32 $0x1  }
0xc0: {  	_ =	sfence.sel $0xFFFF  }
0xc1: {  	[dreg:$0x0] =	wrdreg $0xFFFFFFFF;
	(pc) =	sbr.abs _section_cstart, $3  }
0xc2: {  	[dreg:$0x1] =	wrdreg $0xFFFFFFFF  }
0xc3: {  	_ =	task.clear_ibuf [dreg:s7], $0x2FFFF;
	_ =	strace $0x9FFFFFFF  }
0xc4: {  	(tm) =	ssettm $0x7FFFFFFF  }
0xc5: {  	_ =	shalt  }
tec
execute0_lowered:
.L_overlay_start_1:
0x0: {  	(tag) =	ssettag $0x1  }
0x1: {  	s0 =	rddreg [dreg:$0x0]  }
0x2: {  	s2 =	rddreg [dreg:$0x2]  }
0x3: {  	s3 =	rddreg [dreg:$0x3]  }
0x4: {  	s4 =	simm.s32 $0x0;
	s1 =	srdreg.scid;
	s15 =	stileid.u32  }
0x5: {  	[smem:$0x7FF] =	sst s4;
	s10 =	smul.u32 $0x14000, s15  }
0x6: {  	s1 =	sand.u32 $0x1, s1;
	s6 =	sadd.s32 $0x4A00, s0;
	s12 =	smul.u32 $0x500, s15  }
0x7: {  	s7 =	sadd.s32 $0xE800, s0;
	s8 =	sadd.s32 $0x4CE00, s0;
	s30 =	smul.u32 $0xA00, s15  }
0x8: {  	s9 =	sadd.s32 $0x56C00, s0;
	s11 =	sadd.s32 $0x18600, s0;
	s5 =	smul.u32 $0x140000, s1  }
0x9: {  	s29 =	sshll.u32 s1, $0x4;
	s13 =	sshll.u32 s1, $0x7;
	s1 =	ssub.s32 $0x2, s1  }
0xa: {  	_ =	strace $0x8000004A;
	[dreg:$0x5] =	wrdreg s11;
	s14 =	sshrl.u32 s1, $0x1  }
0xb: {  	s16 =	sshrl.u32 s30, $0x2;
	s5 =	sadd.s32 s10, s5;
	s10 =	sor.u32 s15, s29  }
0xc: {  	s1 =	ssub.s32 s1, s14;
	s16 =	sadd.s32 s16, s3;
	s10 =	smul.u32 $0x2760, s10  }
0xd: {  	s11 =	sadd.s32 $0x19800, s0;
	s29 =	smax.u32 s1, $0x1;
	[dreg:$0x6] =	wrdreg s16  }
0xe: {  	s12 =	sor.u32 s13, s12;
	[dreg:$0x14] =	wrdreg s29;
	s22 =	sadd.s32 $0x30, s10  }
0xf: {  	s12 =	sshrl.u32 s12, $0x3;
	s23 =	sadd.s32 $0x60, s10;
	[dreg:$0xc] =	wrdreg s22  }
0x10: {  	s15 =	smul.u32 $0x50000, s15;
	s24 =	sadd.s32 $0x90, s10;
	[dreg:$0xd] =	wrdreg s23  }
0x11: {  	s5 =	sshrl.u32 s5, $0x3;
	s25 =	sadd.s32 $0xC0, s10;
	[dreg:$0xe] =	wrdreg s24  }
0x12: {  	s5 =	sadd.s32 s5, s0;
	s26 =	sadd.s32 $0xF0, s10;
	[dreg:$0xf] =	wrdreg s25  }
0x13: {  	s18 =	sshrl.u32 s10, $0x3;
	s10 =	sadd.s32 $0x120, s10;
	[dreg:$0x10] =	wrdreg s26  }
0x14: {  	s0 =	sadd.s32 s12, s0;
	s5 =	sadd.s32 $0x60A00, s5;
	[dreg:$0x11] =	wrdreg s10  }
0x15: {  	s17 =	sshrl.u32 s15, $0x2;
	s0 =	sadd.s32 $0x18C00, s0;
	[dreg:$0x12] =	wrdreg s5  }
0x16: {  	s12 =	sadd.s32 s17, s2;
	[dreg:$0x13] =	wrdreg s0  }
0x17: {  	s19 =	sadd.s32 s6, s18;
	[dreg:$0x7] =	wrdreg s12  }
0x18: {  	s20 =	sadd.s32 s7, s18;
	[dreg:$0x8] =	wrdreg s19  }
0x19: {  	s21 =	sadd.s32 s8, s18;
	[dreg:$0x9] =	wrdreg s20  }
0x1a: {  	s13 =	sadd.s32 s9, s18;
	[dreg:$0xa] =	wrdreg s21  }
0x1b: {  	s30 =	sadd.s32 $0x1000, s12;
	[dreg:$0xb] =	wrdreg s13  }
0x1c: {  	s1 =	sadd.s32 $0x2000, s12;
	[dreg:$0x15] =	wrdreg s30  }
0x1d: {  	s5 =	sadd.s32 $0x3000, s12;
	[dreg:$0x16] =	wrdreg s1  }
0x1e: {  	s10 =	sadd.s32 $0x4000, s12;
	[dreg:$0x17] =	wrdreg s5  }
0x1f: {  	s14 =	sadd.s32 $0x6000, s12;
	[dreg:$0x18] =	wrdreg s10  }
0x20: {  	s15 =	sadd.s32 $0x7000, s12;
	[dreg:$0x1a] =	wrdreg s14  }
0x21: {  	s17 =	sadd.s32 $0x8000, s12;
	[dreg:$0x1b] =	wrdreg s15  }
0x22: {  	s18 =	sadd.s32 $0x9000, s12;
	[dreg:$0x1c] =	wrdreg s17  }
0x23: {  	s22 =	sadd.s32 $0xD000, s12;
	[dreg:$0x1d] =	wrdreg s18  }
0x24: {  	s23 =	sadd.s32 $0xE000, s12;
	[smem:$0x7F7] =	sst s22  }
0x25: {  	s31 =	simm.s32 $0x7100;
	s24 =	sadd.s32 $0xF000, s12;
	[smem:$0x7F8] =	sst s23  }
0x26: {  	s28 =	simm.s32 $0xA100;
	s25 =	sadd.s32 $0x10000, s12;
	[smem:$0x7F9] =	sst s24  }
0x27: {  	s26 =	sadd.s32 $0x11000, s12;
	s29 =	sadd.s32 $0x12000, s12;
	[smem:$0x7FA] =	sst s25  }
0x28: {  	s13 =	sadd.s32 $0x5000, s12;
	s19 =	sadd.s32 $0xA000, s12;
	[smem:$0x7FB] =	sst s26  }
0x29: {  	s20 =	sadd.s32 $0xB000, s12;
	s21 =	sadd.s32 $0xC000, s12;
	[smem:$0x7FC] =	sst s29  }
0x2a: {  	s30 =	sadd.s32 $0x13000, s12;
	s18 =	simm.s32 $0x5;
	s1 =	simm.s32 $0x5900  }
0x2b: {  	s5 =	simm.s32 $0x2800;
	s23 =	simm.s32 $0x5280;
	[dreg:$0x19] =	wrdreg s13  }
0x2c: {  	s14 =	simm.s32 $0x5100;
	s17 =	simm.s32 $0x1;
	[dreg:$0x1e] =	wrdreg s19  }
0x2d: {  	s24 =	simm.s32 $0x30;
	s25 =	simm.s32 $0x5580;
	[dreg:$0x1f] =	wrdreg s20  }
0x2e: {  	s26 =	simm.s32 $0x5400;
	s22 =	simm.s32 $0x3;
	[smem:$0x7F6] =	sst s21  }
0x2f: {  	v0 =	vlaneseq.u32;
	s10 =	simm.s32 $0x0;
	[smem:$0x7FD] =	sst s30;
	s13 =	simm.s32 $0x5700  }
0x30: {  	v1 =	vimm.f32 $0.0e+00;
	v2 =	vmul.u32 $0x80, v0;
	s19 =	simm.s32 $0x2;
	s20 =	simm.s32 $0x8900;
	s21 =	simm.s32 $0x4  }
.LBB2_1:
0x31: {  	[tilespmem:$0xB900] =	vst v1  }
0x32: {  	[tilespmem:$0xB910] =	vst v1  }
0x33: {  	[tilespmem:$0xB920] =	vst v1  }
0x34: {  	[tilespmem:$0xB930] =	vst v1  }
0x35: {  	[tilespmem:$0xB940] =	vst v1  }
0x36: {  	[tilespmem:$0xB950] =	vst v1  }
0x37: {  	[tilespmem:$0xB960] =	vst v1  }
0x38: {  	[tilespmem:$0xB970] =	vst v1  }
0x39: {  	[tilespmem:$0xB980] =	vst v1  }
0x3a: {  	[tilespmem:$0xB990] =	vst v1  }
0x3b: {  	[tilespmem:$0xB9A0] =	vst v1  }
0x3c: {  	[tilespmem:$0xB9B0] =	vst v1  }
0x3d: {  	[tilespmem:$0xB9C0] =	vst v1  }
0x3e: {  	[tilespmem:$0xB9D0] =	vst v1  }
0x3f: {  	[tilespmem:$0xB9E0] =	vst v1  }
0x40: {  	[tilespmem:$0xB9F0] =	vst v1  }
0x41: {  	[tilespmem:$0xBA00] =	vst v1  }
0x42: {  	[tilespmem:$0xBA10] =	vst v1  }
0x43: {  	[tilespmem:$0xBA20] =	vst v1  }
0x44: {  	[tilespmem:$0xBA30] =	vst v1  }
0x45: {  	[tilespmem:$0xBA40] =	vst v1  }
0x46: {  	[tilespmem:$0xBA50] =	vst v1  }
0x47: {  	[tilespmem:$0xBA60] =	vst v1  }
0x48: {  	[tilespmem:$0xBA70] =	vst v1  }
0x49: {  	[tilespmem:$0xBA80] =	vst v1  }
0x4a: {  	[tilespmem:$0xBA90] =	vst v1  }
0x4b: {  	[tilespmem:$0xBAA0] =	vst v1  }
0x4c: {  	[tilespmem:$0xBAB0] =	vst v1  }
0x4d: {  	[tilespmem:$0xBAC0] =	vst v1  }
0x4e: {  	[tilespmem:$0xBAD0] =	vst v1  }
0x4f: {  	[tilespmem:$0xBAE0] =	vst v1  }
0x50: {  	[tilespmem:$0xBAF0] =	vst v1  }
0x51: {  	[tilespmem:$0xBB00] =	vst v1  }
0x52: {  	[tilespmem:$0xBB10] =	vst v1  }
0x53: {  	[tilespmem:$0xBB20] =	vst v1  }
0x54: {  	[tilespmem:$0xBB30] =	vst v1  }
0x55: {  	[tilespmem:$0xBB40] =	vst v1  }
0x56: {  	[tilespmem:$0xBB50] =	vst v1  }
0x57: {  	[tilespmem:$0xBB60] =	vst v1  }
0x58: {  	[smem:$0x7F5] =	sst s10;
	[tilespmem:$0xBB70] =	vst v1;
	s0 =	simm.s32 $0xB900  }
0x59: {  	[spmem:s16] =	stream.linear.scatter [tilespmem:s0], [sflag:$0x5], $0x280, $0x38;
	[tilespmem:$0x1FE00] =	vst v63  }
0x5a: {  	_ =	swait.ge [sflag:s18], $0x280  }
0x5b: {  	[sflag:s18] =	ssyncset.done $0x0  }
0x5c: {  	s10 =	simm.s32 $0x3C0;
	s0 =	simm.s32 $0x70;
	[sflag:s18] =	ssyncadd.s32 $0xFFFFFD80  }
.LBB2_2:
0x5d: {  	p0 =	sne.s32 s10, $0x5FC0;
	[tilespmem:s0+$0x5900] =	vst v1  }
0x5e: {  	[tilespmem:s0+$0x5890] =	vst v1  }
0x5f: {  	[tilespmem:s0+$0x58A0] =	vst v1  }
.Ltmp0:
0x60: {  	[tilespmem:s0+$0x58B0] =	vst v1;
	(pc) =	sbr.rel @p0 .LBB2_2-.Ltmp0, $4  }
0x61: {  	[tilespmem:s0+$0x58C0] =	vst v1  }
0x62: {  	[tilespmem:s0+$0x58D0] =	vst v1  }
0x63: {  	[tilespmem:s0+$0x58E0] =	vst v1  }
0x64: {  	[tilespmem:s0+$0x58F0] =	vst v1;
	s0 =	sshra.s32 s10, $0x2;
	s10 =	sadd.s32 $0x200, s10  }
0x65: {  	[tilespmem:s0+$0x5900] =	vst v1  }
0x66: {  	[tilespmem:s0+$0x5890] =	vst v1  }
0x67: {  	[tilespmem:s0+$0x58A0] =	vst v1  }
0x68: {  	[tilespmem:s0+$0x58B0] =	vst v1  }
0x69: {  	[tilespmem:s0+$0x58C0] =	vst v1  }
0x6a: {  	[tilespmem:s0+$0x58D0] =	vst v1  }
0x6b: {  	[tilespmem:s0+$0x58E0] =	vst v1  }
0x6c: {  	[tilespmem:s0+$0x58F0] =	vst v1  }
0x6d: {  	[spmem:s12] =	stream.linear.scatter [tilespmem:s1], [sflag:$0x5], $0x1000, $0x38;
	[tilespmem:$0x1FE00] =	vst v63  }
0x6e: {  	_ =	swait.ge [sflag:s18], $0x1000  }
0x6f: {  	[sflag:s18] =	ssyncset.done $0x0  }
0x70: {  	s10 =	rddreg [dreg:$0x15];
	[sflag:s18] =	ssyncadd.s32 $0xFFFFF000  }
0x71: {  	[spmem:s10] =	stream.linear.scatter [tilespmem:s1], [sflag:$0x5], $0x1000, $0x38;
	[tilespmem:$0x1FE00] =	vst v63  }
0x72: {  	_ =	swait.ge [sflag:s18], $0x1000  }
0x73: {  	[sflag:s18] =	ssyncset.done $0x0  }
0x74: {  	s12 =	rddreg [dreg:$0x16];
	[sflag:s18] =	ssyncadd.s32 $0xFFFFF000  }
0x75: {  	[spmem:s12] =	stream.linear.scatter [tilespmem:s1], [sflag:$0x5], $0x1000, $0x38;
	[tilespmem:$0x1FE00] =	vst v63  }
0x76: {  	_ =	swait.ge [sflag:s18], $0x1000  }
0x77: {  	[sflag:s18] =	ssyncset.done $0x0  }
0x78: {  	s15 =	rddreg [dreg:$0x17];
	[sflag:s18] =	ssyncadd.s32 $0xFFFFF000  }
0x79: {  	[spmem:s15] =	stream.linear.scatter [tilespmem:s1], [sflag:$0x5], $0x1000, $0x38;
	[tilespmem:$0x1FE00] =	vst v63  }
0x7a: {  	_ =	swait.ge [sflag:s18], $0x1000  }
0x7b: {  	[sflag:s18] =	ssyncset.done $0x0  }
0x7c: {  	s16 =	rddreg [dreg:$0x18];
	[sflag:s18] =	ssyncadd.s32 $0xFFFFF000  }
0x7d: {  	[spmem:s16] =	stream.linear.scatter [tilespmem:s1], [sflag:$0x5], $0x1000, $0x38;
	[tilespmem:$0x1FE00] =	vst v63  }
0x7e: {  	_ =	swait.ge [sflag:s18], $0x1000  }
0x7f: {  	[sflag:s18] =	ssyncset.done $0x0  }
0x80: {  	s30 =	rddreg [dreg:$0x19];
	[sflag:s18] =	ssyncadd.s32 $0xFFFFF000  }
0x81: {  	[spmem:s30] =	stream.linear.scatter [tilespmem:s1], [sflag:$0x5], $0x1000, $0x38;
	[tilespmem:$0x1FE00] =	vst v63  }
0x82: {  	_ =	swait.ge [sflag:s18], $0x1000  }
0x83: {  	[sflag:s18] =	ssyncset.done $0x0  }
0x84: {  	s10 =	rddreg [dreg:$0x1a];
	[sflag:s18] =	ssyncadd.s32 $0xFFFFF000  }
0x85: {  	[spmem:s10] =	stream.linear.scatter [tilespmem:s1], [sflag:$0x5], $0x1000, $0x38;
	[tilespmem:$0x1FE00] =	vst v63  }
0x86: {  	_ =	swait.ge [sflag:s18], $0x1000  }
0x87: {  	[sflag:s18] =	ssyncset.done $0x0  }
0x88: {  	s12 =	rddreg [dreg:$0x1b];
	[sflag:s18] =	ssyncadd.s32 $0xFFFFF000  }
0x89: {  	[spmem:s12] =	stream.linear.scatter [tilespmem:s1], [sflag:$0x5], $0x1000, $0x38;
	[tilespmem:$0x1FE00] =	vst v63  }
0x8a: {  	_ =	swait.ge [sflag:s18], $0x1000  }
0x8b: {  	[sflag:s18] =	ssyncset.done $0x0  }
0x8c: {  	s15 =	rddreg [dreg:$0x1c];
	[sflag:s18] =	ssyncadd.s32 $0xFFFFF000  }
0x8d: {  	[spmem:s15] =	stream.linear.scatter [tilespmem:s1], [sflag:$0x5], $0x1000, $0x38;
	[tilespmem:$0x1FE00] =	vst v63  }
0x8e: {  	_ =	swait.ge [sflag:s18], $0x1000  }
0x8f: {  	[sflag:s18] =	ssyncset.done $0x0  }
0x90: {  	s16 =	rddreg [dreg:$0x1d];
	[sflag:s18] =	ssyncadd.s32 $0xFFFFF000  }
0x91: {  	[spmem:s16] =	stream.linear.scatter [tilespmem:s1], [sflag:$0x5], $0x1000, $0x38;
	[tilespmem:$0x1FE00] =	vst v63  }
0x92: {  	_ =	swait.ge [sflag:s18], $0x1000  }
0x93: {  	[sflag:s18] =	ssyncset.done $0x0  }
0x94: {  	s30 =	rddreg [dreg:$0x1e];
	[sflag:s18] =	ssyncadd.s32 $0xFFFFF000  }
0x95: {  	[spmem:s30] =	stream.linear.scatter [tilespmem:s1], [sflag:$0x5], $0x1000, $0x38;
	[tilespmem:$0x1FE00] =	vst v63  }
0x96: {  	_ =	swait.ge [sflag:s18], $0x1000  }
0x97: {  	[sflag:s18] =	ssyncset.done $0x0  }
0x98: {  	s10 =	rddreg [dreg:$0x1f];
	[sflag:s18] =	ssyncadd.s32 $0xFFFFF000  }
0x99: {  	[spmem:s10] =	stream.linear.scatter [tilespmem:s1], [sflag:$0x5], $0x1000, $0x38;
	[tilespmem:$0x1FE00] =	vst v63  }
0x9a: {  	_ =	swait.ge [sflag:s18], $0x1000  }
0x9b: {  	s12 =	sld [smem:$0x7F6]  }
0x9c: {  	[sflag:s18] =	ssyncset.done $0x0  }
0x9d: {  	[sflag:s18] =	ssyncadd.s32 $0xFFFFF000  }
0x9e: {  	[spmem:s12] =	stream.linear.scatter [tilespmem:s1], [sflag:$0x5], $0x1000, $0x38;
	[tilespmem:$0x1FE00] =	vst v63  }
0x9f: {  	_ =	swait.ge [sflag:s18], $0x1000  }
0xa0: {  	s15 =	sld [smem:$0x7F7]  }
0xa1: {  	[sflag:s18] =	ssyncset.done $0x0  }
0xa2: {  	[sflag:s18] =	ssyncadd.s32 $0xFFFFF000  }
0xa3: {  	[spmem:s15] =	stream.linear.scatter [tilespmem:s1], [sflag:$0x5], $0x1000, $0x38;
	[tilespmem:$0x1FE00] =	vst v63  }
0xa4: {  	_ =	swait.ge [sflag:s18], $0x1000  }
0xa5: {  	s16 =	sld [smem:$0x7F8]  }
0xa6: {  	[sflag:s18] =	ssyncset.done $0x0  }
0xa7: {  	[sflag:s18] =	ssyncadd.s32 $0xFFFFF000  }
0xa8: {  	[spmem:s16] =	stream.linear.scatter [tilespmem:s1], [sflag:$0x5], $0x1000, $0x38;
	[tilespmem:$0x1FE00] =	vst v63  }
0xa9: {  	_ =	swait.ge [sflag:s18], $0x1000  }
0xaa: {  	s30 =	sld [smem:$0x7F9]  }
0xab: {  	[sflag:s18] =	ssyncset.done $0x0  }
0xac: {  	[sflag:s18] =	ssyncadd.s32 $0xFFFFF000  }
0xad: {  	[spmem:s30] =	stream.linear.scatter [tilespmem:s1], [sflag:$0x5], $0x1000, $0x38;
	[tilespmem:$0x1FE00] =	vst v63  }
0xae: {  	_ =	swait.ge [sflag:s18], $0x1000  }
0xaf: {  	s10 =	sld [smem:$0x7FA]  }
0xb0: {  	[sflag:s18] =	ssyncset.done $0x0  }
0xb1: {  	[sflag:s18] =	ssyncadd.s32 $0xFFFFF000  }
0xb2: {  	[spmem:s10] =	stream.linear.scatter [tilespmem:s1], [sflag:$0x5], $0x1000, $0x38;
	[tilespmem:$0x1FE00] =	vst v63  }
0xb3: {  	_ =	swait.ge [sflag:s18], $0x1000  }
0xb4: {  	s12 =	sld [smem:$0x7FB]  }
0xb5: {  	[sflag:s18] =	ssyncset.done $0x0  }
0xb6: {  	[sflag:s18] =	ssyncadd.s32 $0xFFFFF000  }
0xb7: {  	[spmem:s12] =	stream.linear.scatter [tilespmem:s1], [sflag:$0x5], $0x1000, $0x38;
	[tilespmem:$0x1FE00] =	vst v63  }
0xb8: {  	_ =	swait.ge [sflag:s18], $0x1000  }
0xb9: {  	s15 =	sld [smem:$0x7FC]  }
0xba: {  	[sflag:s18] =	ssyncset.done $0x0  }
0xbb: {  	[sflag:s18] =	ssyncadd.s32 $0xFFFFF000  }
0xbc: {  	[spmem:s15] =	stream.linear.scatter [tilespmem:s1], [sflag:$0x5], $0x1000, $0x38;
	[tilespmem:$0x1FE00] =	vst v63  }
0xbd: {  	_ =	swait.ge [sflag:s18], $0x1000  }
0xbe: {  	s16 =	sld [smem:$0x7FD]  }
0xbf: {  	[sflag:s18] =	ssyncset.done $0x0  }
0xc0: {  	[sflag:s18] =	ssyncadd.s32 $0xFFFFF000  }
0xc1: {  	[spmem:s16] =	stream.linear.scatter [tilespmem:s1], [sflag:$0x5], $0x1000, $0x38;
	[tilespmem:$0x1FE00] =	vst v63  }
0xc2: {  	_ =	swait.ge [sflag:s18], $0x1000  }
0xc3: {  	[sflag:s18] =	ssyncset.done $0x0  }
0xc4: {  	[sflag:s18] =	ssyncadd.s32 $0xFFFFF000  }
0xc5: {  	s29 =	simm.s32 $0x0;
	s30 =	rddreg [dreg:$0x1]  }
0xc6: {  	[tilespmem:s29], [sflag:$0x5] =	stream.linear.gather [hbm4b:s30+s29], $0x2800, $0x38;
	[tilespmem:$0x1FE00] =	vst v63  }
0xc7: {  	_ =	swait.ge [sflag:s18], $0x2800  }
0xc8: {  	[sflag:s18] =	ssyncset.done $0x0  }
0xc9: {  	s10 =	rddreg [dreg:$0x5];
	[sflag:s18] =	ssyncadd.s32 $0xFFFFD800  }
0xca: {  	[tilespmem:s5], [sflag:$0x5] =	stream.linear.gather [hbm4b:s10+s29], $0x2800, $0x38;
	[tilespmem:$0x1FE00] =	vst v63  }
0xcb: {  	_ =	swait.ge [sflag:s18], $0x2800  }
0xcc: {  	[sflag:s18] =	ssyncset.done $0x0  }
0xcd: {  	[sflag:s18] =	ssyncadd.s32 $0xFFFFD800  }
0xce: {  	[bflag:$0x0] =	sbarrier.arrive $0xFFFF  }
0xcf: {  	s12 =	rddreg [dreg:$0x8]  }
0xd0: {  	[tilespmem:s23], [sflag:$0x1] =	stream.linear.gather [hbm4b:s12+s29], $0x30, $0x38;
	[tilespmem:$0x1FE00] =	vst v63  }
0xd1: {  	s15 =	rddreg [dreg:$0x9]  }
0xd2: {  	[tilespmem:s14], [sflag:$0x1] =	stream.linear.gather [hbm4b:s15+s29], $0x30, $0x38;
	[tilespmem:$0x1FE00] =	vst v63  }
0xd3: {  	s10 =	simm.s32 $0x5200;
	s16 =	rddreg [dreg:$0xa]  }
0xd4: {  	[tilespmem:s10], [sflag:$0x1] =	stream.linear.gather [hbm4b:s16+s29], $0x30, $0x38;
	[tilespmem:$0x1FE00] =	vst v63  }
0xd5: {  	s30 =	simm.s32 $0x5180;
	s18 =	rddreg [dreg:$0xb]  }
0xd6: {  	[tilespmem:s30], [sflag:$0x1] =	stream.linear.gather [hbm4b:s18+s29], $0x30, $0x38;
	[tilespmem:$0x1FE00] =	vst v63  }
.LBB2_4:
0xd7: {  	_ =	swait.ge [sflag:s17], $0x30  }
0xd8: {  	[sflag:s17] =	ssyncset.done $0x0  }
0xd9: {  	[sflag:s17] =	ssyncadd.s32 $0xFFFFFFD0  }
0xda: {  	_ =	swait.ge [sflag:s17], $0x30  }
0xdb: {  	[sflag:s17] =	ssyncset.done $0x0  }
0xdc: {  	[sflag:s17] =	ssyncadd.s32 $0xFFFFFFD0  }
0xdd: {  	_ =	swait.ge [sflag:s17], $0x30  }
0xde: {  	[sflag:s17] =	ssyncset.done $0x0  }
0xdf: {  	[sflag:s17] =	ssyncadd.s32 $0xFFFFFFD0  }
0xe0: {  	_ =	swait.ge [sflag:s17], $0x30  }
0xe1: {  	p0 =	seq.s32 s29, $0x0;
	[sflag:s17] =	ssyncset.done $0x0  }
0xe2: {  	s15 =	simm.s32 @!p0 $0x4;
	[sflag:s17] =	ssyncadd.s32 $0xFFFFFFD0  }
0xe3: {  	[tilespmem:s1], [sflag:$0x2] =	stream.indirect.gather [hbm4b:s11+s24], $0x80, s23, s24, $0xb8;
	[tilespmem:$0x1FE00] =	vst v63  }
0xe4: {  	_ =	swait.ge @!p0 [sflag:s15], $0x30  }
0xe5: {  	[sflag:s15] =	ssyncset.done @!p0 $0x0  }
0xe6: {  	s16 =	simm.s32 @!p0 $0x3;
	[sflag:s15] =	ssyncadd.s32 @!p0 $0xFFFFFFD0  }
0xe7: {  	s30 =	smul.u32 $0x120, s29;
	_ =	swait.ge @!p0 [sflag:s16], $0x1800  }
0xe8: {  	s0 =	rddreg [dreg:$0xc]  }
0xe9: {  	s0 =	sadd.s32 s30, s0  }
0xea: {  	[sflag:s16] =	ssyncset.done @!p0 $0x0;
	s0 =	sshrl.u32 s0, $0x3  }
0xeb: {  	[sflag:s16] =	ssyncadd.s32 @!p0 $0xFFFFE800;
	s10 =	sadd.s32 s6, s0  }
0xec: {  	[tilespmem:s25], [sflag:$0x1] =	stream.linear.gather [hbm4b:s10+s4], $0x30, $0x38;
	[tilespmem:$0x1FE00] =	vst v63  }
0xed: {  	s12 =	sadd.s32 s7, s0  }
0xee: {  	[tilespmem:s26], [sflag:$0x1] =	stream.linear.gather [hbm4b:s12+s4], $0x30, $0x38;
	[tilespmem:$0x1FE00] =	vst v63  }
0xef: {  	s18 =	sadd.s32 s8, s0;
	s12 =	simm.s32 $0x5500  }
0xf0: {  	[tilespmem:s12], [sflag:$0x1] =	stream.linear.gather [hbm4b:s18+s4], $0x30, $0x38;
	[tilespmem:$0x1FE00] =	vst v63  }
0xf1: {  	s0 =	sadd.s32 s9, s0;
	s12 =	simm.s32 $0x5480  }
0xf2: {  	[tilespmem:s12], [sflag:$0x1] =	stream.linear.gather [hbm4b:s0+s4], $0x30, $0x38;
	[tilespmem:$0x1FE00] =	vst v63  }
0xf3: {  	v3 =	vld [tilespmem:$0x5100];
	_ =	sdelay $0x6  }
0xf4: {  	v4 =	vld [tilespmem:$0x5180]  }
0xf5: {  	v5 =	vld.idx.msk [tilespmem:v3+s4+$0x0], $0xffff;
	_ =	sdelay $0x4  }
0xf6: {  	v4 =	vsub.f32 v4, v5;
	_ =	sdelay $0x1  }
0xf7: {  	v4 =	vmul.f32 $1.442695020e+00, v4;
	_ =	sdelay $0x1  }
0xf8: {  	(erf) = vpow2.f32 v4;
	_ =	sdelay $0x2  }
0xf9: {  	v54 =	vld [tilespmem:$0x5280]  }
0xfa: {  	v55 =	vld [tilespmem:$0x5200];
	_ =	sdelay $0x4  }
0xfb: {  	vm0 =	vgt.f32 v55, $0.0e+00;
	v6 =	vpop (erf)  }
0xfc: {  	v6 =	vnsel vm0, $0x0, v6  }
0xfd: {  	[tilespmem:$0x5000] =	vst v6  }
0xfe: {  	v4 =	vld.idx.msk [tilespmem:v54+s5+$0x0], $0xffff  }
0xff: {  	v56 =	vld [tilespmem:$0x5110]  }
0x100: {  	v3 =	vld.idx.msk [tilespmem:v3+s5+$0x0], $0xffff;
	_ =	sdelay $0x2  }
0x101: {  	v4 =	vmul.f32 v4, v55;
	_ =	sdelay $0x1  }
0x102: {  	v3 =	vmul.f32 v3, v4;
	_ =	sdelay $0x1  }
0x103: {  	[tilespmem:$0x5080] =	vst v3;
	v3 =	vld [tilespmem:$0x5190]  }
0x104: {  	v57 =	vld.idx.msk [tilespmem:v56+s4+$0x0], $0xffff;
	_ =	sdelay $0x4  }
0x105: {  	v3 =	vsub.f32 v3, v57;
	_ =	sdelay $0x1  }
0x106: {  	v3 =	vmul.f32 $1.442695020e+00, v3;
	_ =	sdelay $0x1  }
0x107: {  	(erf) = vpow2.f32 v3;
	_ =	sdelay $0x2  }
0x108: {  	v58 =	vld [tilespmem:$0x5210]  }
0x109: {  	v3 =	vld [tilespmem:$0x5290];
	_ =	sdelay $0x4  }
0x10a: {  	vm14 =	vgt.f32 v58, $0.0e+00;
	v59 =	vpop (erf)  }
0x10b: {  	v5 =	vnsel vm14, $0x0, v59  }
0x10c: {  	[tilespmem:$0x5010] =	vst v5  }
0x10d: {  	v3 =	vld.idx.msk [tilespmem:v3+s5+$0x0], $0xffff  }
0x10e: {  	v60 =	vld [tilespmem:$0x5120]  }
0x10f: {  	v5 =	vld.idx.msk [tilespmem:v56+s5+$0x0], $0xffff;
	_ =	sdelay $0x2  }
0x110: {  	v3 =	vmul.f32 v3, v58;
	_ =	sdelay $0x1  }
0x111: {  	v3 =	vmul.f32 v5, v3;
	_ =	sdelay $0x1  }
0x112: {  	[tilespmem:$0x5090] =	vst v3;
	v3 =	vld [tilespmem:$0x51A0]  }
0x113: {  	v61 =	vld.idx.msk [tilespmem:v60+s4+$0x0], $0xffff;
	_ =	sdelay $0x4  }
0x114: {  	v3 =	vsub.f32 v3, v61;
	_ =	sdelay $0x1  }
0x115: {  	v3 =	vmul.f32 $1.442695020e+00, v3;
	_ =	sdelay $0x1  }
0x116: {  	(erf) = vpow2.f32 v3;
	_ =	sdelay $0x2  }
0x117: {  	v62 =	vld [tilespmem:$0x5220]  }
0x118: {  	v3 =	vld [tilespmem:$0x52A0];
	_ =	sdelay $0x4  }
0x119: {  	vm15 =	vgt.f32 v62, $0.0e+00;
	v63 =	vpop (erf)  }
0x11a: {  	v5 =	vnsel vm15, $0x0, v63  }
0x11b: {  	[tilespmem:$0x5020] =	vst v5  }
0x11c: {  	v3 =	vld.idx.msk [tilespmem:v3+s5+$0x0], $0xffff;
	_ =	sdelay $0x1  }
0x11d: {  	v5 =	vld.idx.msk [tilespmem:v60+s5+$0x0], $0xffff;
	_ =	sdelay $0x2  }
0x11e: {  	v3 =	vmul.f32 v3, v62  }
.Ltmp1:
0x11f: {  	_ = 	snop;
	(pc) =	sbr.rel @p0 .LBB2_10-.Ltmp1, $3  }
0x120: {  	v3 =	vmul.f32 v5, v3;
	_ =	sdelay $0x1  }
0x121: {  	s18 =	simm.s32 $0x5000;
	[tilespmem:$0x50A0] =	vst v3  }
0x122: {  	[spmem:s3] =	stream.indirect.scatter.add.f32 [tilespmem:s18], [sflag:$0x4], $0x1, s14, s24, $0xb8;
	[tilespmem:$0x1FE00] =	vst v63  }
0x123: {  	_ =	swait.ge [sflag:s19], $0x1800  }
0x124: {  	[sflag:s19] =	ssyncset.done $0x0  }
0x125: {  	s18 =	simm.s32 $0x0;
	s23 =	simm.s32 $0x0;
	[sflag:s19] =	ssyncadd.s32 $0xFFFFE800  }
.LBB2_6:
0x126: {  	s0 =	sshll.u32 s23, $0x4  }
0x127: {  	v3 =	vmov s0  }
0x128: {  	v4 =	vadd.s32 s18, v0;
	v3 =	vshll.u32 v3, $0x7  }
0x129: {  	v5 =	vor.u32 v2, v3;
	v3 =	vand.u32 $0x3F, v4  }
0x12a: {  	v7 =	vor.u32 v5, v3;
	_ =	sdelay $0x3  }
0x12b: {  	v3 =	vld [tilespmem:s0+$0x5600]  }
0x12c: {  	v8 =	vld.idx.msk [tilespmem:v7+s31+$0x0], $0xffff;
	_ =	sdelay $0x1  }
0x12d: {  	v6 =	vor.u32 $0x40, v5  }
0x12e: {  	v9 =	vor.u32 v4, v6;
	_ =	sdelay $0x1  }
0x12f: {  	v8 =	vmul.f32 v8, v3;
	_ =	sdelay $0x1  }
0x130: {  	v4 =	vld [tilespmem:s0+$0x5680];
	[tilespmem:v7+s28+$0x0] =	vst.idx.msk $0xffff, v8  }
0x131: {  	s10 =	simm.s32 $0x1;
	v7 =	vld.idx.msk [tilespmem:v9+s31+$0x0], $0xffff  }
0x132: {  	v8 =	vadd.s32 s10, v0  }
0x133: {  	v8 =	vand.u32 $0x3F, v8  }
0x134: {  	v10 =	vor.u32 v5, v8;
	_ =	sdelay $0x1  }
0x135: {  	v7 =	vmul.f32 v7, v4;
	_ =	sdelay $0x1  }
0x136: {  	[tilespmem:v9+s28+$0x0] =	vst.idx.msk $0xffff, v7  }
0x137: {  	v7 =	vld.idx.msk [tilespmem:v10+s31+$0x0], $0xffff;
	_ =	sdelay $0x2  }
0x138: {  	v8 =	vor.u32 v8, v6;
	_ =	sdelay $0x1  }
0x139: {  	v7 =	vmul.f32 v7, v3;
	_ =	sdelay $0x1  }
0x13a: {  	[tilespmem:v10+s28+$0x0] =	vst.idx.msk $0xffff, v7  }
0x13b: {  	s12 =	simm.s32 $0x2;
	v7 =	vld.idx.msk [tilespmem:v8+s31+$0x0], $0xffff  }
0x13c: {  	v9 =	vadd.s32 s12, v0  }
0x13d: {  	v9 =	vand.u32 $0x3F, v9  }
0x13e: {  	v10 =	vor.u32 v5, v9;
	_ =	sdelay $0x1  }
0x13f: {  	v7 =	vmul.f32 v7, v4;
	_ =	sdelay $0x1  }
0x140: {  	[tilespmem:v8+s28+$0x0] =	vst.idx.msk $0xffff, v7  }
0x141: {  	v7 =	vld.idx.msk [tilespmem:v10+s31+$0x0], $0xffff;
	_ =	sdelay $0x2  }
0x142: {  	v8 =	vor.u32 v9, v6;
	_ =	sdelay $0x1  }
0x143: {  	v7 =	vmul.f32 v7, v3;
	_ =	sdelay $0x1  }
0x144: {  	[tilespmem:v10+s28+$0x0] =	vst.idx.msk $0xffff, v7  }
0x145: {  	s25 =	simm.s32 $0x3;
	v7 =	vld.idx.msk [tilespmem:v8+s31+$0x0], $0xffff  }
0x146: {  	v9 =	vadd.s32 s25, v0  }
0x147: {  	v9 =	vand.u32 $0x3F, v9  }
0x148: {  	v10 =	vor.u32 v5, v9;
	_ =	sdelay $0x1  }
0x149: {  	v7 =	vmul.f32 v7, v4;
	_ =	sdelay $0x1  }
0x14a: {  	[tilespmem:v8+s28+$0x0] =	vst.idx.msk $0xffff, v7  }
0x14b: {  	v8 =	vld.idx.msk [tilespmem:v10+s31+$0x0], $0xffff;
	_ =	sdelay $0x2  }
0x14c: {  	v7 =	vor.u32 v9, v6;
	_ =	sdelay $0x1  }
0x14d: {  	v8 =	vmul.f32 v8, v3;
	_ =	sdelay $0x1  }
0x14e: {  	[tilespmem:v10+s28+$0x0] =	vst.idx.msk $0xffff, v8  }
0x14f: {  	s0 =	simm.s32 $0x4;
	v10 =	vld.idx.msk [tilespmem:v7+s31+$0x0], $0xffff  }
0x150: {  	v9 =	vadd.s32 s0, v0  }
0x151: {  	v8 =	vand.u32 $0x3F, v9  }
0x152: {  	v8 =	vor.u32 v5, v8;
	_ =	sdelay $0x1  }
0x153: {  	s10 =	simm.s32 $0x8;
	v10 =	vmul.f32 v10, v4  }
.LBB2_7:
0x154: {  	_ = 	snop  }
0x155: {  	p1 =	sne.s32 s10, $0x3C;
	s25 =	smov.u32 s10;
	s10 =	sadd.s32 $0x4, s10;
	[tilespmem:v7+s28+$0x0] =	vst.idx.msk $0xffff, v10  }
0x156: {  	v7 =	vld.idx.msk [tilespmem:v8+s31+$0x0], $0xffff;
	_ =	sdelay $0x3  }
0x157: {  	v9 =	vor.u32 v9, v6;
	_ =	sdelay $0x1  }
0x158: {  	v7 =	vmul.f32 v7, v3;
	_ =	sdelay $0x1  }
0x159: {  	[tilespmem:v8+s28+$0x0] =	vst.idx.msk $0xffff, v7  }
0x15a: {  	v7 =	vld.idx.msk [tilespmem:v9+s31+$0x0], $0xffff  }
0x15b: {  	s12 =	sadd.s32 $0x1, s0  }
0x15c: {  	v8 =	vadd.s32 s12, v0  }
0x15d: {  	v8 =	vand.u32 $0x3F, v8  }
0x15e: {  	v10 =	vor.u32 v5, v8;
	_ =	sdelay $0x1  }
0x15f: {  	v7 =	vmul.f32 v7, v4;
	_ =	sdelay $0x1  }
0x160: {  	[tilespmem:v9+s28+$0x0] =	vst.idx.msk $0xffff, v7  }
0x161: {  	v7 =	vld.idx.msk [tilespmem:v10+s31+$0x0], $0xffff;
	_ =	sdelay $0x3  }
0x162: {  	v8 =	vor.u32 v8, v6;
	_ =	sdelay $0x1  }
0x163: {  	v7 =	vmul.f32 v7, v3;
	_ =	sdelay $0x1  }
0x164: {  	[tilespmem:v10+s28+$0x0] =	vst.idx.msk $0xffff, v7  }
0x165: {  	v7 =	vld.idx.msk [tilespmem:v8+s31+$0x0], $0xffff  }
0x166: {  	s12 =	sadd.s32 $0x2, s0  }
0x167: {  	v9 =	vadd.s32 s12, v0  }
0x168: {  	v9 =	vand.u32 $0x3F, v9  }
0x169: {  	v10 =	vor.u32 v5, v9;
	_ =	sdelay $0x1  }
0x16a: {  	v7 =	vmul.f32 v7, v4;
	_ =	sdelay $0x1  }
0x16b: {  	[tilespmem:v8+s28+$0x0] =	vst.idx.msk $0xffff, v7  }
0x16c: {  	v7 =	vld.idx.msk [tilespmem:v10+s31+$0x0], $0xffff;
	_ =	sdelay $0x3  }
0x16d: {  	v8 =	vor.u32 v9, v6;
	_ =	sdelay $0x1  }
0x16e: {  	v7 =	vmul.f32 v7, v3;
	_ =	sdelay $0x1  }
0x16f: {  	[tilespmem:v10+s28+$0x0] =	vst.idx.msk $0xffff, v7  }
0x170: {  	v7 =	vld.idx.msk [tilespmem:v8+s31+$0x0], $0xffff  }
0x171: {  	s12 =	sadd.s32 $0x3, s0;
	s0 =	smov.u32 s25  }
0x172: {  	v9 =	vadd.s32 s12, v0  }
0x173: {  	v9 =	vand.u32 $0x3F, v9  }
0x174: {  	v10 =	vor.u32 v5, v9;
	_ =	sdelay $0x1  }
0x175: {  	v7 =	vmul.f32 v7, v4;
	_ =	sdelay $0x1  }
0x176: {  	[tilespmem:v8+s28+$0x0] =	vst.idx.msk $0xffff, v7  }
0x177: {  	v8 =	vld.idx.msk [tilespmem:v10+s31+$0x0], $0xffff;
	_ =	sdelay $0x3  }
0x178: {  	v7 =	vor.u32 v9, v6;
	_ =	sdelay $0x1  }
0x179: {  	v8 =	vmul.f32 v8, v3;
	_ =	sdelay $0x1  }
0x17a: {  	[tilespmem:v10+s28+$0x0] =	vst.idx.msk $0xffff, v8  }
0x17b: {  	v10 =	vld.idx.msk [tilespmem:v7+s31+$0x0], $0xffff;
	_ =	sdelay $0x1  }
.Ltmp2:
0x17c: {  	v9 =	vadd.s32 s0, v0;
	(pc) =	sbr.rel @p1 .LBB2_7-.Ltmp2, $3  }
0x17d: {  	v8 =	vand.u32 $0x3F, v9  }
0x17e: {  	v8 =	vor.u32 v5, v8;
	_ =	sdelay $0x1  }
0x17f: {  	v10 =	vmul.f32 v10, v4  }
0x180: {  	_ =	sdelay $0x3  }
0x181: {  	[tilespmem:v7+s28+$0x0] =	vst.idx.msk $0xffff, v10  }
0x182: {  	v7 =	vld.idx.msk [tilespmem:v8+s31+$0x0], $0xffff;
	_ =	sdelay $0x2  }
0x183: {  	v9 =	vor.u32 v9, v6;
	_ =	sdelay $0x1  }
0x184: {  	v7 =	vmul.f32 v7, v3;
	_ =	sdelay $0x1  }
0x185: {  	[tilespmem:v8+s28+$0x0] =	vst.idx.msk $0xffff, v7  }
0x186: {  	s10 =	sadd.s32 $0x1, s0;
	v7 =	vld.idx.msk [tilespmem:v9+s31+$0x0], $0xffff  }
0x187: {  	v56 =	vadd.s32 s10, v0  }
0x188: {  	v8 =	vand.u32 $0x3F, v56  }
0x189: {  	v57 =	vor.u32 v5, v8;
	_ =	sdelay $0x1  }
0x18a: {  	v7 =	vmul.f32 v7, v4;
	_ =	sdelay $0x1  }
0x18b: {  	[tilespmem:v9+s28+$0x0] =	vst.idx.msk $0xffff, v7  }
0x18c: {  	v7 =	vld.idx.msk [tilespmem:v57+s31+$0x0], $0xffff;
	_ =	sdelay $0x2  }
0x18d: {  	v8 =	vor.u32 v8, v6;
	_ =	sdelay $0x1  }
0x18e: {  	v7 =	vmul.f32 v7, v3;
	_ =	sdelay $0x1  }
0x18f: {  	[tilespmem:v57+s28+$0x0] =	vst.idx.msk $0xffff, v7  }
0x190: {  	s12 =	sadd.s32 $0x2, s0;
	v7 =	vld.idx.msk [tilespmem:v8+s31+$0x0], $0xffff  }
0x191: {  	v58 =	vadd.s32 s12, v0  }
0x192: {  	v9 =	vand.u32 $0x3F, v58  }
0x193: {  	v59 =	vor.u32 v5, v9;
	_ =	sdelay $0x1  }
0x194: {  	v7 =	vmul.f32 v7, v4;
	_ =	sdelay $0x1  }
0x195: {  	[tilespmem:v8+s28+$0x0] =	vst.idx.msk $0xffff, v7  }
0x196: {  	v7 =	vld.idx.msk [tilespmem:v59+s31+$0x0], $0xffff;
	_ =	sdelay $0x2  }
0x197: {  	v60 =	vor.u32 v9, v6;
	_ =	sdelay $0x1  }
0x198: {  	v7 =	vmul.f32 v7, v3;
	_ =	sdelay $0x1  }
0x199: {  	[tilespmem:v59+s28+$0x0] =	vst.idx.msk $0xffff, v7  }
0x19a: {  	s25 =	sadd.s32 $0x3, s0;
	v7 =	vld.idx.msk [tilespmem:v60+s31+$0x0], $0xffff  }
0x19b: {  	v61 =	vadd.s32 s25, v0  }
0x19c: {  	v9 =	vand.u32 $0x3F, v61  }
0x19d: {  	v62 =	vor.u32 v5, v9;
	_ =	sdelay $0x1  }
0x19e: {  	v7 =	vmul.f32 v7, v4;
	_ =	sdelay $0x1  }
0x19f: {  	[tilespmem:v60+s28+$0x0] =	vst.idx.msk $0xffff, v7  }
0x1a0: {  	v7 =	vld.idx.msk [tilespmem:v62+s31+$0x0], $0xffff;
	_ =	sdelay $0x2  }
0x1a1: {  	v63 =	vor.u32 v9, v6;
	_ =	sdelay $0x1  }
0x1a2: {  	v3 =	vmul.f32 v7, v3;
	_ =	sdelay $0x1  }
0x1a3: {  	[tilespmem:v62+s28+$0x0] =	vst.idx.msk $0xffff, v3  }
0x1a4: {  	v3 =	vld.idx.msk [tilespmem:v63+s31+$0x0], $0xffff  }
0x1a5: {  	s23 =	sadd.s32 $0x1, s23  }
0x1a6: {  	p1 =	sne.s32 s23, $0x3  }
.Ltmp3:
0x1a7: {  	_ = 	snop;
	(pc) =	sbr.rel @p1 .LBB2_6-.Ltmp3, $3  }
0x1a8: {  	_ = 	snop  }
0x1a9: {  	v3 =	vmul.f32 v3, v4;
	_ =	sdelay $0x1  }
0x1aa: {  	[tilespmem:v63+s28+$0x0] =	vst.idx.msk $0xffff, v3  }
0x1ab: {  	[spmem:s2] =	stream.indirect.scatter.add.f32 [tilespmem:s28], [sflag:$0x3], $0x80, s13, s24, $0xb8;
	[tilespmem:$0x1FE00] =	vst v63  }
0x1ac: {  	s23 =	simm.s32 $0x5280;
	s25 =	simm.s32 $0x5580  }
.LBB2_10:
0x1ad: {  	_ =	swait.ge [sflag:s17], $0x30  }
0x1ae: {  	[sflag:s17] =	ssyncset.done $0x0  }
0x1af: {  	[sflag:s17] =	ssyncadd.s32 $0xFFFFFFD0  }
0x1b0: {  	_ =	swait.ge [sflag:s17], $0x30  }
0x1b1: {  	[sflag:s17] =	ssyncset.done $0x0  }
0x1b2: {  	[sflag:s17] =	ssyncadd.s32 $0xFFFFFFD0  }
0x1b3: {  	_ =	swait.ge [sflag:s17], $0x30  }
0x1b4: {  	[sflag:s17] =	ssyncset.done $0x0  }
0x1b5: {  	[sflag:s17] =	ssyncadd.s32 $0xFFFFFFD0  }
0x1b6: {  	_ =	swait.ge [sflag:s17], $0x30  }
0x1b7: {  	[sflag:s17] =	ssyncset.done $0x0  }
0x1b8: {  	[sflag:s17] =	ssyncadd.s32 $0xFFFFFFD0  }
0x1b9: {  	[tilespmem:s31], [sflag:$0x2] =	stream.indirect.gather [hbm4b:s11+s24], $0x80, s25, s24, $0xb8;
	[tilespmem:$0x1FE00] =	vst v63  }
0x1ba: {  	_ =	swait.ge @!p0 [sflag:s15], $0x30  }
0x1bb: {  	[sflag:s15] =	ssyncset.done @!p0 $0x0  }
0x1bc: {  	[sflag:s15] =	ssyncadd.s32 @!p0 $0xFFFFFFD0  }
0x1bd: {  	_ =	swait.ge @!p0 [sflag:s16], $0x1800  }
0x1be: {  	s0 =	rddreg [dreg:$0xd]  }
0x1bf: {  	s0 =	sadd.s32 s30, s0  }
0x1c0: {  	s12 =	simm.s32 $0x5880;
	[sflag:s16] =	ssyncset.done @!p0 $0x0;
	s0 =	sshrl.u32 s0, $0x3  }
0x1c1: {  	s15 =	simm.s32 $0x0;
	[sflag:s16] =	ssyncadd.s32 @!p0 $0xFFFFE800;
	s10 =	sadd.s32 s6, s0  }
0x1c2: {  	[tilespmem:s12], [sflag:$0x1] =	stream.linear.gather [hbm4b:s10+s15], $0x30, $0x38;
	[tilespmem:$0x1FE00] =	vst v63  }
0x1c3: {  	s12 =	sadd.s32 s7, s0  }
0x1c4: {  	[tilespmem:s13], [sflag:$0x1] =	stream.linear.gather [hbm4b:s12+s15], $0x30, $0x38;
	[tilespmem:$0x1FE00] =	vst v63  }
0x1c5: {  	s18 =	simm.s32 $0x5800;
	s16 =	sadd.s32 s8, s0  }
0x1c6: {  	[tilespmem:s18], [sflag:$0x1] =	stream.linear.gather [hbm4b:s16+s15], $0x30, $0x38;
	[tilespmem:$0x1FE00] =	vst v63  }
0x1c7: {  	s0 =	sadd.s32 s9, s0;
	s16 =	simm.s32 $0x5780  }
0x1c8: {  	[tilespmem:s16], [sflag:$0x1] =	stream.linear.gather [hbm4b:s0+s15], $0x30, $0x38;
	[tilespmem:$0x1FE00] =	vst v63  }
0x1c9: {  	v3 =	vld [tilespmem:$0x5400];
	_ =	sdelay $0x6  }
0x1ca: {  	v4 =	vld [tilespmem:$0x5480]  }
0x1cb: {  	v5 =	vld.idx.msk [tilespmem:v3+s15+$0x0], $0xffff;
	_ =	sdelay $0x4  }
0x1cc: {  	v4 =	vsub.f32 v4, v5;
	_ =	sdelay $0x1  }
0x1cd: {  	v4 =	vmul.f32 $1.442695020e+00, v4;
	_ =	sdelay $0x1  }
0x1ce: {  	(erf) = vpow2.f32 v4;
	_ =	sdelay $0x2  }
0x1cf: {  	v54 =	vld [tilespmem:$0x5580]  }
0x1d0: {  	v55 =	vld [tilespmem:$0x5500];
	_ =	sdelay $0x4  }
0x1d1: {  	vm0 =	vgt.f32 v55, $0.0e+00;
	v6 =	vpop (erf)  }
0x1d2: {  	v6 =	vnsel vm0, $0x0, v6  }
0x1d3: {  	[tilespmem:$0x5300] =	vst v6  }
0x1d4: {  	v4 =	vld.idx.msk [tilespmem:v54+s5+$0x0], $0xffff  }
0x1d5: {  	v56 =	vld [tilespmem:$0x5410]  }
0x1d6: {  	v3 =	vld.idx.msk [tilespmem:v3+s5+$0x0], $0xffff;
	_ =	sdelay $0x2  }
0x1d7: {  	v4 =	vmul.f32 v4, v55;
	_ =	sdelay $0x1  }
0x1d8: {  	v3 =	vmul.f32 v3, v4;
	_ =	sdelay $0x1  }
0x1d9: {  	[tilespmem:$0x5380] =	vst v3;
	v3 =	vld [tilespmem:$0x5490]  }
0x1da: {  	v57 =	vld.idx.msk [tilespmem:v56+s15+$0x0], $0xffff;
	_ =	sdelay $0x4  }
0x1db: {  	v3 =	vsub.f32 v3, v57;
	_ =	sdelay $0x1  }
0x1dc: {  	v3 =	vmul.f32 $1.442695020e+00, v3;
	_ =	sdelay $0x1  }
0x1dd: {  	(erf) = vpow2.f32 v3;
	_ =	sdelay $0x2  }
0x1de: {  	v58 =	vld [tilespmem:$0x5510]  }
0x1df: {  	v3 =	vld [tilespmem:$0x5590];
	_ =	sdelay $0x4  }
0x1e0: {  	vm14 =	vgt.f32 v58, $0.0e+00;
	v59 =	vpop (erf)  }
0x1e1: {  	v5 =	vnsel vm14, $0x0, v59  }
0x1e2: {  	[tilespmem:$0x5310] =	vst v5  }
0x1e3: {  	v3 =	vld.idx.msk [tilespmem:v3+s5+$0x0], $0xffff  }
0x1e4: {  	v60 =	vld [tilespmem:$0x5420]  }
0x1e5: {  	v5 =	vld.idx.msk [tilespmem:v56+s5+$0x0], $0xffff;
	_ =	sdelay $0x2  }
0x1e6: {  	v3 =	vmul.f32 v3, v58;
	_ =	sdelay $0x1  }
0x1e7: {  	v3 =	vmul.f32 v5, v3;
	_ =	sdelay $0x1  }
0x1e8: {  	[tilespmem:$0x5390] =	vst v3;
	v3 =	vld [tilespmem:$0x54A0]  }
0x1e9: {  	v61 =	vld.idx.msk [tilespmem:v60+s15+$0x0], $0xffff;
	_ =	sdelay $0x4  }
0x1ea: {  	v3 =	vsub.f32 v3, v61;
	_ =	sdelay $0x1  }
0x1eb: {  	v3 =	vmul.f32 $1.442695020e+00, v3;
	_ =	sdelay $0x1  }
0x1ec: {  	(erf) = vpow2.f32 v3;
	_ =	sdelay $0x2  }
0x1ed: {  	v62 =	vld [tilespmem:$0x5520]  }
0x1ee: {  	v3 =	vld [tilespmem:$0x55A0];
	_ =	sdelay $0x4  }
0x1ef: {  	vm15 =	vgt.f32 v62, $0.0e+00;
	v63 =	vpop (erf)  }
0x1f0: {  	v5 =	vnsel vm15, $0x0, v63  }
0x1f1: {  	[tilespmem:$0x5320] =	vst v5  }
0x1f2: {  	v3 =	vld.idx.msk [tilespmem:v3+s5+$0x0], $0xffff;
	_ =	sdelay $0x1  }
0x1f3: {  	v5 =	vld.idx.msk [tilespmem:v60+s5+$0x0], $0xffff;
	_ =	sdelay $0x2  }
0x1f4: {  	v3 =	vmul.f32 v3, v62;
	_ =	sdelay $0x1  }
0x1f5: {  	v3 =	vmul.f32 v5, v3;
	_ =	sdelay $0x1  }
0x1f6: {  	s18 =	simm.s32 $0x5300;
	[tilespmem:$0x53A0] =	vst v3  }
0x1f7: {  	[spmem:s3] =	stream.indirect.scatter.add.f32 [tilespmem:s18], [sflag:$0x4], $0x1, s26, s24, $0xb8;
	[tilespmem:$0x1FE00] =	vst v63  }
0x1f8: {  	_ =	swait.ge [sflag:s19], $0x1800  }
0x1f9: {  	[sflag:s19] =	ssyncset.done $0x0  }
0x1fa: {  	s16 =	simm.s32 $0x0;
	[sflag:s19] =	ssyncadd.s32 $0xFFFFE800  }
.LBB2_11:
0x1fb: {  	s0 =	sshll.u32 s16, $0x4  }
0x1fc: {  	v3 =	vmov s0  }
0x1fd: {  	v4 =	vadd.s32 s15, v0;
	v3 =	vshll.u32 v3, $0x7  }
0x1fe: {  	v5 =	vor.u32 v2, v3;
	v3 =	vand.u32 $0x3F, v4  }
0x1ff: {  	v7 =	vor.u32 v5, v3;
	_ =	sdelay $0x3  }
0x200: {  	v3 =	vld [tilespmem:s0+$0x5000]  }
0x201: {  	v8 =	vld.idx.msk [tilespmem:v7+s1+$0x0], $0xffff;
	_ =	sdelay $0x1  }
0x202: {  	v6 =	vor.u32 $0x40, v5  }
0x203: {  	v9 =	vor.u32 v4, v6;
	_ =	sdelay $0x1  }
0x204: {  	v8 =	vmul.f32 v8, v3;
	_ =	sdelay $0x1  }
0x205: {  	v4 =	vld [tilespmem:s0+$0x5080];
	[tilespmem:v7+s20+$0x0] =	vst.idx.msk $0xffff, v8  }
0x206: {  	s10 =	simm.s32 $0x1;
	v7 =	vld.idx.msk [tilespmem:v9+s1+$0x0], $0xffff  }
0x207: {  	v8 =	vadd.s32 s10, v0  }
0x208: {  	v8 =	vand.u32 $0x3F, v8  }
0x209: {  	v10 =	vor.u32 v5, v8;
	_ =	sdelay $0x1  }
0x20a: {  	v7 =	vmul.f32 v7, v4;
	_ =	sdelay $0x1  }
0x20b: {  	[tilespmem:v9+s20+$0x0] =	vst.idx.msk $0xffff, v7  }
0x20c: {  	v7 =	vld.idx.msk [tilespmem:v10+s1+$0x0], $0xffff;
	_ =	sdelay $0x2  }
0x20d: {  	v8 =	vor.u32 v8, v6;
	_ =	sdelay $0x1  }
0x20e: {  	v7 =	vmul.f32 v7, v3;
	_ =	sdelay $0x1  }
0x20f: {  	[tilespmem:v10+s20+$0x0] =	vst.idx.msk $0xffff, v7  }
0x210: {  	s12 =	simm.s32 $0x2;
	v7 =	vld.idx.msk [tilespmem:v8+s1+$0x0], $0xffff  }
0x211: {  	v9 =	vadd.s32 s12, v0  }
0x212: {  	v9 =	vand.u32 $0x3F, v9  }
0x213: {  	v10 =	vor.u32 v5, v9;
	_ =	sdelay $0x1  }
0x214: {  	v7 =	vmul.f32 v7, v4;
	_ =	sdelay $0x1  }
0x215: {  	[tilespmem:v8+s20+$0x0] =	vst.idx.msk $0xffff, v7  }
0x216: {  	v7 =	vld.idx.msk [tilespmem:v10+s1+$0x0], $0xffff;
	_ =	sdelay $0x2  }
0x217: {  	v8 =	vor.u32 v9, v6;
	_ =	sdelay $0x1  }
0x218: {  	v7 =	vmul.f32 v7, v3;
	_ =	sdelay $0x1  }
0x219: {  	[tilespmem:v10+s20+$0x0] =	vst.idx.msk $0xffff, v7  }
0x21a: {  	s18 =	simm.s32 $0x3;
	v7 =	vld.idx.msk [tilespmem:v8+s1+$0x0], $0xffff  }
0x21b: {  	v9 =	vadd.s32 s18, v0  }
0x21c: {  	v9 =	vand.u32 $0x3F, v9  }
0x21d: {  	v10 =	vor.u32 v5, v9;
	_ =	sdelay $0x1  }
0x21e: {  	v7 =	vmul.f32 v7, v4;
	_ =	sdelay $0x1  }
0x21f: {  	[tilespmem:v8+s20+$0x0] =	vst.idx.msk $0xffff, v7  }
0x220: {  	v8 =	vld.idx.msk [tilespmem:v10+s1+$0x0], $0xffff;
	_ =	sdelay $0x2  }
0x221: {  	v7 =	vor.u32 v9, v6;
	_ =	sdelay $0x1  }
0x222: {  	v8 =	vmul.f32 v8, v3;
	_ =	sdelay $0x1  }
0x223: {  	[tilespmem:v10+s20+$0x0] =	vst.idx.msk $0xffff, v8  }
0x224: {  	s0 =	simm.s32 $0x4;
	v10 =	vld.idx.msk [tilespmem:v7+s1+$0x0], $0xffff  }
0x225: {  	v9 =	vadd.s32 s0, v0  }
0x226: {  	v8 =	vand.u32 $0x3F, v9  }
0x227: {  	v8 =	vor.u32 v5, v8;
	_ =	sdelay $0x1  }
0x228: {  	s10 =	simm.s32 $0x8;
	v10 =	vmul.f32 v10, v4  }
.LBB2_12:
0x229: {  	_ = 	snop  }
0x22a: {  	p0 =	sne.s32 s10, $0x3C;
	s18 =	smov.u32 s10;
	s10 =	sadd.s32 $0x4, s10;
	[tilespmem:v7+s20+$0x0] =	vst.idx.msk $0xffff, v10  }
0x22b: {  	v7 =	vld.idx.msk [tilespmem:v8+s1+$0x0], $0xffff;
	_ =	sdelay $0x3  }
0x22c: {  	v9 =	vor.u32 v9, v6;
	_ =	sdelay $0x1  }
0x22d: {  	v7 =	vmul.f32 v7, v3;
	_ =	sdelay $0x1  }
0x22e: {  	[tilespmem:v8+s20+$0x0] =	vst.idx.msk $0xffff, v7  }
0x22f: {  	v7 =	vld.idx.msk [tilespmem:v9+s1+$0x0], $0xffff  }
0x230: {  	s12 =	sadd.s32 $0x1, s0  }
0x231: {  	v8 =	vadd.s32 s12, v0  }
0x232: {  	v8 =	vand.u32 $0x3F, v8  }
0x233: {  	v10 =	vor.u32 v5, v8;
	_ =	sdelay $0x1  }
0x234: {  	v7 =	vmul.f32 v7, v4;
	_ =	sdelay $0x1  }
0x235: {  	[tilespmem:v9+s20+$0x0] =	vst.idx.msk $0xffff, v7  }
0x236: {  	v7 =	vld.idx.msk [tilespmem:v10+s1+$0x0], $0xffff;
	_ =	sdelay $0x3  }
0x237: {  	v8 =	vor.u32 v8, v6;
	_ =	sdelay $0x1  }
0x238: {  	v7 =	vmul.f32 v7, v3;
	_ =	sdelay $0x1  }
0x239: {  	[tilespmem:v10+s20+$0x0] =	vst.idx.msk $0xffff, v7  }
0x23a: {  	v7 =	vld.idx.msk [tilespmem:v8+s1+$0x0], $0xffff  }
0x23b: {  	s12 =	sadd.s32 $0x2, s0  }
0x23c: {  	v9 =	vadd.s32 s12, v0  }
0x23d: {  	v9 =	vand.u32 $0x3F, v9  }
0x23e: {  	v10 =	vor.u32 v5, v9;
	_ =	sdelay $0x1  }
0x23f: {  	v7 =	vmul.f32 v7, v4;
	_ =	sdelay $0x1  }
0x240: {  	[tilespmem:v8+s20+$0x0] =	vst.idx.msk $0xffff, v7  }
0x241: {  	v7 =	vld.idx.msk [tilespmem:v10+s1+$0x0], $0xffff;
	_ =	sdelay $0x3  }
0x242: {  	v8 =	vor.u32 v9, v6;
	_ =	sdelay $0x1  }
0x243: {  	v7 =	vmul.f32 v7, v3;
	_ =	sdelay $0x1  }
0x244: {  	[tilespmem:v10+s20+$0x0] =	vst.idx.msk $0xffff, v7  }
0x245: {  	v7 =	vld.idx.msk [tilespmem:v8+s1+$0x0], $0xffff  }
0x246: {  	s12 =	sadd.s32 $0x3, s0;
	s0 =	smov.u32 s18  }
0x247: {  	v9 =	vadd.s32 s12, v0  }
0x248: {  	v9 =	vand.u32 $0x3F, v9  }
0x249: {  	v10 =	vor.u32 v5, v9;
	_ =	sdelay $0x1  }
0x24a: {  	v7 =	vmul.f32 v7, v4;
	_ =	sdelay $0x1  }
0x24b: {  	[tilespmem:v8+s20+$0x0] =	vst.idx.msk $0xffff, v7  }
0x24c: {  	v8 =	vld.idx.msk [tilespmem:v10+s1+$0x0], $0xffff;
	_ =	sdelay $0x3  }
0x24d: {  	v7 =	vor.u32 v9, v6;
	_ =	sdelay $0x1  }
0x24e: {  	v8 =	vmul.f32 v8, v3;
	_ =	sdelay $0x1  }
0x24f: {  	[tilespmem:v10+s20+$0x0] =	vst.idx.msk $0xffff, v8  }
0x250: {  	v10 =	vld.idx.msk [tilespmem:v7+s1+$0x0], $0xffff;
	_ =	sdelay $0x1  }
.Ltmp4:
0x251: {  	v9 =	vadd.s32 s0, v0;
	(pc) =	sbr.rel @p0 .LBB2_12-.Ltmp4, $3  }
0x252: {  	v8 =	vand.u32 $0x3F, v9  }
0x253: {  	v8 =	vor.u32 v5, v8;
	_ =	sdelay $0x1  }
0x254: {  	v10 =	vmul.f32 v10, v4  }
0x255: {  	_ =	sdelay $0x3  }
0x256: {  	[tilespmem:v7+s20+$0x0] =	vst.idx.msk $0xffff, v10  }
0x257: {  	v7 =	vld.idx.msk [tilespmem:v8+s1+$0x0], $0xffff;
	_ =	sdelay $0x2  }
0x258: {  	v9 =	vor.u32 v9, v6;
	_ =	sdelay $0x1  }
0x259: {  	v7 =	vmul.f32 v7, v3;
	_ =	sdelay $0x1  }
0x25a: {  	[tilespmem:v8+s20+$0x0] =	vst.idx.msk $0xffff, v7  }
0x25b: {  	s10 =	sadd.s32 $0x1, s0;
	v7 =	vld.idx.msk [tilespmem:v9+s1+$0x0], $0xffff  }
0x25c: {  	v56 =	vadd.s32 s10, v0  }
0x25d: {  	v8 =	vand.u32 $0x3F, v56  }
0x25e: {  	v57 =	vor.u32 v5, v8;
	_ =	sdelay $0x1  }
0x25f: {  	v7 =	vmul.f32 v7, v4;
	_ =	sdelay $0x1  }
0x260: {  	[tilespmem:v9+s20+$0x0] =	vst.idx.msk $0xffff, v7  }
0x261: {  	v7 =	vld.idx.msk [tilespmem:v57+s1+$0x0], $0xffff;
	_ =	sdelay $0x2  }
0x262: {  	v8 =	vor.u32 v8, v6;
	_ =	sdelay $0x1  }
0x263: {  	v7 =	vmul.f32 v7, v3;
	_ =	sdelay $0x1  }
0x264: {  	[tilespmem:v57+s20+$0x0] =	vst.idx.msk $0xffff, v7  }
0x265: {  	s12 =	sadd.s32 $0x2, s0;
	v7 =	vld.idx.msk [tilespmem:v8+s1+$0x0], $0xffff  }
0x266: {  	v58 =	vadd.s32 s12, v0  }
0x267: {  	v9 =	vand.u32 $0x3F, v58  }
0x268: {  	v59 =	vor.u32 v5, v9;
	_ =	sdelay $0x1  }
0x269: {  	v7 =	vmul.f32 v7, v4;
	_ =	sdelay $0x1  }
0x26a: {  	[tilespmem:v8+s20+$0x0] =	vst.idx.msk $0xffff, v7  }
0x26b: {  	v7 =	vld.idx.msk [tilespmem:v59+s1+$0x0], $0xffff;
	_ =	sdelay $0x2  }
0x26c: {  	v60 =	vor.u32 v9, v6;
	_ =	sdelay $0x1  }
0x26d: {  	v7 =	vmul.f32 v7, v3;
	_ =	sdelay $0x1  }
0x26e: {  	[tilespmem:v59+s20+$0x0] =	vst.idx.msk $0xffff, v7  }
0x26f: {  	s18 =	sadd.s32 $0x3, s0;
	v7 =	vld.idx.msk [tilespmem:v60+s1+$0x0], $0xffff  }
0x270: {  	v61 =	vadd.s32 s18, v0  }
0x271: {  	v9 =	vand.u32 $0x3F, v61  }
0x272: {  	v62 =	vor.u32 v5, v9;
	_ =	sdelay $0x1  }
0x273: {  	v7 =	vmul.f32 v7, v4;
	_ =	sdelay $0x1  }
0x274: {  	[tilespmem:v60+s20+$0x0] =	vst.idx.msk $0xffff, v7  }
0x275: {  	v7 =	vld.idx.msk [tilespmem:v62+s1+$0x0], $0xffff;
	_ =	sdelay $0x2  }
0x276: {  	v63 =	vor.u32 v9, v6;
	_ =	sdelay $0x1  }
0x277: {  	v3 =	vmul.f32 v7, v3;
	_ =	sdelay $0x1  }
0x278: {  	[tilespmem:v62+s20+$0x0] =	vst.idx.msk $0xffff, v3  }
0x279: {  	v3 =	vld.idx.msk [tilespmem:v63+s1+$0x0], $0xffff  }
0x27a: {  	s16 =	sadd.s32 $0x1, s16  }
0x27b: {  	p0 =	sne.s32 s16, $0x3  }
.Ltmp5:
0x27c: {  	_ = 	snop;
	(pc) =	sbr.rel @p0 .LBB2_11-.Ltmp5, $3  }
0x27d: {  	_ = 	snop  }
0x27e: {  	v3 =	vmul.f32 v3, v4;
	_ =	sdelay $0x1  }
0x27f: {  	[tilespmem:v63+s20+$0x0] =	vst.idx.msk $0xffff, v3  }
0x280: {  	[spmem:s2] =	stream.indirect.scatter.add.f32 [tilespmem:s20], [sflag:$0x3], $0x80, s14, s24, $0xb8;
	[tilespmem:$0x1FE00] =	vst v63  }
0x281: {  	_ =	swait.ge [sflag:s17], $0x30  }
0x282: {  	[sflag:s17] =	ssyncset.done $0x0  }
0x283: {  	[sflag:s17] =	ssyncadd.s32 $0xFFFFFFD0  }
0x284: {  	_ =	swait.ge [sflag:s17], $0x30  }
0x285: {  	[sflag:s17] =	ssyncset.done $0x0  }
0x286: {  	[sflag:s17] =	ssyncadd.s32 $0xFFFFFFD0  }
0x287: {  	_ =	swait.ge [sflag:s17], $0x30  }
0x288: {  	[sflag:s17] =	ssyncset.done $0x0  }
0x289: {  	[sflag:s17] =	ssyncadd.s32 $0xFFFFFFD0  }
0x28a: {  	_ =	swait.ge [sflag:s17], $0x30  }
0x28b: {  	[sflag:s17] =	ssyncset.done $0x0  }
0x28c: {  	s0 =	simm.s32 $0x5880;
	[sflag:s17] =	ssyncadd.s32 $0xFFFFFFD0  }
0x28d: {  	[tilespmem:s1], [sflag:$0x2] =	stream.indirect.gather [hbm4b:s11+s24], $0x80, s0, s24, $0xb8;
	[tilespmem:$0x1FE00] =	vst v63  }
0x28e: {  	_ =	swait.ge [sflag:s21], $0x30  }
0x28f: {  	[sflag:s21] =	ssyncset.done $0x0  }
0x290: {  	[sflag:s21] =	ssyncadd.s32 $0xFFFFFFD0  }
0x291: {  	_ =	swait.ge [sflag:s22], $0x1800  }
0x292: {  	s15 =	rddreg [dreg:$0xe]  }
0x293: {  	s0 =	sadd.s32 s30, s15  }
0x294: {  	[sflag:s22] =	ssyncset.done $0x0;
	s0 =	sshrl.u32 s0, $0x3  }
0x295: {  	[sflag:s22] =	ssyncadd.s32 $0xFFFFE800;
	s15 =	simm.s32 $0x0;
	s10 =	sadd.s32 s6, s0  }
0x296: {  	[tilespmem:s23], [sflag:$0x1] =	stream.linear.gather [hbm4b:s10+s15], $0x30, $0x38;
	[tilespmem:$0x1FE00] =	vst v63  }
0x297: {  	s16 =	sadd.s32 s7, s0  }
0x298: {  	[tilespmem:s14], [sflag:$0x1] =	stream.linear.gather [hbm4b:s16+s15], $0x30, $0x38;
	[tilespmem:$0x1FE00] =	vst v63  }
0x299: {  	s12 =	simm.s32 $0x5200;
	s18 =	sadd.s32 s8, s0  }
0x29a: {  	[tilespmem:s12], [sflag:$0x1] =	stream.linear.gather [hbm4b:s18+s15], $0x30, $0x38;
	[tilespmem:$0x1FE00] =	vst v63  }
0x29b: {  	s0 =	sadd.s32 s9, s0;
	s16 =	simm.s32 $0x5180  }
0x29c: {  	[tilespmem:s16], [sflag:$0x1] =	stream.linear.gather [hbm4b:s0+s15], $0x30, $0x38;
	[tilespmem:$0x1FE00] =	vst v63  }
0x29d: {  	v3 =	vld [tilespmem:$0x5700];
	_ =	sdelay $0x6  }
0x29e: {  	v4 =	vld [tilespmem:$0x5780]  }
0x29f: {  	v5 =	vld.idx.msk [tilespmem:v3+s15+$0x0], $0xffff;
	_ =	sdelay $0x4  }
0x2a0: {  	v4 =	vsub.f32 v4, v5;
	_ =	sdelay $0x1  }
0x2a1: {  	v4 =	vmul.f32 $1.442695020e+00, v4;
	_ =	sdelay $0x1  }
0x2a2: {  	(erf) = vpow2.f32 v4;
	_ =	sdelay $0x2  }
0x2a3: {  	v54 =	vld [tilespmem:$0x5880]  }
0x2a4: {  	v55 =	vld [tilespmem:$0x5800];
	_ =	sdelay $0x4  }
0x2a5: {  	vm0 =	vgt.f32 v55, $0.0e+00;
	v6 =	vpop (erf)  }
0x2a6: {  	v6 =	vnsel vm0, $0x0, v6  }
0x2a7: {  	[tilespmem:$0x5600] =	vst v6  }
0x2a8: {  	v4 =	vld.idx.msk [tilespmem:v54+s5+$0x0], $0xffff  }
0x2a9: {  	v56 =	vld [tilespmem:$0x5710]  }
0x2aa: {  	v3 =	vld.idx.msk [tilespmem:v3+s5+$0x0], $0xffff;
	_ =	sdelay $0x2  }
0x2ab: {  	v4 =	vmul.f32 v4, v55;
	_ =	sdelay $0x1  }
0x2ac: {  	v3 =	vmul.f32 v3, v4;
	_ =	sdelay $0x1  }
0x2ad: {  	[tilespmem:$0x5680] =	vst v3;
	v3 =	vld [tilespmem:$0x5790]  }
0x2ae: {  	v57 =	vld.idx.msk [tilespmem:v56+s15+$0x0], $0xffff;
	_ =	sdelay $0x4  }
0x2af: {  	v3 =	vsub.f32 v3, v57;
	_ =	sdelay $0x1  }
0x2b0: {  	v3 =	vmul.f32 $1.442695020e+00, v3;
	_ =	sdelay $0x1  }
0x2b1: {  	(erf) = vpow2.f32 v3;
	_ =	sdelay $0x2  }
0x2b2: {  	v58 =	vld [tilespmem:$0x5810]  }
0x2b3: {  	v3 =	vld [tilespmem:$0x5890];
	_ =	sdelay $0x4  }
0x2b4: {  	vm14 =	vgt.f32 v58, $0.0e+00;
	v59 =	vpop (erf)  }
0x2b5: {  	v5 =	vnsel vm14, $0x0, v59  }
0x2b6: {  	[tilespmem:$0x5610] =	vst v5  }
0x2b7: {  	v3 =	vld.idx.msk [tilespmem:v3+s5+$0x0], $0xffff  }
0x2b8: {  	v60 =	vld [tilespmem:$0x5720]  }
0x2b9: {  	v5 =	vld.idx.msk [tilespmem:v56+s5+$0x0], $0xffff;
	_ =	sdelay $0x2  }
0x2ba: {  	v3 =	vmul.f32 v3, v58;
	_ =	sdelay $0x1  }
0x2bb: {  	v3 =	vmul.f32 v5, v3;
	_ =	sdelay $0x1  }
0x2bc: {  	[tilespmem:$0x5690] =	vst v3;
	v3 =	vld [tilespmem:$0x57A0]  }
0x2bd: {  	v61 =	vld.idx.msk [tilespmem:v60+s15+$0x0], $0xffff;
	_ =	sdelay $0x4  }
0x2be: {  	v3 =	vsub.f32 v3, v61;
	_ =	sdelay $0x1  }
0x2bf: {  	v3 =	vmul.f32 $1.442695020e+00, v3;
	_ =	sdelay $0x1  }
0x2c0: {  	(erf) = vpow2.f32 v3;
	_ =	sdelay $0x2  }
0x2c1: {  	v62 =	vld [tilespmem:$0x5820]  }
0x2c2: {  	v3 =	vld [tilespmem:$0x58A0];
	_ =	sdelay $0x4  }
0x2c3: {  	vm15 =	vgt.f32 v62, $0.0e+00;
	v63 =	vpop (erf)  }
0x2c4: {  	v5 =	vnsel vm15, $0x0, v63  }
0x2c5: {  	[tilespmem:$0x5620] =	vst v5  }
0x2c6: {  	v3 =	vld.idx.msk [tilespmem:v3+s5+$0x0], $0xffff;
	_ =	sdelay $0x1  }
0x2c7: {  	v5 =	vld.idx.msk [tilespmem:v60+s5+$0x0], $0xffff;
	_ =	sdelay $0x2  }
0x2c8: {  	v3 =	vmul.f32 v3, v62;
	_ =	sdelay $0x1  }
0x2c9: {  	v3 =	vmul.f32 v5, v3;
	_ =	sdelay $0x1  }
0x2ca: {  	s18 =	simm.s32 $0x5600;
	[tilespmem:$0x56A0] =	vst v3  }
0x2cb: {  	[spmem:s3] =	stream.indirect.scatter.add.f32 [tilespmem:s18], [sflag:$0x4], $0x1, s13, s24, $0xb8;
	[tilespmem:$0x1FE00] =	vst v63  }
0x2cc: {  	_ =	swait.ge [sflag:s19], $0x1800  }
0x2cd: {  	[sflag:s19] =	ssyncset.done $0x0  }
0x2ce: {  	s16 =	simm.s32 $0x0;
	[sflag:s19] =	ssyncadd.s32 $0xFFFFE800  }
.LBB2_15:
0x2cf: {  	s0 =	sshll.u32 s16, $0x4  }
0x2d0: {  	v3 =	vmov s0  }
0x2d1: {  	v4 =	vadd.s32 s15, v0;
	v3 =	vshll.u32 v3, $0x7  }
0x2d2: {  	v5 =	vor.u32 v2, v3;
	v3 =	vand.u32 $0x3F, v4  }
0x2d3: {  	v7 =	vor.u32 v5, v3;
	_ =	sdelay $0x3  }
0x2d4: {  	v3 =	vld [tilespmem:s0+$0x5300]  }
0x2d5: {  	v8 =	vld.idx.msk [tilespmem:v7+s31+$0x0], $0xffff;
	_ =	sdelay $0x1  }
0x2d6: {  	v6 =	vor.u32 $0x40, v5  }
0x2d7: {  	v9 =	vor.u32 v4, v6;
	_ =	sdelay $0x1  }
0x2d8: {  	v8 =	vmul.f32 v8, v3;
	_ =	sdelay $0x1  }
0x2d9: {  	v4 =	vld [tilespmem:s0+$0x5380];
	[tilespmem:v7+s28+$0x0] =	vst.idx.msk $0xffff, v8  }
0x2da: {  	s10 =	simm.s32 $0x1;
	v7 =	vld.idx.msk [tilespmem:v9+s31+$0x0], $0xffff  }
0x2db: {  	v8 =	vadd.s32 s10, v0  }
0x2dc: {  	v8 =	vand.u32 $0x3F, v8  }
0x2dd: {  	v10 =	vor.u32 v5, v8;
	_ =	sdelay $0x1  }
0x2de: {  	v7 =	vmul.f32 v7, v4;
	_ =	sdelay $0x1  }
0x2df: {  	[tilespmem:v9+s28+$0x0] =	vst.idx.msk $0xffff, v7  }
0x2e0: {  	v7 =	vld.idx.msk [tilespmem:v10+s31+$0x0], $0xffff;
	_ =	sdelay $0x2  }
0x2e1: {  	v8 =	vor.u32 v8, v6;
	_ =	sdelay $0x1  }
0x2e2: {  	v7 =	vmul.f32 v7, v3;
	_ =	sdelay $0x1  }
0x2e3: {  	[tilespmem:v10+s28+$0x0] =	vst.idx.msk $0xffff, v7  }
0x2e4: {  	s12 =	simm.s32 $0x2;
	v7 =	vld.idx.msk [tilespmem:v8+s31+$0x0], $0xffff  }
0x2e5: {  	v9 =	vadd.s32 s12, v0  }
0x2e6: {  	v9 =	vand.u32 $0x3F, v9  }
0x2e7: {  	v10 =	vor.u32 v5, v9;
	_ =	sdelay $0x1  }
0x2e8: {  	v7 =	vmul.f32 v7, v4;
	_ =	sdelay $0x1  }
0x2e9: {  	[tilespmem:v8+s28+$0x0] =	vst.idx.msk $0xffff, v7  }
0x2ea: {  	v7 =	vld.idx.msk [tilespmem:v10+s31+$0x0], $0xffff;
	_ =	sdelay $0x2  }
0x2eb: {  	v8 =	vor.u32 v9, v6;
	_ =	sdelay $0x1  }
0x2ec: {  	v7 =	vmul.f32 v7, v3;
	_ =	sdelay $0x1  }
0x2ed: {  	[tilespmem:v10+s28+$0x0] =	vst.idx.msk $0xffff, v7  }
0x2ee: {  	s18 =	simm.s32 $0x3;
	v7 =	vld.idx.msk [tilespmem:v8+s31+$0x0], $0xffff  }
0x2ef: {  	v9 =	vadd.s32 s18, v0  }
0x2f0: {  	v9 =	vand.u32 $0x3F, v9  }
0x2f1: {  	v10 =	vor.u32 v5, v9;
	_ =	sdelay $0x1  }
0x2f2: {  	v7 =	vmul.f32 v7, v4;
	_ =	sdelay $0x1  }
0x2f3: {  	[tilespmem:v8+s28+$0x0] =	vst.idx.msk $0xffff, v7  }
0x2f4: {  	v8 =	vld.idx.msk [tilespmem:v10+s31+$0x0], $0xffff;
	_ =	sdelay $0x2  }
0x2f5: {  	v7 =	vor.u32 v9, v6;
	_ =	sdelay $0x1  }
0x2f6: {  	v8 =	vmul.f32 v8, v3;
	_ =	sdelay $0x1  }
0x2f7: {  	[tilespmem:v10+s28+$0x0] =	vst.idx.msk $0xffff, v8  }
0x2f8: {  	s0 =	simm.s32 $0x4;
	v10 =	vld.idx.msk [tilespmem:v7+s31+$0x0], $0xffff  }
0x2f9: {  	v9 =	vadd.s32 s0, v0  }
0x2fa: {  	v8 =	vand.u32 $0x3F, v9  }
0x2fb: {  	v8 =	vor.u32 v5, v8;
	_ =	sdelay $0x1  }
0x2fc: {  	s10 =	simm.s32 $0x8;
	v10 =	vmul.f32 v10, v4  }
.LBB2_16:
0x2fd: {  	_ = 	snop  }
0x2fe: {  	p0 =	sne.s32 s10, $0x3C;
	s18 =	smov.u32 s10;
	s10 =	sadd.s32 $0x4, s10;
	[tilespmem:v7+s28+$0x0] =	vst.idx.msk $0xffff, v10  }
0x2ff: {  	v7 =	vld.idx.msk [tilespmem:v8+s31+$0x0], $0xffff;
	_ =	sdelay $0x3  }
0x300: {  	v9 =	vor.u32 v9, v6;
	_ =	sdelay $0x1  }
0x301: {  	v7 =	vmul.f32 v7, v3;
	_ =	sdelay $0x1  }
0x302: {  	[tilespmem:v8+s28+$0x0] =	vst.idx.msk $0xffff, v7  }
0x303: {  	v7 =	vld.idx.msk [tilespmem:v9+s31+$0x0], $0xffff  }
0x304: {  	s12 =	sadd.s32 $0x1, s0  }
0x305: {  	v8 =	vadd.s32 s12, v0  }
0x306: {  	v8 =	vand.u32 $0x3F, v8  }
0x307: {  	v10 =	vor.u32 v5, v8;
	_ =	sdelay $0x1  }
0x308: {  	v7 =	vmul.f32 v7, v4;
	_ =	sdelay $0x1  }
0x309: {  	[tilespmem:v9+s28+$0x0] =	vst.idx.msk $0xffff, v7  }
0x30a: {  	v7 =	vld.idx.msk [tilespmem:v10+s31+$0x0], $0xffff;
	_ =	sdelay $0x3  }
0x30b: {  	v8 =	vor.u32 v8, v6;
	_ =	sdelay $0x1  }
0x30c: {  	v7 =	vmul.f32 v7, v3;
	_ =	sdelay $0x1  }
0x30d: {  	[tilespmem:v10+s28+$0x0] =	vst.idx.msk $0xffff, v7  }
0x30e: {  	v7 =	vld.idx.msk [tilespmem:v8+s31+$0x0], $0xffff  }
0x30f: {  	s12 =	sadd.s32 $0x2, s0  }
0x310: {  	v9 =	vadd.s32 s12, v0  }
0x311: {  	v9 =	vand.u32 $0x3F, v9  }
0x312: {  	v10 =	vor.u32 v5, v9;
	_ =	sdelay $0x1  }
0x313: {  	v7 =	vmul.f32 v7, v4;
	_ =	sdelay $0x1  }
0x314: {  	[tilespmem:v8+s28+$0x0] =	vst.idx.msk $0xffff, v7  }
0x315: {  	v7 =	vld.idx.msk [tilespmem:v10+s31+$0x0], $0xffff;
	_ =	sdelay $0x3  }
0x316: {  	v8 =	vor.u32 v9, v6;
	_ =	sdelay $0x1  }
0x317: {  	v7 =	vmul.f32 v7, v3;
	_ =	sdelay $0x1  }
0x318: {  	[tilespmem:v10+s28+$0x0] =	vst.idx.msk $0xffff, v7  }
0x319: {  	v7 =	vld.idx.msk [tilespmem:v8+s31+$0x0], $0xffff  }
0x31a: {  	s12 =	sadd.s32 $0x3, s0;
	s0 =	smov.u32 s18  }
0x31b: {  	v9 =	vadd.s32 s12, v0  }
0x31c: {  	v9 =	vand.u32 $0x3F, v9  }
0x31d: {  	v10 =	vor.u32 v5, v9;
	_ =	sdelay $0x1  }
0x31e: {  	v7 =	vmul.f32 v7, v4;
	_ =	sdelay $0x1  }
0x31f: {  	[tilespmem:v8+s28+$0x0] =	vst.idx.msk $0xffff, v7  }
0x320: {  	v8 =	vld.idx.msk [tilespmem:v10+s31+$0x0], $0xffff;
	_ =	sdelay $0x3  }
0x321: {  	v7 =	vor.u32 v9, v6;
	_ =	sdelay $0x1  }
0x322: {  	v8 =	vmul.f32 v8, v3;
	_ =	sdelay $0x1  }
0x323: {  	[tilespmem:v10+s28+$0x0] =	vst.idx.msk $0xffff, v8  }
0x324: {  	v10 =	vld.idx.msk [tilespmem:v7+s31+$0x0], $0xffff;
	_ =	sdelay $0x1  }
.Ltmp6:
0x325: {  	v9 =	vadd.s32 s0, v0;
	(pc) =	sbr.rel @p0 .LBB2_16-.Ltmp6, $3  }
0x326: {  	v8 =	vand.u32 $0x3F, v9  }
0x327: {  	v8 =	vor.u32 v5, v8;
	_ =	sdelay $0x1  }
0x328: {  	v10 =	vmul.f32 v10, v4  }
0x329: {  	_ =	sdelay $0x3  }
0x32a: {  	[tilespmem:v7+s28+$0x0] =	vst.idx.msk $0xffff, v10  }
0x32b: {  	v7 =	vld.idx.msk [tilespmem:v8+s31+$0x0], $0xffff;
	_ =	sdelay $0x2  }
0x32c: {  	v9 =	vor.u32 v9, v6;
	_ =	sdelay $0x1  }
0x32d: {  	v7 =	vmul.f32 v7, v3;
	_ =	sdelay $0x1  }
0x32e: {  	[tilespmem:v8+s28+$0x0] =	vst.idx.msk $0xffff, v7  }
0x32f: {  	s10 =	sadd.s32 $0x1, s0;
	v7 =	vld.idx.msk [tilespmem:v9+s31+$0x0], $0xffff  }
0x330: {  	v56 =	vadd.s32 s10, v0  }
0x331: {  	v8 =	vand.u32 $0x3F, v56  }
0x332: {  	v57 =	vor.u32 v5, v8;
	_ =	sdelay $0x1  }
0x333: {  	v7 =	vmul.f32 v7, v4;
	_ =	sdelay $0x1  }
0x334: {  	[tilespmem:v9+s28+$0x0] =	vst.idx.msk $0xffff, v7  }
0x335: {  	v7 =	vld.idx.msk [tilespmem:v57+s31+$0x0], $0xffff;
	_ =	sdelay $0x2  }
0x336: {  	v8 =	vor.u32 v8, v6;
	_ =	sdelay $0x1  }
0x337: {  	v7 =	vmul.f32 v7, v3;
	_ =	sdelay $0x1  }
0x338: {  	[tilespmem:v57+s28+$0x0] =	vst.idx.msk $0xffff, v7  }
0x339: {  	s12 =	sadd.s32 $0x2, s0;
	v7 =	vld.idx.msk [tilespmem:v8+s31+$0x0], $0xffff  }
0x33a: {  	v58 =	vadd.s32 s12, v0  }
0x33b: {  	v9 =	vand.u32 $0x3F, v58  }
0x33c: {  	v59 =	vor.u32 v5, v9;
	_ =	sdelay $0x1  }
0x33d: {  	v7 =	vmul.f32 v7, v4;
	_ =	sdelay $0x1  }
0x33e: {  	[tilespmem:v8+s28+$0x0] =	vst.idx.msk $0xffff, v7  }
0x33f: {  	v7 =	vld.idx.msk [tilespmem:v59+s31+$0x0], $0xffff;
	_ =	sdelay $0x2  }
0x340: {  	v60 =	vor.u32 v9, v6;
	_ =	sdelay $0x1  }
0x341: {  	v7 =	vmul.f32 v7, v3;
	_ =	sdelay $0x1  }
0x342: {  	[tilespmem:v59+s28+$0x0] =	vst.idx.msk $0xffff, v7  }
0x343: {  	s18 =	sadd.s32 $0x3, s0;
	v7 =	vld.idx.msk [tilespmem:v60+s31+$0x0], $0xffff  }
0x344: {  	v61 =	vadd.s32 s18, v0  }
0x345: {  	v9 =	vand.u32 $0x3F, v61  }
0x346: {  	v62 =	vor.u32 v5, v9;
	_ =	sdelay $0x1  }
0x347: {  	v7 =	vmul.f32 v7, v4;
	_ =	sdelay $0x1  }
0x348: {  	[tilespmem:v60+s28+$0x0] =	vst.idx.msk $0xffff, v7  }
0x349: {  	v7 =	vld.idx.msk [tilespmem:v62+s31+$0x0], $0xffff;
	_ =	sdelay $0x2  }
0x34a: {  	v63 =	vor.u32 v9, v6;
	_ =	sdelay $0x1  }
0x34b: {  	v3 =	vmul.f32 v7, v3;
	_ =	sdelay $0x1  }
0x34c: {  	[tilespmem:v62+s28+$0x0] =	vst.idx.msk $0xffff, v3  }
0x34d: {  	v3 =	vld.idx.msk [tilespmem:v63+s31+$0x0], $0xffff  }
0x34e: {  	s16 =	sadd.s32 $0x1, s16  }
0x34f: {  	p0 =	sne.s32 s16, $0x3  }
.Ltmp7:
0x350: {  	_ = 	snop;
	(pc) =	sbr.rel @p0 .LBB2_15-.Ltmp7, $3  }
0x351: {  	_ = 	snop  }
0x352: {  	v3 =	vmul.f32 v3, v4;
	_ =	sdelay $0x1  }
0x353: {  	[tilespmem:v63+s28+$0x0] =	vst.idx.msk $0xffff, v3  }
0x354: {  	[spmem:s2] =	stream.indirect.scatter.add.f32 [tilespmem:s28], [sflag:$0x3], $0x80, s26, s24, $0xb8;
	[tilespmem:$0x1FE00] =	vst v63  }
0x355: {  	_ =	swait.ge [sflag:s17], $0x30  }
0x356: {  	[sflag:s17] =	ssyncset.done $0x0  }
0x357: {  	[sflag:s17] =	ssyncadd.s32 $0xFFFFFFD0  }
0x358: {  	_ =	swait.ge [sflag:s17], $0x30  }
0x359: {  	[sflag:s17] =	ssyncset.done $0x0  }
0x35a: {  	[sflag:s17] =	ssyncadd.s32 $0xFFFFFFD0  }
0x35b: {  	_ =	swait.ge [sflag:s17], $0x30  }
0x35c: {  	[sflag:s17] =	ssyncset.done $0x0  }
0x35d: {  	[sflag:s17] =	ssyncadd.s32 $0xFFFFFFD0  }
0x35e: {  	_ =	swait.ge [sflag:s17], $0x30  }
0x35f: {  	[sflag:s17] =	ssyncset.done $0x0  }
0x360: {  	[sflag:s17] =	ssyncadd.s32 $0xFFFFFFD0  }
0x361: {  	[tilespmem:s31], [sflag:$0x2] =	stream.indirect.gather [hbm4b:s11+s24], $0x80, s23, s24, $0xb8;
	[tilespmem:$0x1FE00] =	vst v63  }
0x362: {  	_ =	swait.ge [sflag:s21], $0x30  }
0x363: {  	[sflag:s21] =	ssyncset.done $0x0  }
0x364: {  	[sflag:s21] =	ssyncadd.s32 $0xFFFFFFD0  }
0x365: {  	_ =	swait.ge [sflag:s22], $0x1800  }
0x366: {  	s0 =	rddreg [dreg:$0xf]  }
0x367: {  	s0 =	sadd.s32 s30, s0  }
0x368: {  	[sflag:s22] =	ssyncset.done $0x0;
	s0 =	sshrl.u32 s0, $0x3  }
0x369: {  	s15 =	simm.s32 $0x0;
	[sflag:s22] =	ssyncadd.s32 $0xFFFFE800;
	s10 =	sadd.s32 s6, s0  }
0x36a: {  	[tilespmem:s25], [sflag:$0x1] =	stream.linear.gather [hbm4b:s10+s15], $0x30, $0x38;
	[tilespmem:$0x1FE00] =	vst v63  }
0x36b: {  	s16 =	sadd.s32 s7, s0  }
0x36c: {  	[tilespmem:s26], [sflag:$0x1] =	stream.linear.gather [hbm4b:s16+s15], $0x30, $0x38;
	[tilespmem:$0x1FE00] =	vst v63  }
0x36d: {  	s12 =	simm.s32 $0x5500;
	s18 =	sadd.s32 s8, s0  }
0x36e: {  	[tilespmem:s12], [sflag:$0x1] =	stream.linear.gather [hbm4b:s18+s15], $0x30, $0x38;
	[tilespmem:$0x1FE00] =	vst v63  }
0x36f: {  	s0 =	sadd.s32 s9, s0;
	s16 =	simm.s32 $0x5480  }
0x370: {  	[tilespmem:s16], [sflag:$0x1] =	stream.linear.gather [hbm4b:s0+s15], $0x30, $0x38;
	[tilespmem:$0x1FE00] =	vst v63  }
0x371: {  	v3 =	vld [tilespmem:$0x5100];
	_ =	sdelay $0x6  }
0x372: {  	v4 =	vld [tilespmem:$0x5180]  }
0x373: {  	v5 =	vld.idx.msk [tilespmem:v3+s15+$0x0], $0xffff;
	_ =	sdelay $0x4  }
0x374: {  	v4 =	vsub.f32 v4, v5;
	_ =	sdelay $0x1  }
0x375: {  	v4 =	vmul.f32 $1.442695020e+00, v4;
	_ =	sdelay $0x1  }
0x376: {  	(erf) = vpow2.f32 v4;
	_ =	sdelay $0x2  }
0x377: {  	v54 =	vld [tilespmem:$0x5280]  }
0x378: {  	v55 =	vld [tilespmem:$0x5200];
	_ =	sdelay $0x4  }
0x379: {  	vm0 =	vgt.f32 v55, $0.0e+00;
	v6 =	vpop (erf)  }
0x37a: {  	v6 =	vnsel vm0, $0x0, v6  }
0x37b: {  	[tilespmem:$0x5000] =	vst v6  }
0x37c: {  	v4 =	vld.idx.msk [tilespmem:v54+s5+$0x0], $0xffff  }
0x37d: {  	v56 =	vld [tilespmem:$0x5110]  }
0x37e: {  	v3 =	vld.idx.msk [tilespmem:v3+s5+$0x0], $0xffff;
	_ =	sdelay $0x2  }
0x37f: {  	v4 =	vmul.f32 v4, v55;
	_ =	sdelay $0x1  }
0x380: {  	v3 =	vmul.f32 v3, v4;
	_ =	sdelay $0x1  }
0x381: {  	[tilespmem:$0x5080] =	vst v3;
	v3 =	vld [tilespmem:$0x5190]  }
0x382: {  	v57 =	vld.idx.msk [tilespmem:v56+s15+$0x0], $0xffff;
	_ =	sdelay $0x4  }
0x383: {  	v3 =	vsub.f32 v3, v57;
	_ =	sdelay $0x1  }
0x384: {  	v3 =	vmul.f32 $1.442695020e+00, v3;
	_ =	sdelay $0x1  }
0x385: {  	(erf) = vpow2.f32 v3;
	_ =	sdelay $0x2  }
0x386: {  	v58 =	vld [tilespmem:$0x5210]  }
0x387: {  	v3 =	vld [tilespmem:$0x5290];
	_ =	sdelay $0x4  }
0x388: {  	vm14 =	vgt.f32 v58, $0.0e+00;
	v59 =	vpop (erf)  }
0x389: {  	v5 =	vnsel vm14, $0x0, v59  }
0x38a: {  	[tilespmem:$0x5010] =	vst v5  }
0x38b: {  	v3 =	vld.idx.msk [tilespmem:v3+s5+$0x0], $0xffff  }
0x38c: {  	v60 =	vld [tilespmem:$0x5120]  }
0x38d: {  	v5 =	vld.idx.msk [tilespmem:v56+s5+$0x0], $0xffff;
	_ =	sdelay $0x2  }
0x38e: {  	v3 =	vmul.f32 v3, v58;
	_ =	sdelay $0x1  }
0x38f: {  	v3 =	vmul.f32 v5, v3;
	_ =	sdelay $0x1  }
0x390: {  	[tilespmem:$0x5090] =	vst v3;
	v3 =	vld [tilespmem:$0x51A0]  }
0x391: {  	v61 =	vld.idx.msk [tilespmem:v60+s15+$0x0], $0xffff;
	_ =	sdelay $0x4  }
0x392: {  	v3 =	vsub.f32 v3, v61;
	_ =	sdelay $0x1  }
0x393: {  	v3 =	vmul.f32 $1.442695020e+00, v3;
	_ =	sdelay $0x1  }
0x394: {  	(erf) = vpow2.f32 v3;
	_ =	sdelay $0x2  }
0x395: {  	v62 =	vld [tilespmem:$0x5220]  }
0x396: {  	v3 =	vld [tilespmem:$0x52A0];
	_ =	sdelay $0x4  }
0x397: {  	vm15 =	vgt.f32 v62, $0.0e+00;
	v63 =	vpop (erf)  }
0x398: {  	v5 =	vnsel vm15, $0x0, v63  }
0x399: {  	[tilespmem:$0x5020] =	vst v5  }
0x39a: {  	v3 =	vld.idx.msk [tilespmem:v3+s5+$0x0], $0xffff;
	_ =	sdelay $0x1  }
0x39b: {  	v5 =	vld.idx.msk [tilespmem:v60+s5+$0x0], $0xffff;
	_ =	sdelay $0x2  }
0x39c: {  	v3 =	vmul.f32 v3, v62;
	_ =	sdelay $0x1  }
0x39d: {  	v3 =	vmul.f32 v5, v3;
	_ =	sdelay $0x1  }
0x39e: {  	s18 =	simm.s32 $0x5000;
	[tilespmem:$0x50A0] =	vst v3  }
0x39f: {  	[spmem:s3] =	stream.indirect.scatter.add.f32 [tilespmem:s18], [sflag:$0x4], $0x1, s14, s24, $0xb8;
	[tilespmem:$0x1FE00] =	vst v63  }
0x3a0: {  	_ =	swait.ge [sflag:s19], $0x1800  }
0x3a1: {  	[sflag:s19] =	ssyncset.done $0x0  }
0x3a2: {  	s16 =	simm.s32 $0x0;
	[sflag:s19] =	ssyncadd.s32 $0xFFFFE800  }
.LBB2_19:
0x3a3: {  	s0 =	sshll.u32 s16, $0x4  }
0x3a4: {  	v3 =	vmov s0  }
0x3a5: {  	v4 =	vadd.s32 s15, v0;
	v3 =	vshll.u32 v3, $0x7  }
0x3a6: {  	v5 =	vor.u32 v2, v3;
	v3 =	vand.u32 $0x3F, v4  }
0x3a7: {  	v7 =	vor.u32 v5, v3;
	_ =	sdelay $0x3  }
0x3a8: {  	v3 =	vld [tilespmem:s0+$0x5600]  }
0x3a9: {  	v8 =	vld.idx.msk [tilespmem:v7+s1+$0x0], $0xffff;
	_ =	sdelay $0x1  }
0x3aa: {  	v6 =	vor.u32 $0x40, v5  }
0x3ab: {  	v9 =	vor.u32 v4, v6;
	_ =	sdelay $0x1  }
0x3ac: {  	v8 =	vmul.f32 v8, v3;
	_ =	sdelay $0x1  }
0x3ad: {  	v4 =	vld [tilespmem:s0+$0x5680];
	[tilespmem:v7+s20+$0x0] =	vst.idx.msk $0xffff, v8  }
0x3ae: {  	s10 =	simm.s32 $0x1;
	v7 =	vld.idx.msk [tilespmem:v9+s1+$0x0], $0xffff  }
0x3af: {  	v8 =	vadd.s32 s10, v0  }
0x3b0: {  	v8 =	vand.u32 $0x3F, v8  }
0x3b1: {  	v10 =	vor.u32 v5, v8;
	_ =	sdelay $0x1  }
0x3b2: {  	v7 =	vmul.f32 v7, v4;
	_ =	sdelay $0x1  }
0x3b3: {  	[tilespmem:v9+s20+$0x0] =	vst.idx.msk $0xffff, v7  }
0x3b4: {  	v7 =	vld.idx.msk [tilespmem:v10+s1+$0x0], $0xffff;
	_ =	sdelay $0x2  }
0x3b5: {  	v8 =	vor.u32 v8, v6;
	_ =	sdelay $0x1  }
0x3b6: {  	v7 =	vmul.f32 v7, v3;
	_ =	sdelay $0x1  }
0x3b7: {  	[tilespmem:v10+s20+$0x0] =	vst.idx.msk $0xffff, v7  }
0x3b8: {  	s12 =	simm.s32 $0x2;
	v7 =	vld.idx.msk [tilespmem:v8+s1+$0x0], $0xffff  }
0x3b9: {  	v9 =	vadd.s32 s12, v0  }
0x3ba: {  	v9 =	vand.u32 $0x3F, v9  }
0x3bb: {  	v10 =	vor.u32 v5, v9;
	_ =	sdelay $0x1  }
0x3bc: {  	v7 =	vmul.f32 v7, v4;
	_ =	sdelay $0x1  }
0x3bd: {  	[tilespmem:v8+s20+$0x0] =	vst.idx.msk $0xffff, v7  }
0x3be: {  	v7 =	vld.idx.msk [tilespmem:v10+s1+$0x0], $0xffff;
	_ =	sdelay $0x2  }
0x3bf: {  	v8 =	vor.u32 v9, v6;
	_ =	sdelay $0x1  }
0x3c0: {  	v7 =	vmul.f32 v7, v3;
	_ =	sdelay $0x1  }
0x3c1: {  	[tilespmem:v10+s20+$0x0] =	vst.idx.msk $0xffff, v7  }
0x3c2: {  	s18 =	simm.s32 $0x3;
	v7 =	vld.idx.msk [tilespmem:v8+s1+$0x0], $0xffff  }
0x3c3: {  	v9 =	vadd.s32 s18, v0  }
0x3c4: {  	v9 =	vand.u32 $0x3F, v9  }
0x3c5: {  	v10 =	vor.u32 v5, v9;
	_ =	sdelay $0x1  }
0x3c6: {  	v7 =	vmul.f32 v7, v4;
	_ =	sdelay $0x1  }
0x3c7: {  	[tilespmem:v8+s20+$0x0] =	vst.idx.msk $0xffff, v7  }
0x3c8: {  	v8 =	vld.idx.msk [tilespmem:v10+s1+$0x0], $0xffff;
	_ =	sdelay $0x2  }
0x3c9: {  	v7 =	vor.u32 v9, v6;
	_ =	sdelay $0x1  }
0x3ca: {  	v8 =	vmul.f32 v8, v3;
	_ =	sdelay $0x1  }
0x3cb: {  	[tilespmem:v10+s20+$0x0] =	vst.idx.msk $0xffff, v8  }
0x3cc: {  	s0 =	simm.s32 $0x4;
	v10 =	vld.idx.msk [tilespmem:v7+s1+$0x0], $0xffff  }
0x3cd: {  	v9 =	vadd.s32 s0, v0  }
0x3ce: {  	v8 =	vand.u32 $0x3F, v9  }
0x3cf: {  	v8 =	vor.u32 v5, v8;
	_ =	sdelay $0x1  }
0x3d0: {  	s10 =	simm.s32 $0x8;
	v10 =	vmul.f32 v10, v4  }
.LBB2_20:
0x3d1: {  	_ = 	snop  }
0x3d2: {  	p0 =	sne.s32 s10, $0x3C;
	s18 =	smov.u32 s10;
	s10 =	sadd.s32 $0x4, s10;
	[tilespmem:v7+s20+$0x0] =	vst.idx.msk $0xffff, v10  }
0x3d3: {  	v7 =	vld.idx.msk [tilespmem:v8+s1+$0x0], $0xffff;
	_ =	sdelay $0x3  }
0x3d4: {  	v9 =	vor.u32 v9, v6;
	_ =	sdelay $0x1  }
0x3d5: {  	v7 =	vmul.f32 v7, v3;
	_ =	sdelay $0x1  }
0x3d6: {  	[tilespmem:v8+s20+$0x0] =	vst.idx.msk $0xffff, v7  }
0x3d7: {  	v7 =	vld.idx.msk [tilespmem:v9+s1+$0x0], $0xffff  }
0x3d8: {  	s12 =	sadd.s32 $0x1, s0  }
0x3d9: {  	v8 =	vadd.s32 s12, v0  }
0x3da: {  	v8 =	vand.u32 $0x3F, v8  }
0x3db: {  	v10 =	vor.u32 v5, v8;
	_ =	sdelay $0x1  }
0x3dc: {  	v7 =	vmul.f32 v7, v4;
	_ =	sdelay $0x1  }
0x3dd: {  	[tilespmem:v9+s20+$0x0] =	vst.idx.msk $0xffff, v7  }
0x3de: {  	v7 =	vld.idx.msk [tilespmem:v10+s1+$0x0], $0xffff;
	_ =	sdelay $0x3  }
0x3df: {  	v8 =	vor.u32 v8, v6;
	_ =	sdelay $0x1  }
0x3e0: {  	v7 =	vmul.f32 v7, v3;
	_ =	sdelay $0x1  }
0x3e1: {  	[tilespmem:v10+s20+$0x0] =	vst.idx.msk $0xffff, v7  }
0x3e2: {  	v7 =	vld.idx.msk [tilespmem:v8+s1+$0x0], $0xffff  }
0x3e3: {  	s12 =	sadd.s32 $0x2, s0  }
0x3e4: {  	v9 =	vadd.s32 s12, v0  }
0x3e5: {  	v9 =	vand.u32 $0x3F, v9  }
0x3e6: {  	v10 =	vor.u32 v5, v9;
	_ =	sdelay $0x1  }
0x3e7: {  	v7 =	vmul.f32 v7, v4;
	_ =	sdelay $0x1  }
0x3e8: {  	[tilespmem:v8+s20+$0x0] =	vst.idx.msk $0xffff, v7  }
0x3e9: {  	v7 =	vld.idx.msk [tilespmem:v10+s1+$0x0], $0xffff;
	_ =	sdelay $0x3  }
0x3ea: {  	v8 =	vor.u32 v9, v6;
	_ =	sdelay $0x1  }
0x3eb: {  	v7 =	vmul.f32 v7, v3;
	_ =	sdelay $0x1  }
0x3ec: {  	[tilespmem:v10+s20+$0x0] =	vst.idx.msk $0xffff, v7  }
0x3ed: {  	v7 =	vld.idx.msk [tilespmem:v8+s1+$0x0], $0xffff  }
0x3ee: {  	s12 =	sadd.s32 $0x3, s0;
	s0 =	smov.u32 s18  }
0x3ef: {  	v9 =	vadd.s32 s12, v0  }
0x3f0: {  	v9 =	vand.u32 $0x3F, v9  }
0x3f1: {  	v10 =	vor.u32 v5, v9;
	_ =	sdelay $0x1  }
0x3f2: {  	v7 =	vmul.f32 v7, v4;
	_ =	sdelay $0x1  }
0x3f3: {  	[tilespmem:v8+s20+$0x0] =	vst.idx.msk $0xffff, v7  }
0x3f4: {  	v8 =	vld.idx.msk [tilespmem:v10+s1+$0x0], $0xffff;
	_ =	sdelay $0x3  }
0x3f5: {  	v7 =	vor.u32 v9, v6;
	_ =	sdelay $0x1  }
0x3f6: {  	v8 =	vmul.f32 v8, v3;
	_ =	sdelay $0x1  }
0x3f7: {  	[tilespmem:v10+s20+$0x0] =	vst.idx.msk $0xffff, v8  }
0x3f8: {  	v10 =	vld.idx.msk [tilespmem:v7+s1+$0x0], $0xffff;
	_ =	sdelay $0x1  }
.Ltmp8:
0x3f9: {  	v9 =	vadd.s32 s0, v0;
	(pc) =	sbr.rel @p0 .LBB2_20-.Ltmp8, $3  }
0x3fa: {  	v8 =	vand.u32 $0x3F, v9  }
0x3fb: {  	v8 =	vor.u32 v5, v8;
	_ =	sdelay $0x1  }
0x3fc: {  	v10 =	vmul.f32 v10, v4  }
0x3fd: {  	_ =	sdelay $0x3  }
0x3fe: {  	[tilespmem:v7+s20+$0x0] =	vst.idx.msk $0xffff, v10  }
0x3ff: {  	v7 =	vld.idx.msk [tilespmem:v8+s1+$0x0], $0xffff;
	_ =	sdelay $0x2  }
0x400: {  	v9 =	vor.u32 v9, v6;
	_ =	sdelay $0x1  }
0x401: {  	v7 =	vmul.f32 v7, v3;
	_ =	sdelay $0x1  }
0x402: {  	[tilespmem:v8+s20+$0x0] =	vst.idx.msk $0xffff, v7  }
0x403: {  	s10 =	sadd.s32 $0x1, s0;
	v7 =	vld.idx.msk [tilespmem:v9+s1+$0x0], $0xffff  }
0x404: {  	v56 =	vadd.s32 s10, v0  }
0x405: {  	v8 =	vand.u32 $0x3F, v56  }
0x406: {  	v57 =	vor.u32 v5, v8;
	_ =	sdelay $0x1  }
0x407: {  	v7 =	vmul.f32 v7, v4;
	_ =	sdelay $0x1  }
0x408: {  	[tilespmem:v9+s20+$0x0] =	vst.idx.msk $0xffff, v7  }
0x409: {  	v7 =	vld.idx.msk [tilespmem:v57+s1+$0x0], $0xffff;
	_ =	sdelay $0x2  }
0x40a: {  	v8 =	vor.u32 v8, v6;
	_ =	sdelay $0x1  }
0x40b: {  	v7 =	vmul.f32 v7, v3;
	_ =	sdelay $0x1  }
0x40c: {  	[tilespmem:v57+s20+$0x0] =	vst.idx.msk $0xffff, v7  }
0x40d: {  	s12 =	sadd.s32 $0x2, s0;
	v7 =	vld.idx.msk [tilespmem:v8+s1+$0x0], $0xffff  }
0x40e: {  	v58 =	vadd.s32 s12, v0  }
0x40f: {  	v9 =	vand.u32 $0x3F, v58  }
0x410: {  	v59 =	vor.u32 v5, v9;
	_ =	sdelay $0x1  }
0x411: {  	v7 =	vmul.f32 v7, v4;
	_ =	sdelay $0x1  }
0x412: {  	[tilespmem:v8+s20+$0x0] =	vst.idx.msk $0xffff, v7  }
0x413: {  	v7 =	vld.idx.msk [tilespmem:v59+s1+$0x0], $0xffff;
	_ =	sdelay $0x2  }
0x414: {  	v60 =	vor.u32 v9, v6;
	_ =	sdelay $0x1  }
0x415: {  	v7 =	vmul.f32 v7, v3;
	_ =	sdelay $0x1  }
0x416: {  	[tilespmem:v59+s20+$0x0] =	vst.idx.msk $0xffff, v7  }
0x417: {  	s18 =	sadd.s32 $0x3, s0;
	v7 =	vld.idx.msk [tilespmem:v60+s1+$0x0], $0xffff  }
0x418: {  	v61 =	vadd.s32 s18, v0  }
0x419: {  	v9 =	vand.u32 $0x3F, v61  }
0x41a: {  	v62 =	vor.u32 v5, v9;
	_ =	sdelay $0x1  }
0x41b: {  	v7 =	vmul.f32 v7, v4;
	_ =	sdelay $0x1  }
0x41c: {  	[tilespmem:v60+s20+$0x0] =	vst.idx.msk $0xffff, v7  }
0x41d: {  	v7 =	vld.idx.msk [tilespmem:v62+s1+$0x0], $0xffff;
	_ =	sdelay $0x2  }
0x41e: {  	v63 =	vor.u32 v9, v6;
	_ =	sdelay $0x1  }
0x41f: {  	v3 =	vmul.f32 v7, v3;
	_ =	sdelay $0x1  }
0x420: {  	[tilespmem:v62+s20+$0x0] =	vst.idx.msk $0xffff, v3  }
0x421: {  	v3 =	vld.idx.msk [tilespmem:v63+s1+$0x0], $0xffff  }
0x422: {  	s16 =	sadd.s32 $0x1, s16  }
0x423: {  	p0 =	sne.s32 s16, $0x3  }
.Ltmp9:
0x424: {  	_ = 	snop;
	(pc) =	sbr.rel @p0 .LBB2_19-.Ltmp9, $3  }
0x425: {  	_ = 	snop  }
0x426: {  	v3 =	vmul.f32 v3, v4;
	_ =	sdelay $0x1  }
0x427: {  	[tilespmem:v63+s20+$0x0] =	vst.idx.msk $0xffff, v3  }
0x428: {  	[spmem:s2] =	stream.indirect.scatter.add.f32 [tilespmem:s20], [sflag:$0x3], $0x80, s13, s24, $0xb8;
	[tilespmem:$0x1FE00] =	vst v63  }
0x429: {  	_ =	swait.ge [sflag:s17], $0x30  }
0x42a: {  	[sflag:s17] =	ssyncset.done $0x0  }
0x42b: {  	[sflag:s17] =	ssyncadd.s32 $0xFFFFFFD0  }
0x42c: {  	_ =	swait.ge [sflag:s17], $0x30  }
0x42d: {  	[sflag:s17] =	ssyncset.done $0x0  }
0x42e: {  	[sflag:s17] =	ssyncadd.s32 $0xFFFFFFD0  }
0x42f: {  	_ =	swait.ge [sflag:s17], $0x30  }
0x430: {  	[sflag:s17] =	ssyncset.done $0x0  }
0x431: {  	[sflag:s17] =	ssyncadd.s32 $0xFFFFFFD0  }
0x432: {  	_ =	swait.ge [sflag:s17], $0x30  }
0x433: {  	[sflag:s17] =	ssyncset.done $0x0  }
0x434: {  	[sflag:s17] =	ssyncadd.s32 $0xFFFFFFD0  }
0x435: {  	[tilespmem:s1], [sflag:$0x2] =	stream.indirect.gather [hbm4b:s11+s24], $0x80, s25, s24, $0xb8;
	[tilespmem:$0x1FE00] =	vst v63  }
0x436: {  	_ =	swait.ge [sflag:s21], $0x30  }
0x437: {  	[sflag:s21] =	ssyncset.done $0x0  }
0x438: {  	[sflag:s21] =	ssyncadd.s32 $0xFFFFFFD0  }
0x439: {  	_ =	swait.ge [sflag:s22], $0x1800  }
0x43a: {  	s0 =	rddreg [dreg:$0x10]  }
0x43b: {  	s0 =	sadd.s32 s30, s0  }
0x43c: {  	s15 =	simm.s32 $0x0;
	[sflag:s22] =	ssyncset.done $0x0;
	s0 =	sshrl.u32 s0, $0x3  }
0x43d: {  	s12 =	simm.s32 $0x5880;
	[sflag:s22] =	ssyncadd.s32 $0xFFFFE800;
	s10 =	sadd.s32 s6, s0  }
0x43e: {  	[tilespmem:s12], [sflag:$0x1] =	stream.linear.gather [hbm4b:s10+s15], $0x30, $0x38;
	[tilespmem:$0x1FE00] =	vst v63  }
0x43f: {  	s12 =	sadd.s32 s7, s0  }
0x440: {  	[tilespmem:s13], [sflag:$0x1] =	stream.linear.gather [hbm4b:s12+s15], $0x30, $0x38;
	[tilespmem:$0x1FE00] =	vst v63  }
0x441: {  	s18 =	simm.s32 $0x5800;
	s16 =	sadd.s32 s8, s0  }
0x442: {  	[tilespmem:s18], [sflag:$0x1] =	stream.linear.gather [hbm4b:s16+s15], $0x30, $0x38;
	[tilespmem:$0x1FE00] =	vst v63  }
0x443: {  	s0 =	sadd.s32 s9, s0;
	s16 =	simm.s32 $0x5780  }
0x444: {  	[tilespmem:s16], [sflag:$0x1] =	stream.linear.gather [hbm4b:s0+s15], $0x30, $0x38;
	[tilespmem:$0x1FE00] =	vst v63  }
0x445: {  	v3 =	vld [tilespmem:$0x5400];
	_ =	sdelay $0x6  }
0x446: {  	v4 =	vld [tilespmem:$0x5480]  }
0x447: {  	v5 =	vld.idx.msk [tilespmem:v3+s15+$0x0], $0xffff;
	_ =	sdelay $0x4  }
0x448: {  	v4 =	vsub.f32 v4, v5;
	_ =	sdelay $0x1  }
0x449: {  	v4 =	vmul.f32 $1.442695020e+00, v4;
	_ =	sdelay $0x1  }
0x44a: {  	(erf) = vpow2.f32 v4;
	_ =	sdelay $0x2  }
0x44b: {  	v54 =	vld [tilespmem:$0x5580]  }
0x44c: {  	v55 =	vld [tilespmem:$0x5500];
	_ =	sdelay $0x4  }
0x44d: {  	vm0 =	vgt.f32 v55, $0.0e+00;
	v6 =	vpop (erf)  }
0x44e: {  	v6 =	vnsel vm0, $0x0, v6  }
0x44f: {  	[tilespmem:$0x5300] =	vst v6  }
0x450: {  	v4 =	vld.idx.msk [tilespmem:v54+s5+$0x0], $0xffff  }
0x451: {  	v56 =	vld [tilespmem:$0x5410]  }
0x452: {  	v3 =	vld.idx.msk [tilespmem:v3+s5+$0x0], $0xffff;
	_ =	sdelay $0x2  }
0x453: {  	v4 =	vmul.f32 v4, v55;
	_ =	sdelay $0x1  }
0x454: {  	v3 =	vmul.f32 v3, v4;
	_ =	sdelay $0x1  }
0x455: {  	[tilespmem:$0x5380] =	vst v3;
	v3 =	vld [tilespmem:$0x5490]  }
0x456: {  	v57 =	vld.idx.msk [tilespmem:v56+s15+$0x0], $0xffff;
	_ =	sdelay $0x4  }
0x457: {  	v3 =	vsub.f32 v3, v57;
	_ =	sdelay $0x1  }
0x458: {  	v3 =	vmul.f32 $1.442695020e+00, v3;
	_ =	sdelay $0x1  }
0x459: {  	(erf) = vpow2.f32 v3;
	_ =	sdelay $0x2  }
0x45a: {  	v58 =	vld [tilespmem:$0x5510]  }
0x45b: {  	v3 =	vld [tilespmem:$0x5590];
	_ =	sdelay $0x4  }
0x45c: {  	vm14 =	vgt.f32 v58, $0.0e+00;
	v59 =	vpop (erf)  }
0x45d: {  	v5 =	vnsel vm14, $0x0, v59  }
0x45e: {  	[tilespmem:$0x5310] =	vst v5  }
0x45f: {  	v3 =	vld.idx.msk [tilespmem:v3+s5+$0x0], $0xffff  }
0x460: {  	v60 =	vld [tilespmem:$0x5420]  }
0x461: {  	v5 =	vld.idx.msk [tilespmem:v56+s5+$0x0], $0xffff;
	_ =	sdelay $0x2  }
0x462: {  	v3 =	vmul.f32 v3, v58;
	_ =	sdelay $0x1  }
0x463: {  	v3 =	vmul.f32 v5, v3;
	_ =	sdelay $0x1  }
0x464: {  	[tilespmem:$0x5390] =	vst v3;
	v3 =	vld [tilespmem:$0x54A0]  }
0x465: {  	v61 =	vld.idx.msk [tilespmem:v60+s15+$0x0], $0xffff;
	_ =	sdelay $0x4  }
0x466: {  	v3 =	vsub.f32 v3, v61;
	_ =	sdelay $0x1  }
0x467: {  	v3 =	vmul.f32 $1.442695020e+00, v3;
	_ =	sdelay $0x1  }
0x468: {  	(erf) = vpow2.f32 v3;
	_ =	sdelay $0x2  }
0x469: {  	v62 =	vld [tilespmem:$0x5520]  }
0x46a: {  	v3 =	vld [tilespmem:$0x55A0];
	_ =	sdelay $0x4  }
0x46b: {  	vm15 =	vgt.f32 v62, $0.0e+00;
	v63 =	vpop (erf)  }
0x46c: {  	v5 =	vnsel vm15, $0x0, v63  }
0x46d: {  	[tilespmem:$0x5320] =	vst v5  }
0x46e: {  	v3 =	vld.idx.msk [tilespmem:v3+s5+$0x0], $0xffff;
	_ =	sdelay $0x1  }
0x46f: {  	v5 =	vld.idx.msk [tilespmem:v60+s5+$0x0], $0xffff;
	_ =	sdelay $0x2  }
0x470: {  	v3 =	vmul.f32 v3, v62;
	_ =	sdelay $0x1  }
0x471: {  	v3 =	vmul.f32 v5, v3;
	_ =	sdelay $0x1  }
0x472: {  	s18 =	simm.s32 $0x5300;
	[tilespmem:$0x53A0] =	vst v3  }
0x473: {  	[spmem:s3] =	stream.indirect.scatter.add.f32 [tilespmem:s18], [sflag:$0x4], $0x1, s26, s24, $0xb8;
	[tilespmem:$0x1FE00] =	vst v63  }
0x474: {  	_ =	swait.ge [sflag:s19], $0x1800  }
0x475: {  	[sflag:s19] =	ssyncset.done $0x0  }
0x476: {  	s16 =	simm.s32 $0x0;
	[sflag:s19] =	ssyncadd.s32 $0xFFFFE800  }
.LBB2_23:
0x477: {  	s0 =	sshll.u32 s16, $0x4  }
0x478: {  	v3 =	vmov s0  }
0x479: {  	v4 =	vadd.s32 s15, v0;
	v3 =	vshll.u32 v3, $0x7  }
0x47a: {  	v5 =	vor.u32 v2, v3;
	v3 =	vand.u32 $0x3F, v4  }
0x47b: {  	v7 =	vor.u32 v5, v3;
	_ =	sdelay $0x3  }
0x47c: {  	v3 =	vld [tilespmem:s0+$0x5000]  }
0x47d: {  	v8 =	vld.idx.msk [tilespmem:v7+s31+$0x0], $0xffff;
	_ =	sdelay $0x1  }
0x47e: {  	v6 =	vor.u32 $0x40, v5  }
0x47f: {  	v9 =	vor.u32 v4, v6;
	_ =	sdelay $0x1  }
0x480: {  	v8 =	vmul.f32 v8, v3;
	_ =	sdelay $0x1  }
0x481: {  	v4 =	vld [tilespmem:s0+$0x5080];
	[tilespmem:v7+s28+$0x0] =	vst.idx.msk $0xffff, v8  }
0x482: {  	s10 =	simm.s32 $0x1;
	v7 =	vld.idx.msk [tilespmem:v9+s31+$0x0], $0xffff  }
0x483: {  	v8 =	vadd.s32 s10, v0  }
0x484: {  	v8 =	vand.u32 $0x3F, v8  }
0x485: {  	v10 =	vor.u32 v5, v8;
	_ =	sdelay $0x1  }
0x486: {  	v7 =	vmul.f32 v7, v4;
	_ =	sdelay $0x1  }
0x487: {  	[tilespmem:v9+s28+$0x0] =	vst.idx.msk $0xffff, v7  }
0x488: {  	v7 =	vld.idx.msk [tilespmem:v10+s31+$0x0], $0xffff;
	_ =	sdelay $0x2  }
0x489: {  	v8 =	vor.u32 v8, v6;
	_ =	sdelay $0x1  }
0x48a: {  	v7 =	vmul.f32 v7, v3;
	_ =	sdelay $0x1  }
0x48b: {  	[tilespmem:v10+s28+$0x0] =	vst.idx.msk $0xffff, v7  }
0x48c: {  	s12 =	simm.s32 $0x2;
	v7 =	vld.idx.msk [tilespmem:v8+s31+$0x0], $0xffff  }
0x48d: {  	v9 =	vadd.s32 s12, v0  }
0x48e: {  	v9 =	vand.u32 $0x3F, v9  }
0x48f: {  	v10 =	vor.u32 v5, v9;
	_ =	sdelay $0x1  }
0x490: {  	v7 =	vmul.f32 v7, v4;
	_ =	sdelay $0x1  }
0x491: {  	[tilespmem:v8+s28+$0x0] =	vst.idx.msk $0xffff, v7  }
0x492: {  	v7 =	vld.idx.msk [tilespmem:v10+s31+$0x0], $0xffff;
	_ =	sdelay $0x2  }
0x493: {  	v8 =	vor.u32 v9, v6;
	_ =	sdelay $0x1  }
0x494: {  	v7 =	vmul.f32 v7, v3;
	_ =	sdelay $0x1  }
0x495: {  	[tilespmem:v10+s28+$0x0] =	vst.idx.msk $0xffff, v7  }
0x496: {  	s18 =	simm.s32 $0x3;
	v7 =	vld.idx.msk [tilespmem:v8+s31+$0x0], $0xffff  }
0x497: {  	v9 =	vadd.s32 s18, v0  }
0x498: {  	v9 =	vand.u32 $0x3F, v9  }
0x499: {  	v10 =	vor.u32 v5, v9;
	_ =	sdelay $0x1  }
0x49a: {  	v7 =	vmul.f32 v7, v4;
	_ =	sdelay $0x1  }
0x49b: {  	[tilespmem:v8+s28+$0x0] =	vst.idx.msk $0xffff, v7  }
0x49c: {  	v8 =	vld.idx.msk [tilespmem:v10+s31+$0x0], $0xffff;
	_ =	sdelay $0x2  }
0x49d: {  	v7 =	vor.u32 v9, v6;
	_ =	sdelay $0x1  }
0x49e: {  	v8 =	vmul.f32 v8, v3;
	_ =	sdelay $0x1  }
0x49f: {  	[tilespmem:v10+s28+$0x0] =	vst.idx.msk $0xffff, v8  }
0x4a0: {  	s0 =	simm.s32 $0x4;
	v10 =	vld.idx.msk [tilespmem:v7+s31+$0x0], $0xffff  }
0x4a1: {  	v9 =	vadd.s32 s0, v0  }
0x4a2: {  	v8 =	vand.u32 $0x3F, v9  }
0x4a3: {  	v8 =	vor.u32 v5, v8;
	_ =	sdelay $0x1  }
0x4a4: {  	s10 =	simm.s32 $0x8;
	v10 =	vmul.f32 v10, v4  }
.LBB2_24:
0x4a5: {  	_ = 	snop  }
0x4a6: {  	p0 =	sne.s32 s10, $0x3C;
	s18 =	smov.u32 s10;
	s10 =	sadd.s32 $0x4, s10;
	[tilespmem:v7+s28+$0x0] =	vst.idx.msk $0xffff, v10  }
0x4a7: {  	v7 =	vld.idx.msk [tilespmem:v8+s31+$0x0], $0xffff;
	_ =	sdelay $0x3  }
0x4a8: {  	v9 =	vor.u32 v9, v6;
	_ =	sdelay $0x1  }
0x4a9: {  	v7 =	vmul.f32 v7, v3;
	_ =	sdelay $0x1  }
0x4aa: {  	[tilespmem:v8+s28+$0x0] =	vst.idx.msk $0xffff, v7  }
0x4ab: {  	v7 =	vld.idx.msk [tilespmem:v9+s31+$0x0], $0xffff  }
0x4ac: {  	s12 =	sadd.s32 $0x1, s0  }
0x4ad: {  	v8 =	vadd.s32 s12, v0  }
0x4ae: {  	v8 =	vand.u32 $0x3F, v8  }
0x4af: {  	v10 =	vor.u32 v5, v8;
	_ =	sdelay $0x1  }
0x4b0: {  	v7 =	vmul.f32 v7, v4;
	_ =	sdelay $0x1  }
0x4b1: {  	[tilespmem:v9+s28+$0x0] =	vst.idx.msk $0xffff, v7  }
0x4b2: {  	v7 =	vld.idx.msk [tilespmem:v10+s31+$0x0], $0xffff;
	_ =	sdelay $0x3  }
0x4b3: {  	v8 =	vor.u32 v8, v6;
	_ =	sdelay $0x1  }
0x4b4: {  	v7 =	vmul.f32 v7, v3;
	_ =	sdelay $0x1  }
0x4b5: {  	[tilespmem:v10+s28+$0x0] =	vst.idx.msk $0xffff, v7  }
0x4b6: {  	v7 =	vld.idx.msk [tilespmem:v8+s31+$0x0], $0xffff  }
0x4b7: {  	s12 =	sadd.s32 $0x2, s0  }
0x4b8: {  	v9 =	vadd.s32 s12, v0  }
0x4b9: {  	v9 =	vand.u32 $0x3F, v9  }
0x4ba: {  	v10 =	vor.u32 v5, v9;
	_ =	sdelay $0x1  }
0x4bb: {  	v7 =	vmul.f32 v7, v4;
	_ =	sdelay $0x1  }
0x4bc: {  	[tilespmem:v8+s28+$0x0] =	vst.idx.msk $0xffff, v7  }
0x4bd: {  	v7 =	vld.idx.msk [tilespmem:v10+s31+$0x0], $0xffff;
	_ =	sdelay $0x3  }
0x4be: {  	v8 =	vor.u32 v9, v6;
	_ =	sdelay $0x1  }
0x4bf: {  	v7 =	vmul.f32 v7, v3;
	_ =	sdelay $0x1  }
0x4c0: {  	[tilespmem:v10+s28+$0x0] =	vst.idx.msk $0xffff, v7  }
0x4c1: {  	v7 =	vld.idx.msk [tilespmem:v8+s31+$0x0], $0xffff  }
0x4c2: {  	s12 =	sadd.s32 $0x3, s0;
	s0 =	smov.u32 s18  }
0x4c3: {  	v9 =	vadd.s32 s12, v0  }
0x4c4: {  	v9 =	vand.u32 $0x3F, v9  }
0x4c5: {  	v10 =	vor.u32 v5, v9;
	_ =	sdelay $0x1  }
0x4c6: {  	v7 =	vmul.f32 v7, v4;
	_ =	sdelay $0x1  }
0x4c7: {  	[tilespmem:v8+s28+$0x0] =	vst.idx.msk $0xffff, v7  }
0x4c8: {  	v8 =	vld.idx.msk [tilespmem:v10+s31+$0x0], $0xffff;
	_ =	sdelay $0x3  }
0x4c9: {  	v7 =	vor.u32 v9, v6;
	_ =	sdelay $0x1  }
0x4ca: {  	v8 =	vmul.f32 v8, v3;
	_ =	sdelay $0x1  }
0x4cb: {  	[tilespmem:v10+s28+$0x0] =	vst.idx.msk $0xffff, v8  }
0x4cc: {  	v10 =	vld.idx.msk [tilespmem:v7+s31+$0x0], $0xffff;
	_ =	sdelay $0x1  }
.Ltmp10:
0x4cd: {  	v9 =	vadd.s32 s0, v0;
	(pc) =	sbr.rel @p0 .LBB2_24-.Ltmp10, $3  }
0x4ce: {  	v8 =	vand.u32 $0x3F, v9  }
0x4cf: {  	v8 =	vor.u32 v5, v8;
	_ =	sdelay $0x1  }
0x4d0: {  	v10 =	vmul.f32 v10, v4  }
0x4d1: {  	_ =	sdelay $0x3  }
0x4d2: {  	[tilespmem:v7+s28+$0x0] =	vst.idx.msk $0xffff, v10  }
0x4d3: {  	v7 =	vld.idx.msk [tilespmem:v8+s31+$0x0], $0xffff;
	_ =	sdelay $0x2  }
0x4d4: {  	v9 =	vor.u32 v9, v6;
	_ =	sdelay $0x1  }
0x4d5: {  	v7 =	vmul.f32 v7, v3;
	_ =	sdelay $0x1  }
0x4d6: {  	[tilespmem:v8+s28+$0x0] =	vst.idx.msk $0xffff, v7  }
0x4d7: {  	s10 =	sadd.s32 $0x1, s0;
	v7 =	vld.idx.msk [tilespmem:v9+s31+$0x0], $0xffff  }
0x4d8: {  	v56 =	vadd.s32 s10, v0  }
0x4d9: {  	v8 =	vand.u32 $0x3F, v56  }
0x4da: {  	v57 =	vor.u32 v5, v8;
	_ =	sdelay $0x1  }
0x4db: {  	v7 =	vmul.f32 v7, v4;
	_ =	sdelay $0x1  }
0x4dc: {  	[tilespmem:v9+s28+$0x0] =	vst.idx.msk $0xffff, v7  }
0x4dd: {  	v7 =	vld.idx.msk [tilespmem:v57+s31+$0x0], $0xffff;
	_ =	sdelay $0x2  }
0x4de: {  	v8 =	vor.u32 v8, v6;
	_ =	sdelay $0x1  }
0x4df: {  	v7 =	vmul.f32 v7, v3;
	_ =	sdelay $0x1  }
0x4e0: {  	[tilespmem:v57+s28+$0x0] =	vst.idx.msk $0xffff, v7  }
0x4e1: {  	s12 =	sadd.s32 $0x2, s0;
	v7 =	vld.idx.msk [tilespmem:v8+s31+$0x0], $0xffff  }
0x4e2: {  	v58 =	vadd.s32 s12, v0  }
0x4e3: {  	v9 =	vand.u32 $0x3F, v58  }
0x4e4: {  	v59 =	vor.u32 v5, v9;
	_ =	sdelay $0x1  }
0x4e5: {  	v7 =	vmul.f32 v7, v4;
	_ =	sdelay $0x1  }
0x4e6: {  	[tilespmem:v8+s28+$0x0] =	vst.idx.msk $0xffff, v7  }
0x4e7: {  	v7 =	vld.idx.msk [tilespmem:v59+s31+$0x0], $0xffff;
	_ =	sdelay $0x2  }
0x4e8: {  	v60 =	vor.u32 v9, v6;
	_ =	sdelay $0x1  }
0x4e9: {  	v7 =	vmul.f32 v7, v3;
	_ =	sdelay $0x1  }
0x4ea: {  	[tilespmem:v59+s28+$0x0] =	vst.idx.msk $0xffff, v7  }
0x4eb: {  	s18 =	sadd.s32 $0x3, s0;
	v7 =	vld.idx.msk [tilespmem:v60+s31+$0x0], $0xffff  }
0x4ec: {  	v61 =	vadd.s32 s18, v0  }
0x4ed: {  	v9 =	vand.u32 $0x3F, v61  }
0x4ee: {  	v62 =	vor.u32 v5, v9;
	_ =	sdelay $0x1  }
0x4ef: {  	v7 =	vmul.f32 v7, v4;
	_ =	sdelay $0x1  }
0x4f0: {  	[tilespmem:v60+s28+$0x0] =	vst.idx.msk $0xffff, v7  }
0x4f1: {  	v7 =	vld.idx.msk [tilespmem:v62+s31+$0x0], $0xffff;
	_ =	sdelay $0x2  }
0x4f2: {  	v63 =	vor.u32 v9, v6;
	_ =	sdelay $0x1  }
0x4f3: {  	v3 =	vmul.f32 v7, v3;
	_ =	sdelay $0x1  }
0x4f4: {  	[tilespmem:v62+s28+$0x0] =	vst.idx.msk $0xffff, v3  }
0x4f5: {  	v3 =	vld.idx.msk [tilespmem:v63+s31+$0x0], $0xffff  }
0x4f6: {  	s16 =	sadd.s32 $0x1, s16  }
0x4f7: {  	p0 =	sne.s32 s16, $0x3  }
.Ltmp11:
0x4f8: {  	_ = 	snop;
	(pc) =	sbr.rel @p0 .LBB2_23-.Ltmp11, $3  }
0x4f9: {  	_ = 	snop  }
0x4fa: {  	v3 =	vmul.f32 v3, v4;
	_ =	sdelay $0x1  }
0x4fb: {  	[tilespmem:v63+s28+$0x0] =	vst.idx.msk $0xffff, v3  }
0x4fc: {  	[spmem:s2] =	stream.indirect.scatter.add.f32 [tilespmem:s28], [sflag:$0x3], $0x80, s14, s24, $0xb8;
	[tilespmem:$0x1FE00] =	vst v63  }
0x4fd: {  	_ =	swait.ge [sflag:s17], $0x30  }
0x4fe: {  	[sflag:s17] =	ssyncset.done $0x0  }
0x4ff: {  	[sflag:s17] =	ssyncadd.s32 $0xFFFFFFD0  }
0x500: {  	_ =	swait.ge [sflag:s17], $0x30  }
0x501: {  	[sflag:s17] =	ssyncset.done $0x0  }
0x502: {  	[sflag:s17] =	ssyncadd.s32 $0xFFFFFFD0  }
0x503: {  	_ =	swait.ge [sflag:s17], $0x30  }
0x504: {  	[sflag:s17] =	ssyncset.done $0x0  }
0x505: {  	[sflag:s17] =	ssyncadd.s32 $0xFFFFFFD0  }
0x506: {  	_ =	swait.ge [sflag:s17], $0x30  }
0x507: {  	[sflag:s17] =	ssyncset.done $0x0  }
0x508: {  	s0 =	simm.s32 $0x5880;
	[sflag:s17] =	ssyncadd.s32 $0xFFFFFFD0  }
0x509: {  	[tilespmem:s31], [sflag:$0x2] =	stream.indirect.gather [hbm4b:s11+s24], $0x80, s0, s24, $0xb8;
	[tilespmem:$0x1FE00] =	vst v63  }
0x50a: {  	_ =	swait.ge [sflag:s21], $0x30  }
0x50b: {  	[sflag:s21] =	ssyncset.done $0x0  }
0x50c: {  	[sflag:s21] =	ssyncadd.s32 $0xFFFFFFD0  }
0x50d: {  	_ =	swait.ge [sflag:s22], $0x1800  }
0x50e: {  	p0 =	seq.s32 s29, $0x22;
	s0 =	rddreg [dreg:$0x11]  }
0x50f: {  	s0 =	sadd.s32 @!p0 s30, s0  }
0x510: {  	s12 =	simm.s32 @!p0 $0x0;
	[sflag:s22] =	ssyncset.done $0x0;
	s0 =	sshrl.u32 @!p0 s0, $0x3  }
0x511: {  	s15 =	simm.s32 @!p0 $0x5280;
	[sflag:s22] =	ssyncadd.s32 $0xFFFFE800;
	s10 =	sadd.s32 @!p0 s6, s0  }
0x512: {  	[tilespmem:s15], [sflag:$0x1] =	stream.linear.gather @!p0 [hbm4b:s10+s12], $0x30, $0x38;
	[tilespmem:$0x1FE00] =	vst v63  }
0x513: {  	s10 =	sadd.s32 @!p0 s7, s0;
	s15 =	simm.s32 @!p0 $0x5100  }
0x514: {  	[tilespmem:s15], [sflag:$0x1] =	stream.linear.gather @!p0 [hbm4b:s10+s12], $0x30, $0x38;
	[tilespmem:$0x1FE00] =	vst v63  }
0x515: {  	s10 =	sadd.s32 @!p0 s8, s0;
	s15 =	simm.s32 @!p0 $0x5200  }
0x516: {  	[tilespmem:s15], [sflag:$0x1] =	stream.linear.gather @!p0 [hbm4b:s10+s12], $0x30, $0x38;
	[tilespmem:$0x1FE00] =	vst v63  }
0x517: {  	s0 =	sadd.s32 @!p0 s9, s0;
	s10 =	simm.s32 @!p0 $0x5180  }
0x518: {  	[tilespmem:s10], [sflag:$0x1] =	stream.linear.gather @!p0 [hbm4b:s0+s12], $0x30, $0x38;
	[tilespmem:$0x1FE00] =	vst v63  }
0x519: {  	v3 =	vld [tilespmem:$0x5700];
	_ =	sdelay $0x6  }
0x51a: {  	s15 =	simm.s32 $0x0;
	v4 =	vld [tilespmem:$0x5780]  }
0x51b: {  	v5 =	vld.idx.msk [tilespmem:v3+s15+$0x0], $0xffff;
	_ =	sdelay $0x4  }
0x51c: {  	v4 =	vsub.f32 v4, v5;
	_ =	sdelay $0x1  }
0x51d: {  	v4 =	vmul.f32 $1.442695020e+00, v4;
	_ =	sdelay $0x1  }
0x51e: {  	(erf) = vpow2.f32 v4;
	_ =	sdelay $0x2  }
0x51f: {  	v54 =	vld [tilespmem:$0x5880]  }
0x520: {  	v55 =	vld [tilespmem:$0x5800];
	_ =	sdelay $0x4  }
0x521: {  	vm0 =	vgt.f32 v55, $0.0e+00;
	v6 =	vpop (erf)  }
0x522: {  	v6 =	vnsel vm0, $0x0, v6  }
0x523: {  	[tilespmem:$0x5600] =	vst v6  }
0x524: {  	v4 =	vld.idx.msk [tilespmem:v54+s5+$0x0], $0xffff  }
0x525: {  	v56 =	vld [tilespmem:$0x5710]  }
0x526: {  	v3 =	vld.idx.msk [tilespmem:v3+s5+$0x0], $0xffff;
	_ =	sdelay $0x2  }
0x527: {  	v4 =	vmul.f32 v4, v55;
	_ =	sdelay $0x1  }
0x528: {  	v3 =	vmul.f32 v3, v4;
	_ =	sdelay $0x1  }
0x529: {  	[tilespmem:$0x5680] =	vst v3;
	v3 =	vld [tilespmem:$0x5790]  }
0x52a: {  	v57 =	vld.idx.msk [tilespmem:v56+s15+$0x0], $0xffff;
	_ =	sdelay $0x4  }
0x52b: {  	v3 =	vsub.f32 v3, v57;
	_ =	sdelay $0x1  }
0x52c: {  	v3 =	vmul.f32 $1.442695020e+00, v3;
	_ =	sdelay $0x1  }
0x52d: {  	(erf) = vpow2.f32 v3;
	_ =	sdelay $0x2  }
0x52e: {  	v58 =	vld [tilespmem:$0x5810]  }
0x52f: {  	v3 =	vld [tilespmem:$0x5890];
	_ =	sdelay $0x4  }
0x530: {  	vm14 =	vgt.f32 v58, $0.0e+00;
	v59 =	vpop (erf)  }
0x531: {  	v5 =	vnsel vm14, $0x0, v59  }
0x532: {  	[tilespmem:$0x5610] =	vst v5  }
0x533: {  	v3 =	vld.idx.msk [tilespmem:v3+s5+$0x0], $0xffff  }
0x534: {  	v60 =	vld [tilespmem:$0x5720]  }
0x535: {  	v5 =	vld.idx.msk [tilespmem:v56+s5+$0x0], $0xffff;
	_ =	sdelay $0x2  }
0x536: {  	v3 =	vmul.f32 v3, v58;
	_ =	sdelay $0x1  }
0x537: {  	v3 =	vmul.f32 v5, v3;
	_ =	sdelay $0x1  }
0x538: {  	[tilespmem:$0x5690] =	vst v3;
	v3 =	vld [tilespmem:$0x57A0]  }
0x539: {  	v61 =	vld.idx.msk [tilespmem:v60+s15+$0x0], $0xffff;
	_ =	sdelay $0x4  }
0x53a: {  	v3 =	vsub.f32 v3, v61;
	_ =	sdelay $0x1  }
0x53b: {  	v3 =	vmul.f32 $1.442695020e+00, v3;
	_ =	sdelay $0x1  }
0x53c: {  	(erf) = vpow2.f32 v3;
	_ =	sdelay $0x2  }
0x53d: {  	v62 =	vld [tilespmem:$0x5820]  }
0x53e: {  	v3 =	vld [tilespmem:$0x58A0];
	_ =	sdelay $0x4  }
0x53f: {  	vm15 =	vgt.f32 v62, $0.0e+00;
	v63 =	vpop (erf)  }
0x540: {  	v5 =	vnsel vm15, $0x0, v63  }
0x541: {  	[tilespmem:$0x5620] =	vst v5  }
0x542: {  	v3 =	vld.idx.msk [tilespmem:v3+s5+$0x0], $0xffff;
	_ =	sdelay $0x1  }
0x543: {  	v5 =	vld.idx.msk [tilespmem:v60+s5+$0x0], $0xffff;
	_ =	sdelay $0x2  }
0x544: {  	v3 =	vmul.f32 v3, v62;
	_ =	sdelay $0x1  }
0x545: {  	v3 =	vmul.f32 v5, v3;
	_ =	sdelay $0x1  }
0x546: {  	s30 =	simm.s32 $0x5600;
	[tilespmem:$0x56A0] =	vst v3  }
0x547: {  	[spmem:s3] =	stream.indirect.scatter.add.f32 [tilespmem:s30], [sflag:$0x4], $0x1, s13, s24, $0xb8;
	[tilespmem:$0x1FE00] =	vst v63  }
0x548: {  	_ =	swait.ge [sflag:s19], $0x1800  }
0x549: {  	[sflag:s19] =	ssyncset.done $0x0  }
0x54a: {  	s16 =	simm.s32 $0x0;
	[sflag:s19] =	ssyncadd.s32 $0xFFFFE800  }
.LBB2_27:
0x54b: {  	s0 =	sshll.u32 s16, $0x4  }
0x54c: {  	v3 =	vmov s0  }
0x54d: {  	v4 =	vadd.s32 s15, v0;
	v3 =	vshll.u32 v3, $0x7  }
0x54e: {  	v5 =	vor.u32 v2, v3;
	v3 =	vand.u32 $0x3F, v4  }
0x54f: {  	v7 =	vor.u32 v5, v3;
	_ =	sdelay $0x3  }
0x550: {  	v3 =	vld [tilespmem:s0+$0x5300]  }
0x551: {  	v8 =	vld.idx.msk [tilespmem:v7+s1+$0x0], $0xffff;
	_ =	sdelay $0x1  }
0x552: {  	v6 =	vor.u32 $0x40, v5  }
0x553: {  	v9 =	vor.u32 v4, v6;
	_ =	sdelay $0x1  }
0x554: {  	v8 =	vmul.f32 v8, v3;
	_ =	sdelay $0x1  }
0x555: {  	v4 =	vld [tilespmem:s0+$0x5380];
	[tilespmem:v7+s20+$0x0] =	vst.idx.msk $0xffff, v8  }
0x556: {  	s12 =	simm.s32 $0x1;
	v7 =	vld.idx.msk [tilespmem:v9+s1+$0x0], $0xffff  }
0x557: {  	v8 =	vadd.s32 s12, v0  }
0x558: {  	v8 =	vand.u32 $0x3F, v8  }
0x559: {  	v10 =	vor.u32 v5, v8;
	_ =	sdelay $0x1  }
0x55a: {  	v7 =	vmul.f32 v7, v4;
	_ =	sdelay $0x1  }
0x55b: {  	[tilespmem:v9+s20+$0x0] =	vst.idx.msk $0xffff, v7  }
0x55c: {  	v7 =	vld.idx.msk [tilespmem:v10+s1+$0x0], $0xffff;
	_ =	sdelay $0x2  }
0x55d: {  	v8 =	vor.u32 v8, v6;
	_ =	sdelay $0x1  }
0x55e: {  	v7 =	vmul.f32 v7, v3;
	_ =	sdelay $0x1  }
0x55f: {  	[tilespmem:v10+s20+$0x0] =	vst.idx.msk $0xffff, v7  }
0x560: {  	s18 =	simm.s32 $0x2;
	v7 =	vld.idx.msk [tilespmem:v8+s1+$0x0], $0xffff  }
0x561: {  	v9 =	vadd.s32 s18, v0  }
0x562: {  	v9 =	vand.u32 $0x3F, v9  }
0x563: {  	v10 =	vor.u32 v5, v9;
	_ =	sdelay $0x1  }
0x564: {  	v7 =	vmul.f32 v7, v4;
	_ =	sdelay $0x1  }
0x565: {  	[tilespmem:v8+s20+$0x0] =	vst.idx.msk $0xffff, v7  }
0x566: {  	v7 =	vld.idx.msk [tilespmem:v10+s1+$0x0], $0xffff;
	_ =	sdelay $0x2  }
0x567: {  	v8 =	vor.u32 v9, v6;
	_ =	sdelay $0x1  }
0x568: {  	v7 =	vmul.f32 v7, v3;
	_ =	sdelay $0x1  }
0x569: {  	[tilespmem:v10+s20+$0x0] =	vst.idx.msk $0xffff, v7  }
0x56a: {  	s30 =	simm.s32 $0x3;
	v7 =	vld.idx.msk [tilespmem:v8+s1+$0x0], $0xffff  }
0x56b: {  	v9 =	vadd.s32 s30, v0  }
0x56c: {  	v9 =	vand.u32 $0x3F, v9  }
0x56d: {  	v10 =	vor.u32 v5, v9;
	_ =	sdelay $0x1  }
0x56e: {  	v7 =	vmul.f32 v7, v4;
	_ =	sdelay $0x1  }
0x56f: {  	[tilespmem:v8+s20+$0x0] =	vst.idx.msk $0xffff, v7  }
0x570: {  	v8 =	vld.idx.msk [tilespmem:v10+s1+$0x0], $0xffff;
	_ =	sdelay $0x2  }
0x571: {  	v7 =	vor.u32 v9, v6;
	_ =	sdelay $0x1  }
0x572: {  	v8 =	vmul.f32 v8, v3;
	_ =	sdelay $0x1  }
0x573: {  	[tilespmem:v10+s20+$0x0] =	vst.idx.msk $0xffff, v8  }
0x574: {  	s0 =	simm.s32 $0x4;
	v10 =	vld.idx.msk [tilespmem:v7+s1+$0x0], $0xffff  }
0x575: {  	v9 =	vadd.s32 s0, v0  }
0x576: {  	v8 =	vand.u32 $0x3F, v9  }
0x577: {  	v8 =	vor.u32 v5, v8;
	_ =	sdelay $0x1  }
0x578: {  	s10 =	simm.s32 $0x8;
	v10 =	vmul.f32 v10, v4  }
.LBB2_28:
0x579: {  	_ = 	snop  }
0x57a: {  	p0 =	sne.s32 s10, $0x3C;
	s18 =	smov.u32 s10;
	s10 =	sadd.s32 $0x4, s10;
	[tilespmem:v7+s20+$0x0] =	vst.idx.msk $0xffff, v10  }
0x57b: {  	v7 =	vld.idx.msk [tilespmem:v8+s1+$0x0], $0xffff;
	_ =	sdelay $0x3  }
0x57c: {  	v9 =	vor.u32 v9, v6;
	_ =	sdelay $0x1  }
0x57d: {  	v7 =	vmul.f32 v7, v3;
	_ =	sdelay $0x1  }
0x57e: {  	[tilespmem:v8+s20+$0x0] =	vst.idx.msk $0xffff, v7  }
0x57f: {  	v7 =	vld.idx.msk [tilespmem:v9+s1+$0x0], $0xffff  }
0x580: {  	s12 =	sadd.s32 $0x1, s0  }
0x581: {  	v8 =	vadd.s32 s12, v0  }
0x582: {  	v8 =	vand.u32 $0x3F, v8  }
0x583: {  	v10 =	vor.u32 v5, v8;
	_ =	sdelay $0x1  }
0x584: {  	v7 =	vmul.f32 v7, v4;
	_ =	sdelay $0x1  }
0x585: {  	[tilespmem:v9+s20+$0x0] =	vst.idx.msk $0xffff, v7  }
0x586: {  	v7 =	vld.idx.msk [tilespmem:v10+s1+$0x0], $0xffff;
	_ =	sdelay $0x3  }
0x587: {  	v8 =	vor.u32 v8, v6;
	_ =	sdelay $0x1  }
0x588: {  	v7 =	vmul.f32 v7, v3;
	_ =	sdelay $0x1  }
0x589: {  	[tilespmem:v10+s20+$0x0] =	vst.idx.msk $0xffff, v7  }
0x58a: {  	v7 =	vld.idx.msk [tilespmem:v8+s1+$0x0], $0xffff  }
0x58b: {  	s12 =	sadd.s32 $0x2, s0  }
0x58c: {  	v9 =	vadd.s32 s12, v0  }
0x58d: {  	v9 =	vand.u32 $0x3F, v9  }
0x58e: {  	v10 =	vor.u32 v5, v9;
	_ =	sdelay $0x1  }
0x58f: {  	v7 =	vmul.f32 v7, v4;
	_ =	sdelay $0x1  }
0x590: {  	[tilespmem:v8+s20+$0x0] =	vst.idx.msk $0xffff, v7  }
0x591: {  	v7 =	vld.idx.msk [tilespmem:v10+s1+$0x0], $0xffff;
	_ =	sdelay $0x3  }
0x592: {  	v8 =	vor.u32 v9, v6;
	_ =	sdelay $0x1  }
0x593: {  	v7 =	vmul.f32 v7, v3;
	_ =	sdelay $0x1  }
0x594: {  	[tilespmem:v10+s20+$0x0] =	vst.idx.msk $0xffff, v7  }
0x595: {  	v7 =	vld.idx.msk [tilespmem:v8+s1+$0x0], $0xffff  }
0x596: {  	s12 =	sadd.s32 $0x3, s0;
	s0 =	smov.u32 s18  }
0x597: {  	v9 =	vadd.s32 s12, v0  }
0x598: {  	v9 =	vand.u32 $0x3F, v9  }
0x599: {  	v10 =	vor.u32 v5, v9;
	_ =	sdelay $0x1  }
0x59a: {  	v7 =	vmul.f32 v7, v4;
	_ =	sdelay $0x1  }
0x59b: {  	[tilespmem:v8+s20+$0x0] =	vst.idx.msk $0xffff, v7  }
0x59c: {  	v8 =	vld.idx.msk [tilespmem:v10+s1+$0x0], $0xffff;
	_ =	sdelay $0x3  }
0x59d: {  	v7 =	vor.u32 v9, v6;
	_ =	sdelay $0x1  }
0x59e: {  	v8 =	vmul.f32 v8, v3;
	_ =	sdelay $0x1  }
0x59f: {  	[tilespmem:v10+s20+$0x0] =	vst.idx.msk $0xffff, v8  }
0x5a0: {  	v10 =	vld.idx.msk [tilespmem:v7+s1+$0x0], $0xffff;
	_ =	sdelay $0x1  }
.Ltmp12:
0x5a1: {  	v9 =	vadd.s32 s0, v0;
	(pc) =	sbr.rel @p0 .LBB2_28-.Ltmp12, $3  }
0x5a2: {  	v8 =	vand.u32 $0x3F, v9  }
0x5a3: {  	v8 =	vor.u32 v5, v8;
	_ =	sdelay $0x1  }
0x5a4: {  	v10 =	vmul.f32 v10, v4  }
0x5a5: {  	_ =	sdelay $0x3  }
0x5a6: {  	[tilespmem:v7+s20+$0x0] =	vst.idx.msk $0xffff, v10  }
0x5a7: {  	v7 =	vld.idx.msk [tilespmem:v8+s1+$0x0], $0xffff;
	_ =	sdelay $0x2  }
0x5a8: {  	v9 =	vor.u32 v9, v6;
	_ =	sdelay $0x1  }
0x5a9: {  	v7 =	vmul.f32 v7, v3;
	_ =	sdelay $0x1  }
0x5aa: {  	[tilespmem:v8+s20+$0x0] =	vst.idx.msk $0xffff, v7  }
0x5ab: {  	s10 =	sadd.s32 $0x1, s0;
	v7 =	vld.idx.msk [tilespmem:v9+s1+$0x0], $0xffff  }
0x5ac: {  	v56 =	vadd.s32 s10, v0  }
0x5ad: {  	v8 =	vand.u32 $0x3F, v56  }
0x5ae: {  	v57 =	vor.u32 v5, v8;
	_ =	sdelay $0x1  }
0x5af: {  	v7 =	vmul.f32 v7, v4;
	_ =	sdelay $0x1  }
0x5b0: {  	[tilespmem:v9+s20+$0x0] =	vst.idx.msk $0xffff, v7  }
0x5b1: {  	v7 =	vld.idx.msk [tilespmem:v57+s1+$0x0], $0xffff;
	_ =	sdelay $0x2  }
0x5b2: {  	v8 =	vor.u32 v8, v6;
	_ =	sdelay $0x1  }
0x5b3: {  	v7 =	vmul.f32 v7, v3;
	_ =	sdelay $0x1  }
0x5b4: {  	[tilespmem:v57+s20+$0x0] =	vst.idx.msk $0xffff, v7  }
0x5b5: {  	s18 =	sadd.s32 $0x2, s0;
	v7 =	vld.idx.msk [tilespmem:v8+s1+$0x0], $0xffff  }
0x5b6: {  	v58 =	vadd.s32 s18, v0  }
0x5b7: {  	v9 =	vand.u32 $0x3F, v58  }
0x5b8: {  	v59 =	vor.u32 v5, v9;
	_ =	sdelay $0x1  }
0x5b9: {  	v7 =	vmul.f32 v7, v4;
	_ =	sdelay $0x1  }
0x5ba: {  	[tilespmem:v8+s20+$0x0] =	vst.idx.msk $0xffff, v7  }
0x5bb: {  	v7 =	vld.idx.msk [tilespmem:v59+s1+$0x0], $0xffff;
	_ =	sdelay $0x2  }
0x5bc: {  	v60 =	vor.u32 v9, v6;
	_ =	sdelay $0x1  }
0x5bd: {  	v7 =	vmul.f32 v7, v3;
	_ =	sdelay $0x1  }
0x5be: {  	[tilespmem:v59+s20+$0x0] =	vst.idx.msk $0xffff, v7  }
0x5bf: {  	s30 =	sadd.s32 $0x3, s0;
	v7 =	vld.idx.msk [tilespmem:v60+s1+$0x0], $0xffff  }
0x5c0: {  	v61 =	vadd.s32 s30, v0  }
0x5c1: {  	v9 =	vand.u32 $0x3F, v61  }
0x5c2: {  	v62 =	vor.u32 v5, v9;
	_ =	sdelay $0x1  }
0x5c3: {  	v7 =	vmul.f32 v7, v4;
	_ =	sdelay $0x1  }
0x5c4: {  	[tilespmem:v60+s20+$0x0] =	vst.idx.msk $0xffff, v7  }
0x5c5: {  	v7 =	vld.idx.msk [tilespmem:v62+s1+$0x0], $0xffff;
	_ =	sdelay $0x2  }
0x5c6: {  	v63 =	vor.u32 v9, v6;
	_ =	sdelay $0x1  }
0x5c7: {  	v3 =	vmul.f32 v7, v3;
	_ =	sdelay $0x1  }
0x5c8: {  	[tilespmem:v62+s20+$0x0] =	vst.idx.msk $0xffff, v3  }
0x5c9: {  	v3 =	vld.idx.msk [tilespmem:v63+s1+$0x0], $0xffff  }
0x5ca: {  	s16 =	sadd.s32 $0x1, s16  }
0x5cb: {  	p0 =	sne.s32 s16, $0x3  }
.Ltmp13:
0x5cc: {  	_ = 	snop;
	(pc) =	sbr.rel @p0 .LBB2_27-.Ltmp13, $3  }
0x5cd: {  	_ = 	snop  }
0x5ce: {  	v3 =	vmul.f32 v3, v4;
	_ =	sdelay $0x1  }
0x5cf: {  	[tilespmem:v63+s20+$0x0] =	vst.idx.msk $0xffff, v3  }
0x5d0: {  	s29 =	sadd.s32 $0x1, s29  }
0x5d1: {  	p0 =	sne.s32 s29, $0x23  }
.Ltmp14:
0x5d2: {  	_ = 	snop;
	(pc) =	sbr.rel @p0 .LBB2_4-.Ltmp14, $2  }
0x5d3: {  	_ =	sdelay $0x2  }
0x5d4: {  	[spmem:s2] =	stream.indirect.scatter.add.f32 [tilespmem:s20], [sflag:$0x3], $0x80, s26, s24, $0xb8;
	[tilespmem:$0x1FE00] =	vst v63  }
0x5d5: {  	_ =	swait.ge [sflag:s19], $0x1800  }
0x5d6: {  	[sflag:s19] =	ssyncset.done $0x0  }
0x5d7: {  	s15 =	simm.s32 $0x0;
	s16 =	simm.s32 $0x0;
	[sflag:s19] =	ssyncadd.s32 $0xFFFFE800  }
.LBB2_32:
0x5d8: {  	s0 =	sshll.u32 s16, $0x4  }
0x5d9: {  	v3 =	vmov s0  }
0x5da: {  	v4 =	vadd.s32 s15, v0;
	v3 =	vshll.u32 v3, $0x7  }
0x5db: {  	v5 =	vor.u32 v2, v3;
	v3 =	vand.u32 $0x3F, v4  }
0x5dc: {  	v7 =	vor.u32 v5, v3;
	_ =	sdelay $0x3  }
0x5dd: {  	v3 =	vld [tilespmem:s0+$0x5600]  }
0x5de: {  	v8 =	vld.idx.msk [tilespmem:v7+s31+$0x0], $0xffff;
	_ =	sdelay $0x1  }
0x5df: {  	v6 =	vor.u32 $0x40, v5  }
0x5e0: {  	v9 =	vor.u32 v4, v6;
	_ =	sdelay $0x1  }
0x5e1: {  	v8 =	vmul.f32 v8, v3;
	_ =	sdelay $0x1  }
0x5e2: {  	v4 =	vld [tilespmem:s0+$0x5680];
	[tilespmem:v7+s28+$0x0] =	vst.idx.msk $0xffff, v8  }
0x5e3: {  	s18 =	simm.s32 $0x1;
	v7 =	vld.idx.msk [tilespmem:v9+s31+$0x0], $0xffff  }
0x5e4: {  	v8 =	vadd.s32 s18, v0  }
0x5e5: {  	v8 =	vand.u32 $0x3F, v8  }
0x5e6: {  	v10 =	vor.u32 v5, v8;
	_ =	sdelay $0x1  }
0x5e7: {  	v7 =	vmul.f32 v7, v4;
	_ =	sdelay $0x1  }
0x5e8: {  	[tilespmem:v9+s28+$0x0] =	vst.idx.msk $0xffff, v7  }
0x5e9: {  	v7 =	vld.idx.msk [tilespmem:v10+s31+$0x0], $0xffff;
	_ =	sdelay $0x2  }
0x5ea: {  	v8 =	vor.u32 v8, v6;
	_ =	sdelay $0x1  }
0x5eb: {  	v7 =	vmul.f32 v7, v3;
	_ =	sdelay $0x1  }
0x5ec: {  	[tilespmem:v10+s28+$0x0] =	vst.idx.msk $0xffff, v7  }
0x5ed: {  	s29 =	simm.s32 $0x2;
	v7 =	vld.idx.msk [tilespmem:v8+s31+$0x0], $0xffff  }
0x5ee: {  	v9 =	vadd.s32 s29, v0  }
0x5ef: {  	v9 =	vand.u32 $0x3F, v9  }
0x5f0: {  	v10 =	vor.u32 v5, v9;
	_ =	sdelay $0x1  }
0x5f1: {  	v7 =	vmul.f32 v7, v4;
	_ =	sdelay $0x1  }
0x5f2: {  	[tilespmem:v8+s28+$0x0] =	vst.idx.msk $0xffff, v7  }
0x5f3: {  	v7 =	vld.idx.msk [tilespmem:v10+s31+$0x0], $0xffff;
	_ =	sdelay $0x2  }
0x5f4: {  	v8 =	vor.u32 v9, v6;
	_ =	sdelay $0x1  }
0x5f5: {  	v7 =	vmul.f32 v7, v3;
	_ =	sdelay $0x1  }
0x5f6: {  	[tilespmem:v10+s28+$0x0] =	vst.idx.msk $0xffff, v7  }
0x5f7: {  	s30 =	simm.s32 $0x3;
	v7 =	vld.idx.msk [tilespmem:v8+s31+$0x0], $0xffff  }
0x5f8: {  	v9 =	vadd.s32 s30, v0  }
0x5f9: {  	v9 =	vand.u32 $0x3F, v9  }
0x5fa: {  	v10 =	vor.u32 v5, v9;
	_ =	sdelay $0x1  }
0x5fb: {  	v7 =	vmul.f32 v7, v4;
	_ =	sdelay $0x1  }
0x5fc: {  	[tilespmem:v8+s28+$0x0] =	vst.idx.msk $0xffff, v7  }
0x5fd: {  	v8 =	vld.idx.msk [tilespmem:v10+s31+$0x0], $0xffff;
	_ =	sdelay $0x2  }
0x5fe: {  	v7 =	vor.u32 v9, v6;
	_ =	sdelay $0x1  }
0x5ff: {  	v8 =	vmul.f32 v8, v3;
	_ =	sdelay $0x1  }
0x600: {  	[tilespmem:v10+s28+$0x0] =	vst.idx.msk $0xffff, v8  }
0x601: {  	s0 =	simm.s32 $0x4;
	v10 =	vld.idx.msk [tilespmem:v7+s31+$0x0], $0xffff  }
0x602: {  	v9 =	vadd.s32 s0, v0  }
0x603: {  	v8 =	vand.u32 $0x3F, v9  }
0x604: {  	v8 =	vor.u32 v5, v8;
	_ =	sdelay $0x1  }
0x605: {  	s10 =	simm.s32 $0x8;
	v10 =	vmul.f32 v10, v4  }
.LBB2_33:
0x606: {  	_ = 	snop  }
0x607: {  	p0 =	sne.s32 s10, $0x3C;
	s18 =	smov.u32 s10;
	s10 =	sadd.s32 $0x4, s10;
	[tilespmem:v7+s28+$0x0] =	vst.idx.msk $0xffff, v10  }
0x608: {  	v7 =	vld.idx.msk [tilespmem:v8+s31+$0x0], $0xffff;
	_ =	sdelay $0x3  }
0x609: {  	v9 =	vor.u32 v9, v6;
	_ =	sdelay $0x1  }
0x60a: {  	v7 =	vmul.f32 v7, v3;
	_ =	sdelay $0x1  }
0x60b: {  	[tilespmem:v8+s28+$0x0] =	vst.idx.msk $0xffff, v7  }
0x60c: {  	v7 =	vld.idx.msk [tilespmem:v9+s31+$0x0], $0xffff  }
0x60d: {  	s12 =	sadd.s32 $0x1, s0  }
0x60e: {  	v8 =	vadd.s32 s12, v0  }
0x60f: {  	v8 =	vand.u32 $0x3F, v8  }
0x610: {  	v10 =	vor.u32 v5, v8;
	_ =	sdelay $0x1  }
0x611: {  	v7 =	vmul.f32 v7, v4;
	_ =	sdelay $0x1  }
0x612: {  	[tilespmem:v9+s28+$0x0] =	vst.idx.msk $0xffff, v7  }
0x613: {  	v7 =	vld.idx.msk [tilespmem:v10+s31+$0x0], $0xffff;
	_ =	sdelay $0x3  }
0x614: {  	v8 =	vor.u32 v8, v6;
	_ =	sdelay $0x1  }
0x615: {  	v7 =	vmul.f32 v7, v3;
	_ =	sdelay $0x1  }
0x616: {  	[tilespmem:v10+s28+$0x0] =	vst.idx.msk $0xffff, v7  }
0x617: {  	v7 =	vld.idx.msk [tilespmem:v8+s31+$0x0], $0xffff  }
0x618: {  	s12 =	sadd.s32 $0x2, s0  }
0x619: {  	v9 =	vadd.s32 s12, v0  }
0x61a: {  	v9 =	vand.u32 $0x3F, v9  }
0x61b: {  	v10 =	vor.u32 v5, v9;
	_ =	sdelay $0x1  }
0x61c: {  	v7 =	vmul.f32 v7, v4;
	_ =	sdelay $0x1  }
0x61d: {  	[tilespmem:v8+s28+$0x0] =	vst.idx.msk $0xffff, v7  }
0x61e: {  	v7 =	vld.idx.msk [tilespmem:v10+s31+$0x0], $0xffff;
	_ =	sdelay $0x3  }
0x61f: {  	v8 =	vor.u32 v9, v6;
	_ =	sdelay $0x1  }
0x620: {  	v7 =	vmul.f32 v7, v3;
	_ =	sdelay $0x1  }
0x621: {  	[tilespmem:v10+s28+$0x0] =	vst.idx.msk $0xffff, v7  }
0x622: {  	v7 =	vld.idx.msk [tilespmem:v8+s31+$0x0], $0xffff  }
0x623: {  	s12 =	sadd.s32 $0x3, s0;
	s0 =	smov.u32 s18  }
0x624: {  	v9 =	vadd.s32 s12, v0  }
0x625: {  	v9 =	vand.u32 $0x3F, v9  }
0x626: {  	v10 =	vor.u32 v5, v9;
	_ =	sdelay $0x1  }
0x627: {  	v7 =	vmul.f32 v7, v4;
	_ =	sdelay $0x1  }
0x628: {  	[tilespmem:v8+s28+$0x0] =	vst.idx.msk $0xffff, v7  }
0x629: {  	v8 =	vld.idx.msk [tilespmem:v10+s31+$0x0], $0xffff;
	_ =	sdelay $0x3  }
0x62a: {  	v7 =	vor.u32 v9, v6;
	_ =	sdelay $0x1  }
0x62b: {  	v8 =	vmul.f32 v8, v3;
	_ =	sdelay $0x1  }
0x62c: {  	[tilespmem:v10+s28+$0x0] =	vst.idx.msk $0xffff, v8  }
0x62d: {  	v10 =	vld.idx.msk [tilespmem:v7+s31+$0x0], $0xffff;
	_ =	sdelay $0x1  }
.Ltmp15:
0x62e: {  	v9 =	vadd.s32 s0, v0;
	(pc) =	sbr.rel @p0 .LBB2_33-.Ltmp15, $3  }
0x62f: {  	v8 =	vand.u32 $0x3F, v9  }
0x630: {  	v8 =	vor.u32 v5, v8;
	_ =	sdelay $0x1  }
0x631: {  	v10 =	vmul.f32 v10, v4  }
0x632: {  	_ =	sdelay $0x3  }
0x633: {  	[tilespmem:v7+s28+$0x0] =	vst.idx.msk $0xffff, v10  }
0x634: {  	v7 =	vld.idx.msk [tilespmem:v8+s31+$0x0], $0xffff;
	_ =	sdelay $0x2  }
0x635: {  	v9 =	vor.u32 v9, v6;
	_ =	sdelay $0x1  }
0x636: {  	v7 =	vmul.f32 v7, v3;
	_ =	sdelay $0x1  }
0x637: {  	[tilespmem:v8+s28+$0x0] =	vst.idx.msk $0xffff, v7  }
0x638: {  	s10 =	sadd.s32 $0x1, s0;
	v7 =	vld.idx.msk [tilespmem:v9+s31+$0x0], $0xffff  }
0x639: {  	v56 =	vadd.s32 s10, v0  }
0x63a: {  	v8 =	vand.u32 $0x3F, v56  }
0x63b: {  	v57 =	vor.u32 v5, v8;
	_ =	sdelay $0x1  }
0x63c: {  	v7 =	vmul.f32 v7, v4;
	_ =	sdelay $0x1  }
0x63d: {  	[tilespmem:v9+s28+$0x0] =	vst.idx.msk $0xffff, v7  }
0x63e: {  	v7 =	vld.idx.msk [tilespmem:v57+s31+$0x0], $0xffff;
	_ =	sdelay $0x2  }
0x63f: {  	v8 =	vor.u32 v8, v6;
	_ =	sdelay $0x1  }
0x640: {  	v7 =	vmul.f32 v7, v3;
	_ =	sdelay $0x1  }
0x641: {  	[tilespmem:v57+s28+$0x0] =	vst.idx.msk $0xffff, v7  }
0x642: {  	s29 =	sadd.s32 $0x2, s0;
	v7 =	vld.idx.msk [tilespmem:v8+s31+$0x0], $0xffff  }
0x643: {  	v58 =	vadd.s32 s29, v0  }
0x644: {  	v9 =	vand.u32 $0x3F, v58  }
0x645: {  	v59 =	vor.u32 v5, v9;
	_ =	sdelay $0x1  }
0x646: {  	v7 =	vmul.f32 v7, v4;
	_ =	sdelay $0x1  }
0x647: {  	[tilespmem:v8+s28+$0x0] =	vst.idx.msk $0xffff, v7  }
0x648: {  	v7 =	vld.idx.msk [tilespmem:v59+s31+$0x0], $0xffff;
	_ =	sdelay $0x2  }
0x649: {  	v60 =	vor.u32 v9, v6;
	_ =	sdelay $0x1  }
0x64a: {  	v7 =	vmul.f32 v7, v3;
	_ =	sdelay $0x1  }
0x64b: {  	[tilespmem:v59+s28+$0x0] =	vst.idx.msk $0xffff, v7  }
0x64c: {  	s30 =	sadd.s32 $0x3, s0;
	v7 =	vld.idx.msk [tilespmem:v60+s31+$0x0], $0xffff  }
0x64d: {  	v61 =	vadd.s32 s30, v0  }
0x64e: {  	v9 =	vand.u32 $0x3F, v61  }
0x64f: {  	v62 =	vor.u32 v5, v9;
	_ =	sdelay $0x1  }
0x650: {  	v7 =	vmul.f32 v7, v4;
	_ =	sdelay $0x1  }
0x651: {  	[tilespmem:v60+s28+$0x0] =	vst.idx.msk $0xffff, v7  }
0x652: {  	v7 =	vld.idx.msk [tilespmem:v62+s31+$0x0], $0xffff;
	_ =	sdelay $0x2  }
0x653: {  	v63 =	vor.u32 v9, v6;
	_ =	sdelay $0x1  }
0x654: {  	v3 =	vmul.f32 v7, v3;
	_ =	sdelay $0x1  }
0x655: {  	[tilespmem:v62+s28+$0x0] =	vst.idx.msk $0xffff, v3  }
0x656: {  	v3 =	vld.idx.msk [tilespmem:v63+s31+$0x0], $0xffff  }
0x657: {  	s16 =	sadd.s32 $0x1, s16  }
0x658: {  	p0 =	sne.s32 s16, $0x3  }
.Ltmp16:
0x659: {  	_ = 	snop;
	(pc) =	sbr.rel @p0 .LBB2_32-.Ltmp16, $3  }
0x65a: {  	_ = 	snop  }
0x65b: {  	v3 =	vmul.f32 v3, v4;
	_ =	sdelay $0x1  }
0x65c: {  	[tilespmem:v63+s28+$0x0] =	vst.idx.msk $0xffff, v3  }
0x65d: {  	[spmem:s2] =	stream.indirect.scatter.add.f32 [tilespmem:s28], [sflag:$0x3], $0x80, s13, s24, $0xb8;
	[tilespmem:$0x1FE00] =	vst v63  }
0x65e: {  	_ =	swait.ge [sflag:s21], $0x30  }
0x65f: {  	[sflag:s21] =	ssyncset.done $0x0  }
0x660: {  	[sflag:s21] =	ssyncadd.s32 $0xFFFFFFD0  }
0x661: {  	_ =	swait.ge [sflag:s21], $0x30  }
0x662: {  	[sflag:s21] =	ssyncset.done $0x0  }
0x663: {  	[sflag:s21] =	ssyncadd.s32 $0xFFFFFFD0  }
0x664: {  	_ =	swait.ge [sflag:s22], $0x1800  }
0x665: {  	[sflag:s22] =	ssyncset.done $0x0  }
0x666: {  	[sflag:s22] =	ssyncadd.s32 $0xFFFFE800  }
0x667: {  	_ =	swait.ge [sflag:s22], $0x1800  }
0x668: {  	[sflag:s22] =	ssyncset.done $0x0  }
0x669: {  	[sflag:s22] =	ssyncadd.s32 $0xFFFFE800  }
0x66a: {  	s0 =	stileid.u32;
	[bflag:$0x0] =	sbarrier.arrive $0xFFFF  }
0x66b: {  	s18 =	simm.s32 $0x5;
	s0 =	sshll.u32 s0, $0x6;
	s12 =	rddreg [dreg:$0x7]  }
0x66c: {  	s0 =	sor.u32 $0x1C05, s0;
	s15 =	rddreg [dreg:$0x12];
	s10 =	sshrl.u32 s12, $0x3  }
0x66d: {  	[hbm:s15], [sflag:s0] =	dma.local [spmem:s10], $0x2800  }
0x66e: {  	s29 =	simm.s32 $0x20;
	_ =	swait.ge [sflag:s18], $0x2800  }
0x66f: {  	s30 =	simm.s32 $0x10;
	[sflag:s18] =	ssyncset.done $0x0;
	s16 =	rddreg [dreg:$0x6]  }
0x670: {  	s15 =	rddreg [dreg:$0x13];
	[sflag:s18] =	ssyncadd.s32 $0xFFFFD800;
	s10 =	sshrl.u32 s16, $0x3  }
0x671: {  	[hbm:s15@s29], [sflag:s0] =	dma.strided [spmem:s10@s30], $0x50, s17, $0x10   }
0x672: {  	_ =	swait.ge [sflag:s18], $0x50  }
0x673: {  	s29 =	sld [smem:$0x7F5];
	_ =	sdelay $0x2  }
0x674: {  	s30 =	rddreg [dreg:$0x14];
	s10 =	sadd.s32 $0x1, s29  }
0x675: {  	p0 =	sne.s32 s10, s30  }
.Ltmp17:
0x676: {  	_ = 	snop;
	(pc) =	sbr.rel @p0 .LBB2_1-.Ltmp17, $3  }
0x677: {  	_ =	sdelay $0x1  }
0x678: {  	[sflag:s18] =	ssyncset.done $0x0  }
0x679: {  	[sflag:s18] =	ssyncadd.s32 $0xFFFFFFB0  }
0x67a: {  	_ =	sfence.sel $0x180000  }
0x67b: {  	[bflag:$0x0] =	sbarrier.arrive $0xFFFF  }
0x67c: {  	_ =	strace $0x9000004A  }
0x67d: {  	s0 =	stileid.u32;
	[bflag:$0x2] =	sbarrier.arrive $0xFFFF  }
0x67e: {  	p0 =	sne.s32 s0, $0x0;
	s0 =	rddreg [dreg:$0x4]  }
0x67f: {  	s0 =	sadd.s32 @!p0 $0x100000, s0  }
0x680: {  	[sflag:s0] =	ssyncadd.tile.s32 @!p0 $0x1;
	_ =	shalt  }
.Lfunc_end2:
_tile_overlayer_lowered:
.L_overlay_start_2:
0x681: {  	(tag) =	ssettag $0x2  }
0x682: {  	s0 =	rddreg [dreg:$0x0];
	s2 =	stileid.u32  }
0x683: {  	s1 =	rddreg [dreg:$0x1];
	p0 =	sne.s32 s2, $0x0  }
0x684: {  	s3 =	rddreg [dreg:$0x2];
	[bflag:$0x3] =	sbarrier.arrive $0xFFFF;
	s2 =	simm.s32 @!p0 $0x1C05  }
0x685: {  	[timem:s3], [sflag:s2] =	dma.local @!p0 [hbm:s0], s1  }
0x686: {  	s0 =	simm.s32 @!p0 $0x5  }
0x687: {  	_ =	swait.ge @!p0 [sflag:s0], s1  }
0x688: {  	s1 =	ssub.s32 @!p0 $0x0, s1;
	[sflag:s0] =	ssyncset.done @!p0 $0x0  }
0x689: {  	[sflag:s0] =	ssyncadd.s32 @!p0 s1  }
0x68a: {  	[bflag:$0x3] =	sbarrier.arrive $0xFFFF  }
0x68b: {  	_ =	shalt  }

// kernel: kernel.7.cloned.1.call-start
scs
__scs_entry_jumppad:
0x0: {  	(pc) =	sbr.rel $0x88, $3  }
0x1: {  	(tag) =	ssettag $0x0;
	lr =	simm.s32 $0x1  }
0x2: {  	[smem:$0x3F8E] =	sst lr;
	_ =	strace $0xD0000000  }
0x3: {  	_ = 	snop  }
0x4: {  	_ = 	snop  }
0x5: {  	_ = 	snop  }
0x6: {  	_ = 	snop  }
0x7: {  	_ = 	snop  }
__scs_overlays_trampoline_lowered:
0x8: {  	[smem:$0x3F9D] =	sst s0  }
0x9: {  	[smem:$0x3F9E] =	sst s1  }
0xa: {  	[smem:$0x3F9F] =	sst s2  }
0xb: {  	[smem:$0x3FA0] =	sst s3  }
0xc: {  	[smem:$0x3FA1] =	sst s4  }
0xd: {  	[smem:$0x3FA2] =	sst s5  }
0xe: {  	[smem:$0x3FA3] =	sst s6  }
0xf: {  	[smem:$0x3FA4] =	sst s7  }
0x10: {  	[smem:$0x3FA5] =	sst s8  }
0x11: {  	[smem:$0x3FA6] =	sst s9;
	s0 =	simm.s32 @!p0 $0x0  }
0x12: {  	s1 =	sld [smem:$0x3F8C];
	s0 =	simm.s32 @p0 $0x1  }
0x13: {  	[smem:$0x3FA7] =	sst s0;
	s0 =	simm.s32 @!p1 $0x0  }
0x14: {  	s2 =	sld [smem:$0x3F8B];
	s0 =	simm.s32 @p1 $0x1  }
0x15: {  	[smem:$0x3FA8] =	sst s0;
	s0 =	simm.s32 @!p2 $0x0  }
0x16: {  	s3 =	sld [smem:$0x3FDB];
	s0 =	simm.s32 @p2 $0x1  }
0x17: {  	s4 =	simm.s32 $0x1BF5;
	[smem:$0x3FAA] =	sst s0  }
0x18: {  	s0 =	sld [smem:$0x3F8D];
	_ =	swait.ge [sflag:s4], $0x0  }
0x19: {  	s7 =	sld [smem:$0x3F8E]  }
0x1a: {  	s8 =	sadd.s32 $0xFFFFE003, lr  }
0x1b: {  	s9 =	sadd.s32 $0xFFFFFEF7, lr;
	s5 =	simm.s32 $0xFFFFFFFF;
	p2 =	slt.u32 s8, $0xFFFFF086  }
0x1c: {  	p1 =	slt.u32 s9, $0xF7A;
	s5 =	simm.s32 @!p2 $0x0  }
0x1d: {  	s5 =	simm.s32 @p1 $0x1;
	p0 =	seq.s32 s7, s2  }
0x1e: {  	s7 =	smul.u32 @!p0 $0xF7A, s2;
	p2 =	seq.s32 @!p0 s5, $0x0  }
0x1f: {  	s9 =	smul.u32 $0xF7A, s1;
	s8 =	simm.s32 @!p0 $0x1BF5;
	p2 =	por !p2, p0  }
0x20: {  	[sflag:s8] =	ssyncset.s32 @!p0 $0xFFFFF086;
	s6 =	sadd.s32 @!p0 s3, s7;
	s7 =	simm.s32 @!p0 $0x108  }
0x21: {  	s3 =	sadd.s32 s3, s9;
	s6 =	sadd.s32 @!p0 $0x88, s6;
	s7 =	simm.s32 @p2 $0x1082  }
0x22: {  	[simem:s7], [sflag:s8] =	dma.local @!p0 [hbm:s6], $0xF7A  }
0x23: {  	s9 =	sor.u32 $0xD0000000, s2;
	s6 =	simm.s32 $0x108;
	_ =	swait.ge @!p0 [sflag:s8], $0x0  }
0x24: {  	s3 =	sadd.s32 $0x88, s3;
	s6 =	simm.s32 @!p1 $0x1082;
	[sflag:s4] =	ssyncset.s32 $0xFFFFF086  }
0x25: {  	[simem:s6], [sflag:s4] =	dma.local [hbm:s3], $0xF7A  }
0x26: {  	[smem:$0x3F8E] =	sst s1;
	(tag) =	ssettag s2;
	_ =	strace s9  }
0x27: {  	s1 =	sld [smem:$0x3F9E]  }
0x28: {  	s2 =	sld [smem:$0x3F9F]  }
0x29: {  	s4 =	sld [smem:$0x3FA1]  }
0x2a: {  	p0 =	seq.s32 s5, $0x0;
	s5 =	sld [smem:$0x3FA2]  }
0x2b: {  	s6 =	sld [smem:$0x3FA3]  }
0x2c: {  	s7 =	sld [smem:$0x3FA4]  }
0x2d: {  	s3 =	simm.s32 $0x108;
	s8 =	sld [smem:$0x3FA5]  }
0x2e: {  	s3 =	simm.s32 @!p0 $0x1082;
	s9 =	sld [smem:$0x3FA6]  }
0x2f: {  	lr =	sadd.s32 s0, s3;
	s0 =	sld [smem:$0x3F9D]  }
0x30: {  	s3 =	sld [smem:$0x3FA0]  }
0x31: {  	[smem:$0x3FA9] =	sst s10  }
0x32: {  	s10 =	sld [smem:$0x3FA7];
	_ =	sdelay $0x3  }
0x33: {  	p0 =	seq.s32 s10, $0x1;
	s10 =	sld [smem:$0x3FA9];
	_ =	sdelay $0x3  }
0x34: {  	[smem:$0x3FA9] =	sst s10  }
0x35: {  	s10 =	sld [smem:$0x3FA8];
	_ =	sdelay $0x3  }
0x36: {  	p1 =	seq.s32 s10, $0x1;
	s10 =	sld [smem:$0x3FA9];
	_ =	sdelay $0x3  }
0x37: {  	[smem:$0x3FA9] =	sst s10  }
0x38: {  	s10 =	sld [smem:$0x3FAA]  }
0x39: {  	_ = 	snop;
	(pc) =	sbr.ind lr, $3  }
0x3a: {  	_ = 	snop  }
0x3b: {  	_ = 	snop  }
0x3c: {  	p2 =	seq.s32 s10, $0x1;
	s10 =	sld [smem:$0x3FA9]  }
0x3d: {  	_ =	shalt  }
0x3e: {  	_ =	shalt  }
0x3f: {  	_ =	shalt  }
0x40: {  	_ =	shalt  }
0x41: {  	_ =	shalt  }
0x42: {  	_ =	shalt  }
0x43: {  	_ =	shalt  }
0x44: {  	_ =	shalt  }
0x45: {  	_ =	shalt  }
0x46: {  	_ =	shalt  }
0x47: {  	_ =	shalt  }
0x48: {  	_ =	shalt  }
0x49: {  	_ =	shalt  }
0x4a: {  	_ =	shalt  }
0x4b: {  	_ =	shalt  }
0x4c: {  	_ =	shalt  }
0x4d: {  	_ =	shalt  }
0x4e: {  	_ =	shalt  }
0x4f: {  	_ =	shalt  }
0x50: {  	_ =	shalt  }
0x51: {  	_ =	shalt  }
0x52: {  	_ =	shalt  }
0x53: {  	_ =	shalt  }
0x54: {  	_ =	shalt  }
0x55: {  	_ =	shalt  }
0x56: {  	_ =	shalt  }
0x57: {  	_ =	shalt  }
0x58: {  	_ =	shalt  }
0x59: {  	_ =	shalt  }
0x5a: {  	_ =	shalt  }
0x5b: {  	_ =	shalt  }
0x5c: {  	_ =	shalt  }
0x5d: {  	_ =	shalt  }
0x5e: {  	_ =	shalt  }
0x5f: {  	_ =	shalt  }
0x60: {  	_ =	shalt  }
0x61: {  	_ =	shalt  }
0x62: {  	_ =	shalt  }
0x63: {  	_ =	shalt  }
0x64: {  	_ =	shalt  }
0x65: {  	_ =	shalt  }
0x66: {  	_ =	shalt  }
0x67: {  	_ =	shalt  }
0x68: {  	_ =	shalt  }
0x69: {  	_ =	shalt  }
0x6a: {  	_ =	shalt  }
0x6b: {  	_ =	shalt  }
0x6c: {  	_ =	shalt  }
0x6d: {  	_ =	shalt  }
0x6e: {  	_ =	shalt  }
0x6f: {  	_ =	shalt  }
0x70: {  	_ =	shalt  }
0x71: {  	_ =	shalt  }
0x72: {  	_ =	shalt  }
0x73: {  	_ =	shalt  }
0x74: {  	_ =	shalt  }
0x75: {  	_ =	shalt  }
0x76: {  	_ =	shalt  }
0x77: {  	_ =	shalt  }
0x78: {  	_ =	shalt  }
0x79: {  	_ =	shalt  }
0x7a: {  	_ =	shalt  }
0x7b: {  	_ =	shalt  }
0x7c: {  	_ =	shalt  }
0x7d: {  	_ =	shalt  }
0x7e: {  	_ =	shalt  }
0x7f: {  	_ =	shalt  }
0x80: {  	_ =	shalt  }
0x81: {  	_ =	shalt  }
0x82: {  	_ =	shalt  }
0x83: {  	_ =	shalt  }
0x84: {  	_ =	shalt  }
0x85: {  	_ =	shalt  }
0x86: {  	_ =	shalt  }
0x87: {  	_ =	shalt  }
.Lfunc_end0:
.L_simem_size_0:
called_computation_lowered:
.L_overlay_start_0:
0x88: {  	s2 =	sld [smem:$0x3FD9]  }
0x89: {  	s3 =	sld [smem:$0x3FFE];
	_ =	sdelay $0x1  }
0x8a: {  	s1 =	srdreg.scid  }
0x8b: {  	s0 =	sand.u32 $0x1, s1  }
0x8c: {  	s17 =	sshll.u32 s0, $0xA;
	s2 =	sadd.s32 s3, s2  }
0x8d: {  	s2 =	sadd.s32 s2, s17  }
0x8e: {  	[smem:$0x3FB5] =	sst s2  }
0x8f: {  	_ = 	snop  }
0x90: {  	s2 =	sld [smem:$0x3FD0];
	(tm) =	ssettm $0x1  }
0x91: {  	s18 =	sld [smem:$0x3FFB];
	_ =	sdelay $0x3  }
0x92: {  	_ =	strace s18  }
0x93: {  	s3 =	sld [smem:$0x3FFC];
	_ =	sdelay $0x3  }
0x94: {  	_ =	strace s3  }
0x95: {  	s3 =	sld [smem:$0x3FFD];
	_ =	sdelay $0x3  }
0x96: {  	_ =	strace s3  }
0x97: {  	_ =	strace $0x8FFFFFFF  }
0x98: {  	s19 =	sld [smem:$0x3FDB];
	_ =	sdelay $0x1  }
0x99: {  	s4 =	simm.s32 $_scs_section_size  }
0x9a: {  	s5 =	simm.s32 $_size__tile_overlayer_lowered;
	s6 =	simm.s32 $_tile_overlayer_lowered  }
0x9b: {  	s22 =	simm.s32 $0x1BFF;
	s21 =	sshll.u32 s6, $0x1;
	s3 =	sadd.s32 s4, s19  }
0x9c: {  	s7 =	simm.s32 $0x0;
	s20 =	sshll.u32 s5, $0x1;
	s5 =	sadd.s32 s21, s3  }
0x9d: {  	[timem:s7], [sflag:s22] =	dma.local [hbm:s5], s20  }
0x9e: {  	_ =	swait.ge [sflag:s22], s20  }
0x9f: {  	s4 =	ssub.s32 $0x0, s20;
	[sflag:s22] =	ssyncset.done $0x0  }
0xa0: {  	[sflag:s22] =	ssyncadd.s32 s4;
	_ =	sdelay $0x1  }
0xa1: {  	s23 =	simm.s32 $0x1B8B  }
0xa2: {  	_ =	swait.ge [sflag:s23], $0x1  }
0xa3: {  	[sflag:s23] =	ssyncset.done $0x0  }
0xa4: {  	s25 =	simm.s32 $0x1B8E;
	s24 =	sld [smem:$0x3FFE];
	[sflag:s23] =	ssyncadd.s32 $0xFFFFFFFF  }
0xa5: {  	s26 =	simm.s32 $execute0_lowered;
	[smem:$0x3FD2] =	sst s25  }
0xa6: {  	s5 =	sshll.u32 s26, $0x1;
	_ =	strace $0x80000046;
	[dreg:$0x1] =	wrdreg $0xFFFFFFFF  }
0xa7: {  	s28 =	simm.s32 $_size_execute0_lowered;
	s3 =	sadd.s32 s3, s5;
	[dreg:$0x0] =	wrdreg $0x0  }
0xa8: {  	s5 =	sshll.u32 s28, $0x1;
	[dreg:$0x2] =	wrdreg s3  }
0xa9: {  	[dreg:$0x3] =	wrdreg s5  }
0xaa: {  	[dreg:$0x4] =	wrdreg $0xC0  }
0xab: {  	_ =	task [dreg:s7], $0x5FFFF  }
0xac: {  	[dreg:$0x1] =	wrdreg $0xFFFFFFFF  }
0xad: {  	[dreg:$0x0] =	wrdreg $0x60  }
0xae: {  	[dreg:$0x2] =	wrdreg s24  }
0xaf: {  	[dreg:$0x3] =	wrdreg s2  }
0xb0: {  	[dreg:$0x4] =	wrdreg $0x1B8800  }
0xb1: {  	[dreg:$0x5] =	wrdreg $0x9  }
0xb2: {  	_ =	task.clear_ibuf [dreg:s7], $0x6FFFF;
	_ =	strace $0x90000046  }
0xb3: {  	s29 =	simm.s32 $0x9;
	_ =	strace $0x80000048  }
0xb4: {  	_ =	swait.ge [sflag:s29], $0x1  }
0xb5: {  	[sflag:s29] =	ssyncadd.s32 $0xFFFFFFFF  }
0xb6: {  	_ =	strace $0x90000048  }
0xb7: {  	_ =	sfence  }
0xb8: {  	s30 =	sld [smem:$0x0];
	_ =	sdelay $0x2  }
0xb9: {  	s31 =	sshll.u32 s1, $0xD;
	s1 =	sshrl.u32 s1, $0x2  }
0xba: {  	s3 =	sand.u32 $0x4000, s31;
	s1 =	sadd.s32 s1, s30  }
0xbb: {  	s0 =	sor.u32 s3, s0;
	s1 =	sshll.u32 s1, $0x11  }
0xbc: {  	s0 =	sor.u32 s1, s0  }
0xbd: {  	s0 =	sadd.s32 $0x8F2B, s0  }
0xbe: {  	[sflag:s0] =	ssyncadd.remote.s32 $0x1  }
0xbf: {  	_ =	sfence.sel $0xFFFF  }
0xc0: {  	[dreg:$0x0] =	wrdreg $0xFFFFFFFF;
	(pc) =	sbr.abs _section_cstart, $3  }
0xc1: {  	[dreg:$0x1] =	wrdreg $0xFFFFFFFF  }
0xc2: {  	_ =	task.clear_ibuf [dreg:s7], $0x2FFFF;
	_ =	strace $0x9FFFFFFF  }
0xc3: {  	(tm) =	ssettm $0x7FFFFFFF  }
tec
execute0_lowered:
.L_overlay_start_1:
0x0: {  	(tag) =	ssettag $0x1  }
0x1: {  	s0 =	rddreg [dreg:$0x0];
	s3 =	simm.s32 $0x0  }
0x2: {  	[smem:$0x7FF] =	sst s3  }
0x3: {  	s2 =	rddreg [dreg:$0x2];
	v0 =	vimm.f32 $1.000000000e+00;
	_ =	strace $0x80000047  }
0x4: {  	(xrf0) =	vmax.scan.msk.f32 $0xffff, v0;
	_ =	sdelay $0x5  }
0x5: {  	v0, _, _ =	vpop (xrf0)  }
0x6: {  	(v2sf) =	vpush v0, $0xF  }
0x7: {  	s1 =	srdreg.scid;
	s17 =	stileid.u32;
	s18 =	simm.s32 $0x1  }
0x8: {  	s19 =	simm.s32 $0x2800;
	s20 =	simm.s32 $0x5000;
	s21 =	simm.s32 $0x7800  }
0x9: {  	s22 =	simm.s32 $0xA000;
	s23 =	simm.s32 $0xC800;
	s28 =	simm.s32 $0x16700  }
0xa: {  	s1 =	sand.u32 $0x1, s1;
	s4 =	sadd.s32 $0x41800, s0;
	s5 =	sadd.s32 $0x41E00, s0  }
0xb: {  	s6 =	sadd.s32 $0x18600, s0;
	s12 =	sshll.u32 s17, $0x7;
	s26 =	smul.u32 $0xA00, s17  }
0xc: {  	p0 =	sne.s32 s17, $0x0;
	s9 =	sshll.u32 s1, $0x4;
	s25 =	sand.u32 $0x380, s12  }
0xd: {  	s1 =	ssub.s32 $0x2, s1;
	s7 =	sor.u32 s17, s9;
	s15 =	sadd.s32 s9, s0  }
0xe: {  	s30 =	sshrl.u32 s1, $0x1;
	s31 =	sshrl.u32 s26, $0x2;
	s26 =	simm.s32 $0xF000  }
0xf: {  	s10 =	smul.u32 $0x4EC, s7;
	s8 =	sshrl.u32 s7, $0x3;
	s7 =	sadd.s32 $0x18C00, s0  }
0x10: {  	s1 =	ssub.s32 s1, s30;
	s9 =	sadd.s32 s31, s2;
	s15 =	sadd.s32 $0x4C400, s15  }
0x11: {  	s11 =	smul.u32 $0x14000, s8;
	s8 =	sadd.s32 $0x19200, s0;
	s16 =	smax.u32 s1, $0x1  }
.Ltmp0:
0x12: {  	s1 =	simm.s32 $0x0;
	s13 =	sadd.s32 s10, s0;
	(pc) =	sbr.rel .LBB2_1-.Ltmp0, $4  }
0x13: {  	s10 =	sor.u32 s25, s11;
	s11 =	sadd.s32 $0xE800, s13;
	s12 =	sadd.s32 $0x4CE00, s13  }
0x14: {  	s25 =	simm.s32 $0x13F80;
	s29 =	sshrl.u32 s10, $0x3;
	s10 =	sadd.s32 $0x4A00, s13  }
0x15: {  	s13 =	sadd.s32 $0x56C00, s13;
	s0 =	sadd.s32 s29, s0;
	s24 =	spop (v2sf)  }
0x16: {  	v1 =	vimm.f32 $-1.000000000e+09;
	vm0 =	vmmov $0xffff;
	s14 =	sadd.s32 $0x42400, s0;
	v0 =	vimm.f32 $0.0e+00;
	s0 =	simm.s32 $0x400;
	p1 =	sgt.f32 s24, $0.0e+00  }
.LBB2_7:
0x17: {  	[hbm4b:s12+s3] =	stream.linear.scatter [tilespmem:s28], [sflag:$0x1], $0x2760, $0x38;
	[tilespmem:$0x1BB00] =	vst v63  }
0x18: {  	_ =	swait.ge [sflag:s18], $0x2760  }
0x19: {  	[sflag:s18] =	ssyncset.done $0x0  }
0x1a: {  	s17 =	simm.s32 $0x18E80;
	[sflag:s18] =	ssyncadd.s32 $0xFFFFD8A0  }
0x1b: {  	[hbm4b:s13+s3] =	stream.linear.scatter [tilespmem:s17], [sflag:$0x1], $0x2760, $0x38;
	[tilespmem:$0x1BB00] =	vst v63  }
0x1c: {  	_ =	swait.ge [sflag:s18], $0x2760  }
0x1d: {  	[sflag:s18] =	ssyncset.done $0x0  }
0x1e: {  	s30 =	simm.s32 $0x2760;
	[sflag:s18] =	ssyncadd.s32 $0xFFFFD8A0  }
0x1f: {  	[spmem:s2] =	stream.indirect.scatter.add.f32 [tilespmem:s28], [sflag:$0x1], $0x1, s25, s30, $0xb8;
	[tilespmem:$0x1BB00] =	vst v63  }
0x20: {  	_ =	swait.ge [sflag:s18], $0x2760  }
0x21: {  	[sflag:s18] =	ssyncset.done $0x0  }
0x22: {  	s31 =	simm.s32 $0x80;
	[sflag:s18] =	ssyncadd.s32 $0xFFFFD8A0  }
0x23: {  	[hbm4b:s14+s31] =	stream.strided.scatter [tilespmem:s26], [sflag:$0x1], $0x2800, s0, s31, $0x38;
	[tilespmem:$0x1BB00] =	vst v63  }
0x24: {  	s24 =	simm.s32 @!p0 $0x1;
	s1 =	sadd.s32 $0x1, s1;
	_ =	swait.ge [sflag:s18], $0x2800  }
0x25: {  	s29 =	simm.s32 @!p0 $0x20;
	p2 =	sne.s32 s1, s16;
	[sflag:s18] =	ssyncset.done $0x0  }
0x26: {  	s17 =	sshrl.u32 @!p0 s2, $0x3;
	s30 =	simm.s32 @!p0 $0x10;
	[sflag:s18] =	ssyncadd.s32 $0xFFFFD800  }
.Ltmp1:
0x27: {  	s31 =	simm.s32 @!p0 $0x1C01;
	[bflag:$0x0] =	sbarrier.arrive $0xFFFF;
	(pc) =	sbr.rel @!p2 .LBB2_8-.Ltmp1, $4  }
0x28: {  	[hbm:s15@s29], [sflag:s31] =	dma.strided @!p0 [spmem:s17@s30], $0x500, s24, $0x10   }
0x29: {  	_ =	swait.ge @!p0 [sflag:s24], $0x500  }
0x2a: {  	[sflag:s24] =	ssyncset.done @!p0 $0x0  }
0x2b: {  	[sflag:s24] =	ssyncadd.s32 @!p0 $0xFFFFFB00  }
.LBB2_1:
0x2c: {  	[tilespmem:$0x1B600] =	vst v0  }
0x2d: {  	[tilespmem:$0x1B610] =	vst v0  }
0x2e: {  	[tilespmem:$0x1B620] =	vst v0  }
0x2f: {  	[tilespmem:$0x1B630] =	vst v0  }
0x30: {  	[tilespmem:$0x1B640] =	vst v0  }
0x31: {  	[tilespmem:$0x1B650] =	vst v0  }
0x32: {  	[tilespmem:$0x1B660] =	vst v0  }
0x33: {  	[tilespmem:$0x1B670] =	vst v0  }
0x34: {  	[tilespmem:$0x1B680] =	vst v0  }
0x35: {  	[tilespmem:$0x1B690] =	vst v0  }
0x36: {  	[tilespmem:$0x1B6A0] =	vst v0  }
0x37: {  	[tilespmem:$0x1B6B0] =	vst v0  }
0x38: {  	[tilespmem:$0x1B6C0] =	vst v0  }
0x39: {  	[tilespmem:$0x1B6D0] =	vst v0  }
0x3a: {  	[tilespmem:$0x1B6E0] =	vst v0  }
0x3b: {  	[tilespmem:$0x1B6F0] =	vst v0  }
0x3c: {  	[tilespmem:$0x1B700] =	vst v0  }
0x3d: {  	[tilespmem:$0x1B710] =	vst v0  }
0x3e: {  	[tilespmem:$0x1B720] =	vst v0  }
0x3f: {  	[tilespmem:$0x1B730] =	vst v0  }
0x40: {  	[tilespmem:$0x1B740] =	vst v0  }
0x41: {  	[tilespmem:$0x1B750] =	vst v0  }
0x42: {  	[tilespmem:$0x1B760] =	vst v0  }
0x43: {  	[tilespmem:$0x1B770] =	vst v0  }
0x44: {  	[tilespmem:$0x1B780] =	vst v0  }
0x45: {  	[tilespmem:$0x1B790] =	vst v0  }
0x46: {  	[tilespmem:$0x1B7A0] =	vst v0  }
0x47: {  	[tilespmem:$0x1B7B0] =	vst v0  }
0x48: {  	[tilespmem:$0x1B7C0] =	vst v0  }
0x49: {  	[tilespmem:$0x1B7D0] =	vst v0  }
0x4a: {  	[tilespmem:$0x1B7E0] =	vst v0  }
0x4b: {  	[tilespmem:$0x1B7F0] =	vst v0  }
0x4c: {  	[tilespmem:$0x1B800] =	vst v0  }
0x4d: {  	[tilespmem:$0x1B810] =	vst v0  }
0x4e: {  	[tilespmem:$0x1B820] =	vst v0  }
0x4f: {  	[tilespmem:$0x1B830] =	vst v0  }
0x50: {  	[tilespmem:$0x1B840] =	vst v0  }
0x51: {  	[tilespmem:$0x1B850] =	vst v0  }
0x52: {  	[tilespmem:$0x1B860] =	vst v0  }
0x53: {  	[tilespmem:$0x1B870] =	vst v0;
	s17 =	simm.s32 $0x1B600  }
0x54: {  	[spmem:s9] =	stream.linear.scatter [tilespmem:s17], [sflag:$0x1], $0x280, $0x38;
	[tilespmem:$0x1BB00] =	vst v63  }
0x55: {  	_ =	swait.ge [sflag:s18], $0x280  }
0x56: {  	[sflag:s18] =	ssyncset.done $0x0  }
0x57: {  	s24 =	simm.s32 $0x0;
	s17 =	simm.s32 $0x40;
	[sflag:s18] =	ssyncadd.s32 $0xFFFFFD80  }
.LBB2_2:
0x58: {  	p2 =	sne.s32 s17, $0x9FC0;
	[tilespmem:s24+$0xF000] =	vst v1;
	s24 =	smov.u32 s17;
	s17 =	sadd.s32 $0x40, s17  }
.Ltmp2:
0x59: {  	(pc) =	sbr.rel @p2 .LBB2_2-.Ltmp2, $2  }
0x5a: {  	_ =	sdelay $0x2  }
0x5b: {  	s24 =	sshra.s32 s24, $0x2  }
0x5c: {  	[tilespmem:s24+$0xF000] =	vst v1;
	s17 =	simm.s32 $0x0;
	s30 =	rddreg [dreg:$0x1]  }
0x5d: {  	[tilespmem:s17], [sflag:$0x1] =	stream.linear.gather [hbm4b:s30+s17], $0x2800, $0x38;
	[tilespmem:$0x1BB00] =	vst v63  }
0x5e: {  	_ =	swait.ge [sflag:s18], $0x2800  }
0x5f: {  	[sflag:s18] =	ssyncset.done $0x0  }
0x60: {  	[sflag:s18] =	ssyncadd.s32 $0xFFFFD800  }
0x61: {  	[tilespmem:s19], [sflag:$0x1] =	stream.linear.gather [hbm4b:s4+s17], $0x2800, $0x38;
	[tilespmem:$0x1BB00] =	vst v63  }
0x62: {  	_ =	swait.ge [sflag:s18], $0x2800  }
0x63: {  	[sflag:s18] =	ssyncset.done $0x0  }
0x64: {  	[sflag:s18] =	ssyncadd.s32 $0xFFFFD800  }
0x65: {  	[tilespmem:s20], [sflag:$0x1] =	stream.linear.gather [hbm4b:s5+s17], $0x2800, $0x38;
	[tilespmem:$0x1BB00] =	vst v63  }
0x66: {  	_ =	swait.ge [sflag:s18], $0x2800  }
0x67: {  	[sflag:s18] =	ssyncset.done $0x0  }
0x68: {  	[sflag:s18] =	ssyncadd.s32 $0xFFFFD800  }
0x69: {  	[tilespmem:s21], [sflag:$0x1] =	stream.linear.gather [hbm4b:s6+s17], $0x2800, $0x38;
	[tilespmem:$0x1BB00] =	vst v63  }
0x6a: {  	_ =	swait.ge [sflag:s18], $0x2800  }
0x6b: {  	[sflag:s18] =	ssyncset.done $0x0  }
0x6c: {  	[sflag:s18] =	ssyncadd.s32 $0xFFFFD800  }
0x6d: {  	[tilespmem:s22], [sflag:$0x1] =	stream.linear.gather [hbm4b:s7+s17], $0x2800, $0x38;
	[tilespmem:$0x1BB00] =	vst v63  }
0x6e: {  	_ =	swait.ge [sflag:s18], $0x2800  }
0x6f: {  	[sflag:s18] =	ssyncset.done $0x0  }
0x70: {  	[sflag:s18] =	ssyncadd.s32 $0xFFFFD800  }
0x71: {  	[tilespmem:s23], [sflag:$0x1] =	stream.linear.gather [hbm4b:s8+s17], $0x2800, $0x38;
	[tilespmem:$0x1BB00] =	vst v63  }
0x72: {  	_ =	swait.ge [sflag:s18], $0x2800  }
0x73: {  	[sflag:s18] =	ssyncset.done $0x0  }
0x74: {  	s31 =	simm.s32 $0x11800;
	[sflag:s18] =	ssyncadd.s32 $0xFFFFD800  }
0x75: {  	[tilespmem:s31], [sflag:$0x1] =	stream.linear.gather [hbm4b:s10+s17], $0x2760, $0x38;
	[tilespmem:$0x1BB00] =	vst v63  }
0x76: {  	_ =	swait.ge [sflag:s18], $0x2760  }
0x77: {  	[sflag:s18] =	ssyncset.done $0x0  }
0x78: {  	[sflag:s18] =	ssyncadd.s32 $0xFFFFD8A0  }
0x79: {  	[tilespmem:s25], [sflag:$0x1] =	stream.linear.gather [hbm4b:s11+s17], $0x2760, $0x38;
	[tilespmem:$0x1BB00] =	vst v63  }
.Ltmp3:
0x7a: {  	_ =	swait.ge [sflag:s18], $0x2760;
	(pc) =	sbr.rel .LBB2_4-.Ltmp3, $3  }
0x7b: {  	[sflag:s18] =	ssyncset.done $0x0  }
0x7c: {  	[sflag:s18] =	ssyncadd.s32 $0xFFFFD8A0  }
0x7d: {  	[bflag:$0x0] =	sbarrier.arrive $0xFFFF;
	_ =	sdelay $0x1  }
.LBB2_6:
0x7e: {  	s17 =	sadd.s32 $0x1, s17  }
0x7f: {  	p2 =	sne.s32 s17, $0x276  }
.Ltmp4:
0x80: {  	_ = 	snop;
	(pc) =	sbr.rel @!p2 .LBB2_7-.Ltmp4, $1  }
0x81: {  	_ =	sdelay $0x3  }
.LBB2_4:
0x82: {  	s24 =	sshll.u32 s17, $0x4  }
0x83: {  	v3 =	vld [tilespmem:s24+$0x11800]  }
0x84: {  	v2 =	vld [tilespmem:s24+$0x13F80];
	_ =	sdelay $0x6  }
0x85: {  	v4 =	vld.idx.msk [tilespmem:v3+s21+$0x0], $0xffff  }
0x86: {  	v5 =	vld.idx.msk [tilespmem:v2+s21+$0x0], $0xffff  }
0x87: {  	v6 =	vld.idx.msk [tilespmem:v3+s22+$0x0], $0xffff  }
0x88: {  	v7 =	vld.idx.msk [tilespmem:v2+s22+$0x0], $0xffff  }
0x89: {  	v8 =	vld.idx.msk [tilespmem:v3+s23+$0x0], $0xffff  }
0x8a: {  	v9 =	vld.idx.msk [tilespmem:v2+s23+$0x0], $0xffff;
	_ =	sdelay $0x2  }
0x8b: {  	v4 =	vsub.f32 v4, v5;
	v5 =	vsub.f32 v6, v7;
	_ =	sdelay $0x1  }
0x8c: {  	v63 =	vsub.f32 v8, v9;
	v4 =	vmul.f32 v4, v4;
	v5 =	vmul.f32 v5, v5;
	_ =	sdelay $0x1  }
0x8d: {  	v4 =	vadd.f32 v5, v4;
	v5 =	vmul.f32 v63, v63;
	_ =	sdelay $0x1  }
0x8e: {  	v4 =	vadd.f32 v5, v4;
	_ =	sdelay $0x1  }
0x8f: {  	v4 =	vmul.f32 $-5.555555690e-04, v4;
	_ =	sdelay $0x1  }
0x90: {  	v4 =	vmul.f32 $1.442695020e+00, v4;
	_ =	sdelay $0x1  }
0x91: {  	(erf) = vpow2.f32 v4;
	_ =	sdelay $0x4  }
0x92: {  	v4 =	vld.idx.msk [tilespmem:v3+s20+$0x0], $0xffff;
	_ =	sdelay $0x3  }
0x93: {  	v5 =	vpop (erf)  }
0x94: {  	v4 =	vmul.f32 v5, v4;
	_ =	sdelay $0x1  }
0x95: {  	v4 =	vsub.f32 $1.000000000e+00, v4;
	_ =	sdelay $0x1  }
0x96: {  	v4 =	vmul.f32 $1.442695020e+00, v4;
	_ =	sdelay $0x1  }
0x97: {  	(erf) = vpow2.f32 v4;
	_ =	sdelay $0x8  }
0x98: {  	v4 =	vpop (erf)  }
0x99: {  	v4 =	vadd.f32 $1.000000000e+00, v4;
	_ =	sdelay $0x1  }
0x9a: {  	(erf) = vrcp.f32 v4;
	_ =	sdelay $0x4  }
0x9b: {  	v3 =	vld.idx.msk [tilespmem:v3+s3+$0x0], $0xffff  }
0x9c: {  	v4 =	vld.idx.msk [tilespmem:v2+s19+$0x0], $0xffff;
	_ =	sdelay $0x2  }
0x9d: {  	v5 =	vpop (erf)  }
0x9e: {  	v5 =	vmul.f32 $1.899999980e+00, v5  }
0x9f: {  	v3 =	vadd.f32 v4, v3  }
0xa0: {  	v4 =	vadd.f32 $1.000000010e-01, v5  }
.Ltmp5:
0xa1: {  	v5 =	vmul.f32 $2.000000030e-01, v3;
	(pc) =	sbr.rel @!p1 .LBB2_6-.Ltmp5, $4  }
0xa2: {  	vm2 =	vge.f32 v3, $0.0e+00;
	vm1 =	vge.f32 v4, $2.000000030e-01  }
0xa3: {  	v3 =	vsel vm2, v3, v5;
	v4 =	vnsel vm1, $0x0, v4  }
0xa4: {  	v3 =	vnsel vm1, $0xCE6E6B28, v3;
	[tilespmem:s24+$0x16700] =	vst v4  }
0xa5: {  	vm1 =	vmmov vm0;
	[tilespmem:s24+$0x18E80] =	vst v3  }
.LBB2_5:
0xa6: {  	v4 =	vld.idx.msk [tilespmem:v2+s26+$0x0], $0xffff;
	_ =	sdelay $0x4  }
0xa7: {  	v4 =	vmax.f32 v4, v3  }
0xa8: {  	[tilespmem:v2+s26+$0x0] =	vst.idx.msk vm1, v4  }
0xa9: {  	v4 =	vld.idx.msk [tilespmem:v2+s26+$0x0], $0xffff;
	_ =	sdelay $0x4  }
0xaa: {  	vm2 =	vlt.f32 v4, v3  }
0xab: {  	vm1 =	vmand vm1, vm2  }
0xac: {  	v4 =	vsel vm1, $0x3F800000, v0  }
0xad: {  	(xrf0) =	vmax.scan.msk.f32 $0xffff, v4;
	_ =	sdelay $0x5  }
0xae: {  	v4, _, _ =	vpop (xrf0)  }
0xaf: {  	(v2sf) =	vpush v4, $0xF;
	_ =	sdelay $0xe  }
0xb0: {  	s24 =	spop (v2sf)  }
0xb1: {  	p2 =	sgt.f32 s24, $0.0e+00  }
.Ltmp6:
0xb2: {  	_ = 	snop;
	(pc) =	sbr.rel @p2 .LBB2_5-.Ltmp6, $1  }
0xb3: {  	_ =	sdelay $0x3  }
.Ltmp7:
0xb4: {  	_ = 	snop;
	(pc) =	sbr.rel .LBB2_6-.Ltmp7, $1  }
0xb5: {  	_ =	sdelay $0x3  }
.LBB2_8:
0xb6: {  	_ =	sfence.sel $0x180000  }
0xb7: {  	[bflag:$0x0] =	sbarrier.arrive $0xFFFF  }
0xb8: {  	_ =	strace $0x90000047  }
0xb9: {  	[bflag:$0x2] =	sbarrier.arrive $0xFFFF  }
0xba: {  	s0 =	rddreg [dreg:$0x3]  }
0xbb: {  	s0 =	sadd.s32 @!p0 $0x100000, s0  }
0xbc: {  	[sflag:s0] =	ssyncadd.tile.s32 @!p0 $0x1;
	_ =	shalt  }
.Lfunc_end2:
_tile_overlayer_lowered:
.L_overlay_start_2:
0xbd: {  	(tag) =	ssettag $0x2  }
0xbe: {  	s0 =	rddreg [dreg:$0x0];
	s2 =	stileid.u32  }
0xbf: {  	s1 =	rddreg [dreg:$0x1];
	p0 =	sne.s32 s2, $0x0  }
0xc0: {  	s3 =	rddreg [dreg:$0x2];
	[bflag:$0x3] =	sbarrier.arrive $0xFFFF;
	s2 =	simm.s32 @!p0 $0x1C01  }
0xc1: {  	[timem:s3], [sflag:s2] =	dma.local @!p0 [hbm:s0], s1  }
0xc2: {  	s0 =	simm.s32 @!p0 $0x1  }
0xc3: {  	_ =	swait.ge @!p0 [sflag:s0], s1  }
0xc4: {  	s1 =	ssub.s32 @!p0 $0x0, s1;
	[sflag:s0] =	ssyncset.done @!p0 $0x0  }
0xc5: {  	[sflag:s0] =	ssyncadd.s32 @!p0 s1  }
0xc6: {  	[bflag:$0x3] =	sbarrier.arrive $0xFFFF  }
0xc7: {  	_ =	shalt  }

</sc_bundles>
